<compile_context>
chip_gen: v7x
topology: tpu7x:2x2x1
jax: 0.10.2.dev20260603
libtpu: 0.0.44.dev20260713+nightly
codegen_flags: <defaults>
</compile_context>

<pallas_src>
import functools

import jax
import jax.numpy as jnp
from jax import lax
from jax.experimental import pallas as pl
from jax.experimental.pallas import tpu as pltpu
from jax.experimental.pallas import tpu_sc as plsc

BATCH = 16384
EMBED_DIM = 16
NROW = 1000000

_info = plsc.get_sparse_core_info()
_NC = _info.num_cores
_NS = _info.num_subcores
_NW = _NC * _NS
_BPW = BATCH // _NW
_K = 16
_NCH = _BPW // _K

_mesh = plsc.VectorSubcoreMesh(core_axis_name="c", subcore_axis_name="s")


@functools.partial(
    pl.kernel,
    out_type=(
        jax.ShapeDtypeStruct((EMBED_DIM, BATCH), jnp.float32),
        jax.ShapeDtypeStruct((EMBED_DIM, BATCH), jnp.float32),
    ),
    mesh=_mesh,
    scratch_types=[
        pltpu.VMEM((_BPW,), jnp.int32),
        pltpu.VMEM((_BPW,), jnp.int32),
        pltpu.VMEM((_K, EMBED_DIM, 128), jnp.float32),
        pltpu.VMEM((_K, EMBED_DIM, 128), jnp.float32),
        pltpu.VMEM((EMBED_DIM, _BPW), jnp.float32),
        pltpu.VMEM((EMBED_DIM, _BPW), jnp.float32),
        pltpu.SemaphoreType.DMA,
        pltpu.SemaphoreType.DMA,
    ],
    compiler_params=pltpu.CompilerParams(needs_layout_passes=False),
)
def _sc_gather(uidx_hbm, iidx_hbm, utab, itab, uout_hbm, iout_hbm,
               uidx_v, iidx_v, uring, iring, uout_v, iout_v, usem, isem):
    wid = lax.axis_index("s") * _NC + lax.axis_index("c")
    base = wid * _BPW
    cu = pltpu.async_copy(uidx_hbm.at[pl.ds(base, _BPW)], uidx_v, usem)
    ci = pltpu.async_copy(iidx_hbm.at[pl.ds(base, _BPW)], iidx_v, isem)
    cu.wait()
    ci.wait()

    lane = lax.iota(jnp.int32, 16)

    def fire(kk, q):
        uvec = uidx_v[pl.ds(kk * _K, _K)]
        ivec = iidx_v[pl.ds(kk * _K, _K)]
        ub = pl.multiple_of((uvec[q] >> 7) * 128, 128)
        ib = pl.multiple_of((ivec[q] >> 7) * 128, 128)
        pltpu.async_copy(utab.at[:, pl.ds(ub, 128)], uring.at[q], usem)
        pltpu.async_copy(itab.at[:, pl.ds(ib, 128)], iring.at[q], isem)

    def wait(ring, sem, q):
        pltpu.make_async_copy(utab.at[:, pl.ds(0, 128)], ring.at[q],
                              sem).wait()

    for q in range(_K):
        fire(0, q)

    def body(kk, _):
        uvec = uidx_v[pl.ds(kk * _K, _K)]
        ivec = iidx_v[pl.ds(kk * _K, _K)]
        ucols = uvec & 127
        icols = ivec & 127
        jbase = jnp.full((16,), kk * _K, jnp.int32)
        for q in range(_K):
            jvec = jbase + q
            wait(uring, usem, q)
            uc = jnp.full((16,), 1, jnp.int32) * ucols[q]
            uv = plsc.load_gather(uring, [jnp.full((16,), q, jnp.int32),
                                          lane, uc])
            plsc.store_scatter(uout_v, [lane, jvec], uv)
            wait(iring, isem, q)
            ic = jnp.full((16,), 1, jnp.int32) * icols[q]
            iv = plsc.load_gather(iring, [jnp.full((16,), q, jnp.int32),
                                          lane, ic])
            plsc.store_scatter(iout_v, [lane, jvec], iv)

            @pl.when(kk < _NCH - 1)
            def _():
                fire(kk + 1, q)
        return ()

    lax.fori_loop(0, _NCH, body, (), unroll=False)

    pltpu.sync_copy(uout_v, uout_hbm.at[:, pl.ds(base, _BPW)])
    pltpu.sync_copy(iout_v, iout_hbm.at[:, pl.ds(base, _BPW)])


def _mlp_body(ut_ref, it_ref, w1ut_ref, w1it_ref, b1_ref, w3_ref, b3_ref,
              o_ref):
    h = (jnp.dot(w1ut_ref[...], ut_ref[...],
                 preferred_element_type=jnp.float32)
         + jnp.dot(w1it_ref[...], it_ref[...],
                   preferred_element_type=jnp.float32)
         + b1_ref[...][:, None])
    h = jnp.maximum(h, 0.0)
    o = (jnp.dot(w3_ref[...][None, :], h,
                 preferred_element_type=jnp.float32)[0]
         + b3_ref[...])
    o_ref[...] = jax.nn.sigmoid(o)


def _tc_mlp(ut, it, w1ut, w1it, b1, w3, b3):
    return pl.pallas_call(
        _mlp_body,
        out_shape=jax.ShapeDtypeStruct((BATCH,), jnp.float32),
    )(ut, it, w1ut, w1it, b1, w3, b3)


def kernel(user_indices, item_indices, emb_user, emb_item, W1, b1, W3, b3):
    uidx = user_indices.astype(jnp.int32)
    iidx = item_indices.astype(jnp.int32)
    u_t, i_t = _sc_gather(uidx, iidx, emb_user.T, emb_item.T)
    w1ut = W1[:EMBED_DIM].T
    w1it = W1[EMBED_DIM:].T
    w3 = W3[:, 0]
    return _tc_mlp(u_t, i_t, w1ut, w1it, b1, w3, b3)

# --- scband reference (transcript-rebuilt; emitter-appended) ---
"""Pipeline reference for scband-ncf-78864189489196 (READ-ONLY COPY).

The authoritative reference and input builder live on the scoring server;
editing this copy changes nothing except your own understanding.
"""

import jax, jax.numpy as jnp
import numpy as np

NUM_USER = 1000000
NUM_ITEM = 1000000
EMBED_DIM = 16
BATCH = 16384

def setup_inputs(seed: int = 0) -> dict:
    key = jax.random.key(seed)
    k_u, k_i, k_eu, k_ei, k_w1, k_b1, k_w3, k_b3 = [jax.random.fold_in(key, i) for i in range(8)]
    user_indices = jax.random.randint(k_u, (BATCH,), 0, NUM_USER, dtype=jnp.int64 if jax.config.jax_enable_x64 else jnp.int32)
    item_indices = jax.random.randint(k_i, (BATCH,), 0, NUM_ITEM, dtype=jnp.int64 if jax.config.jax_enable_x64 else jnp.int32)
    emb_user = jax.random.normal(k_eu, (NUM_USER, EMBED_DIM), dtype=jnp.float32)
    emb_item = jax.random.normal(k_ei, (NUM_ITEM, EMBED_DIM), dtype=jnp.float32)
    # fc1: Linear(32 -> 16); fc3 receives the 16-dim fc1 output in the forward path,
    # so its weight is sized [16, 1] to match the actual dataflow.
    W1 = jax.random.normal(k_w1, (32, 16), dtype=jnp.float32) * (1.0 / np.sqrt(32))
    b1 = jax.random.normal(k_b1, (16,), dtype=jnp.float32) * 0.01
    W3 = jax.random.normal(k_w3, (16, 1), dtype=jnp.float32) * (1.0 / np.sqrt(16))
    b3 = jax.random.normal(k_b3, (1,), dtype=jnp.float32) * 0.01
    return {"user_indices": user_indices, "item_indices": item_indices,
            "emb_user": emb_user, "emb_item": emb_item,
            "W1": W1, "b1": b1, "W3": W3, "b3": b3}

def reference(user_indices, item_indices, emb_user, emb_item, W1, b1, W3, b3):
    user_embedding = jnp.take(emb_user, user_indices, axis=0)
    item_embedding = jnp.take(emb_item, item_indices, axis=0)
    vector = jnp.concatenate([user_embedding, item_embedding], axis=-1)
    x = vector @ W1 + b1
    x = jax.nn.relu(x)
    x = x @ W3 + b3
    out = jax.nn.sigmoid(x)
    return jnp.squeeze(out)

if __name__ == "__main__":
    import jax
    _d = setup_inputs()
    print(jax.jit(kernel)(*tuple(_d.values())))

</pallas_src>

<mosaic_0001>
#map = affine_map<(d0, d1) -> (0)>
#map1 = affine_map<(d0, d1) -> (0, 0)>
module attributes {stable_mosaic.version = 14 : i64} {
  func.func @_sc_gather(%arg0: i32, %arg1: i32, %arg2: memref<16384xi32, #tpu.memory_space<hbm>>, %arg3: memref<16384xi32, #tpu.memory_space<hbm>>, %arg4: memref<16x1000000xf32, #tpu.memory_space<hbm>>, %arg5: memref<16x1000000xf32, #tpu.memory_space<hbm>>, %arg6: memref<16x16384xf32, #tpu.memory_space<hbm>>, %arg7: memref<16x16384xf32, #tpu.memory_space<hbm>>, %arg8: memref<512xi32, #tpu.memory_space<vmem>>, %arg9: memref<512xi32, #tpu.memory_space<vmem>>, %arg10: memref<16x16x128xf32, #tpu.memory_space<vmem>>, %arg11: memref<16x16x128xf32, #tpu.memory_space<vmem>>, %arg12: memref<16x512xf32, #tpu.memory_space<vmem>>, %arg13: memref<16x512xf32, #tpu.memory_space<vmem>>, %arg14: memref<!tpu.dma_semaphore, #tpu.memory_space<semaphore_mem>>, %arg15: memref<!tpu.dma_semaphore, #tpu.memory_space<semaphore_mem>>) attributes {dimension_semantics = [#tpu.dimension_semantics<core_parallel>, #tpu.dimension_semantics<subcore_parallel>], iteration_bounds = array<i64: 2, 16>, scalar_prefetch = 0 : i64, scratch_operands = 8 : i64, tpu.core_type = #tpu.core_type<sc_vector_subcore>, window_params = [{transform_indices = #map}, {transform_indices = #map}, {transform_indices = #map1}, {transform_indices = #map1}, {transform_indices = #map1}, {transform_indices = #map1}]} {
    %mul3A = arith.constant 2 : i32
    %mul3A_0 = arith.muli %arg1, %mul3A : i32
    %add3A = arith.addi %mul3A_0, %arg0 : i32
    %mul3A_1 = arith.constant 512 : i32
    %mul3A_2 = arith.muli %add3A, %mul3A_1 : i32
    %dma_start3A = tpu.memref_slice %arg2[%mul3A_2] : memref<16384xi32, #tpu.memory_space<hbm>> -> memref<512xi32, #tpu.memory_space<hbm>>
    %dma_start3A_3 = tpu.memref_slice %arg2[%mul3A_2] : memref<16384xi32, #tpu.memory_space<hbm>> -> memref<512xi32, #tpu.memory_space<hbm>>
    tpu.enqueue_dma source(%dma_start3A_3 : memref<512xi32, #tpu.memory_space<hbm>>) target(%arg8 : memref<512xi32, #tpu.memory_space<vmem>>) target_semaphore(%arg14 : memref<!tpu.dma_semaphore, #tpu.memory_space<semaphore_mem>>)
    %dma_start3A_4 = tpu.memref_slice %arg3[%mul3A_2] : memref<16384xi32, #tpu.memory_space<hbm>> -> memref<512xi32, #tpu.memory_space<hbm>>
    %dma_start3A_5 = tpu.memref_slice %arg3[%mul3A_2] : memref<16384xi32, #tpu.memory_space<hbm>> -> memref<512xi32, #tpu.memory_space<hbm>>
    tpu.enqueue_dma source(%dma_start3A_5 : memref<512xi32, #tpu.memory_space<hbm>>) target(%arg9 : memref<512xi32, #tpu.memory_space<vmem>>) target_semaphore(%arg15 : memref<!tpu.dma_semaphore, #tpu.memory_space<semaphore_mem>>)
    %dma_wait3A = tpu.memref_slice %arg2[%mul3A_2] : memref<16384xi32, #tpu.memory_space<hbm>> -> memref<512xi32, #tpu.memory_space<hbm>>
    %dma_wait3A_6 = tpu.memref_slice %arg2[%mul3A_2] : memref<16384xi32, #tpu.memory_space<hbm>> -> memref<512xi32, #tpu.memory_space<hbm>>
    tpu.wait_dma2 semaphore(%arg14 : memref<!tpu.dma_semaphore, #tpu.memory_space<semaphore_mem>>) src(%dma_wait3A_6 : memref<512xi32, #tpu.memory_space<hbm>>) dst(%arg8 : memref<512xi32, #tpu.memory_space<vmem>>)
    %dma_wait3A_7 = tpu.memref_slice %arg3[%mul3A_2] : memref<16384xi32, #tpu.memory_space<hbm>> -> memref<512xi32, #tpu.memory_space<hbm>>
    %dma_wait3A_8 = tpu.memref_slice %arg3[%mul3A_2] : memref<16384xi32, #tpu.memory_space<hbm>> -> memref<512xi32, #tpu.memory_space<hbm>>
    tpu.wait_dma2 semaphore(%arg15 : memref<!tpu.dma_semaphore, #tpu.memory_space<semaphore_mem>>) src(%dma_wait3A_8 : memref<512xi32, #tpu.memory_space<hbm>>) dst(%arg9 : memref<512xi32, #tpu.memory_space<vmem>>)
    %iota3A = tpu.iota {dimensions = array<i32: 0>} : vector<16xi32>
    %get3A = arith.constant 0 : index
    %get3A_9 = tpu.vector_load %arg8[%get3A] {strides = array<i32>} : memref<512xi32, #tpu.memory_space<vmem>>, vector<16xi32>,
    %get3A_10 = arith.constant 0 : index
    %get3A_11 = tpu.vector_load %arg9[%get3A_10] {strides = array<i32>} : memref<512xi32, #tpu.memory_space<vmem>>, vector<16xi32>,
    %slice3A = vector.extract_strided_slice %get3A_9 {offsets = [0], sizes = [1], strides = [1]} : vector<16xi32> to vector<1xi32>
    %squeeze3A = vector.extract %slice3A[0] : i32 from vector<1xi32>
    %shift_right_arithmetic3A = arith.constant 7 : i32
    %shift_right_arithmetic3A_12 = arith.shrsi %squeeze3A, %shift_right_arithmetic3A : i32
    %mul3A_13 = arith.constant 128 : i32
    %mul3A_14 = arith.muli %shift_right_arithmetic3A_12, %mul3A_13 : i32
    %multiple_of3A = tpu.assume_multiple %mul3A_14, 128 : i32
    %slice3A_15 = vector.extract_strided_slice %get3A_11 {offsets = [0], sizes = [1], strides = [1]} : vector<16xi32> to vector<1xi32>
    %squeeze3A_16 = vector.extract %slice3A_15[0] : i32 from vector<1xi32>
    %shift_right_arithmetic3A_17 = arith.constant 7 : i32
    %shift_right_arithmetic3A_18 = arith.shrsi %squeeze3A_16, %shift_right_arithmetic3A_17 : i32
    %mul3A_19 = arith.constant 128 : i32
    %mul3A_20 = arith.muli %shift_right_arithmetic3A_18, %mul3A_19 : i32
    %multiple_of3A_21 = tpu.assume_multiple %mul3A_20, 128 : i32
    %dma_start3A_22 = arith.constant 0 : i32
    %dma_start3A_23 = arith.constant 0 : i32
    %dma_start3A_24 = arith.constant 0 : i32
    %dma_start3A_25 = tpu.memref_slice %arg10[%dma_start3A_22, %dma_start3A_23, %dma_start3A_24] : memref<16x16x128xf32, #tpu.memory_space<vmem>> -> memref<1x16x128xf32, #tpu.memory_space<vmem>>
    %dma_start3A_26 = tpu.memref_squeeze %dma_start3A_25 : memref<1x16x128xf32, #tpu.memory_space<vmem>> -> memref<16x128xf32, #tpu.memory_space<vmem>>
    %dma_start3A_27 = arith.constant 0 : i32
    %dma_start3A_28 = tpu.memref_slice %arg4[%dma_start3A_27, %multiple_of3A] : memref<16x1000000xf32, #tpu.memory_space<hbm>> -> memref<16x128xf32, #tpu.memory_space<hbm>>
    %dma_start3A_29 = arith.constant 0 : i32
    %dma_start3A_30 = arith.constant 0 : i32
    %dma_start3A_31 = tpu.memref_slice %arg10[%dma_start3A_22, %dma_start3A_29, %dma_start3A_30] : memref<16x16x128xf32, #tpu.memory_space<vmem>> -> memref<1x16x128xf32, #tpu.memory_space<vmem>>
    %dma_start3A_32 = tpu.memref_squeeze %dma_start3A_31 : memref<1x16x128xf32, #tpu.memory_space<vmem>> -> memref<16x128xf32, #tpu.memory_space<vmem>>
    %dma_start3A_33 = arith.constant 0 : i32
    %dma_start3A_34 = tpu.memref_slice %arg4[%dma_start3A_33, %multiple_of3A] : memref<16x1000000xf32, #tpu.memory_space<hbm>> -> memref<16x128xf32, #tpu.memory_space<hbm>>
    tpu.enqueue_dma source(%dma_start3A_34 : memref<16x128xf32, #tpu.memory_space<hbm>>) target(%dma_start3A_32 : memref<16x128xf32, #tpu.memory_space<vmem>>) target_semaphore(%arg14 : memref<!tpu.dma_semaphore, #tpu.memory_space<semaphore_mem>>)
    %dma_start3A_35 = arith.constant 0 : i32
    %dma_start3A_36 = arith.constant 0 : i32
    %dma_start3A_37 = arith.constant 0 : i32
    %dma_start3A_38 = tpu.memref_slice %arg11[%dma_start3A_35, %dma_start3A_36, %dma_start3A_37] : memref<16x16x128xf32, #tpu.memory_space<vmem>> -> memref<1x16x128xf32, #tpu.memory_space<vmem>>
    %dma_start3A_39 = tpu.memref_squeeze %dma_start3A_38 : memref<1x16x128xf32, #tpu.memory_space<vmem>> -> memref<16x128xf32, #tpu.memory_space<vmem>>
    %dma_start3A_40 = arith.constant 0 : i32
    %dma_start3A_41 = tpu.memref_slice %arg5[%dma_start3A_40, %multiple_of3A_21] : memref<16x1000000xf32, #tpu.memory_space<hbm>> -> memref<16x128xf32, #tpu.memory_space<hbm>>
    %dma_start3A_42 = arith.constant 0 : i32
    %dma_start3A_43 = arith.constant 0 : i32
    %dma_start3A_44 = tpu.memref_slice %arg11[%dma_start3A_35, %dma_start3A_42, %dma_start3A_43] : memref<16x16x128xf32, #tpu.memory_space<vmem>> -> memref<1x16x128xf32, #tpu.memory_space<vmem>>
    %dma_start3A_45 = tpu.memref_squeeze %dma_start3A_44 : memref<1x16x128xf32, #tpu.memory_space<vmem>> -> memref<16x128xf32, #tpu.memory_space<vmem>>
    %dma_start3A_46 = arith.constant 0 : i32
    %dma_start3A_47 = tpu.memref_slice %arg5[%dma_start3A_46, %multiple_of3A_21] : memref<16x1000000xf32, #tpu.memory_space<hbm>> -> memref<16x128xf32, #tpu.memory_space<hbm>>
    tpu.enqueue_dma source(%dma_start3A_47 : memref<16x128xf32, #tpu.memory_space<hbm>>) target(%dma_start3A_45 : memref<16x128xf32, #tpu.memory_space<vmem>>) target_semaphore(%arg15 : memref<!tpu.dma_semaphore, #tpu.memory_space<semaphore_mem>>)
    %get3A_48 = arith.constant 0 : index
    %get3A_49 = tpu.vector_load %arg8[%get3A_48] {strides = array<i32>} : memref<512xi32, #tpu.memory_space<vmem>>, vector<16xi32>,
    %get3A_50 = arith.constant 0 : index
    %get3A_51 = tpu.vector_load %arg9[%get3A_50] {strides = array<i32>} : memref<512xi32, #tpu.memory_space<vmem>>, vector<16xi32>,
    %slice3A_52 = vector.extract_strided_slice %get3A_49 {offsets = [1], sizes = [1], strides = [1]} : vector<16xi32> to vector<1xi32>
    %squeeze3A_53 = vector.extract %slice3A_52[0] : i32 from vector<1xi32>
    %shift_right_arithmetic3A_54 = arith.constant 7 : i32
    %shift_right_arithmetic3A_55 = arith.shrsi %squeeze3A_53, %shift_right_arithmetic3A_54 : i32
    %mul3A_56 = arith.constant 128 : i32
    %mul3A_57 = arith.muli %shift_right_arithmetic3A_55, %mul3A_56 : i32
    %multiple_of3A_58 = tpu.assume_multiple %mul3A_57, 128 : i32
    %slice3A_59 = vector.extract_strided_slice %get3A_51 {offsets = [1], sizes = [1], strides = [1]} : vector<16xi32> to vector<1xi32>
    %squeeze3A_60 = vector.extract %slice3A_59[0] : i32 from vector<1xi32>
    %shift_right_arithmetic3A_61 = arith.constant 7 : i32
    %shift_right_arithmetic3A_62 = arith.shrsi %squeeze3A_60, %shift_right_arithmetic3A_61 : i32
    %mul3A_63 = arith.constant 128 : i32
    %mul3A_64 = arith.muli %shift_right_arithmetic3A_62, %mul3A_63 : i32
    %multiple_of3A_65 = tpu.assume_multiple %mul3A_64, 128 : i32
    %dma_start3A_66 = arith.constant 1 : i32
    %dma_start3A_67 = arith.constant 0 : i32
    %dma_start3A_68 = arith.constant 0 : i32
    %dma_start3A_69 = tpu.memref_slice %arg10[%dma_start3A_66, %dma_start3A_67, %dma_start3A_68] : memref<16x16x128xf32, #tpu.memory_space<vmem>> -> memref<1x16x128xf32, #tpu.memory_space<vmem>>
    %dma_start3A_70 = tpu.memref_squeeze %dma_start3A_69 : memref<1x16x128xf32, #tpu.memory_space<vmem>> -> memref<16x128xf32, #tpu.memory_space<vmem>>
    %dma_start3A_71 = arith.constant 0 : i32
    %dma_start3A_72 = tpu.memref_slice %arg4[%dma_start3A_71, %multiple_of3A_58] : memref<16x1000000xf32, #tpu.memory_space<hbm>> -> memref<16x128xf32, #tpu.memory_space<hbm>>
    %dma_start3A_73 = arith.constant 0 : i32
    %dma_start3A_74 = arith.constant 0 : i32
    %dma_start3A_75 = tpu.memref_slice %arg10[%dma_start3A_66, %dma_start3A_73, %dma_start3A_74] : memref<16x16x128xf32, #tpu.memory_space<vmem>> -> memref<1x16x128xf32, #tpu.memory_space<vmem>>
    %dma_start3A_76 = tpu.memref_squeeze %dma_start3A_75 : memref<1x16x128xf32, #tpu.memory_space<vmem>> -> memref<16x128xf32, #tpu.memory_space<vmem>>
    %dma_start3A_77 = arith.constant 0 : i32
    %dma_start3A_78 = tpu.memref_slice %arg4[%dma_start3A_77, %multiple_of3A_58] : memref<16x1000000xf32, #tpu.memory_space<hbm>> -> memref<16x128xf32, #tpu.memory_space<hbm>>
    tpu.enqueue_dma source(%dma_start3A_78 : memref<16x128xf32, #tpu.memory_space<hbm>>) target(%dma_start3A_76 : memref<16x128xf32, #tpu.memory_space<vmem>>) target_semaphore(%arg14 : memref<!tpu.dma_semaphore, #tpu.memory_space<semaphore_mem>>)
    %dma_start3A_79 = arith.constant 1 : i32
    %dma_start3A_80 = arith.constant 0 : i32
    %dma_start3A_81 = arith.constant 0 : i32
    %dma_start3A_82 = tpu.memref_slice %arg11[%dma_start3A_79, %dma_start3A_80, %dma_start3A_81] : memref<16x16x128xf32, #tpu.memory_space<vmem>> -> memref<1x16x128xf32, #tpu.memory_space<vmem>>
    %dma_start3A_83 = tpu.memref_squeeze %dma_start3A_82 : memref<1x16x128xf32, #tpu.memory_space<vmem>> -> memref<16x128xf32, #tpu.memory_space<vmem>>
    %dma_start3A_84 = arith.constant 0 : i32
    %dma_start3A_85 = tpu.memref_slice %arg5[%dma_start3A_84, %multiple_of3A_65] : memref<16x1000000xf32, #tpu.memory_space<hbm>> -> memref<16x128xf32, #tpu.memory_space<hbm>>
    %dma_start3A_86 = arith.constant 0 : i32
    %dma_start3A_87 = arith.constant 0 : i32
    %dma_start3A_88 = tpu.memref_slice %arg11[%dma_start3A_79, %dma_start3A_86, %dma_start3A_87] : memref<16x16x128xf32, #tpu.memory_space<vmem>> -> memref<1x16x128xf32, #tpu.memory_space<vmem>>
    %dma_start3A_89 = tpu.memref_squeeze %dma_start3A_88 : memref<1x16x128xf32, #tpu.memory_space<vmem>> -> memref<16x128xf32, #tpu.memory_space<vmem>>
    %dma_start3A_90 = arith.constant 0 : i32
    %dma_start3A_91 = tpu.memref_slice %arg5[%dma_start3A_90, %multiple_of3A_65] : memref<16x1000000xf32, #tpu.memory_space<hbm>> -> memref<16x128xf32, #tpu.memory_space<hbm>>
    tpu.enqueue_dma source(%dma_start3A_91 : memref<16x128xf32, #tpu.memory_space<hbm>>) target(%dma_start3A_89 : memref<16x128xf32, #tpu.memory_space<vmem>>) target_semaphore(%arg15 : memref<!tpu.dma_semaphore, #tpu.memory_space<semaphore_mem>>)
    %get3A_92 = arith.constant 0 : index
    %get3A_93 = tpu.vector_load %arg8[%get3A_92] {strides = array<i32>} : memref<512xi32, #tpu.memory_space<vmem>>, vector<16xi32>,
    %get3A_94 = arith.constant 0 : index
    %get3A_95 = tpu.vector_load %arg9[%get3A_94] {strides = array<i32>} : memref<512xi32, #tpu.memory_space<vmem>>, vector<16xi32>,
    %slice3A_96 = vector.extract_strided_slice %get3A_93 {offsets = [2], sizes = [1], strides = [1]} : vector<16xi32> to vector<1xi32>
    %squeeze3A_97 = vector.extract %slice3A_96[0] : i32 from vector<1xi32>
    %shift_right_arithmetic3A_98 = arith.constant 7 : i32
    %shift_right_arithmetic3A_99 = arith.shrsi %squeeze3A_97, %shift_right_arithmetic3A_98 : i32
    %mul3A_100 = arith.constant 128 : i32
    %mul3A_101 = arith.muli %shift_right_arithmetic3A_99, %mul3A_100 : i32
    %multiple_of3A_102 = tpu.assume_multiple %mul3A_101, 128 : i32
    %slice3A_103 = vector.extract_strided_slice %get3A_95 {offsets = [2], sizes = [1], strides = [1]} : vector<16xi32> to vector<1xi32>
    %squeeze3A_104 = vector.extract %slice3A_103[0] : i32 from vector<1xi32>
    %shift_right_arithmetic3A_105 = arith.constant 7 : i32
    %shift_right_arithmetic3A_106 = arith.shrsi %squeeze3A_104, %shift_right_arithmetic3A_105 : i32
    %mul3A_107 = arith.constant 128 : i32
    %mul3A_108 = arith.muli %shift_right_arithmetic3A_106, %mul3A_107 : i32
    %multiple_of3A_109 = tpu.assume_multiple %mul3A_108, 128 : i32
    %dma_start3A_110 = arith.constant 2 : i32
    %dma_start3A_111 = arith.constant 0 : i32
    %dma_start3A_112 = arith.constant 0 : i32
    %dma_start3A_113 = tpu.memref_slice %arg10[%dma_start3A_110, %dma_start3A_111, %dma_start3A_112] : memref<16x16x128xf32, #tpu.memory_space<vmem>> -> memref<1x16x128xf32, #tpu.memory_space<vmem>>
    %dma_start3A_114 = tpu.memref_squeeze %dma_start3A_113 : memref<1x16x128xf32, #tpu.memory_space<vmem>> -> memref<16x128xf32, #tpu.memory_space<vmem>>
    %dma_start3A_115 = arith.constant 0 : i32
    %dma_start3A_116 = tpu.memref_slice %arg4[%dma_start3A_115, %multiple_of3A_102] : memref<16x1000000xf32, #tpu.memory_space<hbm>> -> memref<16x128xf32, #tpu.memory_space<hbm>>
    %dma_start3A_117 = arith.constant 0 : i32
    %dma_start3A_118 = arith.constant 0 : i32
    %dma_start3A_119 = tpu.memref_slice %arg10[%dma_start3A_110, %dma_start3A_117, %dma_start3A_118] : memref<16x16x128xf32, #tpu.memory_space<vmem>> -> memref<1x16x128xf32, #tpu.memory_space<vmem>>
    %dma_start3A_120 = tpu.memref_squeeze %dma_start3A_119 : memref<1x16x128xf32, #tpu.memory_space<vmem>> -> memref<16x128xf32, #tpu.memory_space<vmem>>
    %dma_start3A_121 = arith.constant 0 : i32
    %dma_start3A_122 = tpu.memref_slice %arg4[%dma_start3A_121, %multiple_of3A_102] : memref<16x1000000xf32, #tpu.memory_space<hbm>> -> memref<16x128xf32, #tpu.memory_space<hbm>>
    tpu.enqueue_dma source(%dma_start3A_122 : memref<16x128xf32, #tpu.memory_space<hbm>>) target(%dma_start3A_120 : memref<16x128xf32, #tpu.memory_space<vmem>>) target_semaphore(%arg14 : memref<!tpu.dma_semaphore, #tpu.memory_space<semaphore_mem>>)
    %dma_start3A_123 = arith.constant 2 : i32
    %dma_start3A_124 = arith.constant 0 : i32
    %dma_start3A_125 = arith.constant 0 : i32
    %dma_start3A_126 = tpu.memref_slice %arg11[%dma_start3A_123, %dma_start3A_124, %dma_start3A_125] : memref<16x16x128xf32, #tpu.memory_space<vmem>> -> memref<1x16x128xf32, #tpu.memory_space<vmem>>
    %dma_start3A_127 = tpu.memref_squeeze %dma_start3A_126 : memref<1x16x128xf32, #tpu.memory_space<vmem>> -> memref<16x128xf32, #tpu.memory_space<vmem>>
    %dma_start3A_128 = arith.constant 0 : i32
    %dma_start3A_129 = tpu.memref_slice %arg5[%dma_start3A_128, %multiple_of3A_109] : memref<16x1000000xf32, #tpu.memory_space<hbm>> -> memref<16x128xf32, #tpu.memory_space<hbm>>
    %dma_start3A_130 = arith.constant 0 : i32
    %dma_start3A_131 = arith.constant 0 : i32
    %dma_start3A_132 = tpu.memref_slice %arg11[%dma_start3A_123, %dma_start3A_130, %dma_start3A_131] : memref<16x16x128xf32, #tpu.memory_space<vmem>> -> memref<1x16x128xf32, #tpu.memory_space<vmem>>
    %dma_start3A_133 = tpu.memref_squeeze %dma_start3A_132 : memref<1x16x128xf32, #tpu.memory_space<vmem>> -> memref<16x128xf32, #tpu.memory_space<vmem>>
    %dma_start3A_134 = arith.constant 0 : i32
    %dma_start3A_135 = tpu.memref_slice %arg5[%dma_start3A_134, %multiple_of3A_109] : memref<16x1000000xf32, #tpu.memory_space<hbm>> -> memref<16x128xf32, #tpu.memory_space<hbm>>
    tpu.enqueue_dma source(%dma_start3A_135 : memref<16x128xf32, #tpu.memory_space<hbm>>) target(%dma_start3A_133 : memref<16x128xf32, #tpu.memory_space<vmem>>) target_semaphore(%arg15 : memref<!tpu.dma_semaphore, #tpu.memory_space<semaphore_mem>>)
    %get3A_136 = arith.constant 0 : index
    %get3A_137 = tpu.vector_load %arg8[%get3A_136] {strides = array<i32>} : memref<512xi32, #tpu.memory_space<vmem>>, vector<16xi32>,
    %get3A_138 = arith.constant 0 : index
    %get3A_139 = tpu.vector_load %arg9[%get3A_138] {strides = array<i32>} : memref<512xi32, #tpu.memory_space<vmem>>, vector<16xi32>,
    %slice3A_140 = vector.extract_strided_slice %get3A_137 {offsets = [3], sizes = [1], strides = [1]} : vector<16xi32> to vector<1xi32>
    %squeeze3A_141 = vector.extract %slice3A_140[0] : i32 from vector<1xi32>
    %shift_right_arithmetic3A_142 = arith.constant 7 : i32
    %shift_right_arithmetic3A_143 = arith.shrsi %squeeze3A_141, %shift_right_arithmetic3A_142 : i32
    %mul3A_144 = arith.constant 128 : i32
    %mul3A_145 = arith.muli %shift_right_arithmetic3A_143, %mul3A_144 : i32
    %multiple_of3A_146 = tpu.assume_multiple %mul3A_145, 128 : i32
    %slice3A_147 = vector.extract_strided_slice %get3A_139 {offsets = [3], sizes = [1], strides = [1]} : vector<16xi32> to vector<1xi32>
    %squeeze3A_148 = vector.extract %slice3A_147[0] : i32 from vector<1xi32>
    %shift_right_arithmetic3A_149 = arith.constant 7 : i32
    %shift_right_arithmetic3A_150 = arith.shrsi %squeeze3A_148, %shift_right_arithmetic3A_149 : i32
    %mul3A_151 = arith.constant 128 : i32
    %mul3A_152 = arith.muli %shift_right_arithmetic3A_150, %mul3A_151 : i32
    %multiple_of3A_153 = tpu.assume_multiple %mul3A_152, 128 : i32
    %dma_start3A_154 = arith.constant 3 : i32
    %dma_start3A_155 = arith.constant 0 : i32
    %dma_start3A_156 = arith.constant 0 : i32
    %dma_start3A_157 = tpu.memref_slice %arg10[%dma_start3A_154, %dma_start3A_155, %dma_start3A_156] : memref<16x16x128xf32, #tpu.memory_space<vmem>> -> memref<1x16x128xf32, #tpu.memory_space<vmem>>
    %dma_start3A_158 = tpu.memref_squeeze %dma_start3A_157 : memref<1x16x128xf32, #tpu.memory_space<vmem>> -> memref<16x128xf32, #tpu.memory_space<vmem>>
    %dma_start3A_159 = arith.constant 0 : i32
    %dma_start3A_160 = tpu.memref_slice %arg4[%dma_start3A_159, %multiple_of3A_146] : memref<16x1000000xf32, #tpu.memory_space<hbm>> -> memref<16x128xf32, #tpu.memory_space<hbm>>
    %dma_start3A_161 = arith.constant 0 : i32
    %dma_start3A_162 = arith.constant 0 : i32
    %dma_start3A_163 = tpu.memref_slice %arg10[%dma_start3A_154, %dma_start3A_161, %dma_start3A_162] : memref<16x16x128xf32, #tpu.memory_space<vmem>> -> memref<1x16x128xf32, #tpu.memory_space<vmem>>
    %dma_start3A_164 = tpu.memref_squeeze %dma_start3A_163 : memref<1x16x128xf32, #tpu.memory_space<vmem>> -> memref<16x128xf32, #tpu.memory_space<vmem>>
    %dma_start3A_165 = arith.constant 0 : i32
    %dma_start3A_166 = tpu.memref_slice %arg4[%dma_start3A_165, %multiple_of3A_146] : memref<16x1000000xf32, #tpu.memory_space<hbm>> -> memref<16x128xf32, #tpu.memory_space<hbm>>
    tpu.enqueue_dma source(%dma_start3A_166 : memref<16x128xf32, #tpu.memory_space<hbm>>) target(%dma_start3A_164 : memref<16x128xf32, #tpu.memory_space<vmem>>) target_semaphore(%arg14 : memref<!tpu.dma_semaphore, #tpu.memory_space<semaphore_mem>>)
    %dma_start3A_167 = arith.constant 3 : i32
    %dma_start3A_168 = arith.constant 0 : i32
    %dma_start3A_169 = arith.constant 0 : i32
    %dma_start3A_170 = tpu.memref_slice %arg11[%dma_start3A_167, %dma_start3A_168, %dma_start3A_169] : memref<16x16x128xf32, #tpu.memory_space<vmem>> -> memref<1x16x128xf32, #tpu.memory_space<vmem>>
    %dma_start3A_171 = tpu.memref_squeeze %dma_start3A_170 : memref<1x16x128xf32, #tpu.memory_space<vmem>> -> memref<16x128xf32, #tpu.memory_space<vmem>>
    %dma_start3A_172 = arith.constant 0 : i32
    %dma_start3A_173 = tpu.memref_slice %arg5[%dma_start3A_172, %multiple_of3A_153] : memref<16x1000000xf32, #tpu.memory_space<hbm>> -> memref<16x128xf32, #tpu.memory_space<hbm>>
    %dma_start3A_174 = arith.constant 0 : i32
    %dma_start3A_175 = arith.constant 0 : i32
    %dma_start3A_176 = tpu.memref_slice %arg11[%dma_start3A_167, %dma_start3A_174, %dma_start3A_175] : memref<16x16x128xf32, #tpu.memory_space<vmem>> -> memref<1x16x128xf32, #tpu.memory_space<vmem>>
    %dma_start3A_177 = tpu.memref_squeeze %dma_start3A_176 : memref<1x16x128xf32, #tpu.memory_space<vmem>> -> memref<16x128xf32, #tpu.memory_space<vmem>>
    %dma_start3A_178 = arith.constant 0 : i32
    %dma_start3A_179 = tpu.memref_slice %arg5[%dma_start3A_178, %multiple_of3A_153] : memref<16x1000000xf32, #tpu.memory_space<hbm>> -> memref<16x128xf32, #tpu.memory_space<hbm>>
    tpu.enqueue_dma source(%dma_start3A_179 : memref<16x128xf32, #tpu.memory_space<hbm>>) target(%dma_start3A_177 : memref<16x128xf32, #tpu.memory_space<vmem>>) target_semaphore(%arg15 : memref<!tpu.dma_semaphore, #tpu.memory_space<semaphore_mem>>)
    %get3A_180 = arith.constant 0 : index
    %get3A_181 = tpu.vector_load %arg8[%get3A_180] {strides = array<i32>} : memref<512xi32, #tpu.memory_space<vmem>>, vector<16xi32>,
    %get3A_182 = arith.constant 0 : index
    %get3A_183 = tpu.vector_load %arg9[%get3A_182] {strides = array<i32>} : memref<512xi32, #tpu.memory_space<vmem>>, vector<16xi32>,
    %slice3A_184 = vector.extract_strided_slice %get3A_181 {offsets = [4], sizes = [1], strides = [1]} : vector<16xi32> to vector<1xi32>
    %squeeze3A_185 = vector.extract %slice3A_184[0] : i32 from vector<1xi32>
    %shift_right_arithmetic3A_186 = arith.constant 7 : i32
    %shift_right_arithmetic3A_187 = arith.shrsi %squeeze3A_185, %shift_right_arithmetic3A_186 : i32
    %mul3A_188 = arith.constant 128 : i32
    %mul3A_189 = arith.muli %shift_right_arithmetic3A_187, %mul3A_188 : i32
    %multiple_of3A_190 = tpu.assume_multiple %mul3A_189, 128 : i32
    %slice3A_191 = vector.extract_strided_slice %get3A_183 {offsets = [4], sizes = [1], strides = [1]} : vector<16xi32> to vector<1xi32>
    %squeeze3A_192 = vector.extract %slice3A_191[0] : i32 from vector<1xi32>
    %shift_right_arithmetic3A_193 = arith.constant 7 : i32
    %shift_right_arithmetic3A_194 = arith.shrsi %squeeze3A_192, %shift_right_arithmetic3A_193 : i32
    %mul3A_195 = arith.constant 128 : i32
    %mul3A_196 = arith.muli %shift_right_arithmetic3A_194, %mul3A_195 : i32
    %multiple_of3A_197 = tpu.assume_multiple %mul3A_196, 128 : i32
    %dma_start3A_198 = arith.constant 4 : i32
    %dma_start3A_199 = arith.constant 0 : i32
    %dma_start3A_200 = arith.constant 0 : i32
    %dma_start3A_201 = tpu.memref_slice %arg10[%dma_start3A_198, %dma_start3A_199, %dma_start3A_200] : memref<16x16x128xf32, #tpu.memory_space<vmem>> -> memref<1x16x128xf32, #tpu.memory_space<vmem>>
    %dma_start3A_202 = tpu.memref_squeeze %dma_start3A_201 : memref<1x16x128xf32, #tpu.memory_space<vmem>> -> memref<16x128xf32, #tpu.memory_space<vmem>>
    %dma_start3A_203 = arith.constant 0 : i32
    %dma_start3A_204 = tpu.memref_slice %arg4[%dma_start3A_203, %multiple_of3A_190] : memref<16x1000000xf32, #tpu.memory_space<hbm>> -> memref<16x128xf32, #tpu.memory_space<hbm>>
    %dma_start3A_205 = arith.constant 0 : i32
    %dma_start3A_206 = arith.constant 0 : i32
    %dma_start3A_207 = tpu.memref_slice %arg10[%dma_start3A_198, %dma_start3A_205, %dma_start3A_206] : memref<16x16x128xf32, #tpu.memory_space<vmem>> -> memref<1x16x128xf32, #tpu.memory_space<vmem>>
    %dma_start3A_208 = tpu.memref_squeeze %dma_start3A_207 : memref<1x16x128xf32, #tpu.memory_space<vmem>> -> memref<16x128xf32, #tpu.memory_space<vmem>>
    %dma_start3A_209 = arith.constant 0 : i32
    %dma_start3A_210 = tpu.memref_slice %arg4[%dma_start3A_209, %multiple_of3A_190] : memref<16x1000000xf32, #tpu.memory_space<hbm>> -> memref<16x128xf32, #tpu.memory_space<hbm>>
    tpu.enqueue_dma source(%dma_start3A_210 : memref<16x128xf32, #tpu.memory_space<hbm>>) target(%dma_start3A_208 : memref<16x128xf32, #tpu.memory_space<vmem>>) target_semaphore(%arg14 : memref<!tpu.dma_semaphore, #tpu.memory_space<semaphore_mem>>)
    %dma_start3A_211 = arith.constant 4 : i32
    %dma_start3A_212 = arith.constant 0 : i32
    %dma_start3A_213 = arith.constant 0 : i32
    %dma_start3A_214 = tpu.memref_slice %arg11[%dma_start3A_211, %dma_start3A_212, %dma_start3A_213] : memref<16x16x128xf32, #tpu.memory_space<vmem>> -> memref<1x16x128xf32, #tpu.memory_space<vmem>>
    %dma_start3A_215 = tpu.memref_squeeze %dma_start3A_214 : memref<1x16x128xf32, #tpu.memory_space<vmem>> -> memref<16x128xf32, #tpu.memory_space<vmem>>
    %dma_start3A_216 = arith.constant 0 : i32
    %dma_start3A_217 = tpu.memref_slice %arg5[%dma_start3A_216, %multiple_of3A_197] : memref<16x1000000xf32, #tpu.memory_space<hbm>> -> memref<16x128xf32, #tpu.memory_space<hbm>>
    %dma_start3A_218 = arith.constant 0 : i32
    %dma_start3A_219 = arith.constant 0 : i32
    %dma_start3A_220 = tpu.memref_slice %arg11[%dma_start3A_211, %dma_start3A_218, %dma_start3A_219] : memref<16x16x128xf32, #tpu.memory_space<vmem>> -> memref<1x16x128xf32, #tpu.memory_space<vmem>>
    %dma_start3A_221 = tpu.memref_squeeze %dma_start3A_220 : memref<1x16x128xf32, #tpu.memory_space<vmem>> -> memref<16x128xf32, #tpu.memory_space<vmem>>
    %dma_start3A_222 = arith.constant 0 : i32
    %dma_start3A_223 = tpu.memref_slice %arg5[%dma_start3A_222, %multiple_of3A_197] : memref<16x1000000xf32, #tpu.memory_space<hbm>> -> memref<16x128xf32, #tpu.memory_space<hbm>>
    tpu.enqueue_dma source(%dma_start3A_223 : memref<16x128xf32, #tpu.memory_space<hbm>>) target(%dma_start3A_221 : memref<16x128xf32, #tpu.memory_space<vmem>>) target_semaphore(%arg15 : memref<!tpu.dma_semaphore, #tpu.memory_space<semaphore_mem>>)
    %get3A_224 = arith.constant 0 : index
    %get3A_225 = tpu.vector_load %arg8[%get3A_224] {strides = array<i32>} : memref<512xi32, #tpu.memory_space<vmem>>, vector<16xi32>,
    %get3A_226 = arith.constant 0 : index
    %get3A_227 = tpu.vector_load %arg9[%get3A_226] {strides = array<i32>} : memref<512xi32, #tpu.memory_space<vmem>>, vector<16xi32>,
    %slice3A_228 = vector.extract_strided_slice %get3A_225 {offsets = [5], sizes = [1], strides = [1]} : vector<16xi32> to vector<1xi32>
    %squeeze3A_229 = vector.extract %slice3A_228[0] : i32 from vector<1xi32>
    %shift_right_arithmetic3A_230 = arith.constant 7 : i32
    %shift_right_arithmetic3A_231 = arith.shrsi %squeeze3A_229, %shift_right_arithmetic3A_230 : i32
    %mul3A_232 = arith.constant 128 : i32
    %mul3A_233 = arith.muli %shift_right_arithmetic3A_231, %mul3A_232 : i32
    %multiple_of3A_234 = tpu.assume_multiple %mul3A_233, 128 : i32
    %slice3A_235 = vector.extract_strided_slice %get3A_227 {offsets = [5], sizes = [1], strides = [1]} : vector<16xi32> to vector<1xi32>
    %squeeze3A_236 = vector.extract %slice3A_235[0] : i32 from vector<1xi32>
    %shift_right_arithmetic3A_237 = arith.constant 7 : i32
    %shift_right_arithmetic3A_238 = arith.shrsi %squeeze3A_236, %shift_right_arithmetic3A_237 : i32
    %mul3A_239 = arith.constant 128 : i32
    %mul3A_240 = arith.muli %shift_right_arithmetic3A_238, %mul3A_239 : i32
    %multiple_of3A_241 = tpu.assume_multiple %mul3A_240, 128 : i32
    %dma_start3A_242 = arith.constant 5 : i32
    %dma_start3A_243 = arith.constant 0 : i32
    %dma_start3A_244 = arith.constant 0 : i32
    %dma_start3A_245 = tpu.memref_slice %arg10[%dma_start3A_242, %dma_start3A_243, %dma_start3A_244] : memref<16x16x128xf32, #tpu.memory_space<vmem>> -> memref<1x16x128xf32, #tpu.memory_space<vmem>>
    %dma_start3A_246 = tpu.memref_squeeze %dma_start3A_245 : memref<1x16x128xf32, #tpu.memory_space<vmem>> -> memref<16x128xf32, #tpu.memory_space<vmem>>
    %dma_start3A_247 = arith.constant 0 : i32
    %dma_start3A_248 = tpu.memref_slice %arg4[%dma_start3A_247, %multiple_of3A_234] : memref<16x1000000xf32, #tpu.memory_space<hbm>> -> memref<16x128xf32, #tpu.memory_space<hbm>>
    %dma_start3A_249 = arith.constant 0 : i32
    %dma_start3A_250 = arith.constant 0 : i32
    %dma_start3A_251 = tpu.memref_slice %arg10[%dma_start3A_242, %dma_start3A_249, %dma_start3A_250] : memref<16x16x128xf32, #tpu.memory_space<vmem>> -> memref<1x16x128xf32, #tpu.memory_space<vmem>>
    %dma_start3A_252 = tpu.memref_squeeze %dma_start3A_251 : memref<1x16x128xf32, #tpu.memory_space<vmem>> -> memref<16x128xf32, #tpu.memory_space<vmem>>
    %dma_start3A_253 = arith.constant 0 : i32
    %dma_start3A_254 = tpu.memref_slice %arg4[%dma_start3A_253, %multiple_of3A_234] : memref<16x1000000xf32, #tpu.memory_space<hbm>> -> memref<16x128xf32, #tpu.memory_space<hbm>>
    tpu.enqueue_dma source(%dma_start3A_254 : memref<16x128xf32, #tpu.memory_space<hbm>>) target(%dma_start3A_252 : memref<16x128xf32, #tpu.memory_space<vmem>>) target_semaphore(%arg14 : memref<!tpu.dma_semaphore, #tpu.memory_space<semaphore_mem>>)
    %dma_start3A_255 = arith.constant 5 : i32
    %dma_start3A_256 = arith.constant 0 : i32
    %dma_start3A_257 = arith.constant 0 : i32
    %dma_start3A_258 = tpu.memref_slice %arg11[%dma_start3A_255, %dma_start3A_256, %dma_start3A_257] : memref<16x16x128xf32, #tpu.memory_space<vmem>> -> memref<1x16x128xf32, #tpu.memory_space<vmem>>
    %dma_start3A_259 = tpu.memref_squeeze %dma_start3A_258 : memref<1x16x128xf32, #tpu.memory_space<vmem>> -> memref<16x128xf32, #tpu.memory_space<vmem>>
    %dma_start3A_260 = arith.constant 0 : i32
    %dma_start3A_261 = tpu.memref_slice %arg5[%dma_start3A_260, %multiple_of3A_241] : memref<16x1000000xf32, #tpu.memory_space<hbm>> -> memref<16x128xf32, #tpu.memory_space<hbm>>
    %dma_start3A_262 = arith.constant 0 : i32
    %dma_start3A_263 = arith.constant 0 : i32
    %dma_start3A_264 = tpu.memref_slice %arg11[%dma_start3A_255, %dma_start3A_262, %dma_start3A_263] : memref<16x16x128xf32, #tpu.memory_space<vmem>> -> memref<1x16x128xf32, #tpu.memory_space<vmem>>
    %dma_start3A_265 = tpu.memref_squeeze %dma_start3A_264 : memref<1x16x128xf32, #tpu.memory_space<vmem>> -> memref<16x128xf32, #tpu.memory_space<vmem>>
    %dma_start3A_266 = arith.constant 0 : i32
    %dma_start3A_267 = tpu.memref_slice %arg5[%dma_start3A_266, %multiple_of3A_241] : memref<16x1000000xf32, #tpu.memory_space<hbm>> -> memref<16x128xf32, #tpu.memory_space<hbm>>
    tpu.enqueue_dma source(%dma_start3A_267 : memref<16x128xf32, #tpu.memory_space<hbm>>) target(%dma_start3A_265 : memref<16x128xf32, #tpu.memory_space<vmem>>) target_semaphore(%arg15 : memref<!tpu.dma_semaphore, #tpu.memory_space<semaphore_mem>>)
    %get3A_268 = arith.constant 0 : index
    %get3A_269 = tpu.vector_load %arg8[%get3A_268] {strides = array<i32>} : memref<512xi32, #tpu.memory_space<vmem>>, vector<16xi32>,
    %get3A_270 = arith.constant 0 : index
    %get3A_271 = tpu.vector_load %arg9[%get3A_270] {strides = array<i32>} : memref<512xi32, #tpu.memory_space<vmem>>, vector<16xi32>,
    %slice3A_272 = vector.extract_strided_slice %get3A_269 {offsets = [6], sizes = [1], strides = [1]} : vector<16xi32> to vector<1xi32>
    %squeeze3A_273 = vector.extract %slice3A_272[0] : i32 from vector<1xi32>
    %shift_right_arithmetic3A_274 = arith.constant 7 : i32
    %shift_right_arithmetic3A_275 = arith.shrsi %squeeze3A_273, %shift_right_arithmetic3A_274 : i32
    %mul3A_276 = arith.constant 128 : i32
    %mul3A_277 = arith.muli %shift_right_arithmetic3A_275, %mul3A_276 : i32
    %multiple_of3A_278 = tpu.assume_multiple %mul3A_277, 128 : i32
    %slice3A_279 = vector.extract_strided_slice %get3A_271 {offsets = [6], sizes = [1], strides = [1]} : vector<16xi32> to vector<1xi32>
    %squeeze3A_280 = vector.extract %slice3A_279[0] : i32 from vector<1xi32>
    %shift_right_arithmetic3A_281 = arith.constant 7 : i32
    %shift_right_arithmetic3A_282 = arith.shrsi %squeeze3A_280, %shift_right_arithmetic3A_281 : i32
    %mul3A_283 = arith.constant 128 : i32
    %mul3A_284 = arith.muli %shift_right_arithmetic3A_282, %mul3A_283 : i32
    %multiple_of3A_285 = tpu.assume_multiple %mul3A_284, 128 : i32
    %dma_start3A_286 = arith.constant 6 : i32
    %dma_start3A_287 = arith.constant 0 : i32
    %dma_start3A_288 = arith.constant 0 : i32
    %dma_start3A_289 = tpu.memref_slice %arg10[%dma_start3A_286, %dma_start3A_287, %dma_start3A_288] : memref<16x16x128xf32, #tpu.memory_space<vmem>> -> memref<1x16x128xf32, #tpu.memory_space<vmem>>
    %dma_start3A_290 = tpu.memref_squeeze %dma_start3A_289 : memref<1x16x128xf32, #tpu.memory_space<vmem>> -> memref<16x128xf32, #tpu.memory_space<vmem>>
    %dma_start3A_291 = arith.constant 0 : i32
    %dma_start3A_292 = tpu.memref_slice %arg4[%dma_start3A_291, %multiple_of3A_278] : memref<16x1000000xf32, #tpu.memory_space<hbm>> -> memref<16x128xf32, #tpu.memory_space<hbm>>
    %dma_start3A_293 = arith.constant 0 : i32
    %dma_start3A_294 = arith.constant 0 : i32
    %dma_start3A_295 = tpu.memref_slice %arg10[%dma_start3A_286, %dma_start3A_293, %dma_start3A_294] : memref<16x16x128xf32, #tpu.memory_space<vmem>> -> memref<1x16x128xf32, #tpu.memory_space<vmem>>
    %dma_start3A_296 = tpu.memref_squeeze %dma_start3A_295 : memref<1x16x128xf32, #tpu.memory_space<vmem>> -> memref<16x128xf32, #tpu.memory_space<vmem>>
    %dma_start3A_297 = arith.constant 0 : i32
    %dma_start3A_298 = tpu.memref_slice %arg4[%dma_start3A_297, %multiple_of3A_278] : memref<16x1000000xf32, #tpu.memory_space<hbm>> -> memref<16x128xf32, #tpu.memory_space<hbm>>
    tpu.enqueue_dma source(%dma_start3A_298 : memref<16x128xf32, #tpu.memory_space<hbm>>) target(%dma_start3A_296 : memref<16x128xf32, #tpu.memory_space<vmem>>) target_semaphore(%arg14 : memref<!tpu.dma_semaphore, #tpu.memory_space<semaphore_mem>>)
    %dma_start3A_299 = arith.constant 6 : i32
    %dma_start3A_300 = arith.constant 0 : i32
    %dma_start3A_301 = arith.constant 0 : i32
    %dma_start3A_302 = tpu.memref_slice %arg11[%dma_start3A_299, %dma_start3A_300, %dma_start3A_301] : memref<16x16x128xf32, #tpu.memory_space<vmem>> -> memref<1x16x128xf32, #tpu.memory_space<vmem>>
    %dma_start3A_303 = tpu.memref_squeeze %dma_start3A_302 : memref<1x16x128xf32, #tpu.memory_space<vmem>> -> memref<16x128xf32, #tpu.memory_space<vmem>>
    %dma_start3A_304 = arith.constant 0 : i32
    %dma_start3A_305 = tpu.memref_slice %arg5[%dma_start3A_304, %multiple_of3A_285] : memref<16x1000000xf32, #tpu.memory_space<hbm>> -> memref<16x128xf32, #tpu.memory_space<hbm>>
    %dma_start3A_306 = arith.constant 0 : i32
    %dma_start3A_307 = arith.constant 0 : i32
    %dma_start3A_308 = tpu.memref_slice %arg11[%dma_start3A_299, %dma_start3A_306, %dma_start3A_307] : memref<16x16x128xf32, #tpu.memory_space<vmem>> -> memref<1x16x128xf32, #tpu.memory_space<vmem>>
    %dma_start3A_309 = tpu.memref_squeeze %dma_start3A_308 : memref<1x16x128xf32, #tpu.memory_space<vmem>> -> memref<16x128xf32, #tpu.memory_space<vmem>>
    %dma_start3A_310 = arith.constant 0 : i32
    %dma_start3A_311 = tpu.memref_slice %arg5[%dma_start3A_310, %multiple_of3A_285] : memref<16x1000000xf32, #tpu.memory_space<hbm>> -> memref<16x128xf32, #tpu.memory_space<hbm>>
    tpu.enqueue_dma source(%dma_start3A_311 : memref<16x128xf32, #tpu.memory_space<hbm>>) target(%dma_start3A_309 : memref<16x128xf32, #tpu.memory_space<vmem>>) target_semaphore(%arg15 : memref<!tpu.dma_semaphore, #tpu.memory_space<semaphore_mem>>)
    %get3A_312 = arith.constant 0 : index
    %get3A_313 = tpu.vector_load %arg8[%get3A_312] {strides = array<i32>} : memref<512xi32, #tpu.memory_space<vmem>>, vector<16xi32>,
    %get3A_314 = arith.constant 0 : index
    %get3A_315 = tpu.vector_load %arg9[%get3A_314] {strides = array<i32>} : memref<512xi32, #tpu.memory_space<vmem>>, vector<16xi32>,
    %slice3A_316 = vector.extract_strided_slice %get3A_313 {offsets = [7], sizes = [1], strides = [1]} : vector<16xi32> to vector<1xi32>
    %squeeze3A_317 = vector.extract %slice3A_316[0] : i32 from vector<1xi32>
    %shift_right_arithmetic3A_318 = arith.constant 7 : i32
    %shift_right_arithmetic3A_319 = arith.shrsi %squeeze3A_317, %shift_right_arithmetic3A_318 : i32
    %mul3A_320 = arith.constant 128 : i32
    %mul3A_321 = arith.muli %shift_right_arithmetic3A_319, %mul3A_320 : i32
    %multiple_of3A_322 = tpu.assume_multiple %mul3A_321, 128 : i32
    %slice3A_323 = vector.extract_strided_slice %get3A_315 {offsets = [7], sizes = [1], strides = [1]} : vector<16xi32> to vector<1xi32>
    %squeeze3A_324 = vector.extract %slice3A_323[0] : i32 from vector<1xi32>
    %shift_right_arithmetic3A_325 = arith.constant 7 : i32
    %shift_right_arithmetic3A_326 = arith.shrsi %squeeze3A_324, %shift_right_arithmetic3A_325 : i32
    %mul3A_327 = arith.constant 128 : i32
    %mul3A_328 = arith.muli %shift_right_arithmetic3A_326, %mul3A_327 : i32
    %multiple_of3A_329 = tpu.assume_multiple %mul3A_328, 128 : i32
    %dma_start3A_330 = arith.constant 7 : i32
    %dma_start3A_331 = arith.constant 0 : i32
    %dma_start3A_332 = arith.constant 0 : i32
    %dma_start3A_333 = tpu.memref_slice %arg10[%dma_start3A_330, %dma_start3A_331, %dma_start3A_332] : memref<16x16x128xf32, #tpu.memory_space<vmem>> -> memref<1x16x128xf32, #tpu.memory_space<vmem>>
    %dma_start3A_334 = tpu.memref_squeeze %dma_start3A_333 : memref<1x16x128xf32, #tpu.memory_space<vmem>> -> memref<16x128xf32, #tpu.memory_space<vmem>>
    %dma_start3A_335 = arith.constant 0 : i32
    %dma_start3A_336 = tpu.memref_slice %arg4[%dma_start3A_335, %multiple_of3A_322] : memref<16x1000000xf32, #tpu.memory_space<hbm>> -> memref<16x128xf32, #tpu.memory_space<hbm>>
    %dma_start3A_337 = arith.constant 0 : i32
    %dma_start3A_338 = arith.constant 0 : i32
    %dma_start3A_339 = tpu.memref_slice %arg10[%dma_start3A_330, %dma_start3A_337, %dma_start3A_338] : memref<16x16x128xf32, #tpu.memory_space<vmem>> -> memref<1x16x128xf32, #tpu.memory_space<vmem>>
    %dma_start3A_340 = tpu.memref_squeeze %dma_start3A_339 : memref<1x16x128xf32, #tpu.memory_space<vmem>> -> memref<16x128xf32, #tpu.memory_space<vmem>>
    %dma_start3A_341 = arith.constant 0 : i32
    %dma_start3A_342 = tpu.memref_slice %arg4[%dma_start3A_341, %multiple_of3A_322] : memref<16x1000000xf32, #tpu.memory_space<hbm>> -> memref<16x128xf32, #tpu.memory_space<hbm>>
    tpu.enqueue_dma source(%dma_start3A_342 : memref<16x128xf32, #tpu.memory_space<hbm>>) target(%dma_start3A_340 : memref<16x128xf32, #tpu.memory_space<vmem>>) target_semaphore(%arg14 : memref<!tpu.dma_semaphore, #tpu.memory_space<semaphore_mem>>)
    %dma_start3A_343 = arith.constant 7 : i32
    %dma_start3A_344 = arith.constant 0 : i32
    %dma_start3A_345 = arith.constant 0 : i32
    %dma_start3A_346 = tpu.memref_slice %arg11[%dma_start3A_343, %dma_start3A_344, %dma_start3A_345] : memref<16x16x128xf32, #tpu.memory_space<vmem>> -> memref<1x16x128xf32, #tpu.memory_space<vmem>>
    %dma_start3A_347 = tpu.memref_squeeze %dma_start3A_346 : memref<1x16x128xf32, #tpu.memory_space<vmem>> -> memref<16x128xf32, #tpu.memory_space<vmem>>
    %dma_start3A_348 = arith.constant 0 : i32
    %dma_start3A_349 = tpu.memref_slice %arg5[%dma_start3A_348, %multiple_of3A_329] : memref<16x1000000xf32, #tpu.memory_space<hbm>> -> memref<16x128xf32, #tpu.memory_space<hbm>>
    %dma_start3A_350 = arith.constant 0 : i32
    %dma_start3A_351 = arith.constant 0 : i32
    %dma_start3A_352 = tpu.memref_slice %arg11[%dma_start3A_343, %dma_start3A_350, %dma_start3A_351] : memref<16x16x128xf32, #tpu.memory_space<vmem>> -> memref<1x16x128xf32, #tpu.memory_space<vmem>>
    %dma_start3A_353 = tpu.memref_squeeze %dma_start3A_352 : memref<1x16x128xf32, #tpu.memory_space<vmem>> -> memref<16x128xf32, #tpu.memory_space<vmem>>
    %dma_start3A_354 = arith.constant 0 : i32
    %dma_start3A_355 = tpu.memref_slice %arg5[%dma_start3A_354, %multiple_of3A_329] : memref<16x1000000xf32, #tpu.memory_space<hbm>> -> memref<16x128xf32, #tpu.memory_space<hbm>>
    tpu.enqueue_dma source(%dma_start3A_355 : memref<16x128xf32, #tpu.memory_space<hbm>>) target(%dma_start3A_353 : memref<16x128xf32, #tpu.memory_space<vmem>>) target_semaphore(%arg15 : memref<!tpu.dma_semaphore, #tpu.memory_space<semaphore_mem>>)
    %get3A_356 = arith.constant 0 : index
    %get3A_357 = tpu.vector_load %arg8[%get3A_356] {strides = array<i32>} : memref<512xi32, #tpu.memory_space<vmem>>, vector<16xi32>,
    %get3A_358 = arith.constant 0 : index
    %get3A_359 = tpu.vector_load %arg9[%get3A_358] {strides = array<i32>} : memref<512xi32, #tpu.memory_space<vmem>>, vector<16xi32>,
    %slice3A_360 = vector.extract_strided_slice %get3A_357 {offsets = [8], sizes = [1], strides = [1]} : vector<16xi32> to vector<1xi32>
    %squeeze3A_361 = vector.extract %slice3A_360[0] : i32 from vector<1xi32>
    %shift_right_arithmetic3A_362 = arith.constant 7 : i32
    %shift_right_arithmetic3A_363 = arith.shrsi %squeeze3A_361, %shift_right_arithmetic3A_362 : i32
    %mul3A_364 = arith.constant 128 : i32
    %mul3A_365 = arith.muli %shift_right_arithmetic3A_363, %mul3A_364 : i32
    %multiple_of3A_366 = tpu.assume_multiple %mul3A_365, 128 : i32
    %slice3A_367 = vector.extract_strided_slice %get3A_359 {offsets = [8], sizes = [1], strides = [1]} : vector<16xi32> to vector<1xi32>
    %squeeze3A_368 = vector.extract %slice3A_367[0] : i32 from vector<1xi32>
    %shift_right_arithmetic3A_369 = arith.constant 7 : i32
    %shift_right_arithmetic3A_370 = arith.shrsi %squeeze3A_368, %shift_right_arithmetic3A_369 : i32
    %mul3A_371 = arith.constant 128 : i32
    %mul3A_372 = arith.muli %shift_right_arithmetic3A_370, %mul3A_371 : i32
    %multiple_of3A_373 = tpu.assume_multiple %mul3A_372, 128 : i32
    %dma_start3A_374 = arith.constant 8 : i32
    %dma_start3A_375 = arith.constant 0 : i32
    %dma_start3A_376 = arith.constant 0 : i32
    %dma_start3A_377 = tpu.memref_slice %arg10[%dma_start3A_374, %dma_start3A_375, %dma_start3A_376] : memref<16x16x128xf32, #tpu.memory_space<vmem>> -> memref<1x16x128xf32, #tpu.memory_space<vmem>>
    %dma_start3A_378 = tpu.memref_squeeze %dma_start3A_377 : memref<1x16x128xf32, #tpu.memory_space<vmem>> -> memref<16x128xf32, #tpu.memory_space<vmem>>
    %dma_start3A_379 = arith.constant 0 : i32
    %dma_start3A_380 = tpu.memref_slice %arg4[%dma_start3A_379, %multiple_of3A_366] : memref<16x1000000xf32, #tpu.memory_space<hbm>> -> memref<16x128xf32, #tpu.memory_space<hbm>>
    %dma_start3A_381 = arith.constant 0 : i32
    %dma_start3A_382 = arith.constant 0 : i32
    %dma_start3A_383 = tpu.memref_slice %arg10[%dma_start3A_374, %dma_start3A_381, %dma_start3A_382] : memref<16x16x128xf32, #tpu.memory_space<vmem>> -> memref<1x16x128xf32, #tpu.memory_space<vmem>>
    %dma_start3A_384 = tpu.memref_squeeze %dma_start3A_383 : memref<1x16x128xf32, #tpu.memory_space<vmem>> -> memref<16x128xf32, #tpu.memory_space<vmem>>
    %dma_start3A_385 = arith.constant 0 : i32
    %dma_start3A_386 = tpu.memref_slice %arg4[%dma_start3A_385, %multiple_of3A_366] : memref<16x1000000xf32, #tpu.memory_space<hbm>> -> memref<16x128xf32, #tpu.memory_space<hbm>>
    tpu.enqueue_dma source(%dma_start3A_386 : memref<16x128xf32, #tpu.memory_space<hbm>>) target(%dma_start3A_384 : memref<16x128xf32, #tpu.memory_space<vmem>>) target_semaphore(%arg14 : memref<!tpu.dma_semaphore, #tpu.memory_space<semaphore_mem>>)
    %dma_start3A_387 = arith.constant 8 : i32
    %dma_start3A_388 = arith.constant 0 : i32
    %dma_start3A_389 = arith.constant 0 : i32
    %dma_start3A_390 = tpu.memref_slice %arg11[%dma_start3A_387, %dma_start3A_388, %dma_start3A_389] : memref<16x16x128xf32, #tpu.memory_space<vmem>> -> memref<1x16x128xf32, #tpu.memory_space<vmem>>
    %dma_start3A_391 = tpu.memref_squeeze %dma_start3A_390 : memref<1x16x128xf32, #tpu.memory_space<vmem>> -> memref<16x128xf32, #tpu.memory_space<vmem>>
    %dma_start3A_392 = arith.constant 0 : i32
    %dma_start3A_393 = tpu.memref_slice %arg5[%dma_start3A_392, %multiple_of3A_373] : memref<16x1000000xf32, #tpu.memory_space<hbm>> -> memref<16x128xf32, #tpu.memory_space<hbm>>
    %dma_start3A_394 = arith.constant 0 : i32
    %dma_start3A_395 = arith.constant 0 : i32
    %dma_start3A_396 = tpu.memref_slice %arg11[%dma_start3A_387, %dma_start3A_394, %dma_start3A_395] : memref<16x16x128xf32, #tpu.memory_space<vmem>> -> memref<1x16x128xf32, #tpu.memory_space<vmem>>
    %dma_start3A_397 = tpu.memref_squeeze %dma_start3A_396 : memref<1x16x128xf32, #tpu.memory_space<vmem>> -> memref<16x128xf32, #tpu.memory_space<vmem>>
    %dma_start3A_398 = arith.constant 0 : i32
    %dma_start3A_399 = tpu.memref_slice %arg5[%dma_start3A_398, %multiple_of3A_373] : memref<16x1000000xf32, #tpu.memory_space<hbm>> -> memref<16x128xf32, #tpu.memory_space<hbm>>
    tpu.enqueue_dma source(%dma_start3A_399 : memref<16x128xf32, #tpu.memory_space<hbm>>) target(%dma_start3A_397 : memref<16x128xf32, #tpu.memory_space<vmem>>) target_semaphore(%arg15 : memref<!tpu.dma_semaphore, #tpu.memory_space<semaphore_mem>>)
    %get3A_400 = arith.constant 0 : index
    %get3A_401 = tpu.vector_load %arg8[%get3A_400] {strides = array<i32>} : memref<512xi32, #tpu.memory_space<vmem>>, vector<16xi32>,
    %get3A_402 = arith.constant 0 : index
    %get3A_403 = tpu.vector_load %arg9[%get3A_402] {strides = array<i32>} : memref<512xi32, #tpu.memory_space<vmem>>, vector<16xi32>,
    %slice3A_404 = vector.extract_strided_slice %get3A_401 {offsets = [9], sizes = [1], strides = [1]} : vector<16xi32> to vector<1xi32>
    %squeeze3A_405 = vector.extract %slice3A_404[0] : i32 from vector<1xi32>
    %shift_right_arithmetic3A_406 = arith.constant 7 : i32
    %shift_right_arithmetic3A_407 = arith.shrsi %squeeze3A_405, %shift_right_arithmetic3A_406 : i32
    %mul3A_408 = arith.constant 128 : i32
    %mul3A_409 = arith.muli %shift_right_arithmetic3A_407, %mul3A_408 : i32
    %multiple_of3A_410 = tpu.assume_multiple %mul3A_409, 128 : i32
    %slice3A_411 = vector.extract_strided_slice %get3A_403 {offsets = [9], sizes = [1], strides = [1]} : vector<16xi32> to vector<1xi32>
    %squeeze3A_412 = vector.extract %slice3A_411[0] : i32 from vector<1xi32>
    %shift_right_arithmetic3A_413 = arith.constant 7 : i32
    %shift_right_arithmetic3A_414 = arith.shrsi %squeeze3A_412, %shift_right_arithmetic3A_413 : i32
    %mul3A_415 = arith.constant 128 : i32
    %mul3A_416 = arith.muli %shift_right_arithmetic3A_414, %mul3A_415 : i32
    %multiple_of3A_417 = tpu.assume_multiple %mul3A_416, 128 : i32
    %dma_start3A_418 = arith.constant 9 : i32
    %dma_start3A_419 = arith.constant 0 : i32
    %dma_start3A_420 = arith.constant 0 : i32
    %dma_start3A_421 = tpu.memref_slice %arg10[%dma_start3A_418, %dma_start3A_419, %dma_start3A_420] : memref<16x16x128xf32, #tpu.memory_space<vmem>> -> memref<1x16x128xf32, #tpu.memory_space<vmem>>
    %dma_start3A_422 = tpu.memref_squeeze %dma_start3A_421 : memref<1x16x128xf32, #tpu.memory_space<vmem>> -> memref<16x128xf32, #tpu.memory_space<vmem>>
    %dma_start3A_423 = arith.constant 0 : i32
    %dma_start3A_424 = tpu.memref_slice %arg4[%dma_start3A_423, %multiple_of3A_410] : memref<16x1000000xf32, #tpu.memory_space<hbm>> -> memref<16x128xf32, #tpu.memory_space<hbm>>
    %dma_start3A_425 = arith.constant 0 : i32
    %dma_start3A_426 = arith.constant 0 : i32
    %dma_start3A_427 = tpu.memref_slice %arg10[%dma_start3A_418, %dma_start3A_425, %dma_start3A_426] : memref<16x16x128xf32, #tpu.memory_space<vmem>> -> memref<1x16x128xf32, #tpu.memory_space<vmem>>
    %dma_start3A_428 = tpu.memref_squeeze %dma_start3A_427 : memref<1x16x128xf32, #tpu.memory_space<vmem>> -> memref<16x128xf32, #tpu.memory_space<vmem>>
    %dma_start3A_429 = arith.constant 0 : i32
    %dma_start3A_430 = tpu.memref_slice %arg4[%dma_start3A_429, %multiple_of3A_410] : memref<16x1000000xf32, #tpu.memory_space<hbm>> -> memref<16x128xf32, #tpu.memory_space<hbm>>
    tpu.enqueue_dma source(%dma_start3A_430 : memref<16x128xf32, #tpu.memory_space<hbm>>) target(%dma_start3A_428 : memref<16x128xf32, #tpu.memory_space<vmem>>) target_semaphore(%arg14 : memref<!tpu.dma_semaphore, #tpu.memory_space<semaphore_mem>>)
    %dma_start3A_431 = arith.constant 9 : i32
    %dma_start3A_432 = arith.constant 0 : i32
    %dma_start3A_433 = arith.constant 0 : i32
    %dma_start3A_434 = tpu.memref_slice %arg11[%dma_start3A_431, %dma_start3A_432, %dma_start3A_433] : memref<16x16x128xf32, #tpu.memory_space<vmem>> -> memref<1x16x128xf32, #tpu.memory_space<vmem>>
    %dma_start3A_435 = tpu.memref_squeeze %dma_start3A_434 : memref<1x16x128xf32, #tpu.memory_space<vmem>> -> memref<16x128xf32, #tpu.memory_space<vmem>>
    %dma_start3A_436 = arith.constant 0 : i32
    %dma_start3A_437 = tpu.memref_slice %arg5[%dma_start3A_436, %multiple_of3A_417] : memref<16x1000000xf32, #tpu.memory_space<hbm>> -> memref<16x128xf32, #tpu.memory_space<hbm>>
    %dma_start3A_438 = arith.constant 0 : i32
    %dma_start3A_439 = arith.constant 0 : i32
    %dma_start3A_440 = tpu.memref_slice %arg11[%dma_start3A_431, %dma_start3A_438, %dma_start3A_439] : memref<16x16x128xf32, #tpu.memory_space<vmem>> -> memref<1x16x128xf32, #tpu.memory_space<vmem>>
    %dma_start3A_441 = tpu.memref_squeeze %dma_start3A_440 : memref<1x16x128xf32, #tpu.memory_space<vmem>> -> memref<16x128xf32, #tpu.memory_space<vmem>>
    %dma_start3A_442 = arith.constant 0 : i32
    %dma_start3A_443 = tpu.memref_slice %arg5[%dma_start3A_442, %multiple_of3A_417] : memref<16x1000000xf32, #tpu.memory_space<hbm>> -> memref<16x128xf32, #tpu.memory_space<hbm>>
    tpu.enqueue_dma source(%dma_start3A_443 : memref<16x128xf32, #tpu.memory_space<hbm>>) target(%dma_start3A_441 : memref<16x128xf32, #tpu.memory_space<vmem>>) target_semaphore(%arg15 : memref<!tpu.dma_semaphore, #tpu.memory_space<semaphore_mem>>)
    %get3A_444 = arith.constant 0 : index
    %get3A_445 = tpu.vector_load %arg8[%get3A_444] {strides = array<i32>} : memref<512xi32, #tpu.memory_space<vmem>>, vector<16xi32>,
    %get3A_446 = arith.constant 0 : index
    %get3A_447 = tpu.vector_load %arg9[%get3A_446] {strides = array<i32>} : memref<512xi32, #tpu.memory_space<vmem>>, vector<16xi32>,
    %slice3A_448 = vector.extract_strided_slice %get3A_445 {offsets = [10], sizes = [1], strides = [1]} : vector<16xi32> to vector<1xi32>
    %squeeze3A_449 = vector.extract %slice3A_448[0] : i32 from vector<1xi32>
    %shift_right_arithmetic3A_450 = arith.constant 7 : i32
    %shift_right_arithmetic3A_451 = arith.shrsi %squeeze3A_449, %shift_right_arithmetic3A_450 : i32
    %mul3A_452 = arith.constant 128 : i32
    %mul3A_453 = arith.muli %shift_right_arithmetic3A_451, %mul3A_452 : i32
    %multiple_of3A_454 = tpu.assume_multiple %mul3A_453, 128 : i32
    %slice3A_455 = vector.extract_strided_slice %get3A_447 {offsets = [10], sizes = [1], strides = [1]} : vector<16xi32> to vector<1xi32>
    %squeeze3A_456 = vector.extract %slice3A_455[0] : i32 from vector<1xi32>
    %shift_right_arithmetic3A_457 = arith.constant 7 : i32
    %shift_right_arithmetic3A_458 = arith.shrsi %squeeze3A_456, %shift_right_arithmetic3A_457 : i32
    %mul3A_459 = arith.constant 128 : i32
    %mul3A_460 = arith.muli %shift_right_arithmetic3A_458, %mul3A_459 : i32
    %multiple_of3A_461 = tpu.assume_multiple %mul3A_460, 128 : i32
    %dma_start3A_462 = arith.constant 10 : i32
    %dma_start3A_463 = arith.constant 0 : i32
    %dma_start3A_464 = arith.constant 0 : i32
    %dma_start3A_465 = tpu.memref_slice %arg10[%dma_start3A_462, %dma_start3A_463, %dma_start3A_464] : memref<16x16x128xf32, #tpu.memory_space<vmem>> -> memref<1x16x128xf32, #tpu.memory_space<vmem>>
    %dma_start3A_466 = tpu.memref_squeeze %dma_start3A_465 : memref<1x16x128xf32, #tpu.memory_space<vmem>> -> memref<16x128xf32, #tpu.memory_space<vmem>>
    %dma_start3A_467 = arith.constant 0 : i32
    %dma_start3A_468 = tpu.memref_slice %arg4[%dma_start3A_467, %multiple_of3A_454] : memref<16x1000000xf32, #tpu.memory_space<hbm>> -> memref<16x128xf32, #tpu.memory_space<hbm>>
    %dma_start3A_469 = arith.constant 0 : i32
    %dma_start3A_470 = arith.constant 0 : i32
    %dma_start3A_471 = tpu.memref_slice %arg10[%dma_start3A_462, %dma_start3A_469, %dma_start3A_470] : memref<16x16x128xf32, #tpu.memory_space<vmem>> -> memref<1x16x128xf32, #tpu.memory_space<vmem>>
    %dma_start3A_472 = tpu.memref_squeeze %dma_start3A_471 : memref<1x16x128xf32, #tpu.memory_space<vmem>> -> memref<16x128xf32, #tpu.memory_space<vmem>>
    %dma_start3A_473 = arith.constant 0 : i32
    %dma_start3A_474 = tpu.memref_slice %arg4[%dma_start3A_473, %multiple_of3A_454] : memref<16x1000000xf32, #tpu.memory_space<hbm>> -> memref<16x128xf32, #tpu.memory_space<hbm>>
    tpu.enqueue_dma source(%dma_start3A_474 : memref<16x128xf32, #tpu.memory_space<hbm>>) target(%dma_start3A_472 : memref<16x128xf32, #tpu.memory_space<vmem>>) target_semaphore(%arg14 : memref<!tpu.dma_semaphore, #tpu.memory_space<semaphore_mem>>)
    %dma_start3A_475 = arith.constant 10 : i32
    %dma_start3A_476 = arith.constant 0 : i32
    %dma_start3A_477 = arith.constant 0 : i32
    %dma_start3A_478 = tpu.memref_slice %arg11[%dma_start3A_475, %dma_start3A_476, %dma_start3A_477] : memref<16x16x128xf32, #tpu.memory_space<vmem>> -> memref<1x16x128xf32, #tpu.memory_space<vmem>>
    %dma_start3A_479 = tpu.memref_squeeze %dma_start3A_478 : memref<1x16x128xf32, #tpu.memory_space<vmem>> -> memref<16x128xf32, #tpu.memory_space<vmem>>
    %dma_start3A_480 = arith.constant 0 : i32
    %dma_start3A_481 = tpu.memref_slice %arg5[%dma_start3A_480, %multiple_of3A_461] : memref<16x1000000xf32, #tpu.memory_space<hbm>> -> memref<16x128xf32, #tpu.memory_space<hbm>>
    %dma_start3A_482 = arith.constant 0 : i32
    %dma_start3A_483 = arith.constant 0 : i32
    %dma_start3A_484 = tpu.memref_slice %arg11[%dma_start3A_475, %dma_start3A_482, %dma_start3A_483] : memref<16x16x128xf32, #tpu.memory_space<vmem>> -> memref<1x16x128xf32, #tpu.memory_space<vmem>>
    %dma_start3A_485 = tpu.memref_squeeze %dma_start3A_484 : memref<1x16x128xf32, #tpu.memory_space<vmem>> -> memref<16x128xf32, #tpu.memory_space<vmem>>
    %dma_start3A_486 = arith.constant 0 : i32
    %dma_start3A_487 = tpu.memref_slice %arg5[%dma_start3A_486, %multiple_of3A_461] : memref<16x1000000xf32, #tpu.memory_space<hbm>> -> memref<16x128xf32, #tpu.memory_space<hbm>>
    tpu.enqueue_dma source(%dma_start3A_487 : memref<16x128xf32, #tpu.memory_space<hbm>>) target(%dma_start3A_485 : memref<16x128xf32, #tpu.memory_space<vmem>>) target_semaphore(%arg15 : memref<!tpu.dma_semaphore, #tpu.memory_space<semaphore_mem>>)
    %get3A_488 = arith.constant 0 : index
    %get3A_489 = tpu.vector_load %arg8[%get3A_488] {strides = array<i32>} : memref<512xi32, #tpu.memory_space<vmem>>, vector<16xi32>,
    %get3A_490 = arith.constant 0 : index
    %get3A_491 = tpu.vector_load %arg9[%get3A_490] {strides = array<i32>} : memref<512xi32, #tpu.memory_space<vmem>>, vector<16xi32>,
    %slice3A_492 = vector.extract_strided_slice %get3A_489 {offsets = [11], sizes = [1], strides = [1]} : vector<16xi32> to vector<1xi32>
    %squeeze3A_493 = vector.extract %slice3A_492[0] : i32 from vector<1xi32>
    %shift_right_arithmetic3A_494 = arith.constant 7 : i32
    %shift_right_arithmetic3A_495 = arith.shrsi %squeeze3A_493, %shift_right_arithmetic3A_494 : i32
    %mul3A_496 = arith.constant 128 : i32
    %mul3A_497 = arith.muli %shift_right_arithmetic3A_495, %mul3A_496 : i32
    %multiple_of3A_498 = tpu.assume_multiple %mul3A_497, 128 : i32
    %slice3A_499 = vector.extract_strided_slice %get3A_491 {offsets = [11], sizes = [1], strides = [1]} : vector<16xi32> to vector<1xi32>
    %squeeze3A_500 = vector.extract %slice3A_499[0] : i32 from vector<1xi32>
    %shift_right_arithmetic3A_501 = arith.constant 7 : i32
    %shift_right_arithmetic3A_502 = arith.shrsi %squeeze3A_500, %shift_right_arithmetic3A_501 : i32
    %mul3A_503 = arith.constant 128 : i32
    %mul3A_504 = arith.muli %shift_right_arithmetic3A_502, %mul3A_503 : i32
    %multiple_of3A_505 = tpu.assume_multiple %mul3A_504, 128 : i32
    %dma_start3A_506 = arith.constant 11 : i32
    %dma_start3A_507 = arith.constant 0 : i32
    %dma_start3A_508 = arith.constant 0 : i32
    %dma_start3A_509 = tpu.memref_slice %arg10[%dma_start3A_506, %dma_start3A_507, %dma_start3A_508] : memref<16x16x128xf32, #tpu.memory_space<vmem>> -> memref<1x16x128xf32, #tpu.memory_space<vmem>>
    %dma_start3A_510 = tpu.memref_squeeze %dma_start3A_509 : memref<1x16x128xf32, #tpu.memory_space<vmem>> -> memref<16x128xf32, #tpu.memory_space<vmem>>
    %dma_start3A_511 = arith.constant 0 : i32
    %dma_start3A_512 = tpu.memref_slice %arg4[%dma_start3A_511, %multiple_of3A_498] : memref<16x1000000xf32, #tpu.memory_space<hbm>> -> memref<16x128xf32, #tpu.memory_space<hbm>>
    %dma_start3A_513 = arith.constant 0 : i32
    %dma_start3A_514 = arith.constant 0 : i32
    %dma_start3A_515 = tpu.memref_slice %arg10[%dma_start3A_506, %dma_start3A_513, %dma_start3A_514] : memref<16x16x128xf32, #tpu.memory_space<vmem>> -> memref<1x16x128xf32, #tpu.memory_space<vmem>>
    %dma_start3A_516 = tpu.memref_squeeze %dma_start3A_515 : memref<1x16x128xf32, #tpu.memory_space<vmem>> -> memref<16x128xf32, #tpu.memory_space<vmem>>
    %dma_start3A_517 = arith.constant 0 : i32
    %dma_start3A_518 = tpu.memref_slice %arg4[%dma_start3A_517, %multiple_of3A_498] : memref<16x1000000xf32, #tpu.memory_space<hbm>> -> memref<16x128xf32, #tpu.memory_space<hbm>>
    tpu.enqueue_dma source(%dma_start3A_518 : memref<16x128xf32, #tpu.memory_space<hbm>>) target(%dma_start3A_516 : memref<16x128xf32, #tpu.memory_space<vmem>>) target_semaphore(%arg14 : memref<!tpu.dma_semaphore, #tpu.memory_space<semaphore_mem>>)
    %dma_start3A_519 = arith.constant 11 : i32
    %dma_start3A_520 = arith.constant 0 : i32
    %dma_start3A_521 = arith.constant 0 : i32
    %dma_start3A_522 = tpu.memref_slice %arg11[%dma_start3A_519, %dma_start3A_520, %dma_start3A_521] : memref<16x16x128xf32, #tpu.memory_space<vmem>> -> memref<1x16x128xf32, #tpu.memory_space<vmem>>
    %dma_start3A_523 = tpu.memref_squeeze %dma_start3A_522 : memref<1x16x128xf32, #tpu.memory_space<vmem>> -> memref<16x128xf32, #tpu.memory_space<vmem>>
    %dma_start3A_524 = arith.constant 0 : i32
    %dma_start3A_525 = tpu.memref_slice %arg5[%dma_start3A_524, %multiple_of3A_505] : memref<16x1000000xf32, #tpu.memory_space<hbm>> -> memref<16x128xf32, #tpu.memory_space<hbm>>
    %dma_start3A_526 = arith.constant 0 : i32
    %dma_start3A_527 = arith.constant 0 : i32
    %dma_start3A_528 = tpu.memref_slice %arg11[%dma_start3A_519, %dma_start3A_526, %dma_start3A_527] : memref<16x16x128xf32, #tpu.memory_space<vmem>> -> memref<1x16x128xf32, #tpu.memory_space<vmem>>
    %dma_start3A_529 = tpu.memref_squeeze %dma_start3A_528 : memref<1x16x128xf32, #tpu.memory_space<vmem>> -> memref<16x128xf32, #tpu.memory_space<vmem>>
    %dma_start3A_530 = arith.constant 0 : i32
    %dma_start3A_531 = tpu.memref_slice %arg5[%dma_start3A_530, %multiple_of3A_505] : memref<16x1000000xf32, #tpu.memory_space<hbm>> -> memref<16x128xf32, #tpu.memory_space<hbm>>
    tpu.enqueue_dma source(%dma_start3A_531 : memref<16x128xf32, #tpu.memory_space<hbm>>) target(%dma_start3A_529 : memref<16x128xf32, #tpu.memory_space<vmem>>) target_semaphore(%arg15 : memref<!tpu.dma_semaphore, #tpu.memory_space<semaphore_mem>>)
    %get3A_532 = arith.constant 0 : index
    %get3A_533 = tpu.vector_load %arg8[%get3A_532] {strides = array<i32>} : memref<512xi32, #tpu.memory_space<vmem>>, vector<16xi32>,
    %get3A_534 = arith.constant 0 : index
    %get3A_535 = tpu.vector_load %arg9[%get3A_534] {strides = array<i32>} : memref<512xi32, #tpu.memory_space<vmem>>, vector<16xi32>,
    %slice3A_536 = vector.extract_strided_slice %get3A_533 {offsets = [12], sizes = [1], strides = [1]} : vector<16xi32> to vector<1xi32>
    %squeeze3A_537 = vector.extract %slice3A_536[0] : i32 from vector<1xi32>
    %shift_right_arithmetic3A_538 = arith.constant 7 : i32
    %shift_right_arithmetic3A_539 = arith.shrsi %squeeze3A_537, %shift_right_arithmetic3A_538 : i32
    %mul3A_540 = arith.constant 128 : i32
    %mul3A_541 = arith.muli %shift_right_arithmetic3A_539, %mul3A_540 : i32
    %multiple_of3A_542 = tpu.assume_multiple %mul3A_541, 128 : i32
    %slice3A_543 = vector.extract_strided_slice %get3A_535 {offsets = [12], sizes = [1], strides = [1]} : vector<16xi32> to vector<1xi32>
    %squeeze3A_544 = vector.extract %slice3A_543[0] : i32 from vector<1xi32>
    %shift_right_arithmetic3A_545 = arith.constant 7 : i32
    %shift_right_arithmetic3A_546 = arith.shrsi %squeeze3A_544, %shift_right_arithmetic3A_545 : i32
    %mul3A_547 = arith.constant 128 : i32
    %mul3A_548 = arith.muli %shift_right_arithmetic3A_546, %mul3A_547 : i32
    %multiple_of3A_549 = tpu.assume_multiple %mul3A_548, 128 : i32
    %dma_start3A_550 = arith.constant 12 : i32
    %dma_start3A_551 = arith.constant 0 : i32
    %dma_start3A_552 = arith.constant 0 : i32
    %dma_start3A_553 = tpu.memref_slice %arg10[%dma_start3A_550, %dma_start3A_551, %dma_start3A_552] : memref<16x16x128xf32, #tpu.memory_space<vmem>> -> memref<1x16x128xf32, #tpu.memory_space<vmem>>
    %dma_start3A_554 = tpu.memref_squeeze %dma_start3A_553 : memref<1x16x128xf32, #tpu.memory_space<vmem>> -> memref<16x128xf32, #tpu.memory_space<vmem>>
    %dma_start3A_555 = arith.constant 0 : i32
    %dma_start3A_556 = tpu.memref_slice %arg4[%dma_start3A_555, %multiple_of3A_542] : memref<16x1000000xf32, #tpu.memory_space<hbm>> -> memref<16x128xf32, #tpu.memory_space<hbm>>
    %dma_start3A_557 = arith.constant 0 : i32
    %dma_start3A_558 = arith.constant 0 : i32
    %dma_start3A_559 = tpu.memref_slice %arg10[%dma_start3A_550, %dma_start3A_557, %dma_start3A_558] : memref<16x16x128xf32, #tpu.memory_space<vmem>> -> memref<1x16x128xf32, #tpu.memory_space<vmem>>
    %dma_start3A_560 = tpu.memref_squeeze %dma_start3A_559 : memref<1x16x128xf32, #tpu.memory_space<vmem>> -> memref<16x128xf32, #tpu.memory_space<vmem>>
    %dma_start3A_561 = arith.constant 0 : i32
    %dma_start3A_562 = tpu.memref_slice %arg4[%dma_start3A_561, %multiple_of3A_542] : memref<16x1000000xf32, #tpu.memory_space<hbm>> -> memref<16x128xf32, #tpu.memory_space<hbm>>
    tpu.enqueue_dma source(%dma_start3A_562 : memref<16x128xf32, #tpu.memory_space<hbm>>) target(%dma_start3A_560 : memref<16x128xf32, #tpu.memory_space<vmem>>) target_semaphore(%arg14 : memref<!tpu.dma_semaphore, #tpu.memory_space<semaphore_mem>>)
    %dma_start3A_563 = arith.constant 12 : i32
    %dma_start3A_564 = arith.constant 0 : i32
    %dma_start3A_565 = arith.constant 0 : i32
    %dma_start3A_566 = tpu.memref_slice %arg11[%dma_start3A_563, %dma_start3A_564, %dma_start3A_565] : memref<16x16x128xf32, #tpu.memory_space<vmem>> -> memref<1x16x128xf32, #tpu.memory_space<vmem>>
    %dma_start3A_567 = tpu.memref_squeeze %dma_start3A_566 : memref<1x16x128xf32, #tpu.memory_space<vmem>> -> memref<16x128xf32, #tpu.memory_space<vmem>>
    %dma_start3A_568 = arith.constant 0 : i32
    %dma_start3A_569 = tpu.memref_slice %arg5[%dma_start3A_568, %multiple_of3A_549] : memref<16x1000000xf32, #tpu.memory_space<hbm>> -> memref<16x128xf32, #tpu.memory_space<hbm>>
    %dma_start3A_570 = arith.constant 0 : i32
    %dma_start3A_571 = arith.constant 0 : i32
    %dma_start3A_572 = tpu.memref_slice %arg11[%dma_start3A_563, %dma_start3A_570, %dma_start3A_571] : memref<16x16x128xf32, #tpu.memory_space<vmem>> -> memref<1x16x128xf32, #tpu.memory_space<vmem>>
    %dma_start3A_573 = tpu.memref_squeeze %dma_start3A_572 : memref<1x16x128xf32, #tpu.memory_space<vmem>> -> memref<16x128xf32, #tpu.memory_space<vmem>>
    %dma_start3A_574 = arith.constant 0 : i32
    %dma_start3A_575 = tpu.memref_slice %arg5[%dma_start3A_574, %multiple_of3A_549] : memref<16x1000000xf32, #tpu.memory_space<hbm>> -> memref<16x128xf32, #tpu.memory_space<hbm>>
    tpu.enqueue_dma source(%dma_start3A_575 : memref<16x128xf32, #tpu.memory_space<hbm>>) target(%dma_start3A_573 : memref<16x128xf32, #tpu.memory_space<vmem>>) target_semaphore(%arg15 : memref<!tpu.dma_semaphore, #tpu.memory_space<semaphore_mem>>)
    %get3A_576 = arith.constant 0 : index
    %get3A_577 = tpu.vector_load %arg8[%get3A_576] {strides = array<i32>} : memref<512xi32, #tpu.memory_space<vmem>>, vector<16xi32>,
    %get3A_578 = arith.constant 0 : index
    %get3A_579 = tpu.vector_load %arg9[%get3A_578] {strides = array<i32>} : memref<512xi32, #tpu.memory_space<vmem>>, vector<16xi32>,
    %slice3A_580 = vector.extract_strided_slice %get3A_577 {offsets = [13], sizes = [1], strides = [1]} : vector<16xi32> to vector<1xi32>
    %squeeze3A_581 = vector.extract %slice3A_580[0] : i32 from vector<1xi32>
    %shift_right_arithmetic3A_582 = arith.constant 7 : i32
    %shift_right_arithmetic3A_583 = arith.shrsi %squeeze3A_581, %shift_right_arithmetic3A_582 : i32
    %mul3A_584 = arith.constant 128 : i32
    %mul3A_585 = arith.muli %shift_right_arithmetic3A_583, %mul3A_584 : i32
    %multiple_of3A_586 = tpu.assume_multiple %mul3A_585, 128 : i32
    %slice3A_587 = vector.extract_strided_slice %get3A_579 {offsets = [13], sizes = [1], strides = [1]} : vector<16xi32> to vector<1xi32>
    %squeeze3A_588 = vector.extract %slice3A_587[0] : i32 from vector<1xi32>
    %shift_right_arithmetic3A_589 = arith.constant 7 : i32
    %shift_right_arithmetic3A_590 = arith.shrsi %squeeze3A_588, %shift_right_arithmetic3A_589 : i32
    %mul3A_591 = arith.constant 128 : i32
    %mul3A_592 = arith.muli %shift_right_arithmetic3A_590, %mul3A_591 : i32
    %multiple_of3A_593 = tpu.assume_multiple %mul3A_592, 128 : i32
    %dma_start3A_594 = arith.constant 13 : i32
    %dma_start3A_595 = arith.constant 0 : i32
    %dma_start3A_596 = arith.constant 0 : i32
    %dma_start3A_597 = tpu.memref_slice %arg10[%dma_start3A_594, %dma_start3A_595, %dma_start3A_596] : memref<16x16x128xf32, #tpu.memory_space<vmem>> -> memref<1x16x128xf32, #tpu.memory_space<vmem>>
    %dma_start3A_598 = tpu.memref_squeeze %dma_start3A_597 : memref<1x16x128xf32, #tpu.memory_space<vmem>> -> memref<16x128xf32, #tpu.memory_space<vmem>>
    %dma_start3A_599 = arith.constant 0 : i32
    %dma_start3A_600 = tpu.memref_slice %arg4[%dma_start3A_599, %multiple_of3A_586] : memref<16x1000000xf32, #tpu.memory_space<hbm>> -> memref<16x128xf32, #tpu.memory_space<hbm>>
    %dma_start3A_601 = arith.constant 0 : i32
    %dma_start3A_602 = arith.constant 0 : i32
    %dma_start3A_603 = tpu.memref_slice %arg10[%dma_start3A_594, %dma_start3A_601, %dma_start3A_602] : memref<16x16x128xf32, #tpu.memory_space<vmem>> -> memref<1x16x128xf32, #tpu.memory_space<vmem>>
    %dma_start3A_604 = tpu.memref_squeeze %dma_start3A_603 : memref<1x16x128xf32, #tpu.memory_space<vmem>> -> memref<16x128xf32, #tpu.memory_space<vmem>>
    %dma_start3A_605 = arith.constant 0 : i32
    %dma_start3A_606 = tpu.memref_slice %arg4[%dma_start3A_605, %multiple_of3A_586] : memref<16x1000000xf32, #tpu.memory_space<hbm>> -> memref<16x128xf32, #tpu.memory_space<hbm>>
    tpu.enqueue_dma source(%dma_start3A_606 : memref<16x128xf32, #tpu.memory_space<hbm>>) target(%dma_start3A_604 : memref<16x128xf32, #tpu.memory_space<vmem>>) target_semaphore(%arg14 : memref<!tpu.dma_semaphore, #tpu.memory_space<semaphore_mem>>)
    %dma_start3A_607 = arith.constant 13 : i32
    %dma_start3A_608 = arith.constant 0 : i32
    %dma_start3A_609 = arith.constant 0 : i32
    %dma_start3A_610 = tpu.memref_slice %arg11[%dma_start3A_607, %dma_start3A_608, %dma_start3A_609] : memref<16x16x128xf32, #tpu.memory_space<vmem>> -> memref<1x16x128xf32, #tpu.memory_space<vmem>>
    %dma_start3A_611 = tpu.memref_squeeze %dma_start3A_610 : memref<1x16x128xf32, #tpu.memory_space<vmem>> -> memref<16x128xf32, #tpu.memory_space<vmem>>
    %dma_start3A_612 = arith.constant 0 : i32
    %dma_start3A_613 = tpu.memref_slice %arg5[%dma_start3A_612, %multiple_of3A_593] : memref<16x1000000xf32, #tpu.memory_space<hbm>> -> memref<16x128xf32, #tpu.memory_space<hbm>>
    %dma_start3A_614 = arith.constant 0 : i32
    %dma_start3A_615 = arith.constant 0 : i32
    %dma_start3A_616 = tpu.memref_slice %arg11[%dma_start3A_607, %dma_start3A_614, %dma_start3A_615] : memref<16x16x128xf32, #tpu.memory_space<vmem>> -> memref<1x16x128xf32, #tpu.memory_space<vmem>>
    %dma_start3A_617 = tpu.memref_squeeze %dma_start3A_616 : memref<1x16x128xf32, #tpu.memory_space<vmem>> -> memref<16x128xf32, #tpu.memory_space<vmem>>
    %dma_start3A_618 = arith.constant 0 : i32
    %dma_start3A_619 = tpu.memref_slice %arg5[%dma_start3A_618, %multiple_of3A_593] : memref<16x1000000xf32, #tpu.memory_space<hbm>> -> memref<16x128xf32, #tpu.memory_space<hbm>>
    tpu.enqueue_dma source(%dma_start3A_619 : memref<16x128xf32, #tpu.memory_space<hbm>>) target(%dma_start3A_617 : memref<16x128xf32, #tpu.memory_space<vmem>>) target_semaphore(%arg15 : memref<!tpu.dma_semaphore, #tpu.memory_space<semaphore_mem>>)
    %get3A_620 = arith.constant 0 : index
    %get3A_621 = tpu.vector_load %arg8[%get3A_620] {strides = array<i32>} : memref<512xi32, #tpu.memory_space<vmem>>, vector<16xi32>,
    %get3A_622 = arith.constant 0 : index
    %get3A_623 = tpu.vector_load %arg9[%get3A_622] {strides = array<i32>} : memref<512xi32, #tpu.memory_space<vmem>>, vector<16xi32>,
    %slice3A_624 = vector.extract_strided_slice %get3A_621 {offsets = [14], sizes = [1], strides = [1]} : vector<16xi32> to vector<1xi32>
    %squeeze3A_625 = vector.extract %slice3A_624[0] : i32 from vector<1xi32>
    %shift_right_arithmetic3A_626 = arith.constant 7 : i32
    %shift_right_arithmetic3A_627 = arith.shrsi %squeeze3A_625, %shift_right_arithmetic3A_626 : i32
    %mul3A_628 = arith.constant 128 : i32
    %mul3A_629 = arith.muli %shift_right_arithmetic3A_627, %mul3A_628 : i32
    %multiple_of3A_630 = tpu.assume_multiple %mul3A_629, 128 : i32
    %slice3A_631 = vector.extract_strided_slice %get3A_623 {offsets = [14], sizes = [1], strides = [1]} : vector<16xi32> to vector<1xi32>
    %squeeze3A_632 = vector.extract %slice3A_631[0] : i32 from vector<1xi32>
    %shift_right_arithmetic3A_633 = arith.constant 7 : i32
    %shift_right_arithmetic3A_634 = arith.shrsi %squeeze3A_632, %shift_right_arithmetic3A_633 : i32
    %mul3A_635 = arith.constant 128 : i32
    %mul3A_636 = arith.muli %shift_right_arithmetic3A_634, %mul3A_635 : i32
    %multiple_of3A_637 = tpu.assume_multiple %mul3A_636, 128 : i32
    %dma_start3A_638 = arith.constant 14 : i32
    %dma_start3A_639 = arith.constant 0 : i32
    %dma_start3A_640 = arith.constant 0 : i32
    %dma_start3A_641 = tpu.memref_slice %arg10[%dma_start3A_638, %dma_start3A_639, %dma_start3A_640] : memref<16x16x128xf32, #tpu.memory_space<vmem>> -> memref<1x16x128xf32, #tpu.memory_space<vmem>>
    %dma_start3A_642 = tpu.memref_squeeze %dma_start3A_641 : memref<1x16x128xf32, #tpu.memory_space<vmem>> -> memref<16x128xf32, #tpu.memory_space<vmem>>
    %dma_start3A_643 = arith.constant 0 : i32
    %dma_start3A_644 = tpu.memref_slice %arg4[%dma_start3A_643, %multiple_of3A_630] : memref<16x1000000xf32, #tpu.memory_space<hbm>> -> memref<16x128xf32, #tpu.memory_space<hbm>>
    %dma_start3A_645 = arith.constant 0 : i32
    %dma_start3A_646 = arith.constant 0 : i32
    %dma_start3A_647 = tpu.memref_slice %arg10[%dma_start3A_638, %dma_start3A_645, %dma_start3A_646] : memref<16x16x128xf32, #tpu.memory_space<vmem>> -> memref<1x16x128xf32, #tpu.memory_space<vmem>>
    %dma_start3A_648 = tpu.memref_squeeze %dma_start3A_647 : memref<1x16x128xf32, #tpu.memory_space<vmem>> -> memref<16x128xf32, #tpu.memory_space<vmem>>
    %dma_start3A_649 = arith.constant 0 : i32
    %dma_start3A_650 = tpu.memref_slice %arg4[%dma_start3A_649, %multiple_of3A_630] : memref<16x1000000xf32, #tpu.memory_space<hbm>> -> memref<16x128xf32, #tpu.memory_space<hbm>>
    tpu.enqueue_dma source(%dma_start3A_650 : memref<16x128xf32, #tpu.memory_space<hbm>>) target(%dma_start3A_648 : memref<16x128xf32, #tpu.memory_space<vmem>>) target_semaphore(%arg14 : memref<!tpu.dma_semaphore, #tpu.memory_space<semaphore_mem>>)
    %dma_start3A_651 = arith.constant 14 : i32
    %dma_start3A_652 = arith.constant 0 : i32
    %dma_start3A_653 = arith.constant 0 : i32
    %dma_start3A_654 = tpu.memref_slice %arg11[%dma_start3A_651, %dma_start3A_652, %dma_start3A_653] : memref<16x16x128xf32, #tpu.memory_space<vmem>> -> memref<1x16x128xf32, #tpu.memory_space<vmem>>
    %dma_start3A_655 = tpu.memref_squeeze %dma_start3A_654 : memref<1x16x128xf32, #tpu.memory_space<vmem>> -> memref<16x128xf32, #tpu.memory_space<vmem>>
    %dma_start3A_656 = arith.constant 0 : i32
    %dma_start3A_657 = tpu.memref_slice %arg5[%dma_start3A_656, %multiple_of3A_637] : memref<16x1000000xf32, #tpu.memory_space<hbm>> -> memref<16x128xf32, #tpu.memory_space<hbm>>
    %dma_start3A_658 = arith.constant 0 : i32
    %dma_start3A_659 = arith.constant 0 : i32
    %dma_start3A_660 = tpu.memref_slice %arg11[%dma_start3A_651, %dma_start3A_658, %dma_start3A_659] : memref<16x16x128xf32, #tpu.memory_space<vmem>> -> memref<1x16x128xf32, #tpu.memory_space<vmem>>
    %dma_start3A_661 = tpu.memref_squeeze %dma_start3A_660 : memref<1x16x128xf32, #tpu.memory_space<vmem>> -> memref<16x128xf32, #tpu.memory_space<vmem>>
    %dma_start3A_662 = arith.constant 0 : i32
    %dma_start3A_663 = tpu.memref_slice %arg5[%dma_start3A_662, %multiple_of3A_637] : memref<16x1000000xf32, #tpu.memory_space<hbm>> -> memref<16x128xf32, #tpu.memory_space<hbm>>
    tpu.enqueue_dma source(%dma_start3A_663 : memref<16x128xf32, #tpu.memory_space<hbm>>) target(%dma_start3A_661 : memref<16x128xf32, #tpu.memory_space<vmem>>) target_semaphore(%arg15 : memref<!tpu.dma_semaphore, #tpu.memory_space<semaphore_mem>>)
    %get3A_664 = arith.constant 0 : index
    %get3A_665 = tpu.vector_load %arg8[%get3A_664] {strides = array<i32>} : memref<512xi32, #tpu.memory_space<vmem>>, vector<16xi32>,
    %get3A_666 = arith.constant 0 : index
    %get3A_667 = tpu.vector_load %arg9[%get3A_666] {strides = array<i32>} : memref<512xi32, #tpu.memory_space<vmem>>, vector<16xi32>,
    %slice3A_668 = vector.extract_strided_slice %get3A_665 {offsets = [15], sizes = [1], strides = [1]} : vector<16xi32> to vector<1xi32>
    %squeeze3A_669 = vector.extract %slice3A_668[0] : i32 from vector<1xi32>
    %shift_right_arithmetic3A_670 = arith.constant 7 : i32
    %shift_right_arithmetic3A_671 = arith.shrsi %squeeze3A_669, %shift_right_arithmetic3A_670 : i32
    %mul3A_672 = arith.constant 128 : i32
    %mul3A_673 = arith.muli %shift_right_arithmetic3A_671, %mul3A_672 : i32
    %multiple_of3A_674 = tpu.assume_multiple %mul3A_673, 128 : i32
    %slice3A_675 = vector.extract_strided_slice %get3A_667 {offsets = [15], sizes = [1], strides = [1]} : vector<16xi32> to vector<1xi32>
    %squeeze3A_676 = vector.extract %slice3A_675[0] : i32 from vector<1xi32>
    %shift_right_arithmetic3A_677 = arith.constant 7 : i32
    %shift_right_arithmetic3A_678 = arith.shrsi %squeeze3A_676, %shift_right_arithmetic3A_677 : i32
    %mul3A_679 = arith.constant 128 : i32
    %mul3A_680 = arith.muli %shift_right_arithmetic3A_678, %mul3A_679 : i32
    %multiple_of3A_681 = tpu.assume_multiple %mul3A_680, 128 : i32
    %dma_start3A_682 = arith.constant 15 : i32
    %dma_start3A_683 = arith.constant 0 : i32
    %dma_start3A_684 = arith.constant 0 : i32
    %dma_start3A_685 = tpu.memref_slice %arg10[%dma_start3A_682, %dma_start3A_683, %dma_start3A_684] : memref<16x16x128xf32, #tpu.memory_space<vmem>> -> memref<1x16x128xf32, #tpu.memory_space<vmem>>
    %dma_start3A_686 = tpu.memref_squeeze %dma_start3A_685 : memref<1x16x128xf32, #tpu.memory_space<vmem>> -> memref<16x128xf32, #tpu.memory_space<vmem>>
    %dma_start3A_687 = arith.constant 0 : i32
    %dma_start3A_688 = tpu.memref_slice %arg4[%dma_start3A_687, %multiple_of3A_674] : memref<16x1000000xf32, #tpu.memory_space<hbm>> -> memref<16x128xf32, #tpu.memory_space<hbm>>
    %dma_start3A_689 = arith.constant 0 : i32
    %dma_start3A_690 = arith.constant 0 : i32
    %dma_start3A_691 = tpu.memref_slice %arg10[%dma_start3A_682, %dma_start3A_689, %dma_start3A_690] : memref<16x16x128xf32, #tpu.memory_space<vmem>> -> memref<1x16x128xf32, #tpu.memory_space<vmem>>
    %dma_start3A_692 = tpu.memref_squeeze %dma_start3A_691 : memref<1x16x128xf32, #tpu.memory_space<vmem>> -> memref<16x128xf32, #tpu.memory_space<vmem>>
    %dma_start3A_693 = arith.constant 0 : i32
    %dma_start3A_694 = tpu.memref_slice %arg4[%dma_start3A_693, %multiple_of3A_674] : memref<16x1000000xf32, #tpu.memory_space<hbm>> -> memref<16x128xf32, #tpu.memory_space<hbm>>
    tpu.enqueue_dma source(%dma_start3A_694 : memref<16x128xf32, #tpu.memory_space<hbm>>) target(%dma_start3A_692 : memref<16x128xf32, #tpu.memory_space<vmem>>) target_semaphore(%arg14 : memref<!tpu.dma_semaphore, #tpu.memory_space<semaphore_mem>>)
    %dma_start3A_695 = arith.constant 15 : i32
    %dma_start3A_696 = arith.constant 0 : i32
    %dma_start3A_697 = arith.constant 0 : i32
    %dma_start3A_698 = tpu.memref_slice %arg11[%dma_start3A_695, %dma_start3A_696, %dma_start3A_697] : memref<16x16x128xf32, #tpu.memory_space<vmem>> -> memref<1x16x128xf32, #tpu.memory_space<vmem>>
    %dma_start3A_699 = tpu.memref_squeeze %dma_start3A_698 : memref<1x16x128xf32, #tpu.memory_space<vmem>> -> memref<16x128xf32, #tpu.memory_space<vmem>>
    %dma_start3A_700 = arith.constant 0 : i32
    %dma_start3A_701 = tpu.memref_slice %arg5[%dma_start3A_700, %multiple_of3A_681] : memref<16x1000000xf32, #tpu.memory_space<hbm>> -> memref<16x128xf32, #tpu.memory_space<hbm>>
    %dma_start3A_702 = arith.constant 0 : i32
    %dma_start3A_703 = arith.constant 0 : i32
    %dma_start3A_704 = tpu.memref_slice %arg11[%dma_start3A_695, %dma_start3A_702, %dma_start3A_703] : memref<16x16x128xf32, #tpu.memory_space<vmem>> -> memref<1x16x128xf32, #tpu.memory_space<vmem>>
    %dma_start3A_705 = tpu.memref_squeeze %dma_start3A_704 : memref<1x16x128xf32, #tpu.memory_space<vmem>> -> memref<16x128xf32, #tpu.memory_space<vmem>>
    %dma_start3A_706 = arith.constant 0 : i32
    %dma_start3A_707 = tpu.memref_slice %arg5[%dma_start3A_706, %multiple_of3A_681] : memref<16x1000000xf32, #tpu.memory_space<hbm>> -> memref<16x128xf32, #tpu.memory_space<hbm>>
    tpu.enqueue_dma source(%dma_start3A_707 : memref<16x128xf32, #tpu.memory_space<hbm>>) target(%dma_start3A_705 : memref<16x128xf32, #tpu.memory_space<vmem>>) target_semaphore(%arg15 : memref<!tpu.dma_semaphore, #tpu.memory_space<semaphore_mem>>)
    %scan3A = arith.constant 0 : i32
    %scan3A_708 = arith.constant 32 : i32
    %scan3A_709 = arith.addi %scan3A, %scan3A_708 : i32
    %scan3A_710 = arith.constant 1 : i32
    scf.for %scan3A_712 = %scan3A to %scan3A_709 step %scan3A_710  : i32 {
      %mul3A_713 = arith.constant 16 : i32
      %mul3A_714 = arith.muli %scan3A_712, %mul3A_713 : i32
      %get3A_715 = arith.index_cast %mul3A_714 : i32 to index
      %get3A_716 = tpu.vector_load %arg8[%get3A_715] {strides = array<i32>} : memref<512xi32, #tpu.memory_space<vmem>>, vector<16xi32>,
      %mul3A_717 = arith.constant 16 : i32
      %mul3A_718 = arith.muli %scan3A_712, %mul3A_717 : i32
      %get3A_719 = arith.index_cast %mul3A_718 : i32 to index
      %get3A_720 = tpu.vector_load %arg9[%get3A_719] {strides = array<i32>} : memref<512xi32, #tpu.memory_space<vmem>>, vector<16xi32>,
      %and3A = arith.constant 127 : i32
      %and3A_721 = vector.broadcast %and3A : i32 to vector<16xi32>
      %and3A_722 = arith.andi %get3A_716, %and3A_721 : vector<16xi32>
      %and3A_723 = arith.constant 127 : i32
      %and3A_724 = vector.broadcast %and3A_723 : i32 to vector<16xi32>
      %and3A_725 = arith.andi %get3A_720, %and3A_724 : vector<16xi32>
      %mul3A_726 = arith.constant 16 : i32
      %mul3A_727 = arith.muli %scan3A_712, %mul3A_726 : i32
      %broadcast_in_dim3A = vector.broadcast %mul3A_727 : i32 to vector<16xi32>
      %add3A_728 = arith.constant 0 : i32
      %add3A_729 = vector.broadcast %add3A_728 : i32 to vector<16xi32>
      %add3A_730 = arith.addi %broadcast_in_dim3A, %add3A_729 : vector<16xi32>
      %dma_wait3A_731 = arith.constant 0 : i32
      %dma_wait3A_732 = arith.constant 0 : i32
      %dma_wait3A_733 = arith.constant 0 : i32
      %dma_wait3A_734 = tpu.memref_slice %arg10[%dma_wait3A_731, %dma_wait3A_732, %dma_wait3A_733] : memref<16x16x128xf32, #tpu.memory_space<vmem>> -> memref<1x16x128xf32, #tpu.memory_space<vmem>>
      %dma_wait3A_735 = tpu.memref_squeeze %dma_wait3A_734 : memref<1x16x128xf32, #tpu.memory_space<vmem>> -> memref<16x128xf32, #tpu.memory_space<vmem>>
      %dma_wait3A_736 = arith.constant 0 : i32
      %dma_wait3A_737 = arith.constant 0 : i32
      %dma_wait3A_738 = tpu.memref_slice %arg4[%dma_wait3A_736, %dma_wait3A_737] : memref<16x1000000xf32, #tpu.memory_space<hbm>> -> memref<16x128xf32, #tpu.memory_space<hbm>>
      %dma_wait3A_739 = arith.constant 0 : i32
      %dma_wait3A_740 = arith.constant 0 : i32
      %dma_wait3A_741 = tpu.memref_slice %arg10[%dma_wait3A_731, %dma_wait3A_739, %dma_wait3A_740] : memref<16x16x128xf32, #tpu.memory_space<vmem>> -> memref<1x16x128xf32, #tpu.memory_space<vmem>>
      %dma_wait3A_742 = tpu.memref_squeeze %dma_wait3A_741 : memref<1x16x128xf32, #tpu.memory_space<vmem>> -> memref<16x128xf32, #tpu.memory_space<vmem>>
      %dma_wait3A_743 = arith.constant 0 : i32
      %dma_wait3A_744 = arith.constant 0 : i32
      %dma_wait3A_745 = tpu.memref_slice %arg4[%dma_wait3A_743, %dma_wait3A_744] : memref<16x1000000xf32, #tpu.memory_space<hbm>> -> memref<16x128xf32, #tpu.memory_space<hbm>>
      tpu.wait_dma2 semaphore(%arg14 : memref<!tpu.dma_semaphore, #tpu.memory_space<semaphore_mem>>) src(%dma_wait3A_745 : memref<16x128xf32, #tpu.memory_space<hbm>>) dst(%dma_wait3A_742 : memref<16x128xf32, #tpu.memory_space<vmem>>)
      %broadcast_in_dim3A_746 = arith.constant 1 : i32
      %broadcast_in_dim3A_747 = vector.broadcast %broadcast_in_dim3A_746 : i32 to vector<16xi32>
      %slice3A_748 = vector.extract_strided_slice %and3A_722 {offsets = [0], sizes = [1], strides = [1]} : vector<16xi32> to vector<1xi32>
      %squeeze3A_749 = vector.extract %slice3A_748[0] : i32 from vector<1xi32>
      %mul3A_750 = vector.broadcast %squeeze3A_749 : i32 to vector<16xi32>
      %mul3A_751 = arith.muli %broadcast_in_dim3A_747, %mul3A_750 : vector<16xi32>
      %broadcast_in_dim3A_752 = arith.constant 0 : i32
      %broadcast_in_dim3A_753 = vector.broadcast %broadcast_in_dim3A_752 : i32 to vector<16xi32>
      %gather3A = tpu.vector_load_idx %arg10[%broadcast_in_dim3A_753, %iota3A, %mul3A_751] : memref<16x16x128xf32, #tpu.memory_space<vmem>>[vector<16xi32>, vector<16xi32>, vector<16xi32>], vector<16xf32>,
      tpu.vector_store_idx %arg12[%iota3A, %add3A_730], %gather3A : memref<16x512xf32, #tpu.memory_space<vmem>>[vector<16xi32>, vector<16xi32>], vector<16xf32>,
      %dma_wait3A_754 = arith.constant 0 : i32
      %dma_wait3A_755 = arith.constant 0 : i32
      %dma_wait3A_756 = arith.constant 0 : i32
      %dma_wait3A_757 = tpu.memref_slice %arg11[%dma_wait3A_754, %dma_wait3A_755, %dma_wait3A_756] : memref<16x16x128xf32, #tpu.memory_space<vmem>> -> memref<1x16x128xf32, #tpu.memory_space<vmem>>
      %dma_wait3A_758 = tpu.memref_squeeze %dma_wait3A_757 : memref<1x16x128xf32, #tpu.memory_space<vmem>> -> memref<16x128xf32, #tpu.memory_space<vmem>>
      %dma_wait3A_759 = arith.constant 0 : i32
      %dma_wait3A_760 = arith.constant 0 : i32
      %dma_wait3A_761 = tpu.memref_slice %arg4[%dma_wait3A_759, %dma_wait3A_760] : memref<16x1000000xf32, #tpu.memory_space<hbm>> -> memref<16x128xf32, #tpu.memory_space<hbm>>
      %dma_wait3A_762 = arith.constant 0 : i32
      %dma_wait3A_763 = arith.constant 0 : i32
      %dma_wait3A_764 = tpu.memref_slice %arg11[%dma_wait3A_754, %dma_wait3A_762, %dma_wait3A_763] : memref<16x16x128xf32, #tpu.memory_space<vmem>> -> memref<1x16x128xf32, #tpu.memory_space<vmem>>
      %dma_wait3A_765 = tpu.memref_squeeze %dma_wait3A_764 : memref<1x16x128xf32, #tpu.memory_space<vmem>> -> memref<16x128xf32, #tpu.memory_space<vmem>>
      %dma_wait3A_766 = arith.constant 0 : i32
      %dma_wait3A_767 = arith.constant 0 : i32
      %dma_wait3A_768 = tpu.memref_slice %arg4[%dma_wait3A_766, %dma_wait3A_767] : memref<16x1000000xf32, #tpu.memory_space<hbm>> -> memref<16x128xf32, #tpu.memory_space<hbm>>
      tpu.wait_dma2 semaphore(%arg15 : memref<!tpu.dma_semaphore, #tpu.memory_space<semaphore_mem>>) src(%dma_wait3A_768 : memref<16x128xf32, #tpu.memory_space<hbm>>) dst(%dma_wait3A_765 : memref<16x128xf32, #tpu.memory_space<vmem>>)
      %broadcast_in_dim3A_769 = arith.constant 1 : i32
      %broadcast_in_dim3A_770 = vector.broadcast %broadcast_in_dim3A_769 : i32 to vector<16xi32>
      %slice3A_771 = vector.extract_strided_slice %and3A_725 {offsets = [0], sizes = [1], strides = [1]} : vector<16xi32> to vector<1xi32>
      %squeeze3A_772 = vector.extract %slice3A_771[0] : i32 from vector<1xi32>
      %mul3A_773 = vector.broadcast %squeeze3A_772 : i32 to vector<16xi32>
      %mul3A_774 = arith.muli %broadcast_in_dim3A_770, %mul3A_773 : vector<16xi32>
      %broadcast_in_dim3A_775 = arith.constant 0 : i32
      %broadcast_in_dim3A_776 = vector.broadcast %broadcast_in_dim3A_775 : i32 to vector<16xi32>
      %gather3A_777 = tpu.vector_load_idx %arg11[%broadcast_in_dim3A_776, %iota3A, %mul3A_774] : memref<16x16x128xf32, #tpu.memory_space<vmem>>[vector<16xi32>, vector<16xi32>, vector<16xi32>], vector<16xf32>,
      tpu.vector_store_idx %arg13[%iota3A, %add3A_730], %gather3A_777 : memref<16x512xf32, #tpu.memory_space<vmem>>[vector<16xi32>, vector<16xi32>], vector<16xf32>,
      %lt3A = arith.constant 31 : i32
      %lt3A_778 = arith.cmpi slt, %scan3A_712, %lt3A : i32
      %convert_element_type3A = arith.extui %lt3A_778 : i1 to i32
      %cond3A = arith.constant 0 : i32
      %cond3A_779 = arith.cmpi ne, %convert_element_type3A, %cond3A : i32
      scf.if %cond3A_779 {
        %add3A_1620 = arith.constant 1 : i32
        %add3A_1621 = arith.addi %scan3A_712, %add3A_1620 : i32
        %mul3A_1622 = arith.constant 16 : i32
        %mul3A_1623 = arith.muli %add3A_1621, %mul3A_1622 : i32
        %get3A_1624 = arith.index_cast %mul3A_1623 : i32 to index
        %get3A_1625 = tpu.vector_load %arg8[%get3A_1624] {strides = array<i32>} : memref<512xi32, #tpu.memory_space<vmem>>, vector<16xi32>,
        %mul3A_1626 = arith.constant 16 : i32
        %mul3A_1627 = arith.muli %add3A_1621, %mul3A_1626 : i32
        %get3A_1628 = arith.index_cast %mul3A_1627 : i32 to index
        %get3A_1629 = tpu.vector_load %arg9[%get3A_1628] {strides = array<i32>} : memref<512xi32, #tpu.memory_space<vmem>>, vector<16xi32>,
        %slice3A_1630 = vector.extract_strided_slice %get3A_1625 {offsets = [0], sizes = [1], strides = [1]} : vector<16xi32> to vector<1xi32>
        %squeeze3A_1631 = vector.extract %slice3A_1630[0] : i32 from vector<1xi32>
        %shift_right_arithmetic3A_1632 = arith.constant 7 : i32
        %shift_right_arithmetic3A_1633 = arith.shrsi %squeeze3A_1631, %shift_right_arithmetic3A_1632 : i32
        %mul3A_1634 = arith.constant 128 : i32
        %mul3A_1635 = arith.muli %shift_right_arithmetic3A_1633, %mul3A_1634 : i32
        %multiple_of3A_1636 = tpu.assume_multiple %mul3A_1635, 128 : i32
        %slice3A_1637 = vector.extract_strided_slice %get3A_1629 {offsets = [0], sizes = [1], strides = [1]} : vector<16xi32> to vector<1xi32>
        %squeeze3A_1638 = vector.extract %slice3A_1637[0] : i32 from vector<1xi32>
        %shift_right_arithmetic3A_1639 = arith.constant 7 : i32
        %shift_right_arithmetic3A_1640 = arith.shrsi %squeeze3A_1638, %shift_right_arithmetic3A_1639 : i32
        %mul3A_1641 = arith.constant 128 : i32
        %mul3A_1642 = arith.muli %shift_right_arithmetic3A_1640, %mul3A_1641 : i32
        %multiple_of3A_1643 = tpu.assume_multiple %mul3A_1642, 128 : i32
        %dma_start3A_1644 = arith.constant 0 : i32
        %dma_start3A_1645 = arith.constant 0 : i32
        %dma_start3A_1646 = arith.constant 0 : i32
        %dma_start3A_1647 = tpu.memref_slice %arg10[%dma_start3A_1644, %dma_start3A_1645, %dma_start3A_1646] : memref<16x16x128xf32, #tpu.memory_space<vmem>> -> memref<1x16x128xf32, #tpu.memory_space<vmem>>
        %dma_start3A_1648 = tpu.memref_squeeze %dma_start3A_1647 : memref<1x16x128xf32, #tpu.memory_space<vmem>> -> memref<16x128xf32, #tpu.memory_space<vmem>>
        %dma_start3A_1649 = arith.constant 0 : i32
        %dma_start3A_1650 = tpu.memref_slice %arg4[%dma_start3A_1649, %multiple_of3A_1636] : memref<16x1000000xf32, #tpu.memory_space<hbm>> -> memref<16x128xf32, #tpu.memory_space<hbm>>
        %dma_start3A_1651 = arith.constant 0 : i32
        %dma_start3A_1652 = arith.constant 0 : i32
        %dma_start3A_1653 = tpu.memref_slice %arg10[%dma_start3A_1644, %dma_start3A_1651, %dma_start3A_1652] : memref<16x16x128xf32, #tpu.memory_space<vmem>> -> memref<1x16x128xf32, #tpu.memory_space<vmem>>
        %dma_start3A_1654 = tpu.memref_squeeze %dma_start3A_1653 : memref<1x16x128xf32, #tpu.memory_space<vmem>> -> memref<16x128xf32, #tpu.memory_space<vmem>>
        %dma_start3A_1655 = arith.constant 0 : i32
        %dma_start3A_1656 = tpu.memref_slice %arg4[%dma_start3A_1655, %multiple_of3A_1636] : memref<16x1000000xf32, #tpu.memory_space<hbm>> -> memref<16x128xf32, #tpu.memory_space<hbm>>
        tpu.enqueue_dma source(%dma_start3A_1656 : memref<16x128xf32, #tpu.memory_space<hbm>>) target(%dma_start3A_1654 : memref<16x128xf32, #tpu.memory_space<vmem>>) target_semaphore(%arg14 : memref<!tpu.dma_semaphore, #tpu.memory_space<semaphore_mem>>)
        %dma_start3A_1657 = arith.constant 0 : i32
        %dma_start3A_1658 = arith.constant 0 : i32
        %dma_start3A_1659 = arith.constant 0 : i32
        %dma_start3A_1660 = tpu.memref_slice %arg11[%dma_start3A_1657, %dma_start3A_1658, %dma_start3A_1659] : memref<16x16x128xf32, #tpu.memory_space<vmem>> -> memref<1x16x128xf32, #tpu.memory_space<vmem>>
        %dma_start3A_1661 = tpu.memref_squeeze %dma_start3A_1660 : memref<1x16x128xf32, #tpu.memory_space<vmem>> -> memref<16x128xf32, #tpu.memory_space<vmem>>
        %dma_start3A_1662 = arith.constant 0 : i32
        %dma_start3A_1663 = tpu.memref_slice %arg5[%dma_start3A_1662, %multiple_of3A_1643] : memref<16x1000000xf32, #tpu.memory_space<hbm>> -> memref<16x128xf32, #tpu.memory_space<hbm>>
        %dma_start3A_1664 = arith.constant 0 : i32
        %dma_start3A_1665 = arith.constant 0 : i32
        %dma_start3A_1666 = tpu.memref_slice %arg11[%dma_start3A_1657, %dma_start3A_1664, %dma_start3A_1665] : memref<16x16x128xf32, #tpu.memory_space<vmem>> -> memref<1x16x128xf32, #tpu.memory_space<vmem>>
        %dma_start3A_1667 = tpu.memref_squeeze %dma_start3A_1666 : memref<1x16x128xf32, #tpu.memory_space<vmem>> -> memref<16x128xf32, #tpu.memory_space<vmem>>
        %dma_start3A_1668 = arith.constant 0 : i32
        %dma_start3A_1669 = tpu.memref_slice %arg5[%dma_start3A_1668, %multiple_of3A_1643] : memref<16x1000000xf32, #tpu.memory_space<hbm>> -> memref<16x128xf32, #tpu.memory_space<hbm>>
        tpu.enqueue_dma source(%dma_start3A_1669 : memref<16x128xf32, #tpu.memory_space<hbm>>) target(%dma_start3A_1667 : memref<16x128xf32, #tpu.memory_space<vmem>>) target_semaphore(%arg15 : memref<!tpu.dma_semaphore, #tpu.memory_space<semaphore_mem>>)
      } else {
      }
      %add3A_780 = arith.constant 1 : i32
      %add3A_781 = vector.broadcast %add3A_780 : i32 to vector<16xi32>
      %add3A_782 = arith.addi %broadcast_in_dim3A, %add3A_781 : vector<16xi32>
      %dma_wait3A_783 = arith.constant 1 : i32
      %dma_wait3A_784 = arith.constant 0 : i32
      %dma_wait3A_785 = arith.constant 0 : i32
      %dma_wait3A_786 = tpu.memref_slice %arg10[%dma_wait3A_783, %dma_wait3A_784, %dma_wait3A_785] : memref<16x16x128xf32, #tpu.memory_space<vmem>> -> memref<1x16x128xf32, #tpu.memory_space<vmem>>
      %dma_wait3A_787 = tpu.memref_squeeze %dma_wait3A_786 : memref<1x16x128xf32, #tpu.memory_space<vmem>> -> memref<16x128xf32, #tpu.memory_space<vmem>>
      %dma_wait3A_788 = arith.constant 0 : i32
      %dma_wait3A_789 = arith.constant 0 : i32
      %dma_wait3A_790 = tpu.memref_slice %arg4[%dma_wait3A_788, %dma_wait3A_789] : memref<16x1000000xf32, #tpu.memory_space<hbm>> -> memref<16x128xf32, #tpu.memory_space<hbm>>
      %dma_wait3A_791 = arith.constant 0 : i32
      %dma_wait3A_792 = arith.constant 0 : i32
      %dma_wait3A_793 = tpu.memref_slice %arg10[%dma_wait3A_783, %dma_wait3A_791, %dma_wait3A_792] : memref<16x16x128xf32, #tpu.memory_space<vmem>> -> memref<1x16x128xf32, #tpu.memory_space<vmem>>
      %dma_wait3A_794 = tpu.memref_squeeze %dma_wait3A_793 : memref<1x16x128xf32, #tpu.memory_space<vmem>> -> memref<16x128xf32, #tpu.memory_space<vmem>>
      %dma_wait3A_795 = arith.constant 0 : i32
      %dma_wait3A_796 = arith.constant 0 : i32
      %dma_wait3A_797 = tpu.memref_slice %arg4[%dma_wait3A_795, %dma_wait3A_796] : memref<16x1000000xf32, #tpu.memory_space<hbm>> -> memref<16x128xf32, #tpu.memory_space<hbm>>
      tpu.wait_dma2 semaphore(%arg14 : memref<!tpu.dma_semaphore, #tpu.memory_space<semaphore_mem>>) src(%dma_wait3A_797 : memref<16x128xf32, #tpu.memory_space<hbm>>) dst(%dma_wait3A_794 : memref<16x128xf32, #tpu.memory_space<vmem>>)
      %broadcast_in_dim3A_798 = arith.constant 1 : i32
      %broadcast_in_dim3A_799 = vector.broadcast %broadcast_in_dim3A_798 : i32 to vector<16xi32>
      %slice3A_800 = vector.extract_strided_slice %and3A_722 {offsets = [1], sizes = [1], strides = [1]} : vector<16xi32> to vector<1xi32>
      %squeeze3A_801 = vector.extract %slice3A_800[0] : i32 from vector<1xi32>
      %mul3A_802 = vector.broadcast %squeeze3A_801 : i32 to vector<16xi32>
      %mul3A_803 = arith.muli %broadcast_in_dim3A_799, %mul3A_802 : vector<16xi32>
      %broadcast_in_dim3A_804 = arith.constant 1 : i32
      %broadcast_in_dim3A_805 = vector.broadcast %broadcast_in_dim3A_804 : i32 to vector<16xi32>
      %gather3A_806 = tpu.vector_load_idx %arg10[%broadcast_in_dim3A_805, %iota3A, %mul3A_803] : memref<16x16x128xf32, #tpu.memory_space<vmem>>[vector<16xi32>, vector<16xi32>, vector<16xi32>], vector<16xf32>,
      tpu.vector_store_idx %arg12[%iota3A, %add3A_782], %gather3A_806 : memref<16x512xf32, #tpu.memory_space<vmem>>[vector<16xi32>, vector<16xi32>], vector<16xf32>,
      %dma_wait3A_807 = arith.constant 1 : i32
      %dma_wait3A_808 = arith.constant 0 : i32
      %dma_wait3A_809 = arith.constant 0 : i32
      %dma_wait3A_810 = tpu.memref_slice %arg11[%dma_wait3A_807, %dma_wait3A_808, %dma_wait3A_809] : memref<16x16x128xf32, #tpu.memory_space<vmem>> -> memref<1x16x128xf32, #tpu.memory_space<vmem>>
      %dma_wait3A_811 = tpu.memref_squeeze %dma_wait3A_810 : memref<1x16x128xf32, #tpu.memory_space<vmem>> -> memref<16x128xf32, #tpu.memory_space<vmem>>
      %dma_wait3A_812 = arith.constant 0 : i32
      %dma_wait3A_813 = arith.constant 0 : i32
      %dma_wait3A_814 = tpu.memref_slice %arg4[%dma_wait3A_812, %dma_wait3A_813] : memref<16x1000000xf32, #tpu.memory_space<hbm>> -> memref<16x128xf32, #tpu.memory_space<hbm>>
      %dma_wait3A_815 = arith.constant 0 : i32
      %dma_wait3A_816 = arith.constant 0 : i32
      %dma_wait3A_817 = tpu.memref_slice %arg11[%dma_wait3A_807, %dma_wait3A_815, %dma_wait3A_816] : memref<16x16x128xf32, #tpu.memory_space<vmem>> -> memref<1x16x128xf32, #tpu.memory_space<vmem>>
      %dma_wait3A_818 = tpu.memref_squeeze %dma_wait3A_817 : memref<1x16x128xf32, #tpu.memory_space<vmem>> -> memref<16x128xf32, #tpu.memory_space<vmem>>
      %dma_wait3A_819 = arith.constant 0 : i32
      %dma_wait3A_820 = arith.constant 0 : i32
      %dma_wait3A_821 = tpu.memref_slice %arg4[%dma_wait3A_819, %dma_wait3A_820] : memref<16x1000000xf32, #tpu.memory_space<hbm>> -> memref<16x128xf32, #tpu.memory_space<hbm>>
      tpu.wait_dma2 semaphore(%arg15 : memref<!tpu.dma_semaphore, #tpu.memory_space<semaphore_mem>>) src(%dma_wait3A_821 : memref<16x128xf32, #tpu.memory_space<hbm>>) dst(%dma_wait3A_818 : memref<16x128xf32, #tpu.memory_space<vmem>>)
      %broadcast_in_dim3A_822 = arith.constant 1 : i32
      %broadcast_in_dim3A_823 = vector.broadcast %broadcast_in_dim3A_822 : i32 to vector<16xi32>
      %slice3A_824 = vector.extract_strided_slice %and3A_725 {offsets = [1], sizes = [1], strides = [1]} : vector<16xi32> to vector<1xi32>
      %squeeze3A_825 = vector.extract %slice3A_824[0] : i32 from vector<1xi32>
      %mul3A_826 = vector.broadcast %squeeze3A_825 : i32 to vector<16xi32>
      %mul3A_827 = arith.muli %broadcast_in_dim3A_823, %mul3A_826 : vector<16xi32>
      %broadcast_in_dim3A_828 = arith.constant 1 : i32
      %broadcast_in_dim3A_829 = vector.broadcast %broadcast_in_dim3A_828 : i32 to vector<16xi32>
      %gather3A_830 = tpu.vector_load_idx %arg11[%broadcast_in_dim3A_829, %iota3A, %mul3A_827] : memref<16x16x128xf32, #tpu.memory_space<vmem>>[vector<16xi32>, vector<16xi32>, vector<16xi32>], vector<16xf32>,
      tpu.vector_store_idx %arg13[%iota3A, %add3A_782], %gather3A_830 : memref<16x512xf32, #tpu.memory_space<vmem>>[vector<16xi32>, vector<16xi32>], vector<16xf32>,
      %lt3A_831 = arith.constant 31 : i32
      %lt3A_832 = arith.cmpi slt, %scan3A_712, %lt3A_831 : i32
      %convert_element_type3A_833 = arith.extui %lt3A_832 : i1 to i32
      %cond3A_834 = arith.constant 0 : i32
      %cond3A_835 = arith.cmpi ne, %convert_element_type3A_833, %cond3A_834 : i32
      scf.if %cond3A_835 {
        %add3A_1620 = arith.constant 1 : i32
        %add3A_1621 = arith.addi %scan3A_712, %add3A_1620 : i32
        %mul3A_1622 = arith.constant 16 : i32
        %mul3A_1623 = arith.muli %add3A_1621, %mul3A_1622 : i32
        %get3A_1624 = arith.index_cast %mul3A_1623 : i32 to index
        %get3A_1625 = tpu.vector_load %arg8[%get3A_1624] {strides = array<i32>} : memref<512xi32, #tpu.memory_space<vmem>>, vector<16xi32>,
        %mul3A_1626 = arith.constant 16 : i32
        %mul3A_1627 = arith.muli %add3A_1621, %mul3A_1626 : i32
        %get3A_1628 = arith.index_cast %mul3A_1627 : i32 to index
        %get3A_1629 = tpu.vector_load %arg9[%get3A_1628] {strides = array<i32>} : memref<512xi32, #tpu.memory_space<vmem>>, vector<16xi32>,
        %slice3A_1630 = vector.extract_strided_slice %get3A_1625 {offsets = [1], sizes = [1], strides = [1]} : vector<16xi32> to vector<1xi32>
        %squeeze3A_1631 = vector.extract %slice3A_1630[0] : i32 from vector<1xi32>
        %shift_right_arithmetic3A_1632 = arith.constant 7 : i32
        %shift_right_arithmetic3A_1633 = arith.shrsi %squeeze3A_1631, %shift_right_arithmetic3A_1632 : i32
        %mul3A_1634 = arith.constant 128 : i32
        %mul3A_1635 = arith.muli %shift_right_arithmetic3A_1633, %mul3A_1634 : i32
        %multiple_of3A_1636 = tpu.assume_multiple %mul3A_1635, 128 : i32
        %slice3A_1637 = vector.extract_strided_slice %get3A_1629 {offsets = [1], sizes = [1], strides = [1]} : vector<16xi32> to vector<1xi32>
        %squeeze3A_1638 = vector.extract %slice3A_1637[0] : i32 from vector<1xi32>
        %shift_right_arithmetic3A_1639 = arith.constant 7 : i32
        %shift_right_arithmetic3A_1640 = arith.shrsi %squeeze3A_1638, %shift_right_arithmetic3A_1639 : i32
        %mul3A_1641 = arith.constant 128 : i32
        %mul3A_1642 = arith.muli %shift_right_arithmetic3A_1640, %mul3A_1641 : i32
        %multiple_of3A_1643 = tpu.assume_multiple %mul3A_1642, 128 : i32
        %dma_start3A_1644 = arith.constant 1 : i32
        %dma_start3A_1645 = arith.constant 0 : i32
        %dma_start3A_1646 = arith.constant 0 : i32
        %dma_start3A_1647 = tpu.memref_slice %arg10[%dma_start3A_1644, %dma_start3A_1645, %dma_start3A_1646] : memref<16x16x128xf32, #tpu.memory_space<vmem>> -> memref<1x16x128xf32, #tpu.memory_space<vmem>>
        %dma_start3A_1648 = tpu.memref_squeeze %dma_start3A_1647 : memref<1x16x128xf32, #tpu.memory_space<vmem>> -> memref<16x128xf32, #tpu.memory_space<vmem>>
        %dma_start3A_1649 = arith.constant 0 : i32
        %dma_start3A_1650 = tpu.memref_slice %arg4[%dma_start3A_1649, %multiple_of3A_1636] : memref<16x1000000xf32, #tpu.memory_space<hbm>> -> memref<16x128xf32, #tpu.memory_space<hbm>>
        %dma_start3A_1651 = arith.constant 0 : i32
        %dma_start3A_1652 = arith.constant 0 : i32
        %dma_start3A_1653 = tpu.memref_slice %arg10[%dma_start3A_1644, %dma_start3A_1651, %dma_start3A_1652] : memref<16x16x128xf32, #tpu.memory_space<vmem>> -> memref<1x16x128xf32, #tpu.memory_space<vmem>>
        %dma_start3A_1654 = tpu.memref_squeeze %dma_start3A_1653 : memref<1x16x128xf32, #tpu.memory_space<vmem>> -> memref<16x128xf32, #tpu.memory_space<vmem>>
        %dma_start3A_1655 = arith.constant 0 : i32
        %dma_start3A_1656 = tpu.memref_slice %arg4[%dma_start3A_1655, %multiple_of3A_1636] : memref<16x1000000xf32, #tpu.memory_space<hbm>> -> memref<16x128xf32, #tpu.memory_space<hbm>>
        tpu.enqueue_dma source(%dma_start3A_1656 : memref<16x128xf32, #tpu.memory_space<hbm>>) target(%dma_start3A_1654 : memref<16x128xf32, #tpu.memory_space<vmem>>) target_semaphore(%arg14 : memref<!tpu.dma_semaphore, #tpu.memory_space<semaphore_mem>>)
        %dma_start3A_1657 = arith.constant 1 : i32
        %dma_start3A_1658 = arith.constant 0 : i32
        %dma_start3A_1659 = arith.constant 0 : i32
        %dma_start3A_1660 = tpu.memref_slice %arg11[%dma_start3A_1657, %dma_start3A_1658, %dma_start3A_1659] : memref<16x16x128xf32, #tpu.memory_space<vmem>> -> memref<1x16x128xf32, #tpu.memory_space<vmem>>
        %dma_start3A_1661 = tpu.memref_squeeze %dma_start3A_1660 : memref<1x16x128xf32, #tpu.memory_space<vmem>> -> memref<16x128xf32, #tpu.memory_space<vmem>>
        %dma_start3A_1662 = arith.constant 0 : i32
        %dma_start3A_1663 = tpu.memref_slice %arg5[%dma_start3A_1662, %multiple_of3A_1643] : memref<16x1000000xf32, #tpu.memory_space<hbm>> -> memref<16x128xf32, #tpu.memory_space<hbm>>
        %dma_start3A_1664 = arith.constant 0 : i32
        %dma_start3A_1665 = arith.constant 0 : i32
        %dma_start3A_1666 = tpu.memref_slice %arg11[%dma_start3A_1657, %dma_start3A_1664, %dma_start3A_1665] : memref<16x16x128xf32, #tpu.memory_space<vmem>> -> memref<1x16x128xf32, #tpu.memory_space<vmem>>
        %dma_start3A_1667 = tpu.memref_squeeze %dma_start3A_1666 : memref<1x16x128xf32, #tpu.memory_space<vmem>> -> memref<16x128xf32, #tpu.memory_space<vmem>>
        %dma_start3A_1668 = arith.constant 0 : i32
        %dma_start3A_1669 = tpu.memref_slice %arg5[%dma_start3A_1668, %multiple_of3A_1643] : memref<16x1000000xf32, #tpu.memory_space<hbm>> -> memref<16x128xf32, #tpu.memory_space<hbm>>
        tpu.enqueue_dma source(%dma_start3A_1669 : memref<16x128xf32, #tpu.memory_space<hbm>>) target(%dma_start3A_1667 : memref<16x128xf32, #tpu.memory_space<vmem>>) target_semaphore(%arg15 : memref<!tpu.dma_semaphore, #tpu.memory_space<semaphore_mem>>)
      } else {
      }
      %add3A_836 = arith.constant 2 : i32
      %add3A_837 = vector.broadcast %add3A_836 : i32 to vector<16xi32>
      %add3A_838 = arith.addi %broadcast_in_dim3A, %add3A_837 : vector<16xi32>
      %dma_wait3A_839 = arith.constant 2 : i32
      %dma_wait3A_840 = arith.constant 0 : i32
      %dma_wait3A_841 = arith.constant 0 : i32
      %dma_wait3A_842 = tpu.memref_slice %arg10[%dma_wait3A_839, %dma_wait3A_840, %dma_wait3A_841] : memref<16x16x128xf32, #tpu.memory_space<vmem>> -> memref<1x16x128xf32, #tpu.memory_space<vmem>>
      %dma_wait3A_843 = tpu.memref_squeeze %dma_wait3A_842 : memref<1x16x128xf32, #tpu.memory_space<vmem>> -> memref<16x128xf32, #tpu.memory_space<vmem>>
      %dma_wait3A_844 = arith.constant 0 : i32
      %dma_wait3A_845 = arith.constant 0 : i32
      %dma_wait3A_846 = tpu.memref_slice %arg4[%dma_wait3A_844, %dma_wait3A_845] : memref<16x1000000xf32, #tpu.memory_space<hbm>> -> memref<16x128xf32, #tpu.memory_space<hbm>>
      %dma_wait3A_847 = arith.constant 0 : i32
      %dma_wait3A_848 = arith.constant 0 : i32
      %dma_wait3A_849 = tpu.memref_slice %arg10[%dma_wait3A_839, %dma_wait3A_847, %dma_wait3A_848] : memref<16x16x128xf32, #tpu.memory_space<vmem>> -> memref<1x16x128xf32, #tpu.memory_space<vmem>>
      %dma_wait3A_850 = tpu.memref_squeeze %dma_wait3A_849 : memref<1x16x128xf32, #tpu.memory_space<vmem>> -> memref<16x128xf32, #tpu.memory_space<vmem>>
      %dma_wait3A_851 = arith.constant 0 : i32
      %dma_wait3A_852 = arith.constant 0 : i32
      %dma_wait3A_853 = tpu.memref_slice %arg4[%dma_wait3A_851, %dma_wait3A_852] : memref<16x1000000xf32, #tpu.memory_space<hbm>> -> memref<16x128xf32, #tpu.memory_space<hbm>>
      tpu.wait_dma2 semaphore(%arg14 : memref<!tpu.dma_semaphore, #tpu.memory_space<semaphore_mem>>) src(%dma_wait3A_853 : memref<16x128xf32, #tpu.memory_space<hbm>>) dst(%dma_wait3A_850 : memref<16x128xf32, #tpu.memory_space<vmem>>)
      %broadcast_in_dim3A_854 = arith.constant 1 : i32
      %broadcast_in_dim3A_855 = vector.broadcast %broadcast_in_dim3A_854 : i32 to vector<16xi32>
      %slice3A_856 = vector.extract_strided_slice %and3A_722 {offsets = [2], sizes = [1], strides = [1]} : vector<16xi32> to vector<1xi32>
      %squeeze3A_857 = vector.extract %slice3A_856[0] : i32 from vector<1xi32>
      %mul3A_858 = vector.broadcast %squeeze3A_857 : i32 to vector<16xi32>
      %mul3A_859 = arith.muli %broadcast_in_dim3A_855, %mul3A_858 : vector<16xi32>
      %broadcast_in_dim3A_860 = arith.constant 2 : i32
      %broadcast_in_dim3A_861 = vector.broadcast %broadcast_in_dim3A_860 : i32 to vector<16xi32>
      %gather3A_862 = tpu.vector_load_idx %arg10[%broadcast_in_dim3A_861, %iota3A, %mul3A_859] : memref<16x16x128xf32, #tpu.memory_space<vmem>>[vector<16xi32>, vector<16xi32>, vector<16xi32>], vector<16xf32>,
      tpu.vector_store_idx %arg12[%iota3A, %add3A_838], %gather3A_862 : memref<16x512xf32, #tpu.memory_space<vmem>>[vector<16xi32>, vector<16xi32>], vector<16xf32>,
      %dma_wait3A_863 = arith.constant 2 : i32
      %dma_wait3A_864 = arith.constant 0 : i32
      %dma_wait3A_865 = arith.constant 0 : i32
      %dma_wait3A_866 = tpu.memref_slice %arg11[%dma_wait3A_863, %dma_wait3A_864, %dma_wait3A_865] : memref<16x16x128xf32, #tpu.memory_space<vmem>> -> memref<1x16x128xf32, #tpu.memory_space<vmem>>
      %dma_wait3A_867 = tpu.memref_squeeze %dma_wait3A_866 : memref<1x16x128xf32, #tpu.memory_space<vmem>> -> memref<16x128xf32, #tpu.memory_space<vmem>>
      %dma_wait3A_868 = arith.constant 0 : i32
      %dma_wait3A_869 = arith.constant 0 : i32
      %dma_wait3A_870 = tpu.memref_slice %arg4[%dma_wait3A_868, %dma_wait3A_869] : memref<16x1000000xf32, #tpu.memory_space<hbm>> -> memref<16x128xf32, #tpu.memory_space<hbm>>
      %dma_wait3A_871 = arith.constant 0 : i32
      %dma_wait3A_872 = arith.constant 0 : i32
      %dma_wait3A_873 = tpu.memref_slice %arg11[%dma_wait3A_863, %dma_wait3A_871, %dma_wait3A_872] : memref<16x16x128xf32, #tpu.memory_space<vmem>> -> memref<1x16x128xf32, #tpu.memory_space<vmem>>
      %dma_wait3A_874 = tpu.memref_squeeze %dma_wait3A_873 : memref<1x16x128xf32, #tpu.memory_space<vmem>> -> memref<16x128xf32, #tpu.memory_space<vmem>>
      %dma_wait3A_875 = arith.constant 0 : i32
      %dma_wait3A_876 = arith.constant 0 : i32
      %dma_wait3A_877 = tpu.memref_slice %arg4[%dma_wait3A_875, %dma_wait3A_876] : memref<16x1000000xf32, #tpu.memory_space<hbm>> -> memref<16x128xf32, #tpu.memory_space<hbm>>
      tpu.wait_dma2 semaphore(%arg15 : memref<!tpu.dma_semaphore, #tpu.memory_space<semaphore_mem>>) src(%dma_wait3A_877 : memref<16x128xf32, #tpu.memory_space<hbm>>) dst(%dma_wait3A_874 : memref<16x128xf32, #tpu.memory_space<vmem>>)
      %broadcast_in_dim3A_878 = arith.constant 1 : i32
      %broadcast_in_dim3A_879 = vector.broadcast %broadcast_in_dim3A_878 : i32 to vector<16xi32>
      %slice3A_880 = vector.extract_strided_slice %and3A_725 {offsets = [2], sizes = [1], strides = [1]} : vector<16xi32> to vector<1xi32>
      %squeeze3A_881 = vector.extract %slice3A_880[0] : i32 from vector<1xi32>
      %mul3A_882 = vector.broadcast %squeeze3A_881 : i32 to vector<16xi32>
      %mul3A_883 = arith.muli %broadcast_in_dim3A_879, %mul3A_882 : vector<16xi32>
      %broadcast_in_dim3A_884 = arith.constant 2 : i32
      %broadcast_in_dim3A_885 = vector.broadcast %broadcast_in_dim3A_884 : i32 to vector<16xi32>
      %gather3A_886 = tpu.vector_load_idx %arg11[%broadcast_in_dim3A_885, %iota3A, %mul3A_883] : memref<16x16x128xf32, #tpu.memory_space<vmem>>[vector<16xi32>, vector<16xi32>, vector<16xi32>], vector<16xf32>,
      tpu.vector_store_idx %arg13[%iota3A, %add3A_838], %gather3A_886 : memref<16x512xf32, #tpu.memory_space<vmem>>[vector<16xi32>, vector<16xi32>], vector<16xf32>,
      %lt3A_887 = arith.constant 31 : i32
      %lt3A_888 = arith.cmpi slt, %scan3A_712, %lt3A_887 : i32
      %convert_element_type3A_889 = arith.extui %lt3A_888 : i1 to i32
      %cond3A_890 = arith.constant 0 : i32
      %cond3A_891 = arith.cmpi ne, %convert_element_type3A_889, %cond3A_890 : i32
      scf.if %cond3A_891 {
        %add3A_1620 = arith.constant 1 : i32
        %add3A_1621 = arith.addi %scan3A_712, %add3A_1620 : i32
        %mul3A_1622 = arith.constant 16 : i32
        %mul3A_1623 = arith.muli %add3A_1621, %mul3A_1622 : i32
        %get3A_1624 = arith.index_cast %mul3A_1623 : i32 to index
        %get3A_1625 = tpu.vector_load %arg8[%get3A_1624] {strides = array<i32>} : memref<512xi32, #tpu.memory_space<vmem>>, vector<16xi32>,
        %mul3A_1626 = arith.constant 16 : i32
        %mul3A_1627 = arith.muli %add3A_1621, %mul3A_1626 : i32
        %get3A_1628 = arith.index_cast %mul3A_1627 : i32 to index
        %get3A_1629 = tpu.vector_load %arg9[%get3A_1628] {strides = array<i32>} : memref<512xi32, #tpu.memory_space<vmem>>, vector<16xi32>,
        %slice3A_1630 = vector.extract_strided_slice %get3A_1625 {offsets = [2], sizes = [1], strides = [1]} : vector<16xi32> to vector<1xi32>
        %squeeze3A_1631 = vector.extract %slice3A_1630[0] : i32 from vector<1xi32>
        %shift_right_arithmetic3A_1632 = arith.constant 7 : i32
        %shift_right_arithmetic3A_1633 = arith.shrsi %squeeze3A_1631, %shift_right_arithmetic3A_1632 : i32
        %mul3A_1634 = arith.constant 128 : i32
        %mul3A_1635 = arith.muli %shift_right_arithmetic3A_1633, %mul3A_1634 : i32
        %multiple_of3A_1636 = tpu.assume_multiple %mul3A_1635, 128 : i32
        %slice3A_1637 = vector.extract_strided_slice %get3A_1629 {offsets = [2], sizes = [1], strides = [1]} : vector<16xi32> to vector<1xi32>
        %squeeze3A_1638 = vector.extract %slice3A_1637[0] : i32 from vector<1xi32>
        %shift_right_arithmetic3A_1639 = arith.constant 7 : i32
        %shift_right_arithmetic3A_1640 = arith.shrsi %squeeze3A_1638, %shift_right_arithmetic3A_1639 : i32
        %mul3A_1641 = arith.constant 128 : i32
        %mul3A_1642 = arith.muli %shift_right_arithmetic3A_1640, %mul3A_1641 : i32
        %multiple_of3A_1643 = tpu.assume_multiple %mul3A_1642, 128 : i32
        %dma_start3A_1644 = arith.constant 2 : i32
        %dma_start3A_1645 = arith.constant 0 : i32
        %dma_start3A_1646 = arith.constant 0 : i32
        %dma_start3A_1647 = tpu.memref_slice %arg10[%dma_start3A_1644, %dma_start3A_1645, %dma_start3A_1646] : memref<16x16x128xf32, #tpu.memory_space<vmem>> -> memref<1x16x128xf32, #tpu.memory_space<vmem>>
        %dma_start3A_1648 = tpu.memref_squeeze %dma_start3A_1647 : memref<1x16x128xf32, #tpu.memory_space<vmem>> -> memref<16x128xf32, #tpu.memory_space<vmem>>
        %dma_start3A_1649 = arith.constant 0 : i32
        %dma_start3A_1650 = tpu.memref_slice %arg4[%dma_start3A_1649, %multiple_of3A_1636] : memref<16x1000000xf32, #tpu.memory_space<hbm>> -> memref<16x128xf32, #tpu.memory_space<hbm>>
        %dma_start3A_1651 = arith.constant 0 : i32
        %dma_start3A_1652 = arith.constant 0 : i32
        %dma_start3A_1653 = tpu.memref_slice %arg10[%dma_start3A_1644, %dma_start3A_1651, %dma_start3A_1652] : memref<16x16x128xf32, #tpu.memory_space<vmem>> -> memref<1x16x128xf32, #tpu.memory_space<vmem>>
        %dma_start3A_1654 = tpu.memref_squeeze %dma_start3A_1653 : memref<1x16x128xf32, #tpu.memory_space<vmem>> -> memref<16x128xf32, #tpu.memory_space<vmem>>
        %dma_start3A_1655 = arith.constant 0 : i32
        %dma_start3A_1656 = tpu.memref_slice %arg4[%dma_start3A_1655, %multiple_of3A_1636] : memref<16x1000000xf32, #tpu.memory_space<hbm>> -> memref<16x128xf32, #tpu.memory_space<hbm>>
        tpu.enqueue_dma source(%dma_start3A_1656 : memref<16x128xf32, #tpu.memory_space<hbm>>) target(%dma_start3A_1654 : memref<16x128xf32, #tpu.memory_space<vmem>>) target_semaphore(%arg14 : memref<!tpu.dma_semaphore, #tpu.memory_space<semaphore_mem>>)
        %dma_start3A_1657 = arith.constant 2 : i32
        %dma_start3A_1658 = arith.constant 0 : i32
        %dma_start3A_1659 = arith.constant 0 : i32
        %dma_start3A_1660 = tpu.memref_slice %arg11[%dma_start3A_1657, %dma_start3A_1658, %dma_start3A_1659] : memref<16x16x128xf32, #tpu.memory_space<vmem>> -> memref<1x16x128xf32, #tpu.memory_space<vmem>>
        %dma_start3A_1661 = tpu.memref_squeeze %dma_start3A_1660 : memref<1x16x128xf32, #tpu.memory_space<vmem>> -> memref<16x128xf32, #tpu.memory_space<vmem>>
        %dma_start3A_1662 = arith.constant 0 : i32
        %dma_start3A_1663 = tpu.memref_slice %arg5[%dma_start3A_1662, %multiple_of3A_1643] : memref<16x1000000xf32, #tpu.memory_space<hbm>> -> memref<16x128xf32, #tpu.memory_space<hbm>>
        %dma_start3A_1664 = arith.constant 0 : i32
        %dma_start3A_1665 = arith.constant 0 : i32
        %dma_start3A_1666 = tpu.memref_slice %arg11[%dma_start3A_1657, %dma_start3A_1664, %dma_start3A_1665] : memref<16x16x128xf32, #tpu.memory_space<vmem>> -> memref<1x16x128xf32, #tpu.memory_space<vmem>>
        %dma_start3A_1667 = tpu.memref_squeeze %dma_start3A_1666 : memref<1x16x128xf32, #tpu.memory_space<vmem>> -> memref<16x128xf32, #tpu.memory_space<vmem>>
        %dma_start3A_1668 = arith.constant 0 : i32
        %dma_start3A_1669 = tpu.memref_slice %arg5[%dma_start3A_1668, %multiple_of3A_1643] : memref<16x1000000xf32, #tpu.memory_space<hbm>> -> memref<16x128xf32, #tpu.memory_space<hbm>>
        tpu.enqueue_dma source(%dma_start3A_1669 : memref<16x128xf32, #tpu.memory_space<hbm>>) target(%dma_start3A_1667 : memref<16x128xf32, #tpu.memory_space<vmem>>) target_semaphore(%arg15 : memref<!tpu.dma_semaphore, #tpu.memory_space<semaphore_mem>>)
      } else {
      }
      %add3A_892 = arith.constant 3 : i32
      %add3A_893 = vector.broadcast %add3A_892 : i32 to vector<16xi32>
      %add3A_894 = arith.addi %broadcast_in_dim3A, %add3A_893 : vector<16xi32>
      %dma_wait3A_895 = arith.constant 3 : i32
      %dma_wait3A_896 = arith.constant 0 : i32
      %dma_wait3A_897 = arith.constant 0 : i32
      %dma_wait3A_898 = tpu.memref_slice %arg10[%dma_wait3A_895, %dma_wait3A_896, %dma_wait3A_897] : memref<16x16x128xf32, #tpu.memory_space<vmem>> -> memref<1x16x128xf32, #tpu.memory_space<vmem>>
      %dma_wait3A_899 = tpu.memref_squeeze %dma_wait3A_898 : memref<1x16x128xf32, #tpu.memory_space<vmem>> -> memref<16x128xf32, #tpu.memory_space<vmem>>
      %dma_wait3A_900 = arith.constant 0 : i32
      %dma_wait3A_901 = arith.constant 0 : i32
      %dma_wait3A_902 = tpu.memref_slice %arg4[%dma_wait3A_900, %dma_wait3A_901] : memref<16x1000000xf32, #tpu.memory_space<hbm>> -> memref<16x128xf32, #tpu.memory_space<hbm>>
      %dma_wait3A_903 = arith.constant 0 : i32
      %dma_wait3A_904 = arith.constant 0 : i32
      %dma_wait3A_905 = tpu.memref_slice %arg10[%dma_wait3A_895, %dma_wait3A_903, %dma_wait3A_904] : memref<16x16x128xf32, #tpu.memory_space<vmem>> -> memref<1x16x128xf32, #tpu.memory_space<vmem>>
      %dma_wait3A_906 = tpu.memref_squeeze %dma_wait3A_905 : memref<1x16x128xf32, #tpu.memory_space<vmem>> -> memref<16x128xf32, #tpu.memory_space<vmem>>
      %dma_wait3A_907 = arith.constant 0 : i32
      %dma_wait3A_908 = arith.constant 0 : i32
      %dma_wait3A_909 = tpu.memref_slice %arg4[%dma_wait3A_907, %dma_wait3A_908] : memref<16x1000000xf32, #tpu.memory_space<hbm>> -> memref<16x128xf32, #tpu.memory_space<hbm>>
      tpu.wait_dma2 semaphore(%arg14 : memref<!tpu.dma_semaphore, #tpu.memory_space<semaphore_mem>>) src(%dma_wait3A_909 : memref<16x128xf32, #tpu.memory_space<hbm>>) dst(%dma_wait3A_906 : memref<16x128xf32, #tpu.memory_space<vmem>>)
      %broadcast_in_dim3A_910 = arith.constant 1 : i32
      %broadcast_in_dim3A_911 = vector.broadcast %broadcast_in_dim3A_910 : i32 to vector<16xi32>
      %slice3A_912 = vector.extract_strided_slice %and3A_722 {offsets = [3], sizes = [1], strides = [1]} : vector<16xi32> to vector<1xi32>
      %squeeze3A_913 = vector.extract %slice3A_912[0] : i32 from vector<1xi32>
      %mul3A_914 = vector.broadcast %squeeze3A_913 : i32 to vector<16xi32>
      %mul3A_915 = arith.muli %broadcast_in_dim3A_911, %mul3A_914 : vector<16xi32>
      %broadcast_in_dim3A_916 = arith.constant 3 : i32
      %broadcast_in_dim3A_917 = vector.broadcast %broadcast_in_dim3A_916 : i32 to vector<16xi32>
      %gather3A_918 = tpu.vector_load_idx %arg10[%broadcast_in_dim3A_917, %iota3A, %mul3A_915] : memref<16x16x128xf32, #tpu.memory_space<vmem>>[vector<16xi32>, vector<16xi32>, vector<16xi32>], vector<16xf32>,
      tpu.vector_store_idx %arg12[%iota3A, %add3A_894], %gather3A_918 : memref<16x512xf32, #tpu.memory_space<vmem>>[vector<16xi32>, vector<16xi32>], vector<16xf32>,
      %dma_wait3A_919 = arith.constant 3 : i32
      %dma_wait3A_920 = arith.constant 0 : i32
      %dma_wait3A_921 = arith.constant 0 : i32
      %dma_wait3A_922 = tpu.memref_slice %arg11[%dma_wait3A_919, %dma_wait3A_920, %dma_wait3A_921] : memref<16x16x128xf32, #tpu.memory_space<vmem>> -> memref<1x16x128xf32, #tpu.memory_space<vmem>>
      %dma_wait3A_923 = tpu.memref_squeeze %dma_wait3A_922 : memref<1x16x128xf32, #tpu.memory_space<vmem>> -> memref<16x128xf32, #tpu.memory_space<vmem>>
      %dma_wait3A_924 = arith.constant 0 : i32
      %dma_wait3A_925 = arith.constant 0 : i32
      %dma_wait3A_926 = tpu.memref_slice %arg4[%dma_wait3A_924, %dma_wait3A_925] : memref<16x1000000xf32, #tpu.memory_space<hbm>> -> memref<16x128xf32, #tpu.memory_space<hbm>>
      %dma_wait3A_927 = arith.constant 0 : i32
      %dma_wait3A_928 = arith.constant 0 : i32
      %dma_wait3A_929 = tpu.memref_slice %arg11[%dma_wait3A_919, %dma_wait3A_927, %dma_wait3A_928] : memref<16x16x128xf32, #tpu.memory_space<vmem>> -> memref<1x16x128xf32, #tpu.memory_space<vmem>>
      %dma_wait3A_930 = tpu.memref_squeeze %dma_wait3A_929 : memref<1x16x128xf32, #tpu.memory_space<vmem>> -> memref<16x128xf32, #tpu.memory_space<vmem>>
      %dma_wait3A_931 = arith.constant 0 : i32
      %dma_wait3A_932 = arith.constant 0 : i32
      %dma_wait3A_933 = tpu.memref_slice %arg4[%dma_wait3A_931, %dma_wait3A_932] : memref<16x1000000xf32, #tpu.memory_space<hbm>> -> memref<16x128xf32, #tpu.memory_space<hbm>>
      tpu.wait_dma2 semaphore(%arg15 : memref<!tpu.dma_semaphore, #tpu.memory_space<semaphore_mem>>) src(%dma_wait3A_933 : memref<16x128xf32, #tpu.memory_space<hbm>>) dst(%dma_wait3A_930 : memref<16x128xf32, #tpu.memory_space<vmem>>)
      %broadcast_in_dim3A_934 = arith.constant 1 : i32
      %broadcast_in_dim3A_935 = vector.broadcast %broadcast_in_dim3A_934 : i32 to vector<16xi32>
      %slice3A_936 = vector.extract_strided_slice %and3A_725 {offsets = [3], sizes = [1], strides = [1]} : vector<16xi32> to vector<1xi32>
      %squeeze3A_937 = vector.extract %slice3A_936[0] : i32 from vector<1xi32>
      %mul3A_938 = vector.broadcast %squeeze3A_937 : i32 to vector<16xi32>
      %mul3A_939 = arith.muli %broadcast_in_dim3A_935, %mul3A_938 : vector<16xi32>
      %broadcast_in_dim3A_940 = arith.constant 3 : i32
      %broadcast_in_dim3A_941 = vector.broadcast %broadcast_in_dim3A_940 : i32 to vector<16xi32>
      %gather3A_942 = tpu.vector_load_idx %arg11[%broadcast_in_dim3A_941, %iota3A, %mul3A_939] : memref<16x16x128xf32, #tpu.memory_space<vmem>>[vector<16xi32>, vector<16xi32>, vector<16xi32>], vector<16xf32>,
      tpu.vector_store_idx %arg13[%iota3A, %add3A_894], %gather3A_942 : memref<16x512xf32, #tpu.memory_space<vmem>>[vector<16xi32>, vector<16xi32>], vector<16xf32>,
      %lt3A_943 = arith.constant 31 : i32
      %lt3A_944 = arith.cmpi slt, %scan3A_712, %lt3A_943 : i32
      %convert_element_type3A_945 = arith.extui %lt3A_944 : i1 to i32
      %cond3A_946 = arith.constant 0 : i32
      %cond3A_947 = arith.cmpi ne, %convert_element_type3A_945, %cond3A_946 : i32
      scf.if %cond3A_947 {
        %add3A_1620 = arith.constant 1 : i32
        %add3A_1621 = arith.addi %scan3A_712, %add3A_1620 : i32
        %mul3A_1622 = arith.constant 16 : i32
        %mul3A_1623 = arith.muli %add3A_1621, %mul3A_1622 : i32
        %get3A_1624 = arith.index_cast %mul3A_1623 : i32 to index
        %get3A_1625 = tpu.vector_load %arg8[%get3A_1624] {strides = array<i32>} : memref<512xi32, #tpu.memory_space<vmem>>, vector<16xi32>,
        %mul3A_1626 = arith.constant 16 : i32
        %mul3A_1627 = arith.muli %add3A_1621, %mul3A_1626 : i32
        %get3A_1628 = arith.index_cast %mul3A_1627 : i32 to index
        %get3A_1629 = tpu.vector_load %arg9[%get3A_1628] {strides = array<i32>} : memref<512xi32, #tpu.memory_space<vmem>>, vector<16xi32>,
        %slice3A_1630 = vector.extract_strided_slice %get3A_1625 {offsets = [3], sizes = [1], strides = [1]} : vector<16xi32> to vector<1xi32>
        %squeeze3A_1631 = vector.extract %slice3A_1630[0] : i32 from vector<1xi32>
        %shift_right_arithmetic3A_1632 = arith.constant 7 : i32
        %shift_right_arithmetic3A_1633 = arith.shrsi %squeeze3A_1631, %shift_right_arithmetic3A_1632 : i32
        %mul3A_1634 = arith.constant 128 : i32
        %mul3A_1635 = arith.muli %shift_right_arithmetic3A_1633, %mul3A_1634 : i32
        %multiple_of3A_1636 = tpu.assume_multiple %mul3A_1635, 128 : i32
        %slice3A_1637 = vector.extract_strided_slice %get3A_1629 {offsets = [3], sizes = [1], strides = [1]} : vector<16xi32> to vector<1xi32>
        %squeeze3A_1638 = vector.extract %slice3A_1637[0] : i32 from vector<1xi32>
        %shift_right_arithmetic3A_1639 = arith.constant 7 : i32
        %shift_right_arithmetic3A_1640 = arith.shrsi %squeeze3A_1638, %shift_right_arithmetic3A_1639 : i32
        %mul3A_1641 = arith.constant 128 : i32
        %mul3A_1642 = arith.muli %shift_right_arithmetic3A_1640, %mul3A_1641 : i32
        %multiple_of3A_1643 = tpu.assume_multiple %mul3A_1642, 128 : i32
        %dma_start3A_1644 = arith.constant 3 : i32
        %dma_start3A_1645 = arith.constant 0 : i32
        %dma_start3A_1646 = arith.constant 0 : i32
        %dma_start3A_1647 = tpu.memref_slice %arg10[%dma_start3A_1644, %dma_start3A_1645, %dma_start3A_1646] : memref<16x16x128xf32, #tpu.memory_space<vmem>> -> memref<1x16x128xf32, #tpu.memory_space<vmem>>
        %dma_start3A_1648 = tpu.memref_squeeze %dma_start3A_1647 : memref<1x16x128xf32, #tpu.memory_space<vmem>> -> memref<16x128xf32, #tpu.memory_space<vmem>>
        %dma_start3A_1649 = arith.constant 0 : i32
        %dma_start3A_1650 = tpu.memref_slice %arg4[%dma_start3A_1649, %multiple_of3A_1636] : memref<16x1000000xf32, #tpu.memory_space<hbm>> -> memref<16x128xf32, #tpu.memory_space<hbm>>
        %dma_start3A_1651 = arith.constant 0 : i32
        %dma_start3A_1652 = arith.constant 0 : i32
        %dma_start3A_1653 = tpu.memref_slice %arg10[%dma_start3A_1644, %dma_start3A_1651, %dma_start3A_1652] : memref<16x16x128xf32, #tpu.memory_space<vmem>> -> memref<1x16x128xf32, #tpu.memory_space<vmem>>
        %dma_start3A_1654 = tpu.memref_squeeze %dma_start3A_1653 : memref<1x16x128xf32, #tpu.memory_space<vmem>> -> memref<16x128xf32, #tpu.memory_space<vmem>>
        %dma_start3A_1655 = arith.constant 0 : i32
        %dma_start3A_1656 = tpu.memref_slice %arg4[%dma_start3A_1655, %multiple_of3A_1636] : memref<16x1000000xf32, #tpu.memory_space<hbm>> -> memref<16x128xf32, #tpu.memory_space<hbm>>
        tpu.enqueue_dma source(%dma_start3A_1656 : memref<16x128xf32, #tpu.memory_space<hbm>>) target(%dma_start3A_1654 : memref<16x128xf32, #tpu.memory_space<vmem>>) target_semaphore(%arg14 : memref<!tpu.dma_semaphore, #tpu.memory_space<semaphore_mem>>)
        %dma_start3A_1657 = arith.constant 3 : i32
        %dma_start3A_1658 = arith.constant 0 : i32
        %dma_start3A_1659 = arith.constant 0 : i32
        %dma_start3A_1660 = tpu.memref_slice %arg11[%dma_start3A_1657, %dma_start3A_1658, %dma_start3A_1659] : memref<16x16x128xf32, #tpu.memory_space<vmem>> -> memref<1x16x128xf32, #tpu.memory_space<vmem>>
        %dma_start3A_1661 = tpu.memref_squeeze %dma_start3A_1660 : memref<1x16x128xf32, #tpu.memory_space<vmem>> -> memref<16x128xf32, #tpu.memory_space<vmem>>
        %dma_start3A_1662 = arith.constant 0 : i32
        %dma_start3A_1663 = tpu.memref_slice %arg5[%dma_start3A_1662, %multiple_of3A_1643] : memref<16x1000000xf32, #tpu.memory_space<hbm>> -> memref<16x128xf32, #tpu.memory_space<hbm>>
        %dma_start3A_1664 = arith.constant 0 : i32
        %dma_start3A_1665 = arith.constant 0 : i32
        %dma_start3A_1666 = tpu.memref_slice %arg11[%dma_start3A_1657, %dma_start3A_1664, %dma_start3A_1665] : memref<16x16x128xf32, #tpu.memory_space<vmem>> -> memref<1x16x128xf32, #tpu.memory_space<vmem>>
        %dma_start3A_1667 = tpu.memref_squeeze %dma_start3A_1666 : memref<1x16x128xf32, #tpu.memory_space<vmem>> -> memref<16x128xf32, #tpu.memory_space<vmem>>
        %dma_start3A_1668 = arith.constant 0 : i32
        %dma_start3A_1669 = tpu.memref_slice %arg5[%dma_start3A_1668, %multiple_of3A_1643] : memref<16x1000000xf32, #tpu.memory_space<hbm>> -> memref<16x128xf32, #tpu.memory_space<hbm>>
        tpu.enqueue_dma source(%dma_start3A_1669 : memref<16x128xf32, #tpu.memory_space<hbm>>) target(%dma_start3A_1667 : memref<16x128xf32, #tpu.memory_space<vmem>>) target_semaphore(%arg15 : memref<!tpu.dma_semaphore, #tpu.memory_space<semaphore_mem>>)
      } else {
      }
      %add3A_948 = arith.constant 4 : i32
      %add3A_949 = vector.broadcast %add3A_948 : i32 to vector<16xi32>
      %add3A_950 = arith.addi %broadcast_in_dim3A, %add3A_949 : vector<16xi32>
      %dma_wait3A_951 = arith.constant 4 : i32
      %dma_wait3A_952 = arith.constant 0 : i32
      %dma_wait3A_953 = arith.constant 0 : i32
      %dma_wait3A_954 = tpu.memref_slice %arg10[%dma_wait3A_951, %dma_wait3A_952, %dma_wait3A_953] : memref<16x16x128xf32, #tpu.memory_space<vmem>> -> memref<1x16x128xf32, #tpu.memory_space<vmem>>
      %dma_wait3A_955 = tpu.memref_squeeze %dma_wait3A_954 : memref<1x16x128xf32, #tpu.memory_space<vmem>> -> memref<16x128xf32, #tpu.memory_space<vmem>>
      %dma_wait3A_956 = arith.constant 0 : i32
      %dma_wait3A_957 = arith.constant 0 : i32
      %dma_wait3A_958 = tpu.memref_slice %arg4[%dma_wait3A_956, %dma_wait3A_957] : memref<16x1000000xf32, #tpu.memory_space<hbm>> -> memref<16x128xf32, #tpu.memory_space<hbm>>
      %dma_wait3A_959 = arith.constant 0 : i32
      %dma_wait3A_960 = arith.constant 0 : i32
      %dma_wait3A_961 = tpu.memref_slice %arg10[%dma_wait3A_951, %dma_wait3A_959, %dma_wait3A_960] : memref<16x16x128xf32, #tpu.memory_space<vmem>> -> memref<1x16x128xf32, #tpu.memory_space<vmem>>
      %dma_wait3A_962 = tpu.memref_squeeze %dma_wait3A_961 : memref<1x16x128xf32, #tpu.memory_space<vmem>> -> memref<16x128xf32, #tpu.memory_space<vmem>>
      %dma_wait3A_963 = arith.constant 0 : i32
      %dma_wait3A_964 = arith.constant 0 : i32
      %dma_wait3A_965 = tpu.memref_slice %arg4[%dma_wait3A_963, %dma_wait3A_964] : memref<16x1000000xf32, #tpu.memory_space<hbm>> -> memref<16x128xf32, #tpu.memory_space<hbm>>
      tpu.wait_dma2 semaphore(%arg14 : memref<!tpu.dma_semaphore, #tpu.memory_space<semaphore_mem>>) src(%dma_wait3A_965 : memref<16x128xf32, #tpu.memory_space<hbm>>) dst(%dma_wait3A_962 : memref<16x128xf32, #tpu.memory_space<vmem>>)
      %broadcast_in_dim3A_966 = arith.constant 1 : i32
      %broadcast_in_dim3A_967 = vector.broadcast %broadcast_in_dim3A_966 : i32 to vector<16xi32>
      %slice3A_968 = vector.extract_strided_slice %and3A_722 {offsets = [4], sizes = [1], strides = [1]} : vector<16xi32> to vector<1xi32>
      %squeeze3A_969 = vector.extract %slice3A_968[0] : i32 from vector<1xi32>
      %mul3A_970 = vector.broadcast %squeeze3A_969 : i32 to vector<16xi32>
      %mul3A_971 = arith.muli %broadcast_in_dim3A_967, %mul3A_970 : vector<16xi32>
      %broadcast_in_dim3A_972 = arith.constant 4 : i32
      %broadcast_in_dim3A_973 = vector.broadcast %broadcast_in_dim3A_972 : i32 to vector<16xi32>
      %gather3A_974 = tpu.vector_load_idx %arg10[%broadcast_in_dim3A_973, %iota3A, %mul3A_971] : memref<16x16x128xf32, #tpu.memory_space<vmem>>[vector<16xi32>, vector<16xi32>, vector<16xi32>], vector<16xf32>,
      tpu.vector_store_idx %arg12[%iota3A, %add3A_950], %gather3A_974 : memref<16x512xf32, #tpu.memory_space<vmem>>[vector<16xi32>, vector<16xi32>], vector<16xf32>,
      %dma_wait3A_975 = arith.constant 4 : i32
      %dma_wait3A_976 = arith.constant 0 : i32
      %dma_wait3A_977 = arith.constant 0 : i32
      %dma_wait3A_978 = tpu.memref_slice %arg11[%dma_wait3A_975, %dma_wait3A_976, %dma_wait3A_977] : memref<16x16x128xf32, #tpu.memory_space<vmem>> -> memref<1x16x128xf32, #tpu.memory_space<vmem>>
      %dma_wait3A_979 = tpu.memref_squeeze %dma_wait3A_978 : memref<1x16x128xf32, #tpu.memory_space<vmem>> -> memref<16x128xf32, #tpu.memory_space<vmem>>
      %dma_wait3A_980 = arith.constant 0 : i32
      %dma_wait3A_981 = arith.constant 0 : i32
      %dma_wait3A_982 = tpu.memref_slice %arg4[%dma_wait3A_980, %dma_wait3A_981] : memref<16x1000000xf32, #tpu.memory_space<hbm>> -> memref<16x128xf32, #tpu.memory_space<hbm>>
      %dma_wait3A_983 = arith.constant 0 : i32
      %dma_wait3A_984 = arith.constant 0 : i32
      %dma_wait3A_985 = tpu.memref_slice %arg11[%dma_wait3A_975, %dma_wait3A_983, %dma_wait3A_984] : memref<16x16x128xf32, #tpu.memory_space<vmem>> -> memref<1x16x128xf32, #tpu.memory_space<vmem>>
      %dma_wait3A_986 = tpu.memref_squeeze %dma_wait3A_985 : memref<1x16x128xf32, #tpu.memory_space<vmem>> -> memref<16x128xf32, #tpu.memory_space<vmem>>
      %dma_wait3A_987 = arith.constant 0 : i32
      %dma_wait3A_988 = arith.constant 0 : i32
      %dma_wait3A_989 = tpu.memref_slice %arg4[%dma_wait3A_987, %dma_wait3A_988] : memref<16x1000000xf32, #tpu.memory_space<hbm>> -> memref<16x128xf32, #tpu.memory_space<hbm>>
      tpu.wait_dma2 semaphore(%arg15 : memref<!tpu.dma_semaphore, #tpu.memory_space<semaphore_mem>>) src(%dma_wait3A_989 : memref<16x128xf32, #tpu.memory_space<hbm>>) dst(%dma_wait3A_986 : memref<16x128xf32, #tpu.memory_space<vmem>>)
      %broadcast_in_dim3A_990 = arith.constant 1 : i32
      %broadcast_in_dim3A_991 = vector.broadcast %broadcast_in_dim3A_990 : i32 to vector<16xi32>
      %slice3A_992 = vector.extract_strided_slice %and3A_725 {offsets = [4], sizes = [1], strides = [1]} : vector<16xi32> to vector<1xi32>
      %squeeze3A_993 = vector.extract %slice3A_992[0] : i32 from vector<1xi32>
      %mul3A_994 = vector.broadcast %squeeze3A_993 : i32 to vector<16xi32>
      %mul3A_995 = arith.muli %broadcast_in_dim3A_991, %mul3A_994 : vector<16xi32>
      %broadcast_in_dim3A_996 = arith.constant 4 : i32
      %broadcast_in_dim3A_997 = vector.broadcast %broadcast_in_dim3A_996 : i32 to vector<16xi32>
      %gather3A_998 = tpu.vector_load_idx %arg11[%broadcast_in_dim3A_997, %iota3A, %mul3A_995] : memref<16x16x128xf32, #tpu.memory_space<vmem>>[vector<16xi32>, vector<16xi32>, vector<16xi32>], vector<16xf32>,
      tpu.vector_store_idx %arg13[%iota3A, %add3A_950], %gather3A_998 : memref<16x512xf32, #tpu.memory_space<vmem>>[vector<16xi32>, vector<16xi32>], vector<16xf32>,
      %lt3A_999 = arith.constant 31 : i32
      %lt3A_1000 = arith.cmpi slt, %scan3A_712, %lt3A_999 : i32
      %convert_element_type3A_1001 = arith.extui %lt3A_1000 : i1 to i32
      %cond3A_1002 = arith.constant 0 : i32
      %cond3A_1003 = arith.cmpi ne, %convert_element_type3A_1001, %cond3A_1002 : i32
      scf.if %cond3A_1003 {
        %add3A_1620 = arith.constant 1 : i32
        %add3A_1621 = arith.addi %scan3A_712, %add3A_1620 : i32
        %mul3A_1622 = arith.constant 16 : i32
        %mul3A_1623 = arith.muli %add3A_1621, %mul3A_1622 : i32
        %get3A_1624 = arith.index_cast %mul3A_1623 : i32 to index
        %get3A_1625 = tpu.vector_load %arg8[%get3A_1624] {strides = array<i32>} : memref<512xi32, #tpu.memory_space<vmem>>, vector<16xi32>,
        %mul3A_1626 = arith.constant 16 : i32
        %mul3A_1627 = arith.muli %add3A_1621, %mul3A_1626 : i32
        %get3A_1628 = arith.index_cast %mul3A_1627 : i32 to index
        %get3A_1629 = tpu.vector_load %arg9[%get3A_1628] {strides = array<i32>} : memref<512xi32, #tpu.memory_space<vmem>>, vector<16xi32>,
        %slice3A_1630 = vector.extract_strided_slice %get3A_1625 {offsets = [4], sizes = [1], strides = [1]} : vector<16xi32> to vector<1xi32>
        %squeeze3A_1631 = vector.extract %slice3A_1630[0] : i32 from vector<1xi32>
        %shift_right_arithmetic3A_1632 = arith.constant 7 : i32
        %shift_right_arithmetic3A_1633 = arith.shrsi %squeeze3A_1631, %shift_right_arithmetic3A_1632 : i32
        %mul3A_1634 = arith.constant 128 : i32
        %mul3A_1635 = arith.muli %shift_right_arithmetic3A_1633, %mul3A_1634 : i32
        %multiple_of3A_1636 = tpu.assume_multiple %mul3A_1635, 128 : i32
        %slice3A_1637 = vector.extract_strided_slice %get3A_1629 {offsets = [4], sizes = [1], strides = [1]} : vector<16xi32> to vector<1xi32>
        %squeeze3A_1638 = vector.extract %slice3A_1637[0] : i32 from vector<1xi32>
        %shift_right_arithmetic3A_1639 = arith.constant 7 : i32
        %shift_right_arithmetic3A_1640 = arith.shrsi %squeeze3A_1638, %shift_right_arithmetic3A_1639 : i32
        %mul3A_1641 = arith.constant 128 : i32
        %mul3A_1642 = arith.muli %shift_right_arithmetic3A_1640, %mul3A_1641 : i32
        %multiple_of3A_1643 = tpu.assume_multiple %mul3A_1642, 128 : i32
        %dma_start3A_1644 = arith.constant 4 : i32
        %dma_start3A_1645 = arith.constant 0 : i32
        %dma_start3A_1646 = arith.constant 0 : i32
        %dma_start3A_1647 = tpu.memref_slice %arg10[%dma_start3A_1644, %dma_start3A_1645, %dma_start3A_1646] : memref<16x16x128xf32, #tpu.memory_space<vmem>> -> memref<1x16x128xf32, #tpu.memory_space<vmem>>
        %dma_start3A_1648 = tpu.memref_squeeze %dma_start3A_1647 : memref<1x16x128xf32, #tpu.memory_space<vmem>> -> memref<16x128xf32, #tpu.memory_space<vmem>>
        %dma_start3A_1649 = arith.constant 0 : i32
        %dma_start3A_1650 = tpu.memref_slice %arg4[%dma_start3A_1649, %multiple_of3A_1636] : memref<16x1000000xf32, #tpu.memory_space<hbm>> -> memref<16x128xf32, #tpu.memory_space<hbm>>
        %dma_start3A_1651 = arith.constant 0 : i32
        %dma_start3A_1652 = arith.constant 0 : i32
        %dma_start3A_1653 = tpu.memref_slice %arg10[%dma_start3A_1644, %dma_start3A_1651, %dma_start3A_1652] : memref<16x16x128xf32, #tpu.memory_space<vmem>> -> memref<1x16x128xf32, #tpu.memory_space<vmem>>
        %dma_start3A_1654 = tpu.memref_squeeze %dma_start3A_1653 : memref<1x16x128xf32, #tpu.memory_space<vmem>> -> memref<16x128xf32, #tpu.memory_space<vmem>>
        %dma_start3A_1655 = arith.constant 0 : i32
        %dma_start3A_1656 = tpu.memref_slice %arg4[%dma_start3A_1655, %multiple_of3A_1636] : memref<16x1000000xf32, #tpu.memory_space<hbm>> -> memref<16x128xf32, #tpu.memory_space<hbm>>
        tpu.enqueue_dma source(%dma_start3A_1656 : memref<16x128xf32, #tpu.memory_space<hbm>>) target(%dma_start3A_1654 : memref<16x128xf32, #tpu.memory_space<vmem>>) target_semaphore(%arg14 : memref<!tpu.dma_semaphore, #tpu.memory_space<semaphore_mem>>)
        %dma_start3A_1657 = arith.constant 4 : i32
        %dma_start3A_1658 = arith.constant 0 : i32
        %dma_start3A_1659 = arith.constant 0 : i32
        %dma_start3A_1660 = tpu.memref_slice %arg11[%dma_start3A_1657, %dma_start3A_1658, %dma_start3A_1659] : memref<16x16x128xf32, #tpu.memory_space<vmem>> -> memref<1x16x128xf32, #tpu.memory_space<vmem>>
        %dma_start3A_1661 = tpu.memref_squeeze %dma_start3A_1660 : memref<1x16x128xf32, #tpu.memory_space<vmem>> -> memref<16x128xf32, #tpu.memory_space<vmem>>
        %dma_start3A_1662 = arith.constant 0 : i32
        %dma_start3A_1663 = tpu.memref_slice %arg5[%dma_start3A_1662, %multiple_of3A_1643] : memref<16x1000000xf32, #tpu.memory_space<hbm>> -> memref<16x128xf32, #tpu.memory_space<hbm>>
        %dma_start3A_1664 = arith.constant 0 : i32
        %dma_start3A_1665 = arith.constant 0 : i32
        %dma_start3A_1666 = tpu.memref_slice %arg11[%dma_start3A_1657, %dma_start3A_1664, %dma_start3A_1665] : memref<16x16x128xf32, #tpu.memory_space<vmem>> -> memref<1x16x128xf32, #tpu.memory_space<vmem>>
        %dma_start3A_1667 = tpu.memref_squeeze %dma_start3A_1666 : memref<1x16x128xf32, #tpu.memory_space<vmem>> -> memref<16x128xf32, #tpu.memory_space<vmem>>
        %dma_start3A_1668 = arith.constant 0 : i32
        %dma_start3A_1669 = tpu.memref_slice %arg5[%dma_start3A_1668, %multiple_of3A_1643] : memref<16x1000000xf32, #tpu.memory_space<hbm>> -> memref<16x128xf32, #tpu.memory_space<hbm>>
        tpu.enqueue_dma source(%dma_start3A_1669 : memref<16x128xf32, #tpu.memory_space<hbm>>) target(%dma_start3A_1667 : memref<16x128xf32, #tpu.memory_space<vmem>>) target_semaphore(%arg15 : memref<!tpu.dma_semaphore, #tpu.memory_space<semaphore_mem>>)
      } else {
      }
      %add3A_1004 = arith.constant 5 : i32
      %add3A_1005 = vector.broadcast %add3A_1004 : i32 to vector<16xi32>
      %add3A_1006 = arith.addi %broadcast_in_dim3A, %add3A_1005 : vector<16xi32>
      %dma_wait3A_1007 = arith.constant 5 : i32
      %dma_wait3A_1008 = arith.constant 0 : i32
      %dma_wait3A_1009 = arith.constant 0 : i32
      %dma_wait3A_1010 = tpu.memref_slice %arg10[%dma_wait3A_1007, %dma_wait3A_1008, %dma_wait3A_1009] : memref<16x16x128xf32, #tpu.memory_space<vmem>> -> memref<1x16x128xf32, #tpu.memory_space<vmem>>
      %dma_wait3A_1011 = tpu.memref_squeeze %dma_wait3A_1010 : memref<1x16x128xf32, #tpu.memory_space<vmem>> -> memref<16x128xf32, #tpu.memory_space<vmem>>
      %dma_wait3A_1012 = arith.constant 0 : i32
      %dma_wait3A_1013 = arith.constant 0 : i32
      %dma_wait3A_1014 = tpu.memref_slice %arg4[%dma_wait3A_1012, %dma_wait3A_1013] : memref<16x1000000xf32, #tpu.memory_space<hbm>> -> memref<16x128xf32, #tpu.memory_space<hbm>>
      %dma_wait3A_1015 = arith.constant 0 : i32
      %dma_wait3A_1016 = arith.constant 0 : i32
      %dma_wait3A_1017 = tpu.memref_slice %arg10[%dma_wait3A_1007, %dma_wait3A_1015, %dma_wait3A_1016] : memref<16x16x128xf32, #tpu.memory_space<vmem>> -> memref<1x16x128xf32, #tpu.memory_space<vmem>>
      %dma_wait3A_1018 = tpu.memref_squeeze %dma_wait3A_1017 : memref<1x16x128xf32, #tpu.memory_space<vmem>> -> memref<16x128xf32, #tpu.memory_space<vmem>>
      %dma_wait3A_1019 = arith.constant 0 : i32
      %dma_wait3A_1020 = arith.constant 0 : i32
      %dma_wait3A_1021 = tpu.memref_slice %arg4[%dma_wait3A_1019, %dma_wait3A_1020] : memref<16x1000000xf32, #tpu.memory_space<hbm>> -> memref<16x128xf32, #tpu.memory_space<hbm>>
      tpu.wait_dma2 semaphore(%arg14 : memref<!tpu.dma_semaphore, #tpu.memory_space<semaphore_mem>>) src(%dma_wait3A_1021 : memref<16x128xf32, #tpu.memory_space<hbm>>) dst(%dma_wait3A_1018 : memref<16x128xf32, #tpu.memory_space<vmem>>)
      %broadcast_in_dim3A_1022 = arith.constant 1 : i32
      %broadcast_in_dim3A_1023 = vector.broadcast %broadcast_in_dim3A_1022 : i32 to vector<16xi32>
      %slice3A_1024 = vector.extract_strided_slice %and3A_722 {offsets = [5], sizes = [1], strides = [1]} : vector<16xi32> to vector<1xi32>
      %squeeze3A_1025 = vector.extract %slice3A_1024[0] : i32 from vector<1xi32>
      %mul3A_1026 = vector.broadcast %squeeze3A_1025 : i32 to vector<16xi32>
      %mul3A_1027 = arith.muli %broadcast_in_dim3A_1023, %mul3A_1026 : vector<16xi32>
      %broadcast_in_dim3A_1028 = arith.constant 5 : i32
      %broadcast_in_dim3A_1029 = vector.broadcast %broadcast_in_dim3A_1028 : i32 to vector<16xi32>
      %gather3A_1030 = tpu.vector_load_idx %arg10[%broadcast_in_dim3A_1029, %iota3A, %mul3A_1027] : memref<16x16x128xf32, #tpu.memory_space<vmem>>[vector<16xi32>, vector<16xi32>, vector<16xi32>], vector<16xf32>,
      tpu.vector_store_idx %arg12[%iota3A, %add3A_1006], %gather3A_1030 : memref<16x512xf32, #tpu.memory_space<vmem>>[vector<16xi32>, vector<16xi32>], vector<16xf32>,
      %dma_wait3A_1031 = arith.constant 5 : i32
      %dma_wait3A_1032 = arith.constant 0 : i32
      %dma_wait3A_1033 = arith.constant 0 : i32
      %dma_wait3A_1034 = tpu.memref_slice %arg11[%dma_wait3A_1031, %dma_wait3A_1032, %dma_wait3A_1033] : memref<16x16x128xf32, #tpu.memory_space<vmem>> -> memref<1x16x128xf32, #tpu.memory_space<vmem>>
      %dma_wait3A_1035 = tpu.memref_squeeze %dma_wait3A_1034 : memref<1x16x128xf32, #tpu.memory_space<vmem>> -> memref<16x128xf32, #tpu.memory_space<vmem>>
      %dma_wait3A_1036 = arith.constant 0 : i32
      %dma_wait3A_1037 = arith.constant 0 : i32
      %dma_wait3A_1038 = tpu.memref_slice %arg4[%dma_wait3A_1036, %dma_wait3A_1037] : memref<16x1000000xf32, #tpu.memory_space<hbm>> -> memref<16x128xf32, #tpu.memory_space<hbm>>
      %dma_wait3A_1039 = arith.constant 0 : i32
      %dma_wait3A_1040 = arith.constant 0 : i32
      %dma_wait3A_1041 = tpu.memref_slice %arg11[%dma_wait3A_1031, %dma_wait3A_1039, %dma_wait3A_1040] : memref<16x16x128xf32, #tpu.memory_space<vmem>> -> memref<1x16x128xf32, #tpu.memory_space<vmem>>
      %dma_wait3A_1042 = tpu.memref_squeeze %dma_wait3A_1041 : memref<1x16x128xf32, #tpu.memory_space<vmem>> -> memref<16x128xf32, #tpu.memory_space<vmem>>
      %dma_wait3A_1043 = arith.constant 0 : i32
      %dma_wait3A_1044 = arith.constant 0 : i32
      %dma_wait3A_1045 = tpu.memref_slice %arg4[%dma_wait3A_1043, %dma_wait3A_1044] : memref<16x1000000xf32, #tpu.memory_space<hbm>> -> memref<16x128xf32, #tpu.memory_space<hbm>>
      tpu.wait_dma2 semaphore(%arg15 : memref<!tpu.dma_semaphore, #tpu.memory_space<semaphore_mem>>) src(%dma_wait3A_1045 : memref<16x128xf32, #tpu.memory_space<hbm>>) dst(%dma_wait3A_1042 : memref<16x128xf32, #tpu.memory_space<vmem>>)
      %broadcast_in_dim3A_1046 = arith.constant 1 : i32
      %broadcast_in_dim3A_1047 = vector.broadcast %broadcast_in_dim3A_1046 : i32 to vector<16xi32>
      %slice3A_1048 = vector.extract_strided_slice %and3A_725 {offsets = [5], sizes = [1], strides = [1]} : vector<16xi32> to vector<1xi32>
      %squeeze3A_1049 = vector.extract %slice3A_1048[0] : i32 from vector<1xi32>
      %mul3A_1050 = vector.broadcast %squeeze3A_1049 : i32 to vector<16xi32>
      %mul3A_1051 = arith.muli %broadcast_in_dim3A_1047, %mul3A_1050 : vector<16xi32>
      %broadcast_in_dim3A_1052 = arith.constant 5 : i32
      %broadcast_in_dim3A_1053 = vector.broadcast %broadcast_in_dim3A_1052 : i32 to vector<16xi32>
      %gather3A_1054 = tpu.vector_load_idx %arg11[%broadcast_in_dim3A_1053, %iota3A, %mul3A_1051] : memref<16x16x128xf32, #tpu.memory_space<vmem>>[vector<16xi32>, vector<16xi32>, vector<16xi32>], vector<16xf32>,
      tpu.vector_store_idx %arg13[%iota3A, %add3A_1006], %gather3A_1054 : memref<16x512xf32, #tpu.memory_space<vmem>>[vector<16xi32>, vector<16xi32>], vector<16xf32>,
      %lt3A_1055 = arith.constant 31 : i32
      %lt3A_1056 = arith.cmpi slt, %scan3A_712, %lt3A_1055 : i32
      %convert_element_type3A_1057 = arith.extui %lt3A_1056 : i1 to i32
      %cond3A_1058 = arith.constant 0 : i32
      %cond3A_1059 = arith.cmpi ne, %convert_element_type3A_1057, %cond3A_1058 : i32
      scf.if %cond3A_1059 {
        %add3A_1620 = arith.constant 1 : i32
        %add3A_1621 = arith.addi %scan3A_712, %add3A_1620 : i32
        %mul3A_1622 = arith.constant 16 : i32
        %mul3A_1623 = arith.muli %add3A_1621, %mul3A_1622 : i32
        %get3A_1624 = arith.index_cast %mul3A_1623 : i32 to index
        %get3A_1625 = tpu.vector_load %arg8[%get3A_1624] {strides = array<i32>} : memref<512xi32, #tpu.memory_space<vmem>>, vector<16xi32>,
        %mul3A_1626 = arith.constant 16 : i32
        %mul3A_1627 = arith.muli %add3A_1621, %mul3A_1626 : i32
        %get3A_1628 = arith.index_cast %mul3A_1627 : i32 to index
        %get3A_1629 = tpu.vector_load %arg9[%get3A_1628] {strides = array<i32>} : memref<512xi32, #tpu.memory_space<vmem>>, vector<16xi32>,
        %slice3A_1630 = vector.extract_strided_slice %get3A_1625 {offsets = [5], sizes = [1], strides = [1]} : vector<16xi32> to vector<1xi32>
        %squeeze3A_1631 = vector.extract %slice3A_1630[0] : i32 from vector<1xi32>
        %shift_right_arithmetic3A_1632 = arith.constant 7 : i32
        %shift_right_arithmetic3A_1633 = arith.shrsi %squeeze3A_1631, %shift_right_arithmetic3A_1632 : i32
        %mul3A_1634 = arith.constant 128 : i32
        %mul3A_1635 = arith.muli %shift_right_arithmetic3A_1633, %mul3A_1634 : i32
        %multiple_of3A_1636 = tpu.assume_multiple %mul3A_1635, 128 : i32
        %slice3A_1637 = vector.extract_strided_slice %get3A_1629 {offsets = [5], sizes = [1], strides = [1]} : vector<16xi32> to vector<1xi32>
        %squeeze3A_1638 = vector.extract %slice3A_1637[0] : i32 from vector<1xi32>
        %shift_right_arithmetic3A_1639 = arith.constant 7 : i32
        %shift_right_arithmetic3A_1640 = arith.shrsi %squeeze3A_1638, %shift_right_arithmetic3A_1639 : i32
        %mul3A_1641 = arith.constant 128 : i32
        %mul3A_1642 = arith.muli %shift_right_arithmetic3A_1640, %mul3A_1641 : i32
        %multiple_of3A_1643 = tpu.assume_multiple %mul3A_1642, 128 : i32
        %dma_start3A_1644 = arith.constant 5 : i32
        %dma_start3A_1645 = arith.constant 0 : i32
        %dma_start3A_1646 = arith.constant 0 : i32
        %dma_start3A_1647 = tpu.memref_slice %arg10[%dma_start3A_1644, %dma_start3A_1645, %dma_start3A_1646] : memref<16x16x128xf32, #tpu.memory_space<vmem>> -> memref<1x16x128xf32, #tpu.memory_space<vmem>>
        %dma_start3A_1648 = tpu.memref_squeeze %dma_start3A_1647 : memref<1x16x128xf32, #tpu.memory_space<vmem>> -> memref<16x128xf32, #tpu.memory_space<vmem>>
        %dma_start3A_1649 = arith.constant 0 : i32
        %dma_start3A_1650 = tpu.memref_slice %arg4[%dma_start3A_1649, %multiple_of3A_1636] : memref<16x1000000xf32, #tpu.memory_space<hbm>> -> memref<16x128xf32, #tpu.memory_space<hbm>>
        %dma_start3A_1651 = arith.constant 0 : i32
        %dma_start3A_1652 = arith.constant 0 : i32
        %dma_start3A_1653 = tpu.memref_slice %arg10[%dma_start3A_1644, %dma_start3A_1651, %dma_start3A_1652] : memref<16x16x128xf32, #tpu.memory_space<vmem>> -> memref<1x16x128xf32, #tpu.memory_space<vmem>>
        %dma_start3A_1654 = tpu.memref_squeeze %dma_start3A_1653 : memref<1x16x128xf32, #tpu.memory_space<vmem>> -> memref<16x128xf32, #tpu.memory_space<vmem>>
        %dma_start3A_1655 = arith.constant 0 : i32
        %dma_start3A_1656 = tpu.memref_slice %arg4[%dma_start3A_1655, %multiple_of3A_1636] : memref<16x1000000xf32, #tpu.memory_space<hbm>> -> memref<16x128xf32, #tpu.memory_space<hbm>>
        tpu.enqueue_dma source(%dma_start3A_1656 : memref<16x128xf32, #tpu.memory_space<hbm>>) target(%dma_start3A_1654 : memref<16x128xf32, #tpu.memory_space<vmem>>) target_semaphore(%arg14 : memref<!tpu.dma_semaphore, #tpu.memory_space<semaphore_mem>>)
        %dma_start3A_1657 = arith.constant 5 : i32
        %dma_start3A_1658 = arith.constant 0 : i32
        %dma_start3A_1659 = arith.constant 0 : i32
        %dma_start3A_1660 = tpu.memref_slice %arg11[%dma_start3A_1657, %dma_start3A_1658, %dma_start3A_1659] : memref<16x16x128xf32, #tpu.memory_space<vmem>> -> memref<1x16x128xf32, #tpu.memory_space<vmem>>
        %dma_start3A_1661 = tpu.memref_squeeze %dma_start3A_1660 : memref<1x16x128xf32, #tpu.memory_space<vmem>> -> memref<16x128xf32, #tpu.memory_space<vmem>>
        %dma_start3A_1662 = arith.constant 0 : i32
        %dma_start3A_1663 = tpu.memref_slice %arg5[%dma_start3A_1662, %multiple_of3A_1643] : memref<16x1000000xf32, #tpu.memory_space<hbm>> -> memref<16x128xf32, #tpu.memory_space<hbm>>
        %dma_start3A_1664 = arith.constant 0 : i32
        %dma_start3A_1665 = arith.constant 0 : i32
        %dma_start3A_1666 = tpu.memref_slice %arg11[%dma_start3A_1657, %dma_start3A_1664, %dma_start3A_1665] : memref<16x16x128xf32, #tpu.memory_space<vmem>> -> memref<1x16x128xf32, #tpu.memory_space<vmem>>
        %dma_start3A_1667 = tpu.memref_squeeze %dma_start3A_1666 : memref<1x16x128xf32, #tpu.memory_space<vmem>> -> memref<16x128xf32, #tpu.memory_space<vmem>>
        %dma_start3A_1668 = arith.constant 0 : i32
        %dma_start3A_1669 = tpu.memref_slice %arg5[%dma_start3A_1668, %multiple_of3A_1643] : memref<16x1000000xf32, #tpu.memory_space<hbm>> -> memref<16x128xf32, #tpu.memory_space<hbm>>
        tpu.enqueue_dma source(%dma_start3A_1669 : memref<16x128xf32, #tpu.memory_space<hbm>>) target(%dma_start3A_1667 : memref<16x128xf32, #tpu.memory_space<vmem>>) target_semaphore(%arg15 : memref<!tpu.dma_semaphore, #tpu.memory_space<semaphore_mem>>)
      } else {
      }
      %add3A_1060 = arith.constant 6 : i32
      %add3A_1061 = vector.broadcast %add3A_1060 : i32 to vector<16xi32>
      %add3A_1062 = arith.addi %broadcast_in_dim3A, %add3A_1061 : vector<16xi32>
      %dma_wait3A_1063 = arith.constant 6 : i32
      %dma_wait3A_1064 = arith.constant 0 : i32
      %dma_wait3A_1065 = arith.constant 0 : i32
      %dma_wait3A_1066 = tpu.memref_slice %arg10[%dma_wait3A_1063, %dma_wait3A_1064, %dma_wait3A_1065] : memref<16x16x128xf32, #tpu.memory_space<vmem>> -> memref<1x16x128xf32, #tpu.memory_space<vmem>>
      %dma_wait3A_1067 = tpu.memref_squeeze %dma_wait3A_1066 : memref<1x16x128xf32, #tpu.memory_space<vmem>> -> memref<16x128xf32, #tpu.memory_space<vmem>>
      %dma_wait3A_1068 = arith.constant 0 : i32
      %dma_wait3A_1069 = arith.constant 0 : i32
      %dma_wait3A_1070 = tpu.memref_slice %arg4[%dma_wait3A_1068, %dma_wait3A_1069] : memref<16x1000000xf32, #tpu.memory_space<hbm>> -> memref<16x128xf32, #tpu.memory_space<hbm>>
      %dma_wait3A_1071 = arith.constant 0 : i32
      %dma_wait3A_1072 = arith.constant 0 : i32
      %dma_wait3A_1073 = tpu.memref_slice %arg10[%dma_wait3A_1063, %dma_wait3A_1071, %dma_wait3A_1072] : memref<16x16x128xf32, #tpu.memory_space<vmem>> -> memref<1x16x128xf32, #tpu.memory_space<vmem>>
      %dma_wait3A_1074 = tpu.memref_squeeze %dma_wait3A_1073 : memref<1x16x128xf32, #tpu.memory_space<vmem>> -> memref<16x128xf32, #tpu.memory_space<vmem>>
      %dma_wait3A_1075 = arith.constant 0 : i32
      %dma_wait3A_1076 = arith.constant 0 : i32
      %dma_wait3A_1077 = tpu.memref_slice %arg4[%dma_wait3A_1075, %dma_wait3A_1076] : memref<16x1000000xf32, #tpu.memory_space<hbm>> -> memref<16x128xf32, #tpu.memory_space<hbm>>
      tpu.wait_dma2 semaphore(%arg14 : memref<!tpu.dma_semaphore, #tpu.memory_space<semaphore_mem>>) src(%dma_wait3A_1077 : memref<16x128xf32, #tpu.memory_space<hbm>>) dst(%dma_wait3A_1074 : memref<16x128xf32, #tpu.memory_space<vmem>>)
      %broadcast_in_dim3A_1078 = arith.constant 1 : i32
      %broadcast_in_dim3A_1079 = vector.broadcast %broadcast_in_dim3A_1078 : i32 to vector<16xi32>
      %slice3A_1080 = vector.extract_strided_slice %and3A_722 {offsets = [6], sizes = [1], strides = [1]} : vector<16xi32> to vector<1xi32>
      %squeeze3A_1081 = vector.extract %slice3A_1080[0] : i32 from vector<1xi32>
      %mul3A_1082 = vector.broadcast %squeeze3A_1081 : i32 to vector<16xi32>
      %mul3A_1083 = arith.muli %broadcast_in_dim3A_1079, %mul3A_1082 : vector<16xi32>
      %broadcast_in_dim3A_1084 = arith.constant 6 : i32
      %broadcast_in_dim3A_1085 = vector.broadcast %broadcast_in_dim3A_1084 : i32 to vector<16xi32>
      %gather3A_1086 = tpu.vector_load_idx %arg10[%broadcast_in_dim3A_1085, %iota3A, %mul3A_1083] : memref<16x16x128xf32, #tpu.memory_space<vmem>>[vector<16xi32>, vector<16xi32>, vector<16xi32>], vector<16xf32>,
      tpu.vector_store_idx %arg12[%iota3A, %add3A_1062], %gather3A_1086 : memref<16x512xf32, #tpu.memory_space<vmem>>[vector<16xi32>, vector<16xi32>], vector<16xf32>,
      %dma_wait3A_1087 = arith.constant 6 : i32
      %dma_wait3A_1088 = arith.constant 0 : i32
      %dma_wait3A_1089 = arith.constant 0 : i32
      %dma_wait3A_1090 = tpu.memref_slice %arg11[%dma_wait3A_1087, %dma_wait3A_1088, %dma_wait3A_1089] : memref<16x16x128xf32, #tpu.memory_space<vmem>> -> memref<1x16x128xf32, #tpu.memory_space<vmem>>
      %dma_wait3A_1091 = tpu.memref_squeeze %dma_wait3A_1090 : memref<1x16x128xf32, #tpu.memory_space<vmem>> -> memref<16x128xf32, #tpu.memory_space<vmem>>
      %dma_wait3A_1092 = arith.constant 0 : i32
      %dma_wait3A_1093 = arith.constant 0 : i32
      %dma_wait3A_1094 = tpu.memref_slice %arg4[%dma_wait3A_1092, %dma_wait3A_1093] : memref<16x1000000xf32, #tpu.memory_space<hbm>> -> memref<16x128xf32, #tpu.memory_space<hbm>>
      %dma_wait3A_1095 = arith.constant 0 : i32
      %dma_wait3A_1096 = arith.constant 0 : i32
      %dma_wait3A_1097 = tpu.memref_slice %arg11[%dma_wait3A_1087, %dma_wait3A_1095, %dma_wait3A_1096] : memref<16x16x128xf32, #tpu.memory_space<vmem>> -> memref<1x16x128xf32, #tpu.memory_space<vmem>>
      %dma_wait3A_1098 = tpu.memref_squeeze %dma_wait3A_1097 : memref<1x16x128xf32, #tpu.memory_space<vmem>> -> memref<16x128xf32, #tpu.memory_space<vmem>>
      %dma_wait3A_1099 = arith.constant 0 : i32
      %dma_wait3A_1100 = arith.constant 0 : i32
      %dma_wait3A_1101 = tpu.memref_slice %arg4[%dma_wait3A_1099, %dma_wait3A_1100] : memref<16x1000000xf32, #tpu.memory_space<hbm>> -> memref<16x128xf32, #tpu.memory_space<hbm>>
      tpu.wait_dma2 semaphore(%arg15 : memref<!tpu.dma_semaphore, #tpu.memory_space<semaphore_mem>>) src(%dma_wait3A_1101 : memref<16x128xf32, #tpu.memory_space<hbm>>) dst(%dma_wait3A_1098 : memref<16x128xf32, #tpu.memory_space<vmem>>)
      %broadcast_in_dim3A_1102 = arith.constant 1 : i32
      %broadcast_in_dim3A_1103 = vector.broadcast %broadcast_in_dim3A_1102 : i32 to vector<16xi32>
      %slice3A_1104 = vector.extract_strided_slice %and3A_725 {offsets = [6], sizes = [1], strides = [1]} : vector<16xi32> to vector<1xi32>
      %squeeze3A_1105 = vector.extract %slice3A_1104[0] : i32 from vector<1xi32>
      %mul3A_1106 = vector.broadcast %squeeze3A_1105 : i32 to vector<16xi32>
      %mul3A_1107 = arith.muli %broadcast_in_dim3A_1103, %mul3A_1106 : vector<16xi32>
      %broadcast_in_dim3A_1108 = arith.constant 6 : i32
      %broadcast_in_dim3A_1109 = vector.broadcast %broadcast_in_dim3A_1108 : i32 to vector<16xi32>
      %gather3A_1110 = tpu.vector_load_idx %arg11[%broadcast_in_dim3A_1109, %iota3A, %mul3A_1107] : memref<16x16x128xf32, #tpu.memory_space<vmem>>[vector<16xi32>, vector<16xi32>, vector<16xi32>], vector<16xf32>,
      tpu.vector_store_idx %arg13[%iota3A, %add3A_1062], %gather3A_1110 : memref<16x512xf32, #tpu.memory_space<vmem>>[vector<16xi32>, vector<16xi32>], vector<16xf32>,
      %lt3A_1111 = arith.constant 31 : i32
      %lt3A_1112 = arith.cmpi slt, %scan3A_712, %lt3A_1111 : i32
      %convert_element_type3A_1113 = arith.extui %lt3A_1112 : i1 to i32
      %cond3A_1114 = arith.constant 0 : i32
      %cond3A_1115 = arith.cmpi ne, %convert_element_type3A_1113, %cond3A_1114 : i32
      scf.if %cond3A_1115 {
        %add3A_1620 = arith.constant 1 : i32
        %add3A_1621 = arith.addi %scan3A_712, %add3A_1620 : i32
        %mul3A_1622 = arith.constant 16 : i32
        %mul3A_1623 = arith.muli %add3A_1621, %mul3A_1622 : i32
        %get3A_1624 = arith.index_cast %mul3A_1623 : i32 to index
        %get3A_1625 = tpu.vector_load %arg8[%get3A_1624] {strides = array<i32>} : memref<512xi32, #tpu.memory_space<vmem>>, vector<16xi32>,
        %mul3A_1626 = arith.constant 16 : i32
        %mul3A_1627 = arith.muli %add3A_1621, %mul3A_1626 : i32
        %get3A_1628 = arith.index_cast %mul3A_1627 : i32 to index
        %get3A_1629 = tpu.vector_load %arg9[%get3A_1628] {strides = array<i32>} : memref<512xi32, #tpu.memory_space<vmem>>, vector<16xi32>,
        %slice3A_1630 = vector.extract_strided_slice %get3A_1625 {offsets = [6], sizes = [1], strides = [1]} : vector<16xi32> to vector<1xi32>
        %squeeze3A_1631 = vector.extract %slice3A_1630[0] : i32 from vector<1xi32>
        %shift_right_arithmetic3A_1632 = arith.constant 7 : i32
        %shift_right_arithmetic3A_1633 = arith.shrsi %squeeze3A_1631, %shift_right_arithmetic3A_1632 : i32
        %mul3A_1634 = arith.constant 128 : i32
        %mul3A_1635 = arith.muli %shift_right_arithmetic3A_1633, %mul3A_1634 : i32
        %multiple_of3A_1636 = tpu.assume_multiple %mul3A_1635, 128 : i32
        %slice3A_1637 = vector.extract_strided_slice %get3A_1629 {offsets = [6], sizes = [1], strides = [1]} : vector<16xi32> to vector<1xi32>
        %squeeze3A_1638 = vector.extract %slice3A_1637[0] : i32 from vector<1xi32>
        %shift_right_arithmetic3A_1639 = arith.constant 7 : i32
        %shift_right_arithmetic3A_1640 = arith.shrsi %squeeze3A_1638, %shift_right_arithmetic3A_1639 : i32
        %mul3A_1641 = arith.constant 128 : i32
        %mul3A_1642 = arith.muli %shift_right_arithmetic3A_1640, %mul3A_1641 : i32
        %multiple_of3A_1643 = tpu.assume_multiple %mul3A_1642, 128 : i32
        %dma_start3A_1644 = arith.constant 6 : i32
        %dma_start3A_1645 = arith.constant 0 : i32
        %dma_start3A_1646 = arith.constant 0 : i32
        %dma_start3A_1647 = tpu.memref_slice %arg10[%dma_start3A_1644, %dma_start3A_1645, %dma_start3A_1646] : memref<16x16x128xf32, #tpu.memory_space<vmem>> -> memref<1x16x128xf32, #tpu.memory_space<vmem>>
        %dma_start3A_1648 = tpu.memref_squeeze %dma_start3A_1647 : memref<1x16x128xf32, #tpu.memory_space<vmem>> -> memref<16x128xf32, #tpu.memory_space<vmem>>
        %dma_start3A_1649 = arith.constant 0 : i32
        %dma_start3A_1650 = tpu.memref_slice %arg4[%dma_start3A_1649, %multiple_of3A_1636] : memref<16x1000000xf32, #tpu.memory_space<hbm>> -> memref<16x128xf32, #tpu.memory_space<hbm>>
        %dma_start3A_1651 = arith.constant 0 : i32
        %dma_start3A_1652 = arith.constant 0 : i32
        %dma_start3A_1653 = tpu.memref_slice %arg10[%dma_start3A_1644, %dma_start3A_1651, %dma_start3A_1652] : memref<16x16x128xf32, #tpu.memory_space<vmem>> -> memref<1x16x128xf32, #tpu.memory_space<vmem>>
        %dma_start3A_1654 = tpu.memref_squeeze %dma_start3A_1653 : memref<1x16x128xf32, #tpu.memory_space<vmem>> -> memref<16x128xf32, #tpu.memory_space<vmem>>
        %dma_start3A_1655 = arith.constant 0 : i32
        %dma_start3A_1656 = tpu.memref_slice %arg4[%dma_start3A_1655, %multiple_of3A_1636] : memref<16x1000000xf32, #tpu.memory_space<hbm>> -> memref<16x128xf32, #tpu.memory_space<hbm>>
        tpu.enqueue_dma source(%dma_start3A_1656 : memref<16x128xf32, #tpu.memory_space<hbm>>) target(%dma_start3A_1654 : memref<16x128xf32, #tpu.memory_space<vmem>>) target_semaphore(%arg14 : memref<!tpu.dma_semaphore, #tpu.memory_space<semaphore_mem>>)
        %dma_start3A_1657 = arith.constant 6 : i32
        %dma_start3A_1658 = arith.constant 0 : i32
        %dma_start3A_1659 = arith.constant 0 : i32
        %dma_start3A_1660 = tpu.memref_slice %arg11[%dma_start3A_1657, %dma_start3A_1658, %dma_start3A_1659] : memref<16x16x128xf32, #tpu.memory_space<vmem>> -> memref<1x16x128xf32, #tpu.memory_space<vmem>>
        %dma_start3A_1661 = tpu.memref_squeeze %dma_start3A_1660 : memref<1x16x128xf32, #tpu.memory_space<vmem>> -> memref<16x128xf32, #tpu.memory_space<vmem>>
        %dma_start3A_1662 = arith.constant 0 : i32
        %dma_start3A_1663 = tpu.memref_slice %arg5[%dma_start3A_1662, %multiple_of3A_1643] : memref<16x1000000xf32, #tpu.memory_space<hbm>> -> memref<16x128xf32, #tpu.memory_space<hbm>>
        %dma_start3A_1664 = arith.constant 0 : i32
        %dma_start3A_1665 = arith.constant 0 : i32
        %dma_start3A_1666 = tpu.memref_slice %arg11[%dma_start3A_1657, %dma_start3A_1664, %dma_start3A_1665] : memref<16x16x128xf32, #tpu.memory_space<vmem>> -> memref<1x16x128xf32, #tpu.memory_space<vmem>>
        %dma_start3A_1667 = tpu.memref_squeeze %dma_start3A_1666 : memref<1x16x128xf32, #tpu.memory_space<vmem>> -> memref<16x128xf32, #tpu.memory_space<vmem>>
        %dma_start3A_1668 = arith.constant 0 : i32
        %dma_start3A_1669 = tpu.memref_slice %arg5[%dma_start3A_1668, %multiple_of3A_1643] : memref<16x1000000xf32, #tpu.memory_space<hbm>> -> memref<16x128xf32, #tpu.memory_space<hbm>>
        tpu.enqueue_dma source(%dma_start3A_1669 : memref<16x128xf32, #tpu.memory_space<hbm>>) target(%dma_start3A_1667 : memref<16x128xf32, #tpu.memory_space<vmem>>) target_semaphore(%arg15 : memref<!tpu.dma_semaphore, #tpu.memory_space<semaphore_mem>>)
      } else {
      }
      %add3A_1116 = arith.constant 7 : i32
      %add3A_1117 = vector.broadcast %add3A_1116 : i32 to vector<16xi32>
      %add3A_1118 = arith.addi %broadcast_in_dim3A, %add3A_1117 : vector<16xi32>
      %dma_wait3A_1119 = arith.constant 7 : i32
      %dma_wait3A_1120 = arith.constant 0 : i32
      %dma_wait3A_1121 = arith.constant 0 : i32
      %dma_wait3A_1122 = tpu.memref_slice %arg10[%dma_wait3A_1119, %dma_wait3A_1120, %dma_wait3A_1121] : memref<16x16x128xf32, #tpu.memory_space<vmem>> -> memref<1x16x128xf32, #tpu.memory_space<vmem>>
      %dma_wait3A_1123 = tpu.memref_squeeze %dma_wait3A_1122 : memref<1x16x128xf32, #tpu.memory_space<vmem>> -> memref<16x128xf32, #tpu.memory_space<vmem>>
      %dma_wait3A_1124 = arith.constant 0 : i32
      %dma_wait3A_1125 = arith.constant 0 : i32
      %dma_wait3A_1126 = tpu.memref_slice %arg4[%dma_wait3A_1124, %dma_wait3A_1125] : memref<16x1000000xf32, #tpu.memory_space<hbm>> -> memref<16x128xf32, #tpu.memory_space<hbm>>
      %dma_wait3A_1127 = arith.constant 0 : i32
      %dma_wait3A_1128 = arith.constant 0 : i32
      %dma_wait3A_1129 = tpu.memref_slice %arg10[%dma_wait3A_1119, %dma_wait3A_1127, %dma_wait3A_1128] : memref<16x16x128xf32, #tpu.memory_space<vmem>> -> memref<1x16x128xf32, #tpu.memory_space<vmem>>
      %dma_wait3A_1130 = tpu.memref_squeeze %dma_wait3A_1129 : memref<1x16x128xf32, #tpu.memory_space<vmem>> -> memref<16x128xf32, #tpu.memory_space<vmem>>
      %dma_wait3A_1131 = arith.constant 0 : i32
      %dma_wait3A_1132 = arith.constant 0 : i32
      %dma_wait3A_1133 = tpu.memref_slice %arg4[%dma_wait3A_1131, %dma_wait3A_1132] : memref<16x1000000xf32, #tpu.memory_space<hbm>> -> memref<16x128xf32, #tpu.memory_space<hbm>>
      tpu.wait_dma2 semaphore(%arg14 : memref<!tpu.dma_semaphore, #tpu.memory_space<semaphore_mem>>) src(%dma_wait3A_1133 : memref<16x128xf32, #tpu.memory_space<hbm>>) dst(%dma_wait3A_1130 : memref<16x128xf32, #tpu.memory_space<vmem>>)
      %broadcast_in_dim3A_1134 = arith.constant 1 : i32
      %broadcast_in_dim3A_1135 = vector.broadcast %broadcast_in_dim3A_1134 : i32 to vector<16xi32>
      %slice3A_1136 = vector.extract_strided_slice %and3A_722 {offsets = [7], sizes = [1], strides = [1]} : vector<16xi32> to vector<1xi32>
      %squeeze3A_1137 = vector.extract %slice3A_1136[0] : i32 from vector<1xi32>
      %mul3A_1138 = vector.broadcast %squeeze3A_1137 : i32 to vector<16xi32>
      %mul3A_1139 = arith.muli %broadcast_in_dim3A_1135, %mul3A_1138 : vector<16xi32>
      %broadcast_in_dim3A_1140 = arith.constant 7 : i32
      %broadcast_in_dim3A_1141 = vector.broadcast %broadcast_in_dim3A_1140 : i32 to vector<16xi32>
      %gather3A_1142 = tpu.vector_load_idx %arg10[%broadcast_in_dim3A_1141, %iota3A, %mul3A_1139] : memref<16x16x128xf32, #tpu.memory_space<vmem>>[vector<16xi32>, vector<16xi32>, vector<16xi32>], vector<16xf32>,
      tpu.vector_store_idx %arg12[%iota3A, %add3A_1118], %gather3A_1142 : memref<16x512xf32, #tpu.memory_space<vmem>>[vector<16xi32>, vector<16xi32>], vector<16xf32>,
      %dma_wait3A_1143 = arith.constant 7 : i32
      %dma_wait3A_1144 = arith.constant 0 : i32
      %dma_wait3A_1145 = arith.constant 0 : i32
      %dma_wait3A_1146 = tpu.memref_slice %arg11[%dma_wait3A_1143, %dma_wait3A_1144, %dma_wait3A_1145] : memref<16x16x128xf32, #tpu.memory_space<vmem>> -> memref<1x16x128xf32, #tpu.memory_space<vmem>>
      %dma_wait3A_1147 = tpu.memref_squeeze %dma_wait3A_1146 : memref<1x16x128xf32, #tpu.memory_space<vmem>> -> memref<16x128xf32, #tpu.memory_space<vmem>>
      %dma_wait3A_1148 = arith.constant 0 : i32
      %dma_wait3A_1149 = arith.constant 0 : i32
      %dma_wait3A_1150 = tpu.memref_slice %arg4[%dma_wait3A_1148, %dma_wait3A_1149] : memref<16x1000000xf32, #tpu.memory_space<hbm>> -> memref<16x128xf32, #tpu.memory_space<hbm>>
      %dma_wait3A_1151 = arith.constant 0 : i32
      %dma_wait3A_1152 = arith.constant 0 : i32
      %dma_wait3A_1153 = tpu.memref_slice %arg11[%dma_wait3A_1143, %dma_wait3A_1151, %dma_wait3A_1152] : memref<16x16x128xf32, #tpu.memory_space<vmem>> -> memref<1x16x128xf32, #tpu.memory_space<vmem>>
      %dma_wait3A_1154 = tpu.memref_squeeze %dma_wait3A_1153 : memref<1x16x128xf32, #tpu.memory_space<vmem>> -> memref<16x128xf32, #tpu.memory_space<vmem>>
      %dma_wait3A_1155 = arith.constant 0 : i32
      %dma_wait3A_1156 = arith.constant 0 : i32
      %dma_wait3A_1157 = tpu.memref_slice %arg4[%dma_wait3A_1155, %dma_wait3A_1156] : memref<16x1000000xf32, #tpu.memory_space<hbm>> -> memref<16x128xf32, #tpu.memory_space<hbm>>
      tpu.wait_dma2 semaphore(%arg15 : memref<!tpu.dma_semaphore, #tpu.memory_space<semaphore_mem>>) src(%dma_wait3A_1157 : memref<16x128xf32, #tpu.memory_space<hbm>>) dst(%dma_wait3A_1154 : memref<16x128xf32, #tpu.memory_space<vmem>>)
      %broadcast_in_dim3A_1158 = arith.constant 1 : i32
      %broadcast_in_dim3A_1159 = vector.broadcast %broadcast_in_dim3A_1158 : i32 to vector<16xi32>
      %slice3A_1160 = vector.extract_strided_slice %and3A_725 {offsets = [7], sizes = [1], strides = [1]} : vector<16xi32> to vector<1xi32>
      %squeeze3A_1161 = vector.extract %slice3A_1160[0] : i32 from vector<1xi32>
      %mul3A_1162 = vector.broadcast %squeeze3A_1161 : i32 to vector<16xi32>
      %mul3A_1163 = arith.muli %broadcast_in_dim3A_1159, %mul3A_1162 : vector<16xi32>
      %broadcast_in_dim3A_1164 = arith.constant 7 : i32
      %broadcast_in_dim3A_1165 = vector.broadcast %broadcast_in_dim3A_1164 : i32 to vector<16xi32>
      %gather3A_1166 = tpu.vector_load_idx %arg11[%broadcast_in_dim3A_1165, %iota3A, %mul3A_1163] : memref<16x16x128xf32, #tpu.memory_space<vmem>>[vector<16xi32>, vector<16xi32>, vector<16xi32>], vector<16xf32>,
      tpu.vector_store_idx %arg13[%iota3A, %add3A_1118], %gather3A_1166 : memref<16x512xf32, #tpu.memory_space<vmem>>[vector<16xi32>, vector<16xi32>], vector<16xf32>,
      %lt3A_1167 = arith.constant 31 : i32
      %lt3A_1168 = arith.cmpi slt, %scan3A_712, %lt3A_1167 : i32
      %convert_element_type3A_1169 = arith.extui %lt3A_1168 : i1 to i32
      %cond3A_1170 = arith.constant 0 : i32
      %cond3A_1171 = arith.cmpi ne, %convert_element_type3A_1169, %cond3A_1170 : i32
      scf.if %cond3A_1171 {
        %add3A_1620 = arith.constant 1 : i32
        %add3A_1621 = arith.addi %scan3A_712, %add3A_1620 : i32
        %mul3A_1622 = arith.constant 16 : i32
        %mul3A_1623 = arith.muli %add3A_1621, %mul3A_1622 : i32
        %get3A_1624 = arith.index_cast %mul3A_1623 : i32 to index
        %get3A_1625 = tpu.vector_load %arg8[%get3A_1624] {strides = array<i32>} : memref<512xi32, #tpu.memory_space<vmem>>, vector<16xi32>,
        %mul3A_1626 = arith.constant 16 : i32
        %mul3A_1627 = arith.muli %add3A_1621, %mul3A_1626 : i32
        %get3A_1628 = arith.index_cast %mul3A_1627 : i32 to index
        %get3A_1629 = tpu.vector_load %arg9[%get3A_1628] {strides = array<i32>} : memref<512xi32, #tpu.memory_space<vmem>>, vector<16xi32>,
        %slice3A_1630 = vector.extract_strided_slice %get3A_1625 {offsets = [7], sizes = [1], strides = [1]} : vector<16xi32> to vector<1xi32>
        %squeeze3A_1631 = vector.extract %slice3A_1630[0] : i32 from vector<1xi32>
        %shift_right_arithmetic3A_1632 = arith.constant 7 : i32
        %shift_right_arithmetic3A_1633 = arith.shrsi %squeeze3A_1631, %shift_right_arithmetic3A_1632 : i32
        %mul3A_1634 = arith.constant 128 : i32
        %mul3A_1635 = arith.muli %shift_right_arithmetic3A_1633, %mul3A_1634 : i32
        %multiple_of3A_1636 = tpu.assume_multiple %mul3A_1635, 128 : i32
        %slice3A_1637 = vector.extract_strided_slice %get3A_1629 {offsets = [7], sizes = [1], strides = [1]} : vector<16xi32> to vector<1xi32>
        %squeeze3A_1638 = vector.extract %slice3A_1637[0] : i32 from vector<1xi32>
        %shift_right_arithmetic3A_1639 = arith.constant 7 : i32
        %shift_right_arithmetic3A_1640 = arith.shrsi %squeeze3A_1638, %shift_right_arithmetic3A_1639 : i32
        %mul3A_1641 = arith.constant 128 : i32
        %mul3A_1642 = arith.muli %shift_right_arithmetic3A_1640, %mul3A_1641 : i32
        %multiple_of3A_1643 = tpu.assume_multiple %mul3A_1642, 128 : i32
        %dma_start3A_1644 = arith.constant 7 : i32
        %dma_start3A_1645 = arith.constant 0 : i32
        %dma_start3A_1646 = arith.constant 0 : i32
        %dma_start3A_1647 = tpu.memref_slice %arg10[%dma_start3A_1644, %dma_start3A_1645, %dma_start3A_1646] : memref<16x16x128xf32, #tpu.memory_space<vmem>> -> memref<1x16x128xf32, #tpu.memory_space<vmem>>
        %dma_start3A_1648 = tpu.memref_squeeze %dma_start3A_1647 : memref<1x16x128xf32, #tpu.memory_space<vmem>> -> memref<16x128xf32, #tpu.memory_space<vmem>>
        %dma_start3A_1649 = arith.constant 0 : i32
        %dma_start3A_1650 = tpu.memref_slice %arg4[%dma_start3A_1649, %multiple_of3A_1636] : memref<16x1000000xf32, #tpu.memory_space<hbm>> -> memref<16x128xf32, #tpu.memory_space<hbm>>
        %dma_start3A_1651 = arith.constant 0 : i32
        %dma_start3A_1652 = arith.constant 0 : i32
        %dma_start3A_1653 = tpu.memref_slice %arg10[%dma_start3A_1644, %dma_start3A_1651, %dma_start3A_1652] : memref<16x16x128xf32, #tpu.memory_space<vmem>> -> memref<1x16x128xf32, #tpu.memory_space<vmem>>
        %dma_start3A_1654 = tpu.memref_squeeze %dma_start3A_1653 : memref<1x16x128xf32, #tpu.memory_space<vmem>> -> memref<16x128xf32, #tpu.memory_space<vmem>>
        %dma_start3A_1655 = arith.constant 0 : i32
        %dma_start3A_1656 = tpu.memref_slice %arg4[%dma_start3A_1655, %multiple_of3A_1636] : memref<16x1000000xf32, #tpu.memory_space<hbm>> -> memref<16x128xf32, #tpu.memory_space<hbm>>
        tpu.enqueue_dma source(%dma_start3A_1656 : memref<16x128xf32, #tpu.memory_space<hbm>>) target(%dma_start3A_1654 : memref<16x128xf32, #tpu.memory_space<vmem>>) target_semaphore(%arg14 : memref<!tpu.dma_semaphore, #tpu.memory_space<semaphore_mem>>)
        %dma_start3A_1657 = arith.constant 7 : i32
        %dma_start3A_1658 = arith.constant 0 : i32
        %dma_start3A_1659 = arith.constant 0 : i32
        %dma_start3A_1660 = tpu.memref_slice %arg11[%dma_start3A_1657, %dma_start3A_1658, %dma_start3A_1659] : memref<16x16x128xf32, #tpu.memory_space<vmem>> -> memref<1x16x128xf32, #tpu.memory_space<vmem>>
        %dma_start3A_1661 = tpu.memref_squeeze %dma_start3A_1660 : memref<1x16x128xf32, #tpu.memory_space<vmem>> -> memref<16x128xf32, #tpu.memory_space<vmem>>
        %dma_start3A_1662 = arith.constant 0 : i32
        %dma_start3A_1663 = tpu.memref_slice %arg5[%dma_start3A_1662, %multiple_of3A_1643] : memref<16x1000000xf32, #tpu.memory_space<hbm>> -> memref<16x128xf32, #tpu.memory_space<hbm>>
        %dma_start3A_1664 = arith.constant 0 : i32
        %dma_start3A_1665 = arith.constant 0 : i32
        %dma_start3A_1666 = tpu.memref_slice %arg11[%dma_start3A_1657, %dma_start3A_1664, %dma_start3A_1665] : memref<16x16x128xf32, #tpu.memory_space<vmem>> -> memref<1x16x128xf32, #tpu.memory_space<vmem>>
        %dma_start3A_1667 = tpu.memref_squeeze %dma_start3A_1666 : memref<1x16x128xf32, #tpu.memory_space<vmem>> -> memref<16x128xf32, #tpu.memory_space<vmem>>
        %dma_start3A_1668 = arith.constant 0 : i32
        %dma_start3A_1669 = tpu.memref_slice %arg5[%dma_start3A_1668, %multiple_of3A_1643] : memref<16x1000000xf32, #tpu.memory_space<hbm>> -> memref<16x128xf32, #tpu.memory_space<hbm>>
        tpu.enqueue_dma source(%dma_start3A_1669 : memref<16x128xf32, #tpu.memory_space<hbm>>) target(%dma_start3A_1667 : memref<16x128xf32, #tpu.memory_space<vmem>>) target_semaphore(%arg15 : memref<!tpu.dma_semaphore, #tpu.memory_space<semaphore_mem>>)
      } else {
      }
      %add3A_1172 = arith.constant 8 : i32
      %add3A_1173 = vector.broadcast %add3A_1172 : i32 to vector<16xi32>
      %add3A_1174 = arith.addi %broadcast_in_dim3A, %add3A_1173 : vector<16xi32>
      %dma_wait3A_1175 = arith.constant 8 : i32
      %dma_wait3A_1176 = arith.constant 0 : i32
      %dma_wait3A_1177 = arith.constant 0 : i32
      %dma_wait3A_1178 = tpu.memref_slice %arg10[%dma_wait3A_1175, %dma_wait3A_1176, %dma_wait3A_1177] : memref<16x16x128xf32, #tpu.memory_space<vmem>> -> memref<1x16x128xf32, #tpu.memory_space<vmem>>
      %dma_wait3A_1179 = tpu.memref_squeeze %dma_wait3A_1178 : memref<1x16x128xf32, #tpu.memory_space<vmem>> -> memref<16x128xf32, #tpu.memory_space<vmem>>
      %dma_wait3A_1180 = arith.constant 0 : i32
      %dma_wait3A_1181 = arith.constant 0 : i32
      %dma_wait3A_1182 = tpu.memref_slice %arg4[%dma_wait3A_1180, %dma_wait3A_1181] : memref<16x1000000xf32, #tpu.memory_space<hbm>> -> memref<16x128xf32, #tpu.memory_space<hbm>>
      %dma_wait3A_1183 = arith.constant 0 : i32
      %dma_wait3A_1184 = arith.constant 0 : i32
      %dma_wait3A_1185 = tpu.memref_slice %arg10[%dma_wait3A_1175, %dma_wait3A_1183, %dma_wait3A_1184] : memref<16x16x128xf32, #tpu.memory_space<vmem>> -> memref<1x16x128xf32, #tpu.memory_space<vmem>>
      %dma_wait3A_1186 = tpu.memref_squeeze %dma_wait3A_1185 : memref<1x16x128xf32, #tpu.memory_space<vmem>> -> memref<16x128xf32, #tpu.memory_space<vmem>>
      %dma_wait3A_1187 = arith.constant 0 : i32
      %dma_wait3A_1188 = arith.constant 0 : i32
      %dma_wait3A_1189 = tpu.memref_slice %arg4[%dma_wait3A_1187, %dma_wait3A_1188] : memref<16x1000000xf32, #tpu.memory_space<hbm>> -> memref<16x128xf32, #tpu.memory_space<hbm>>
      tpu.wait_dma2 semaphore(%arg14 : memref<!tpu.dma_semaphore, #tpu.memory_space<semaphore_mem>>) src(%dma_wait3A_1189 : memref<16x128xf32, #tpu.memory_space<hbm>>) dst(%dma_wait3A_1186 : memref<16x128xf32, #tpu.memory_space<vmem>>)
      %broadcast_in_dim3A_1190 = arith.constant 1 : i32
      %broadcast_in_dim3A_1191 = vector.broadcast %broadcast_in_dim3A_1190 : i32 to vector<16xi32>
      %slice3A_1192 = vector.extract_strided_slice %and3A_722 {offsets = [8], sizes = [1], strides = [1]} : vector<16xi32> to vector<1xi32>
      %squeeze3A_1193 = vector.extract %slice3A_1192[0] : i32 from vector<1xi32>
      %mul3A_1194 = vector.broadcast %squeeze3A_1193 : i32 to vector<16xi32>
      %mul3A_1195 = arith.muli %broadcast_in_dim3A_1191, %mul3A_1194 : vector<16xi32>
      %broadcast_in_dim3A_1196 = arith.constant 8 : i32
      %broadcast_in_dim3A_1197 = vector.broadcast %broadcast_in_dim3A_1196 : i32 to vector<16xi32>
      %gather3A_1198 = tpu.vector_load_idx %arg10[%broadcast_in_dim3A_1197, %iota3A, %mul3A_1195] : memref<16x16x128xf32, #tpu.memory_space<vmem>>[vector<16xi32>, vector<16xi32>, vector<16xi32>], vector<16xf32>,
      tpu.vector_store_idx %arg12[%iota3A, %add3A_1174], %gather3A_1198 : memref<16x512xf32, #tpu.memory_space<vmem>>[vector<16xi32>, vector<16xi32>], vector<16xf32>,
      %dma_wait3A_1199 = arith.constant 8 : i32
      %dma_wait3A_1200 = arith.constant 0 : i32
      %dma_wait3A_1201 = arith.constant 0 : i32
      %dma_wait3A_1202 = tpu.memref_slice %arg11[%dma_wait3A_1199, %dma_wait3A_1200, %dma_wait3A_1201] : memref<16x16x128xf32, #tpu.memory_space<vmem>> -> memref<1x16x128xf32, #tpu.memory_space<vmem>>
      %dma_wait3A_1203 = tpu.memref_squeeze %dma_wait3A_1202 : memref<1x16x128xf32, #tpu.memory_space<vmem>> -> memref<16x128xf32, #tpu.memory_space<vmem>>
      %dma_wait3A_1204 = arith.constant 0 : i32
      %dma_wait3A_1205 = arith.constant 0 : i32
      %dma_wait3A_1206 = tpu.memref_slice %arg4[%dma_wait3A_1204, %dma_wait3A_1205] : memref<16x1000000xf32, #tpu.memory_space<hbm>> -> memref<16x128xf32, #tpu.memory_space<hbm>>
      %dma_wait3A_1207 = arith.constant 0 : i32
      %dma_wait3A_1208 = arith.constant 0 : i32
      %dma_wait3A_1209 = tpu.memref_slice %arg11[%dma_wait3A_1199, %dma_wait3A_1207, %dma_wait3A_1208] : memref<16x16x128xf32, #tpu.memory_space<vmem>> -> memref<1x16x128xf32, #tpu.memory_space<vmem>>
      %dma_wait3A_1210 = tpu.memref_squeeze %dma_wait3A_1209 : memref<1x16x128xf32, #tpu.memory_space<vmem>> -> memref<16x128xf32, #tpu.memory_space<vmem>>
      %dma_wait3A_1211 = arith.constant 0 : i32
      %dma_wait3A_1212 = arith.constant 0 : i32
      %dma_wait3A_1213 = tpu.memref_slice %arg4[%dma_wait3A_1211, %dma_wait3A_1212] : memref<16x1000000xf32, #tpu.memory_space<hbm>> -> memref<16x128xf32, #tpu.memory_space<hbm>>
      tpu.wait_dma2 semaphore(%arg15 : memref<!tpu.dma_semaphore, #tpu.memory_space<semaphore_mem>>) src(%dma_wait3A_1213 : memref<16x128xf32, #tpu.memory_space<hbm>>) dst(%dma_wait3A_1210 : memref<16x128xf32, #tpu.memory_space<vmem>>)
      %broadcast_in_dim3A_1214 = arith.constant 1 : i32
      %broadcast_in_dim3A_1215 = vector.broadcast %broadcast_in_dim3A_1214 : i32 to vector<16xi32>
      %slice3A_1216 = vector.extract_strided_slice %and3A_725 {offsets = [8], sizes = [1], strides = [1]} : vector<16xi32> to vector<1xi32>
      %squeeze3A_1217 = vector.extract %slice3A_1216[0] : i32 from vector<1xi32>
      %mul3A_1218 = vector.broadcast %squeeze3A_1217 : i32 to vector<16xi32>
      %mul3A_1219 = arith.muli %broadcast_in_dim3A_1215, %mul3A_1218 : vector<16xi32>
      %broadcast_in_dim3A_1220 = arith.constant 8 : i32
      %broadcast_in_dim3A_1221 = vector.broadcast %broadcast_in_dim3A_1220 : i32 to vector<16xi32>
      %gather3A_1222 = tpu.vector_load_idx %arg11[%broadcast_in_dim3A_1221, %iota3A, %mul3A_1219] : memref<16x16x128xf32, #tpu.memory_space<vmem>>[vector<16xi32>, vector<16xi32>, vector<16xi32>], vector<16xf32>,
      tpu.vector_store_idx %arg13[%iota3A, %add3A_1174], %gather3A_1222 : memref<16x512xf32, #tpu.memory_space<vmem>>[vector<16xi32>, vector<16xi32>], vector<16xf32>,
      %lt3A_1223 = arith.constant 31 : i32
      %lt3A_1224 = arith.cmpi slt, %scan3A_712, %lt3A_1223 : i32
      %convert_element_type3A_1225 = arith.extui %lt3A_1224 : i1 to i32
      %cond3A_1226 = arith.constant 0 : i32
      %cond3A_1227 = arith.cmpi ne, %convert_element_type3A_1225, %cond3A_1226 : i32
      scf.if %cond3A_1227 {
        %add3A_1620 = arith.constant 1 : i32
        %add3A_1621 = arith.addi %scan3A_712, %add3A_1620 : i32
        %mul3A_1622 = arith.constant 16 : i32
        %mul3A_1623 = arith.muli %add3A_1621, %mul3A_1622 : i32
        %get3A_1624 = arith.index_cast %mul3A_1623 : i32 to index
        %get3A_1625 = tpu.vector_load %arg8[%get3A_1624] {strides = array<i32>} : memref<512xi32, #tpu.memory_space<vmem>>, vector<16xi32>,
        %mul3A_1626 = arith.constant 16 : i32
        %mul3A_1627 = arith.muli %add3A_1621, %mul3A_1626 : i32
        %get3A_1628 = arith.index_cast %mul3A_1627 : i32 to index
        %get3A_1629 = tpu.vector_load %arg9[%get3A_1628] {strides = array<i32>} : memref<512xi32, #tpu.memory_space<vmem>>, vector<16xi32>,
        %slice3A_1630 = vector.extract_strided_slice %get3A_1625 {offsets = [8], sizes = [1], strides = [1]} : vector<16xi32> to vector<1xi32>
        %squeeze3A_1631 = vector.extract %slice3A_1630[0] : i32 from vector<1xi32>
        %shift_right_arithmetic3A_1632 = arith.constant 7 : i32
        %shift_right_arithmetic3A_1633 = arith.shrsi %squeeze3A_1631, %shift_right_arithmetic3A_1632 : i32
        %mul3A_1634 = arith.constant 128 : i32
        %mul3A_1635 = arith.muli %shift_right_arithmetic3A_1633, %mul3A_1634 : i32
        %multiple_of3A_1636 = tpu.assume_multiple %mul3A_1635, 128 : i32
        %slice3A_1637 = vector.extract_strided_slice %get3A_1629 {offsets = [8], sizes = [1], strides = [1]} : vector<16xi32> to vector<1xi32>
        %squeeze3A_1638 = vector.extract %slice3A_1637[0] : i32 from vector<1xi32>
        %shift_right_arithmetic3A_1639 = arith.constant 7 : i32
        %shift_right_arithmetic3A_1640 = arith.shrsi %squeeze3A_1638, %shift_right_arithmetic3A_1639 : i32
        %mul3A_1641 = arith.constant 128 : i32
        %mul3A_1642 = arith.muli %shift_right_arithmetic3A_1640, %mul3A_1641 : i32
        %multiple_of3A_1643 = tpu.assume_multiple %mul3A_1642, 128 : i32
        %dma_start3A_1644 = arith.constant 8 : i32
        %dma_start3A_1645 = arith.constant 0 : i32
        %dma_start3A_1646 = arith.constant 0 : i32
        %dma_start3A_1647 = tpu.memref_slice %arg10[%dma_start3A_1644, %dma_start3A_1645, %dma_start3A_1646] : memref<16x16x128xf32, #tpu.memory_space<vmem>> -> memref<1x16x128xf32, #tpu.memory_space<vmem>>
        %dma_start3A_1648 = tpu.memref_squeeze %dma_start3A_1647 : memref<1x16x128xf32, #tpu.memory_space<vmem>> -> memref<16x128xf32, #tpu.memory_space<vmem>>
        %dma_start3A_1649 = arith.constant 0 : i32
        %dma_start3A_1650 = tpu.memref_slice %arg4[%dma_start3A_1649, %multiple_of3A_1636] : memref<16x1000000xf32, #tpu.memory_space<hbm>> -> memref<16x128xf32, #tpu.memory_space<hbm>>
        %dma_start3A_1651 = arith.constant 0 : i32
        %dma_start3A_1652 = arith.constant 0 : i32
        %dma_start3A_1653 = tpu.memref_slice %arg10[%dma_start3A_1644, %dma_start3A_1651, %dma_start3A_1652] : memref<16x16x128xf32, #tpu.memory_space<vmem>> -> memref<1x16x128xf32, #tpu.memory_space<vmem>>
        %dma_start3A_1654 = tpu.memref_squeeze %dma_start3A_1653 : memref<1x16x128xf32, #tpu.memory_space<vmem>> -> memref<16x128xf32, #tpu.memory_space<vmem>>
        %dma_start3A_1655 = arith.constant 0 : i32
        %dma_start3A_1656 = tpu.memref_slice %arg4[%dma_start3A_1655, %multiple_of3A_1636] : memref<16x1000000xf32, #tpu.memory_space<hbm>> -> memref<16x128xf32, #tpu.memory_space<hbm>>
        tpu.enqueue_dma source(%dma_start3A_1656 : memref<16x128xf32, #tpu.memory_space<hbm>>) target(%dma_start3A_1654 : memref<16x128xf32, #tpu.memory_space<vmem>>) target_semaphore(%arg14 : memref<!tpu.dma_semaphore, #tpu.memory_space<semaphore_mem>>)
        %dma_start3A_1657 = arith.constant 8 : i32
        %dma_start3A_1658 = arith.constant 0 : i32
        %dma_start3A_1659 = arith.constant 0 : i32
        %dma_start3A_1660 = tpu.memref_slice %arg11[%dma_start3A_1657, %dma_start3A_1658, %dma_start3A_1659] : memref<16x16x128xf32, #tpu.memory_space<vmem>> -> memref<1x16x128xf32, #tpu.memory_space<vmem>>
        %dma_start3A_1661 = tpu.memref_squeeze %dma_start3A_1660 : memref<1x16x128xf32, #tpu.memory_space<vmem>> -> memref<16x128xf32, #tpu.memory_space<vmem>>
        %dma_start3A_1662 = arith.constant 0 : i32
        %dma_start3A_1663 = tpu.memref_slice %arg5[%dma_start3A_1662, %multiple_of3A_1643] : memref<16x1000000xf32, #tpu.memory_space<hbm>> -> memref<16x128xf32, #tpu.memory_space<hbm>>
        %dma_start3A_1664 = arith.constant 0 : i32
        %dma_start3A_1665 = arith.constant 0 : i32
        %dma_start3A_1666 = tpu.memref_slice %arg11[%dma_start3A_1657, %dma_start3A_1664, %dma_start3A_1665] : memref<16x16x128xf32, #tpu.memory_space<vmem>> -> memref<1x16x128xf32, #tpu.memory_space<vmem>>
        %dma_start3A_1667 = tpu.memref_squeeze %dma_start3A_1666 : memref<1x16x128xf32, #tpu.memory_space<vmem>> -> memref<16x128xf32, #tpu.memory_space<vmem>>
        %dma_start3A_1668 = arith.constant 0 : i32
        %dma_start3A_1669 = tpu.memref_slice %arg5[%dma_start3A_1668, %multiple_of3A_1643] : memref<16x1000000xf32, #tpu.memory_space<hbm>> -> memref<16x128xf32, #tpu.memory_space<hbm>>
        tpu.enqueue_dma source(%dma_start3A_1669 : memref<16x128xf32, #tpu.memory_space<hbm>>) target(%dma_start3A_1667 : memref<16x128xf32, #tpu.memory_space<vmem>>) target_semaphore(%arg15 : memref<!tpu.dma_semaphore, #tpu.memory_space<semaphore_mem>>)
      } else {
      }
      %add3A_1228 = arith.constant 9 : i32
      %add3A_1229 = vector.broadcast %add3A_1228 : i32 to vector<16xi32>
      %add3A_1230 = arith.addi %broadcast_in_dim3A, %add3A_1229 : vector<16xi32>
      %dma_wait3A_1231 = arith.constant 9 : i32
      %dma_wait3A_1232 = arith.constant 0 : i32
      %dma_wait3A_1233 = arith.constant 0 : i32
      %dma_wait3A_1234 = tpu.memref_slice %arg10[%dma_wait3A_1231, %dma_wait3A_1232, %dma_wait3A_1233] : memref<16x16x128xf32, #tpu.memory_space<vmem>> -> memref<1x16x128xf32, #tpu.memory_space<vmem>>
      %dma_wait3A_1235 = tpu.memref_squeeze %dma_wait3A_1234 : memref<1x16x128xf32, #tpu.memory_space<vmem>> -> memref<16x128xf32, #tpu.memory_space<vmem>>
      %dma_wait3A_1236 = arith.constant 0 : i32
      %dma_wait3A_1237 = arith.constant 0 : i32
      %dma_wait3A_1238 = tpu.memref_slice %arg4[%dma_wait3A_1236, %dma_wait3A_1237] : memref<16x1000000xf32, #tpu.memory_space<hbm>> -> memref<16x128xf32, #tpu.memory_space<hbm>>
      %dma_wait3A_1239 = arith.constant 0 : i32
      %dma_wait3A_1240 = arith.constant 0 : i32
      %dma_wait3A_1241 = tpu.memref_slice %arg10[%dma_wait3A_1231, %dma_wait3A_1239, %dma_wait3A_1240] : memref<16x16x128xf32, #tpu.memory_space<vmem>> -> memref<1x16x128xf32, #tpu.memory_space<vmem>>
      %dma_wait3A_1242 = tpu.memref_squeeze %dma_wait3A_1241 : memref<1x16x128xf32, #tpu.memory_space<vmem>> -> memref<16x128xf32, #tpu.memory_space<vmem>>
      %dma_wait3A_1243 = arith.constant 0 : i32
      %dma_wait3A_1244 = arith.constant 0 : i32
      %dma_wait3A_1245 = tpu.memref_slice %arg4[%dma_wait3A_1243, %dma_wait3A_1244] : memref<16x1000000xf32, #tpu.memory_space<hbm>> -> memref<16x128xf32, #tpu.memory_space<hbm>>
      tpu.wait_dma2 semaphore(%arg14 : memref<!tpu.dma_semaphore, #tpu.memory_space<semaphore_mem>>) src(%dma_wait3A_1245 : memref<16x128xf32, #tpu.memory_space<hbm>>) dst(%dma_wait3A_1242 : memref<16x128xf32, #tpu.memory_space<vmem>>)
      %broadcast_in_dim3A_1246 = arith.constant 1 : i32
      %broadcast_in_dim3A_1247 = vector.broadcast %broadcast_in_dim3A_1246 : i32 to vector<16xi32>
      %slice3A_1248 = vector.extract_strided_slice %and3A_722 {offsets = [9], sizes = [1], strides = [1]} : vector<16xi32> to vector<1xi32>
      %squeeze3A_1249 = vector.extract %slice3A_1248[0] : i32 from vector<1xi32>
      %mul3A_1250 = vector.broadcast %squeeze3A_1249 : i32 to vector<16xi32>
      %mul3A_1251 = arith.muli %broadcast_in_dim3A_1247, %mul3A_1250 : vector<16xi32>
      %broadcast_in_dim3A_1252 = arith.constant 9 : i32
      %broadcast_in_dim3A_1253 = vector.broadcast %broadcast_in_dim3A_1252 : i32 to vector<16xi32>
      %gather3A_1254 = tpu.vector_load_idx %arg10[%broadcast_in_dim3A_1253, %iota3A, %mul3A_1251] : memref<16x16x128xf32, #tpu.memory_space<vmem>>[vector<16xi32>, vector<16xi32>, vector<16xi32>], vector<16xf32>,
      tpu.vector_store_idx %arg12[%iota3A, %add3A_1230], %gather3A_1254 : memref<16x512xf32, #tpu.memory_space<vmem>>[vector<16xi32>, vector<16xi32>], vector<16xf32>,
      %dma_wait3A_1255 = arith.constant 9 : i32
      %dma_wait3A_1256 = arith.constant 0 : i32
      %dma_wait3A_1257 = arith.constant 0 : i32
      %dma_wait3A_1258 = tpu.memref_slice %arg11[%dma_wait3A_1255, %dma_wait3A_1256, %dma_wait3A_1257] : memref<16x16x128xf32, #tpu.memory_space<vmem>> -> memref<1x16x128xf32, #tpu.memory_space<vmem>>
      %dma_wait3A_1259 = tpu.memref_squeeze %dma_wait3A_1258 : memref<1x16x128xf32, #tpu.memory_space<vmem>> -> memref<16x128xf32, #tpu.memory_space<vmem>>
      %dma_wait3A_1260 = arith.constant 0 : i32
      %dma_wait3A_1261 = arith.constant 0 : i32
      %dma_wait3A_1262 = tpu.memref_slice %arg4[%dma_wait3A_1260, %dma_wait3A_1261] : memref<16x1000000xf32, #tpu.memory_space<hbm>> -> memref<16x128xf32, #tpu.memory_space<hbm>>
      %dma_wait3A_1263 = arith.constant 0 : i32
      %dma_wait3A_1264 = arith.constant 0 : i32
      %dma_wait3A_1265 = tpu.memref_slice %arg11[%dma_wait3A_1255, %dma_wait3A_1263, %dma_wait3A_1264] : memref<16x16x128xf32, #tpu.memory_space<vmem>> -> memref<1x16x128xf32, #tpu.memory_space<vmem>>
      %dma_wait3A_1266 = tpu.memref_squeeze %dma_wait3A_1265 : memref<1x16x128xf32, #tpu.memory_space<vmem>> -> memref<16x128xf32, #tpu.memory_space<vmem>>
      %dma_wait3A_1267 = arith.constant 0 : i32
      %dma_wait3A_1268 = arith.constant 0 : i32
      %dma_wait3A_1269 = tpu.memref_slice %arg4[%dma_wait3A_1267, %dma_wait3A_1268] : memref<16x1000000xf32, #tpu.memory_space<hbm>> -> memref<16x128xf32, #tpu.memory_space<hbm>>
      tpu.wait_dma2 semaphore(%arg15 : memref<!tpu.dma_semaphore, #tpu.memory_space<semaphore_mem>>) src(%dma_wait3A_1269 : memref<16x128xf32, #tpu.memory_space<hbm>>) dst(%dma_wait3A_1266 : memref<16x128xf32, #tpu.memory_space<vmem>>)
      %broadcast_in_dim3A_1270 = arith.constant 1 : i32
      %broadcast_in_dim3A_1271 = vector.broadcast %broadcast_in_dim3A_1270 : i32 to vector<16xi32>
      %slice3A_1272 = vector.extract_strided_slice %and3A_725 {offsets = [9], sizes = [1], strides = [1]} : vector<16xi32> to vector<1xi32>
      %squeeze3A_1273 = vector.extract %slice3A_1272[0] : i32 from vector<1xi32>
      %mul3A_1274 = vector.broadcast %squeeze3A_1273 : i32 to vector<16xi32>
      %mul3A_1275 = arith.muli %broadcast_in_dim3A_1271, %mul3A_1274 : vector<16xi32>
      %broadcast_in_dim3A_1276 = arith.constant 9 : i32
      %broadcast_in_dim3A_1277 = vector.broadcast %broadcast_in_dim3A_1276 : i32 to vector<16xi32>
      %gather3A_1278 = tpu.vector_load_idx %arg11[%broadcast_in_dim3A_1277, %iota3A, %mul3A_1275] : memref<16x16x128xf32, #tpu.memory_space<vmem>>[vector<16xi32>, vector<16xi32>, vector<16xi32>], vector<16xf32>,
      tpu.vector_store_idx %arg13[%iota3A, %add3A_1230], %gather3A_1278 : memref<16x512xf32, #tpu.memory_space<vmem>>[vector<16xi32>, vector<16xi32>], vector<16xf32>,
      %lt3A_1279 = arith.constant 31 : i32
      %lt3A_1280 = arith.cmpi slt, %scan3A_712, %lt3A_1279 : i32
      %convert_element_type3A_1281 = arith.extui %lt3A_1280 : i1 to i32
      %cond3A_1282 = arith.constant 0 : i32
      %cond3A_1283 = arith.cmpi ne, %convert_element_type3A_1281, %cond3A_1282 : i32
      scf.if %cond3A_1283 {
        %add3A_1620 = arith.constant 1 : i32
        %add3A_1621 = arith.addi %scan3A_712, %add3A_1620 : i32
        %mul3A_1622 = arith.constant 16 : i32
        %mul3A_1623 = arith.muli %add3A_1621, %mul3A_1622 : i32
        %get3A_1624 = arith.index_cast %mul3A_1623 : i32 to index
        %get3A_1625 = tpu.vector_load %arg8[%get3A_1624] {strides = array<i32>} : memref<512xi32, #tpu.memory_space<vmem>>, vector<16xi32>,
        %mul3A_1626 = arith.constant 16 : i32
        %mul3A_1627 = arith.muli %add3A_1621, %mul3A_1626 : i32
        %get3A_1628 = arith.index_cast %mul3A_1627 : i32 to index
        %get3A_1629 = tpu.vector_load %arg9[%get3A_1628] {strides = array<i32>} : memref<512xi32, #tpu.memory_space<vmem>>, vector<16xi32>,
        %slice3A_1630 = vector.extract_strided_slice %get3A_1625 {offsets = [9], sizes = [1], strides = [1]} : vector<16xi32> to vector<1xi32>
        %squeeze3A_1631 = vector.extract %slice3A_1630[0] : i32 from vector<1xi32>
        %shift_right_arithmetic3A_1632 = arith.constant 7 : i32
        %shift_right_arithmetic3A_1633 = arith.shrsi %squeeze3A_1631, %shift_right_arithmetic3A_1632 : i32
        %mul3A_1634 = arith.constant 128 : i32
        %mul3A_1635 = arith.muli %shift_right_arithmetic3A_1633, %mul3A_1634 : i32
        %multiple_of3A_1636 = tpu.assume_multiple %mul3A_1635, 128 : i32
        %slice3A_1637 = vector.extract_strided_slice %get3A_1629 {offsets = [9], sizes = [1], strides = [1]} : vector<16xi32> to vector<1xi32>
        %squeeze3A_1638 = vector.extract %slice3A_1637[0] : i32 from vector<1xi32>
        %shift_right_arithmetic3A_1639 = arith.constant 7 : i32
        %shift_right_arithmetic3A_1640 = arith.shrsi %squeeze3A_1638, %shift_right_arithmetic3A_1639 : i32
        %mul3A_1641 = arith.constant 128 : i32
        %mul3A_1642 = arith.muli %shift_right_arithmetic3A_1640, %mul3A_1641 : i32
        %multiple_of3A_1643 = tpu.assume_multiple %mul3A_1642, 128 : i32
        %dma_start3A_1644 = arith.constant 9 : i32
        %dma_start3A_1645 = arith.constant 0 : i32
        %dma_start3A_1646 = arith.constant 0 : i32
        %dma_start3A_1647 = tpu.memref_slice %arg10[%dma_start3A_1644, %dma_start3A_1645, %dma_start3A_1646] : memref<16x16x128xf32, #tpu.memory_space<vmem>> -> memref<1x16x128xf32, #tpu.memory_space<vmem>>
        %dma_start3A_1648 = tpu.memref_squeeze %dma_start3A_1647 : memref<1x16x128xf32, #tpu.memory_space<vmem>> -> memref<16x128xf32, #tpu.memory_space<vmem>>
        %dma_start3A_1649 = arith.constant 0 : i32
        %dma_start3A_1650 = tpu.memref_slice %arg4[%dma_start3A_1649, %multiple_of3A_1636] : memref<16x1000000xf32, #tpu.memory_space<hbm>> -> memref<16x128xf32, #tpu.memory_space<hbm>>
        %dma_start3A_1651 = arith.constant 0 : i32
        %dma_start3A_1652 = arith.constant 0 : i32
        %dma_start3A_1653 = tpu.memref_slice %arg10[%dma_start3A_1644, %dma_start3A_1651, %dma_start3A_1652] : memref<16x16x128xf32, #tpu.memory_space<vmem>> -> memref<1x16x128xf32, #tpu.memory_space<vmem>>
        %dma_start3A_1654 = tpu.memref_squeeze %dma_start3A_1653 : memref<1x16x128xf32, #tpu.memory_space<vmem>> -> memref<16x128xf32, #tpu.memory_space<vmem>>
        %dma_start3A_1655 = arith.constant 0 : i32
        %dma_start3A_1656 = tpu.memref_slice %arg4[%dma_start3A_1655, %multiple_of3A_1636] : memref<16x1000000xf32, #tpu.memory_space<hbm>> -> memref<16x128xf32, #tpu.memory_space<hbm>>
        tpu.enqueue_dma source(%dma_start3A_1656 : memref<16x128xf32, #tpu.memory_space<hbm>>) target(%dma_start3A_1654 : memref<16x128xf32, #tpu.memory_space<vmem>>) target_semaphore(%arg14 : memref<!tpu.dma_semaphore, #tpu.memory_space<semaphore_mem>>)
        %dma_start3A_1657 = arith.constant 9 : i32
        %dma_start3A_1658 = arith.constant 0 : i32
        %dma_start3A_1659 = arith.constant 0 : i32
        %dma_start3A_1660 = tpu.memref_slice %arg11[%dma_start3A_1657, %dma_start3A_1658, %dma_start3A_1659] : memref<16x16x128xf32, #tpu.memory_space<vmem>> -> memref<1x16x128xf32, #tpu.memory_space<vmem>>
        %dma_start3A_1661 = tpu.memref_squeeze %dma_start3A_1660 : memref<1x16x128xf32, #tpu.memory_space<vmem>> -> memref<16x128xf32, #tpu.memory_space<vmem>>
        %dma_start3A_1662 = arith.constant 0 : i32
        %dma_start3A_1663 = tpu.memref_slice %arg5[%dma_start3A_1662, %multiple_of3A_1643] : memref<16x1000000xf32, #tpu.memory_space<hbm>> -> memref<16x128xf32, #tpu.memory_space<hbm>>
        %dma_start3A_1664 = arith.constant 0 : i32
        %dma_start3A_1665 = arith.constant 0 : i32
        %dma_start3A_1666 = tpu.memref_slice %arg11[%dma_start3A_1657, %dma_start3A_1664, %dma_start3A_1665] : memref<16x16x128xf32, #tpu.memory_space<vmem>> -> memref<1x16x128xf32, #tpu.memory_space<vmem>>
        %dma_start3A_1667 = tpu.memref_squeeze %dma_start3A_1666 : memref<1x16x128xf32, #tpu.memory_space<vmem>> -> memref<16x128xf32, #tpu.memory_space<vmem>>
        %dma_start3A_1668 = arith.constant 0 : i32
        %dma_start3A_1669 = tpu.memref_slice %arg5[%dma_start3A_1668, %multiple_of3A_1643] : memref<16x1000000xf32, #tpu.memory_space<hbm>> -> memref<16x128xf32, #tpu.memory_space<hbm>>
        tpu.enqueue_dma source(%dma_start3A_1669 : memref<16x128xf32, #tpu.memory_space<hbm>>) target(%dma_start3A_1667 : memref<16x128xf32, #tpu.memory_space<vmem>>) target_semaphore(%arg15 : memref<!tpu.dma_semaphore, #tpu.memory_space<semaphore_mem>>)
      } else {
      }
      %add3A_1284 = arith.constant 10 : i32
      %add3A_1285 = vector.broadcast %add3A_1284 : i32 to vector<16xi32>
      %add3A_1286 = arith.addi %broadcast_in_dim3A, %add3A_1285 : vector<16xi32>
      %dma_wait3A_1287 = arith.constant 10 : i32
      %dma_wait3A_1288 = arith.constant 0 : i32
      %dma_wait3A_1289 = arith.constant 0 : i32
      %dma_wait3A_1290 = tpu.memref_slice %arg10[%dma_wait3A_1287, %dma_wait3A_1288, %dma_wait3A_1289] : memref<16x16x128xf32, #tpu.memory_space<vmem>> -> memref<1x16x128xf32, #tpu.memory_space<vmem>>
      %dma_wait3A_1291 = tpu.memref_squeeze %dma_wait3A_1290 : memref<1x16x128xf32, #tpu.memory_space<vmem>> -> memref<16x128xf32, #tpu.memory_space<vmem>>
      %dma_wait3A_1292 = arith.constant 0 : i32
      %dma_wait3A_1293 = arith.constant 0 : i32
      %dma_wait3A_1294 = tpu.memref_slice %arg4[%dma_wait3A_1292, %dma_wait3A_1293] : memref<16x1000000xf32, #tpu.memory_space<hbm>> -> memref<16x128xf32, #tpu.memory_space<hbm>>
      %dma_wait3A_1295 = arith.constant 0 : i32
      %dma_wait3A_1296 = arith.constant 0 : i32
      %dma_wait3A_1297 = tpu.memref_slice %arg10[%dma_wait3A_1287, %dma_wait3A_1295, %dma_wait3A_1296] : memref<16x16x128xf32, #tpu.memory_space<vmem>> -> memref<1x16x128xf32, #tpu.memory_space<vmem>>
      %dma_wait3A_1298 = tpu.memref_squeeze %dma_wait3A_1297 : memref<1x16x128xf32, #tpu.memory_space<vmem>> -> memref<16x128xf32, #tpu.memory_space<vmem>>
      %dma_wait3A_1299 = arith.constant 0 : i32
      %dma_wait3A_1300 = arith.constant 0 : i32
      %dma_wait3A_1301 = tpu.memref_slice %arg4[%dma_wait3A_1299, %dma_wait3A_1300] : memref<16x1000000xf32, #tpu.memory_space<hbm>> -> memref<16x128xf32, #tpu.memory_space<hbm>>
      tpu.wait_dma2 semaphore(%arg14 : memref<!tpu.dma_semaphore, #tpu.memory_space<semaphore_mem>>) src(%dma_wait3A_1301 : memref<16x128xf32, #tpu.memory_space<hbm>>) dst(%dma_wait3A_1298 : memref<16x128xf32, #tpu.memory_space<vmem>>)
      %broadcast_in_dim3A_1302 = arith.constant 1 : i32
      %broadcast_in_dim3A_1303 = vector.broadcast %broadcast_in_dim3A_1302 : i32 to vector<16xi32>
      %slice3A_1304 = vector.extract_strided_slice %and3A_722 {offsets = [10], sizes = [1], strides = [1]} : vector<16xi32> to vector<1xi32>
      %squeeze3A_1305 = vector.extract %slice3A_1304[0] : i32 from vector<1xi32>
      %mul3A_1306 = vector.broadcast %squeeze3A_1305 : i32 to vector<16xi32>
      %mul3A_1307 = arith.muli %broadcast_in_dim3A_1303, %mul3A_1306 : vector<16xi32>
      %broadcast_in_dim3A_1308 = arith.constant 10 : i32
      %broadcast_in_dim3A_1309 = vector.broadcast %broadcast_in_dim3A_1308 : i32 to vector<16xi32>
      %gather3A_1310 = tpu.vector_load_idx %arg10[%broadcast_in_dim3A_1309, %iota3A, %mul3A_1307] : memref<16x16x128xf32, #tpu.memory_space<vmem>>[vector<16xi32>, vector<16xi32>, vector<16xi32>], vector<16xf32>,
      tpu.vector_store_idx %arg12[%iota3A, %add3A_1286], %gather3A_1310 : memref<16x512xf32, #tpu.memory_space<vmem>>[vector<16xi32>, vector<16xi32>], vector<16xf32>,
      %dma_wait3A_1311 = arith.constant 10 : i32
      %dma_wait3A_1312 = arith.constant 0 : i32
      %dma_wait3A_1313 = arith.constant 0 : i32
      %dma_wait3A_1314 = tpu.memref_slice %arg11[%dma_wait3A_1311, %dma_wait3A_1312, %dma_wait3A_1313] : memref<16x16x128xf32, #tpu.memory_space<vmem>> -> memref<1x16x128xf32, #tpu.memory_space<vmem>>
      %dma_wait3A_1315 = tpu.memref_squeeze %dma_wait3A_1314 : memref<1x16x128xf32, #tpu.memory_space<vmem>> -> memref<16x128xf32, #tpu.memory_space<vmem>>
      %dma_wait3A_1316 = arith.constant 0 : i32
      %dma_wait3A_1317 = arith.constant 0 : i32
      %dma_wait3A_1318 = tpu.memref_slice %arg4[%dma_wait3A_1316, %dma_wait3A_1317] : memref<16x1000000xf32, #tpu.memory_space<hbm>> -> memref<16x128xf32, #tpu.memory_space<hbm>>
      %dma_wait3A_1319 = arith.constant 0 : i32
      %dma_wait3A_1320 = arith.constant 0 : i32
      %dma_wait3A_1321 = tpu.memref_slice %arg11[%dma_wait3A_1311, %dma_wait3A_1319, %dma_wait3A_1320] : memref<16x16x128xf32, #tpu.memory_space<vmem>> -> memref<1x16x128xf32, #tpu.memory_space<vmem>>
      %dma_wait3A_1322 = tpu.memref_squeeze %dma_wait3A_1321 : memref<1x16x128xf32, #tpu.memory_space<vmem>> -> memref<16x128xf32, #tpu.memory_space<vmem>>
      %dma_wait3A_1323 = arith.constant 0 : i32
      %dma_wait3A_1324 = arith.constant 0 : i32
      %dma_wait3A_1325 = tpu.memref_slice %arg4[%dma_wait3A_1323, %dma_wait3A_1324] : memref<16x1000000xf32, #tpu.memory_space<hbm>> -> memref<16x128xf32, #tpu.memory_space<hbm>>
      tpu.wait_dma2 semaphore(%arg15 : memref<!tpu.dma_semaphore, #tpu.memory_space<semaphore_mem>>) src(%dma_wait3A_1325 : memref<16x128xf32, #tpu.memory_space<hbm>>) dst(%dma_wait3A_1322 : memref<16x128xf32, #tpu.memory_space<vmem>>)
      %broadcast_in_dim3A_1326 = arith.constant 1 : i32
      %broadcast_in_dim3A_1327 = vector.broadcast %broadcast_in_dim3A_1326 : i32 to vector<16xi32>
      %slice3A_1328 = vector.extract_strided_slice %and3A_725 {offsets = [10], sizes = [1], strides = [1]} : vector<16xi32> to vector<1xi32>
      %squeeze3A_1329 = vector.extract %slice3A_1328[0] : i32 from vector<1xi32>
      %mul3A_1330 = vector.broadcast %squeeze3A_1329 : i32 to vector<16xi32>
      %mul3A_1331 = arith.muli %broadcast_in_dim3A_1327, %mul3A_1330 : vector<16xi32>
      %broadcast_in_dim3A_1332 = arith.constant 10 : i32
      %broadcast_in_dim3A_1333 = vector.broadcast %broadcast_in_dim3A_1332 : i32 to vector<16xi32>
      %gather3A_1334 = tpu.vector_load_idx %arg11[%broadcast_in_dim3A_1333, %iota3A, %mul3A_1331] : memref<16x16x128xf32, #tpu.memory_space<vmem>>[vector<16xi32>, vector<16xi32>, vector<16xi32>], vector<16xf32>,
      tpu.vector_store_idx %arg13[%iota3A, %add3A_1286], %gather3A_1334 : memref<16x512xf32, #tpu.memory_space<vmem>>[vector<16xi32>, vector<16xi32>], vector<16xf32>,
      %lt3A_1335 = arith.constant 31 : i32
      %lt3A_1336 = arith.cmpi slt, %scan3A_712, %lt3A_1335 : i32
      %convert_element_type3A_1337 = arith.extui %lt3A_1336 : i1 to i32
      %cond3A_1338 = arith.constant 0 : i32
      %cond3A_1339 = arith.cmpi ne, %convert_element_type3A_1337, %cond3A_1338 : i32
      scf.if %cond3A_1339 {
        %add3A_1620 = arith.constant 1 : i32
        %add3A_1621 = arith.addi %scan3A_712, %add3A_1620 : i32
        %mul3A_1622 = arith.constant 16 : i32
        %mul3A_1623 = arith.muli %add3A_1621, %mul3A_1622 : i32
        %get3A_1624 = arith.index_cast %mul3A_1623 : i32 to index
        %get3A_1625 = tpu.vector_load %arg8[%get3A_1624] {strides = array<i32>} : memref<512xi32, #tpu.memory_space<vmem>>, vector<16xi32>,
        %mul3A_1626 = arith.constant 16 : i32
        %mul3A_1627 = arith.muli %add3A_1621, %mul3A_1626 : i32
        %get3A_1628 = arith.index_cast %mul3A_1627 : i32 to index
        %get3A_1629 = tpu.vector_load %arg9[%get3A_1628] {strides = array<i32>} : memref<512xi32, #tpu.memory_space<vmem>>, vector<16xi32>,
        %slice3A_1630 = vector.extract_strided_slice %get3A_1625 {offsets = [10], sizes = [1], strides = [1]} : vector<16xi32> to vector<1xi32>
        %squeeze3A_1631 = vector.extract %slice3A_1630[0] : i32 from vector<1xi32>
        %shift_right_arithmetic3A_1632 = arith.constant 7 : i32
        %shift_right_arithmetic3A_1633 = arith.shrsi %squeeze3A_1631, %shift_right_arithmetic3A_1632 : i32
        %mul3A_1634 = arith.constant 128 : i32
        %mul3A_1635 = arith.muli %shift_right_arithmetic3A_1633, %mul3A_1634 : i32
        %multiple_of3A_1636 = tpu.assume_multiple %mul3A_1635, 128 : i32
        %slice3A_1637 = vector.extract_strided_slice %get3A_1629 {offsets = [10], sizes = [1], strides = [1]} : vector<16xi32> to vector<1xi32>
        %squeeze3A_1638 = vector.extract %slice3A_1637[0] : i32 from vector<1xi32>
        %shift_right_arithmetic3A_1639 = arith.constant 7 : i32
        %shift_right_arithmetic3A_1640 = arith.shrsi %squeeze3A_1638, %shift_right_arithmetic3A_1639 : i32
        %mul3A_1641 = arith.constant 128 : i32
        %mul3A_1642 = arith.muli %shift_right_arithmetic3A_1640, %mul3A_1641 : i32
        %multiple_of3A_1643 = tpu.assume_multiple %mul3A_1642, 128 : i32
        %dma_start3A_1644 = arith.constant 10 : i32
        %dma_start3A_1645 = arith.constant 0 : i32
        %dma_start3A_1646 = arith.constant 0 : i32
        %dma_start3A_1647 = tpu.memref_slice %arg10[%dma_start3A_1644, %dma_start3A_1645, %dma_start3A_1646] : memref<16x16x128xf32, #tpu.memory_space<vmem>> -> memref<1x16x128xf32, #tpu.memory_space<vmem>>
        %dma_start3A_1648 = tpu.memref_squeeze %dma_start3A_1647 : memref<1x16x128xf32, #tpu.memory_space<vmem>> -> memref<16x128xf32, #tpu.memory_space<vmem>>
        %dma_start3A_1649 = arith.constant 0 : i32
        %dma_start3A_1650 = tpu.memref_slice %arg4[%dma_start3A_1649, %multiple_of3A_1636] : memref<16x1000000xf32, #tpu.memory_space<hbm>> -> memref<16x128xf32, #tpu.memory_space<hbm>>
        %dma_start3A_1651 = arith.constant 0 : i32
        %dma_start3A_1652 = arith.constant 0 : i32
        %dma_start3A_1653 = tpu.memref_slice %arg10[%dma_start3A_1644, %dma_start3A_1651, %dma_start3A_1652] : memref<16x16x128xf32, #tpu.memory_space<vmem>> -> memref<1x16x128xf32, #tpu.memory_space<vmem>>
        %dma_start3A_1654 = tpu.memref_squeeze %dma_start3A_1653 : memref<1x16x128xf32, #tpu.memory_space<vmem>> -> memref<16x128xf32, #tpu.memory_space<vmem>>
        %dma_start3A_1655 = arith.constant 0 : i32
        %dma_start3A_1656 = tpu.memref_slice %arg4[%dma_start3A_1655, %multiple_of3A_1636] : memref<16x1000000xf32, #tpu.memory_space<hbm>> -> memref<16x128xf32, #tpu.memory_space<hbm>>
        tpu.enqueue_dma source(%dma_start3A_1656 : memref<16x128xf32, #tpu.memory_space<hbm>>) target(%dma_start3A_1654 : memref<16x128xf32, #tpu.memory_space<vmem>>) target_semaphore(%arg14 : memref<!tpu.dma_semaphore, #tpu.memory_space<semaphore_mem>>)
        %dma_start3A_1657 = arith.constant 10 : i32
        %dma_start3A_1658 = arith.constant 0 : i32
        %dma_start3A_1659 = arith.constant 0 : i32
        %dma_start3A_1660 = tpu.memref_slice %arg11[%dma_start3A_1657, %dma_start3A_1658, %dma_start3A_1659] : memref<16x16x128xf32, #tpu.memory_space<vmem>> -> memref<1x16x128xf32, #tpu.memory_space<vmem>>
        %dma_start3A_1661 = tpu.memref_squeeze %dma_start3A_1660 : memref<1x16x128xf32, #tpu.memory_space<vmem>> -> memref<16x128xf32, #tpu.memory_space<vmem>>
        %dma_start3A_1662 = arith.constant 0 : i32
        %dma_start3A_1663 = tpu.memref_slice %arg5[%dma_start3A_1662, %multiple_of3A_1643] : memref<16x1000000xf32, #tpu.memory_space<hbm>> -> memref<16x128xf32, #tpu.memory_space<hbm>>
        %dma_start3A_1664 = arith.constant 0 : i32
        %dma_start3A_1665 = arith.constant 0 : i32
        %dma_start3A_1666 = tpu.memref_slice %arg11[%dma_start3A_1657, %dma_start3A_1664, %dma_start3A_1665] : memref<16x16x128xf32, #tpu.memory_space<vmem>> -> memref<1x16x128xf32, #tpu.memory_space<vmem>>
        %dma_start3A_1667 = tpu.memref_squeeze %dma_start3A_1666 : memref<1x16x128xf32, #tpu.memory_space<vmem>> -> memref<16x128xf32, #tpu.memory_space<vmem>>
        %dma_start3A_1668 = arith.constant 0 : i32
        %dma_start3A_1669 = tpu.memref_slice %arg5[%dma_start3A_1668, %multiple_of3A_1643] : memref<16x1000000xf32, #tpu.memory_space<hbm>> -> memref<16x128xf32, #tpu.memory_space<hbm>>
        tpu.enqueue_dma source(%dma_start3A_1669 : memref<16x128xf32, #tpu.memory_space<hbm>>) target(%dma_start3A_1667 : memref<16x128xf32, #tpu.memory_space<vmem>>) target_semaphore(%arg15 : memref<!tpu.dma_semaphore, #tpu.memory_space<semaphore_mem>>)
      } else {
      }
      %add3A_1340 = arith.constant 11 : i32
      %add3A_1341 = vector.broadcast %add3A_1340 : i32 to vector<16xi32>
      %add3A_1342 = arith.addi %broadcast_in_dim3A, %add3A_1341 : vector<16xi32>
      %dma_wait3A_1343 = arith.constant 11 : i32
      %dma_wait3A_1344 = arith.constant 0 : i32
      %dma_wait3A_1345 = arith.constant 0 : i32
      %dma_wait3A_1346 = tpu.memref_slice %arg10[%dma_wait3A_1343, %dma_wait3A_1344, %dma_wait3A_1345] : memref<16x16x128xf32, #tpu.memory_space<vmem>> -> memref<1x16x128xf32, #tpu.memory_space<vmem>>
      %dma_wait3A_1347 = tpu.memref_squeeze %dma_wait3A_1346 : memref<1x16x128xf32, #tpu.memory_space<vmem>> -> memref<16x128xf32, #tpu.memory_space<vmem>>
      %dma_wait3A_1348 = arith.constant 0 : i32
      %dma_wait3A_1349 = arith.constant 0 : i32
      %dma_wait3A_1350 = tpu.memref_slice %arg4[%dma_wait3A_1348, %dma_wait3A_1349] : memref<16x1000000xf32, #tpu.memory_space<hbm>> -> memref<16x128xf32, #tpu.memory_space<hbm>>
      %dma_wait3A_1351 = arith.constant 0 : i32
      %dma_wait3A_1352 = arith.constant 0 : i32
      %dma_wait3A_1353 = tpu.memref_slice %arg10[%dma_wait3A_1343, %dma_wait3A_1351, %dma_wait3A_1352] : memref<16x16x128xf32, #tpu.memory_space<vmem>> -> memref<1x16x128xf32, #tpu.memory_space<vmem>>
      %dma_wait3A_1354 = tpu.memref_squeeze %dma_wait3A_1353 : memref<1x16x128xf32, #tpu.memory_space<vmem>> -> memref<16x128xf32, #tpu.memory_space<vmem>>
      %dma_wait3A_1355 = arith.constant 0 : i32
      %dma_wait3A_1356 = arith.constant 0 : i32
      %dma_wait3A_1357 = tpu.memref_slice %arg4[%dma_wait3A_1355, %dma_wait3A_1356] : memref<16x1000000xf32, #tpu.memory_space<hbm>> -> memref<16x128xf32, #tpu.memory_space<hbm>>
      tpu.wait_dma2 semaphore(%arg14 : memref<!tpu.dma_semaphore, #tpu.memory_space<semaphore_mem>>) src(%dma_wait3A_1357 : memref<16x128xf32, #tpu.memory_space<hbm>>) dst(%dma_wait3A_1354 : memref<16x128xf32, #tpu.memory_space<vmem>>)
      %broadcast_in_dim3A_1358 = arith.constant 1 : i32
      %broadcast_in_dim3A_1359 = vector.broadcast %broadcast_in_dim3A_1358 : i32 to vector<16xi32>
      %slice3A_1360 = vector.extract_strided_slice %and3A_722 {offsets = [11], sizes = [1], strides = [1]} : vector<16xi32> to vector<1xi32>
      %squeeze3A_1361 = vector.extract %slice3A_1360[0] : i32 from vector<1xi32>
      %mul3A_1362 = vector.broadcast %squeeze3A_1361 : i32 to vector<16xi32>
      %mul3A_1363 = arith.muli %broadcast_in_dim3A_1359, %mul3A_1362 : vector<16xi32>
      %broadcast_in_dim3A_1364 = arith.constant 11 : i32
      %broadcast_in_dim3A_1365 = vector.broadcast %broadcast_in_dim3A_1364 : i32 to vector<16xi32>
      %gather3A_1366 = tpu.vector_load_idx %arg10[%broadcast_in_dim3A_1365, %iota3A, %mul3A_1363] : memref<16x16x128xf32, #tpu.memory_space<vmem>>[vector<16xi32>, vector<16xi32>, vector<16xi32>], vector<16xf32>,
      tpu.vector_store_idx %arg12[%iota3A, %add3A_1342], %gather3A_1366 : memref<16x512xf32, #tpu.memory_space<vmem>>[vector<16xi32>, vector<16xi32>], vector<16xf32>,
      %dma_wait3A_1367 = arith.constant 11 : i32
      %dma_wait3A_1368 = arith.constant 0 : i32
      %dma_wait3A_1369 = arith.constant 0 : i32
      %dma_wait3A_1370 = tpu.memref_slice %arg11[%dma_wait3A_1367, %dma_wait3A_1368, %dma_wait3A_1369] : memref<16x16x128xf32, #tpu.memory_space<vmem>> -> memref<1x16x128xf32, #tpu.memory_space<vmem>>
      %dma_wait3A_1371 = tpu.memref_squeeze %dma_wait3A_1370 : memref<1x16x128xf32, #tpu.memory_space<vmem>> -> memref<16x128xf32, #tpu.memory_space<vmem>>
      %dma_wait3A_1372 = arith.constant 0 : i32
      %dma_wait3A_1373 = arith.constant 0 : i32
      %dma_wait3A_1374 = tpu.memref_slice %arg4[%dma_wait3A_1372, %dma_wait3A_1373] : memref<16x1000000xf32, #tpu.memory_space<hbm>> -> memref<16x128xf32, #tpu.memory_space<hbm>>
      %dma_wait3A_1375 = arith.constant 0 : i32
      %dma_wait3A_1376 = arith.constant 0 : i32
      %dma_wait3A_1377 = tpu.memref_slice %arg11[%dma_wait3A_1367, %dma_wait3A_1375, %dma_wait3A_1376] : memref<16x16x128xf32, #tpu.memory_space<vmem>> -> memref<1x16x128xf32, #tpu.memory_space<vmem>>
      %dma_wait3A_1378 = tpu.memref_squeeze %dma_wait3A_1377 : memref<1x16x128xf32, #tpu.memory_space<vmem>> -> memref<16x128xf32, #tpu.memory_space<vmem>>
      %dma_wait3A_1379 = arith.constant 0 : i32
      %dma_wait3A_1380 = arith.constant 0 : i32
      %dma_wait3A_1381 = tpu.memref_slice %arg4[%dma_wait3A_1379, %dma_wait3A_1380] : memref<16x1000000xf32, #tpu.memory_space<hbm>> -> memref<16x128xf32, #tpu.memory_space<hbm>>
      tpu.wait_dma2 semaphore(%arg15 : memref<!tpu.dma_semaphore, #tpu.memory_space<semaphore_mem>>) src(%dma_wait3A_1381 : memref<16x128xf32, #tpu.memory_space<hbm>>) dst(%dma_wait3A_1378 : memref<16x128xf32, #tpu.memory_space<vmem>>)
      %broadcast_in_dim3A_1382 = arith.constant 1 : i32
      %broadcast_in_dim3A_1383 = vector.broadcast %broadcast_in_dim3A_1382 : i32 to vector<16xi32>
      %slice3A_1384 = vector.extract_strided_slice %and3A_725 {offsets = [11], sizes = [1], strides = [1]} : vector<16xi32> to vector<1xi32>
      %squeeze3A_1385 = vector.extract %slice3A_1384[0] : i32 from vector<1xi32>
      %mul3A_1386 = vector.broadcast %squeeze3A_1385 : i32 to vector<16xi32>
      %mul3A_1387 = arith.muli %broadcast_in_dim3A_1383, %mul3A_1386 : vector<16xi32>
      %broadcast_in_dim3A_1388 = arith.constant 11 : i32
      %broadcast_in_dim3A_1389 = vector.broadcast %broadcast_in_dim3A_1388 : i32 to vector<16xi32>
      %gather3A_1390 = tpu.vector_load_idx %arg11[%broadcast_in_dim3A_1389, %iota3A, %mul3A_1387] : memref<16x16x128xf32, #tpu.memory_space<vmem>>[vector<16xi32>, vector<16xi32>, vector<16xi32>], vector<16xf32>,
      tpu.vector_store_idx %arg13[%iota3A, %add3A_1342], %gather3A_1390 : memref<16x512xf32, #tpu.memory_space<vmem>>[vector<16xi32>, vector<16xi32>], vector<16xf32>,
      %lt3A_1391 = arith.constant 31 : i32
      %lt3A_1392 = arith.cmpi slt, %scan3A_712, %lt3A_1391 : i32
      %convert_element_type3A_1393 = arith.extui %lt3A_1392 : i1 to i32
      %cond3A_1394 = arith.constant 0 : i32
      %cond3A_1395 = arith.cmpi ne, %convert_element_type3A_1393, %cond3A_1394 : i32
      scf.if %cond3A_1395 {
        %add3A_1620 = arith.constant 1 : i32
        %add3A_1621 = arith.addi %scan3A_712, %add3A_1620 : i32
        %mul3A_1622 = arith.constant 16 : i32
        %mul3A_1623 = arith.muli %add3A_1621, %mul3A_1622 : i32
        %get3A_1624 = arith.index_cast %mul3A_1623 : i32 to index
        %get3A_1625 = tpu.vector_load %arg8[%get3A_1624] {strides = array<i32>} : memref<512xi32, #tpu.memory_space<vmem>>, vector<16xi32>,
        %mul3A_1626 = arith.constant 16 : i32
        %mul3A_1627 = arith.muli %add3A_1621, %mul3A_1626 : i32
        %get3A_1628 = arith.index_cast %mul3A_1627 : i32 to index
        %get3A_1629 = tpu.vector_load %arg9[%get3A_1628] {strides = array<i32>} : memref<512xi32, #tpu.memory_space<vmem>>, vector<16xi32>,
        %slice3A_1630 = vector.extract_strided_slice %get3A_1625 {offsets = [11], sizes = [1], strides = [1]} : vector<16xi32> to vector<1xi32>
        %squeeze3A_1631 = vector.extract %slice3A_1630[0] : i32 from vector<1xi32>
        %shift_right_arithmetic3A_1632 = arith.constant 7 : i32
        %shift_right_arithmetic3A_1633 = arith.shrsi %squeeze3A_1631, %shift_right_arithmetic3A_1632 : i32
        %mul3A_1634 = arith.constant 128 : i32
        %mul3A_1635 = arith.muli %shift_right_arithmetic3A_1633, %mul3A_1634 : i32
        %multiple_of3A_1636 = tpu.assume_multiple %mul3A_1635, 128 : i32
        %slice3A_1637 = vector.extract_strided_slice %get3A_1629 {offsets = [11], sizes = [1], strides = [1]} : vector<16xi32> to vector<1xi32>
        %squeeze3A_1638 = vector.extract %slice3A_1637[0] : i32 from vector<1xi32>
        %shift_right_arithmetic3A_1639 = arith.constant 7 : i32
        %shift_right_arithmetic3A_1640 = arith.shrsi %squeeze3A_1638, %shift_right_arithmetic3A_1639 : i32
        %mul3A_1641 = arith.constant 128 : i32
        %mul3A_1642 = arith.muli %shift_right_arithmetic3A_1640, %mul3A_1641 : i32
        %multiple_of3A_1643 = tpu.assume_multiple %mul3A_1642, 128 : i32
        %dma_start3A_1644 = arith.constant 11 : i32
        %dma_start3A_1645 = arith.constant 0 : i32
        %dma_start3A_1646 = arith.constant 0 : i32
        %dma_start3A_1647 = tpu.memref_slice %arg10[%dma_start3A_1644, %dma_start3A_1645, %dma_start3A_1646] : memref<16x16x128xf32, #tpu.memory_space<vmem>> -> memref<1x16x128xf32, #tpu.memory_space<vmem>>
        %dma_start3A_1648 = tpu.memref_squeeze %dma_start3A_1647 : memref<1x16x128xf32, #tpu.memory_space<vmem>> -> memref<16x128xf32, #tpu.memory_space<vmem>>
        %dma_start3A_1649 = arith.constant 0 : i32
        %dma_start3A_1650 = tpu.memref_slice %arg4[%dma_start3A_1649, %multiple_of3A_1636] : memref<16x1000000xf32, #tpu.memory_space<hbm>> -> memref<16x128xf32, #tpu.memory_space<hbm>>
        %dma_start3A_1651 = arith.constant 0 : i32
        %dma_start3A_1652 = arith.constant 0 : i32
        %dma_start3A_1653 = tpu.memref_slice %arg10[%dma_start3A_1644, %dma_start3A_1651, %dma_start3A_1652] : memref<16x16x128xf32, #tpu.memory_space<vmem>> -> memref<1x16x128xf32, #tpu.memory_space<vmem>>
        %dma_start3A_1654 = tpu.memref_squeeze %dma_start3A_1653 : memref<1x16x128xf32, #tpu.memory_space<vmem>> -> memref<16x128xf32, #tpu.memory_space<vmem>>
        %dma_start3A_1655 = arith.constant 0 : i32
        %dma_start3A_1656 = tpu.memref_slice %arg4[%dma_start3A_1655, %multiple_of3A_1636] : memref<16x1000000xf32, #tpu.memory_space<hbm>> -> memref<16x128xf32, #tpu.memory_space<hbm>>
        tpu.enqueue_dma source(%dma_start3A_1656 : memref<16x128xf32, #tpu.memory_space<hbm>>) target(%dma_start3A_1654 : memref<16x128xf32, #tpu.memory_space<vmem>>) target_semaphore(%arg14 : memref<!tpu.dma_semaphore, #tpu.memory_space<semaphore_mem>>)
        %dma_start3A_1657 = arith.constant 11 : i32
        %dma_start3A_1658 = arith.constant 0 : i32
        %dma_start3A_1659 = arith.constant 0 : i32
        %dma_start3A_1660 = tpu.memref_slice %arg11[%dma_start3A_1657, %dma_start3A_1658, %dma_start3A_1659] : memref<16x16x128xf32, #tpu.memory_space<vmem>> -> memref<1x16x128xf32, #tpu.memory_space<vmem>>
        %dma_start3A_1661 = tpu.memref_squeeze %dma_start3A_1660 : memref<1x16x128xf32, #tpu.memory_space<vmem>> -> memref<16x128xf32, #tpu.memory_space<vmem>>
        %dma_start3A_1662 = arith.constant 0 : i32
        %dma_start3A_1663 = tpu.memref_slice %arg5[%dma_start3A_1662, %multiple_of3A_1643] : memref<16x1000000xf32, #tpu.memory_space<hbm>> -> memref<16x128xf32, #tpu.memory_space<hbm>>
        %dma_start3A_1664 = arith.constant 0 : i32
        %dma_start3A_1665 = arith.constant 0 : i32
        %dma_start3A_1666 = tpu.memref_slice %arg11[%dma_start3A_1657, %dma_start3A_1664, %dma_start3A_1665] : memref<16x16x128xf32, #tpu.memory_space<vmem>> -> memref<1x16x128xf32, #tpu.memory_space<vmem>>
        %dma_start3A_1667 = tpu.memref_squeeze %dma_start3A_1666 : memref<1x16x128xf32, #tpu.memory_space<vmem>> -> memref<16x128xf32, #tpu.memory_space<vmem>>
        %dma_start3A_1668 = arith.constant 0 : i32
        %dma_start3A_1669 = tpu.memref_slice %arg5[%dma_start3A_1668, %multiple_of3A_1643] : memref<16x1000000xf32, #tpu.memory_space<hbm>> -> memref<16x128xf32, #tpu.memory_space<hbm>>
        tpu.enqueue_dma source(%dma_start3A_1669 : memref<16x128xf32, #tpu.memory_space<hbm>>) target(%dma_start3A_1667 : memref<16x128xf32, #tpu.memory_space<vmem>>) target_semaphore(%arg15 : memref<!tpu.dma_semaphore, #tpu.memory_space<semaphore_mem>>)
      } else {
      }
      %add3A_1396 = arith.constant 12 : i32
      %add3A_1397 = vector.broadcast %add3A_1396 : i32 to vector<16xi32>
      %add3A_1398 = arith.addi %broadcast_in_dim3A, %add3A_1397 : vector<16xi32>
      %dma_wait3A_1399 = arith.constant 12 : i32
      %dma_wait3A_1400 = arith.constant 0 : i32
      %dma_wait3A_1401 = arith.constant 0 : i32
      %dma_wait3A_1402 = tpu.memref_slice %arg10[%dma_wait3A_1399, %dma_wait3A_1400, %dma_wait3A_1401] : memref<16x16x128xf32, #tpu.memory_space<vmem>> -> memref<1x16x128xf32, #tpu.memory_space<vmem>>
      %dma_wait3A_1403 = tpu.memref_squeeze %dma_wait3A_1402 : memref<1x16x128xf32, #tpu.memory_space<vmem>> -> memref<16x128xf32, #tpu.memory_space<vmem>>
      %dma_wait3A_1404 = arith.constant 0 : i32
      %dma_wait3A_1405 = arith.constant 0 : i32
      %dma_wait3A_1406 = tpu.memref_slice %arg4[%dma_wait3A_1404, %dma_wait3A_1405] : memref<16x1000000xf32, #tpu.memory_space<hbm>> -> memref<16x128xf32, #tpu.memory_space<hbm>>
      %dma_wait3A_1407 = arith.constant 0 : i32
      %dma_wait3A_1408 = arith.constant 0 : i32
      %dma_wait3A_1409 = tpu.memref_slice %arg10[%dma_wait3A_1399, %dma_wait3A_1407, %dma_wait3A_1408] : memref<16x16x128xf32, #tpu.memory_space<vmem>> -> memref<1x16x128xf32, #tpu.memory_space<vmem>>
      %dma_wait3A_1410 = tpu.memref_squeeze %dma_wait3A_1409 : memref<1x16x128xf32, #tpu.memory_space<vmem>> -> memref<16x128xf32, #tpu.memory_space<vmem>>
      %dma_wait3A_1411 = arith.constant 0 : i32
      %dma_wait3A_1412 = arith.constant 0 : i32
      %dma_wait3A_1413 = tpu.memref_slice %arg4[%dma_wait3A_1411, %dma_wait3A_1412] : memref<16x1000000xf32, #tpu.memory_space<hbm>> -> memref<16x128xf32, #tpu.memory_space<hbm>>
      tpu.wait_dma2 semaphore(%arg14 : memref<!tpu.dma_semaphore, #tpu.memory_space<semaphore_mem>>) src(%dma_wait3A_1413 : memref<16x128xf32, #tpu.memory_space<hbm>>) dst(%dma_wait3A_1410 : memref<16x128xf32, #tpu.memory_space<vmem>>)
      %broadcast_in_dim3A_1414 = arith.constant 1 : i32
      %broadcast_in_dim3A_1415 = vector.broadcast %broadcast_in_dim3A_1414 : i32 to vector<16xi32>
      %slice3A_1416 = vector.extract_strided_slice %and3A_722 {offsets = [12], sizes = [1], strides = [1]} : vector<16xi32> to vector<1xi32>
      %squeeze3A_1417 = vector.extract %slice3A_1416[0] : i32 from vector<1xi32>
      %mul3A_1418 = vector.broadcast %squeeze3A_1417 : i32 to vector<16xi32>
      %mul3A_1419 = arith.muli %broadcast_in_dim3A_1415, %mul3A_1418 : vector<16xi32>
      %broadcast_in_dim3A_1420 = arith.constant 12 : i32
      %broadcast_in_dim3A_1421 = vector.broadcast %broadcast_in_dim3A_1420 : i32 to vector<16xi32>
      %gather3A_1422 = tpu.vector_load_idx %arg10[%broadcast_in_dim3A_1421, %iota3A, %mul3A_1419] : memref<16x16x128xf32, #tpu.memory_space<vmem>>[vector<16xi32>, vector<16xi32>, vector<16xi32>], vector<16xf32>,
      tpu.vector_store_idx %arg12[%iota3A, %add3A_1398], %gather3A_1422 : memref<16x512xf32, #tpu.memory_space<vmem>>[vector<16xi32>, vector<16xi32>], vector<16xf32>,
      %dma_wait3A_1423 = arith.constant 12 : i32
      %dma_wait3A_1424 = arith.constant 0 : i32
      %dma_wait3A_1425 = arith.constant 0 : i32
      %dma_wait3A_1426 = tpu.memref_slice %arg11[%dma_wait3A_1423, %dma_wait3A_1424, %dma_wait3A_1425] : memref<16x16x128xf32, #tpu.memory_space<vmem>> -> memref<1x16x128xf32, #tpu.memory_space<vmem>>
      %dma_wait3A_1427 = tpu.memref_squeeze %dma_wait3A_1426 : memref<1x16x128xf32, #tpu.memory_space<vmem>> -> memref<16x128xf32, #tpu.memory_space<vmem>>
      %dma_wait3A_1428 = arith.constant 0 : i32
      %dma_wait3A_1429 = arith.constant 0 : i32
      %dma_wait3A_1430 = tpu.memref_slice %arg4[%dma_wait3A_1428, %dma_wait3A_1429] : memref<16x1000000xf32, #tpu.memory_space<hbm>> -> memref<16x128xf32, #tpu.memory_space<hbm>>
      %dma_wait3A_1431 = arith.constant 0 : i32
      %dma_wait3A_1432 = arith.constant 0 : i32
      %dma_wait3A_1433 = tpu.memref_slice %arg11[%dma_wait3A_1423, %dma_wait3A_1431, %dma_wait3A_1432] : memref<16x16x128xf32, #tpu.memory_space<vmem>> -> memref<1x16x128xf32, #tpu.memory_space<vmem>>
      %dma_wait3A_1434 = tpu.memref_squeeze %dma_wait3A_1433 : memref<1x16x128xf32, #tpu.memory_space<vmem>> -> memref<16x128xf32, #tpu.memory_space<vmem>>
      %dma_wait3A_1435 = arith.constant 0 : i32
      %dma_wait3A_1436 = arith.constant 0 : i32
      %dma_wait3A_1437 = tpu.memref_slice %arg4[%dma_wait3A_1435, %dma_wait3A_1436] : memref<16x1000000xf32, #tpu.memory_space<hbm>> -> memref<16x128xf32, #tpu.memory_space<hbm>>
      tpu.wait_dma2 semaphore(%arg15 : memref<!tpu.dma_semaphore, #tpu.memory_space<semaphore_mem>>) src(%dma_wait3A_1437 : memref<16x128xf32, #tpu.memory_space<hbm>>) dst(%dma_wait3A_1434 : memref<16x128xf32, #tpu.memory_space<vmem>>)
      %broadcast_in_dim3A_1438 = arith.constant 1 : i32
      %broadcast_in_dim3A_1439 = vector.broadcast %broadcast_in_dim3A_1438 : i32 to vector<16xi32>
      %slice3A_1440 = vector.extract_strided_slice %and3A_725 {offsets = [12], sizes = [1], strides = [1]} : vector<16xi32> to vector<1xi32>
      %squeeze3A_1441 = vector.extract %slice3A_1440[0] : i32 from vector<1xi32>
      %mul3A_1442 = vector.broadcast %squeeze3A_1441 : i32 to vector<16xi32>
      %mul3A_1443 = arith.muli %broadcast_in_dim3A_1439, %mul3A_1442 : vector<16xi32>
      %broadcast_in_dim3A_1444 = arith.constant 12 : i32
      %broadcast_in_dim3A_1445 = vector.broadcast %broadcast_in_dim3A_1444 : i32 to vector<16xi32>
      %gather3A_1446 = tpu.vector_load_idx %arg11[%broadcast_in_dim3A_1445, %iota3A, %mul3A_1443] : memref<16x16x128xf32, #tpu.memory_space<vmem>>[vector<16xi32>, vector<16xi32>, vector<16xi32>], vector<16xf32>,
      tpu.vector_store_idx %arg13[%iota3A, %add3A_1398], %gather3A_1446 : memref<16x512xf32, #tpu.memory_space<vmem>>[vector<16xi32>, vector<16xi32>], vector<16xf32>,
      %lt3A_1447 = arith.constant 31 : i32
      %lt3A_1448 = arith.cmpi slt, %scan3A_712, %lt3A_1447 : i32
      %convert_element_type3A_1449 = arith.extui %lt3A_1448 : i1 to i32
      %cond3A_1450 = arith.constant 0 : i32
      %cond3A_1451 = arith.cmpi ne, %convert_element_type3A_1449, %cond3A_1450 : i32
      scf.if %cond3A_1451 {
        %add3A_1620 = arith.constant 1 : i32
        %add3A_1621 = arith.addi %scan3A_712, %add3A_1620 : i32
        %mul3A_1622 = arith.constant 16 : i32
        %mul3A_1623 = arith.muli %add3A_1621, %mul3A_1622 : i32
        %get3A_1624 = arith.index_cast %mul3A_1623 : i32 to index
        %get3A_1625 = tpu.vector_load %arg8[%get3A_1624] {strides = array<i32>} : memref<512xi32, #tpu.memory_space<vmem>>, vector<16xi32>,
        %mul3A_1626 = arith.constant 16 : i32
        %mul3A_1627 = arith.muli %add3A_1621, %mul3A_1626 : i32
        %get3A_1628 = arith.index_cast %mul3A_1627 : i32 to index
        %get3A_1629 = tpu.vector_load %arg9[%get3A_1628] {strides = array<i32>} : memref<512xi32, #tpu.memory_space<vmem>>, vector<16xi32>,
        %slice3A_1630 = vector.extract_strided_slice %get3A_1625 {offsets = [12], sizes = [1], strides = [1]} : vector<16xi32> to vector<1xi32>
        %squeeze3A_1631 = vector.extract %slice3A_1630[0] : i32 from vector<1xi32>
        %shift_right_arithmetic3A_1632 = arith.constant 7 : i32
        %shift_right_arithmetic3A_1633 = arith.shrsi %squeeze3A_1631, %shift_right_arithmetic3A_1632 : i32
        %mul3A_1634 = arith.constant 128 : i32
        %mul3A_1635 = arith.muli %shift_right_arithmetic3A_1633, %mul3A_1634 : i32
        %multiple_of3A_1636 = tpu.assume_multiple %mul3A_1635, 128 : i32
        %slice3A_1637 = vector.extract_strided_slice %get3A_1629 {offsets = [12], sizes = [1], strides = [1]} : vector<16xi32> to vector<1xi32>
        %squeeze3A_1638 = vector.extract %slice3A_1637[0] : i32 from vector<1xi32>
        %shift_right_arithmetic3A_1639 = arith.constant 7 : i32
        %shift_right_arithmetic3A_1640 = arith.shrsi %squeeze3A_1638, %shift_right_arithmetic3A_1639 : i32
        %mul3A_1641 = arith.constant 128 : i32
        %mul3A_1642 = arith.muli %shift_right_arithmetic3A_1640, %mul3A_1641 : i32
        %multiple_of3A_1643 = tpu.assume_multiple %mul3A_1642, 128 : i32
        %dma_start3A_1644 = arith.constant 12 : i32
        %dma_start3A_1645 = arith.constant 0 : i32
        %dma_start3A_1646 = arith.constant 0 : i32
        %dma_start3A_1647 = tpu.memref_slice %arg10[%dma_start3A_1644, %dma_start3A_1645, %dma_start3A_1646] : memref<16x16x128xf32, #tpu.memory_space<vmem>> -> memref<1x16x128xf32, #tpu.memory_space<vmem>>
        %dma_start3A_1648 = tpu.memref_squeeze %dma_start3A_1647 : memref<1x16x128xf32, #tpu.memory_space<vmem>> -> memref<16x128xf32, #tpu.memory_space<vmem>>
        %dma_start3A_1649 = arith.constant 0 : i32
        %dma_start3A_1650 = tpu.memref_slice %arg4[%dma_start3A_1649, %multiple_of3A_1636] : memref<16x1000000xf32, #tpu.memory_space<hbm>> -> memref<16x128xf32, #tpu.memory_space<hbm>>
        %dma_start3A_1651 = arith.constant 0 : i32
        %dma_start3A_1652 = arith.constant 0 : i32
        %dma_start3A_1653 = tpu.memref_slice %arg10[%dma_start3A_1644, %dma_start3A_1651, %dma_start3A_1652] : memref<16x16x128xf32, #tpu.memory_space<vmem>> -> memref<1x16x128xf32, #tpu.memory_space<vmem>>
        %dma_start3A_1654 = tpu.memref_squeeze %dma_start3A_1653 : memref<1x16x128xf32, #tpu.memory_space<vmem>> -> memref<16x128xf32, #tpu.memory_space<vmem>>
        %dma_start3A_1655 = arith.constant 0 : i32
        %dma_start3A_1656 = tpu.memref_slice %arg4[%dma_start3A_1655, %multiple_of3A_1636] : memref<16x1000000xf32, #tpu.memory_space<hbm>> -> memref<16x128xf32, #tpu.memory_space<hbm>>
        tpu.enqueue_dma source(%dma_start3A_1656 : memref<16x128xf32, #tpu.memory_space<hbm>>) target(%dma_start3A_1654 : memref<16x128xf32, #tpu.memory_space<vmem>>) target_semaphore(%arg14 : memref<!tpu.dma_semaphore, #tpu.memory_space<semaphore_mem>>)
        %dma_start3A_1657 = arith.constant 12 : i32
        %dma_start3A_1658 = arith.constant 0 : i32
        %dma_start3A_1659 = arith.constant 0 : i32
        %dma_start3A_1660 = tpu.memref_slice %arg11[%dma_start3A_1657, %dma_start3A_1658, %dma_start3A_1659] : memref<16x16x128xf32, #tpu.memory_space<vmem>> -> memref<1x16x128xf32, #tpu.memory_space<vmem>>
        %dma_start3A_1661 = tpu.memref_squeeze %dma_start3A_1660 : memref<1x16x128xf32, #tpu.memory_space<vmem>> -> memref<16x128xf32, #tpu.memory_space<vmem>>
        %dma_start3A_1662 = arith.constant 0 : i32
        %dma_start3A_1663 = tpu.memref_slice %arg5[%dma_start3A_1662, %multiple_of3A_1643] : memref<16x1000000xf32, #tpu.memory_space<hbm>> -> memref<16x128xf32, #tpu.memory_space<hbm>>
        %dma_start3A_1664 = arith.constant 0 : i32
        %dma_start3A_1665 = arith.constant 0 : i32
        %dma_start3A_1666 = tpu.memref_slice %arg11[%dma_start3A_1657, %dma_start3A_1664, %dma_start3A_1665] : memref<16x16x128xf32, #tpu.memory_space<vmem>> -> memref<1x16x128xf32, #tpu.memory_space<vmem>>
        %dma_start3A_1667 = tpu.memref_squeeze %dma_start3A_1666 : memref<1x16x128xf32, #tpu.memory_space<vmem>> -> memref<16x128xf32, #tpu.memory_space<vmem>>
        %dma_start3A_1668 = arith.constant 0 : i32
        %dma_start3A_1669 = tpu.memref_slice %arg5[%dma_start3A_1668, %multiple_of3A_1643] : memref<16x1000000xf32, #tpu.memory_space<hbm>> -> memref<16x128xf32, #tpu.memory_space<hbm>>
        tpu.enqueue_dma source(%dma_start3A_1669 : memref<16x128xf32, #tpu.memory_space<hbm>>) target(%dma_start3A_1667 : memref<16x128xf32, #tpu.memory_space<vmem>>) target_semaphore(%arg15 : memref<!tpu.dma_semaphore, #tpu.memory_space<semaphore_mem>>)
      } else {
      }
      %add3A_1452 = arith.constant 13 : i32
      %add3A_1453 = vector.broadcast %add3A_1452 : i32 to vector<16xi32>
      %add3A_1454 = arith.addi %broadcast_in_dim3A, %add3A_1453 : vector<16xi32>
      %dma_wait3A_1455 = arith.constant 13 : i32
      %dma_wait3A_1456 = arith.constant 0 : i32
      %dma_wait3A_1457 = arith.constant 0 : i32
      %dma_wait3A_1458 = tpu.memref_slice %arg10[%dma_wait3A_1455, %dma_wait3A_1456, %dma_wait3A_1457] : memref<16x16x128xf32, #tpu.memory_space<vmem>> -> memref<1x16x128xf32, #tpu.memory_space<vmem>>
      %dma_wait3A_1459 = tpu.memref_squeeze %dma_wait3A_1458 : memref<1x16x128xf32, #tpu.memory_space<vmem>> -> memref<16x128xf32, #tpu.memory_space<vmem>>
      %dma_wait3A_1460 = arith.constant 0 : i32
      %dma_wait3A_1461 = arith.constant 0 : i32
      %dma_wait3A_1462 = tpu.memref_slice %arg4[%dma_wait3A_1460, %dma_wait3A_1461] : memref<16x1000000xf32, #tpu.memory_space<hbm>> -> memref<16x128xf32, #tpu.memory_space<hbm>>
      %dma_wait3A_1463 = arith.constant 0 : i32
      %dma_wait3A_1464 = arith.constant 0 : i32
      %dma_wait3A_1465 = tpu.memref_slice %arg10[%dma_wait3A_1455, %dma_wait3A_1463, %dma_wait3A_1464] : memref<16x16x128xf32, #tpu.memory_space<vmem>> -> memref<1x16x128xf32, #tpu.memory_space<vmem>>
      %dma_wait3A_1466 = tpu.memref_squeeze %dma_wait3A_1465 : memref<1x16x128xf32, #tpu.memory_space<vmem>> -> memref<16x128xf32, #tpu.memory_space<vmem>>
      %dma_wait3A_1467 = arith.constant 0 : i32
      %dma_wait3A_1468 = arith.constant 0 : i32
      %dma_wait3A_1469 = tpu.memref_slice %arg4[%dma_wait3A_1467, %dma_wait3A_1468] : memref<16x1000000xf32, #tpu.memory_space<hbm>> -> memref<16x128xf32, #tpu.memory_space<hbm>>
      tpu.wait_dma2 semaphore(%arg14 : memref<!tpu.dma_semaphore, #tpu.memory_space<semaphore_mem>>) src(%dma_wait3A_1469 : memref<16x128xf32, #tpu.memory_space<hbm>>) dst(%dma_wait3A_1466 : memref<16x128xf32, #tpu.memory_space<vmem>>)
      %broadcast_in_dim3A_1470 = arith.constant 1 : i32
      %broadcast_in_dim3A_1471 = vector.broadcast %broadcast_in_dim3A_1470 : i32 to vector<16xi32>
      %slice3A_1472 = vector.extract_strided_slice %and3A_722 {offsets = [13], sizes = [1], strides = [1]} : vector<16xi32> to vector<1xi32>
      %squeeze3A_1473 = vector.extract %slice3A_1472[0] : i32 from vector<1xi32>
      %mul3A_1474 = vector.broadcast %squeeze3A_1473 : i32 to vector<16xi32>
      %mul3A_1475 = arith.muli %broadcast_in_dim3A_1471, %mul3A_1474 : vector<16xi32>
      %broadcast_in_dim3A_1476 = arith.constant 13 : i32
      %broadcast_in_dim3A_1477 = vector.broadcast %broadcast_in_dim3A_1476 : i32 to vector<16xi32>
      %gather3A_1478 = tpu.vector_load_idx %arg10[%broadcast_in_dim3A_1477, %iota3A, %mul3A_1475] : memref<16x16x128xf32, #tpu.memory_space<vmem>>[vector<16xi32>, vector<16xi32>, vector<16xi32>], vector<16xf32>,
      tpu.vector_store_idx %arg12[%iota3A, %add3A_1454], %gather3A_1478 : memref<16x512xf32, #tpu.memory_space<vmem>>[vector<16xi32>, vector<16xi32>], vector<16xf32>,
      %dma_wait3A_1479 = arith.constant 13 : i32
      %dma_wait3A_1480 = arith.constant 0 : i32
      %dma_wait3A_1481 = arith.constant 0 : i32
      %dma_wait3A_1482 = tpu.memref_slice %arg11[%dma_wait3A_1479, %dma_wait3A_1480, %dma_wait3A_1481] : memref<16x16x128xf32, #tpu.memory_space<vmem>> -> memref<1x16x128xf32, #tpu.memory_space<vmem>>
      %dma_wait3A_1483 = tpu.memref_squeeze %dma_wait3A_1482 : memref<1x16x128xf32, #tpu.memory_space<vmem>> -> memref<16x128xf32, #tpu.memory_space<vmem>>
      %dma_wait3A_1484 = arith.constant 0 : i32
      %dma_wait3A_1485 = arith.constant 0 : i32
      %dma_wait3A_1486 = tpu.memref_slice %arg4[%dma_wait3A_1484, %dma_wait3A_1485] : memref<16x1000000xf32, #tpu.memory_space<hbm>> -> memref<16x128xf32, #tpu.memory_space<hbm>>
      %dma_wait3A_1487 = arith.constant 0 : i32
      %dma_wait3A_1488 = arith.constant 0 : i32
      %dma_wait3A_1489 = tpu.memref_slice %arg11[%dma_wait3A_1479, %dma_wait3A_1487, %dma_wait3A_1488] : memref<16x16x128xf32, #tpu.memory_space<vmem>> -> memref<1x16x128xf32, #tpu.memory_space<vmem>>
      %dma_wait3A_1490 = tpu.memref_squeeze %dma_wait3A_1489 : memref<1x16x128xf32, #tpu.memory_space<vmem>> -> memref<16x128xf32, #tpu.memory_space<vmem>>
      %dma_wait3A_1491 = arith.constant 0 : i32
      %dma_wait3A_1492 = arith.constant 0 : i32
      %dma_wait3A_1493 = tpu.memref_slice %arg4[%dma_wait3A_1491, %dma_wait3A_1492] : memref<16x1000000xf32, #tpu.memory_space<hbm>> -> memref<16x128xf32, #tpu.memory_space<hbm>>
      tpu.wait_dma2 semaphore(%arg15 : memref<!tpu.dma_semaphore, #tpu.memory_space<semaphore_mem>>) src(%dma_wait3A_1493 : memref<16x128xf32, #tpu.memory_space<hbm>>) dst(%dma_wait3A_1490 : memref<16x128xf32, #tpu.memory_space<vmem>>)
      %broadcast_in_dim3A_1494 = arith.constant 1 : i32
      %broadcast_in_dim3A_1495 = vector.broadcast %broadcast_in_dim3A_1494 : i32 to vector<16xi32>
      %slice3A_1496 = vector.extract_strided_slice %and3A_725 {offsets = [13], sizes = [1], strides = [1]} : vector<16xi32> to vector<1xi32>
      %squeeze3A_1497 = vector.extract %slice3A_1496[0] : i32 from vector<1xi32>
      %mul3A_1498 = vector.broadcast %squeeze3A_1497 : i32 to vector<16xi32>
      %mul3A_1499 = arith.muli %broadcast_in_dim3A_1495, %mul3A_1498 : vector<16xi32>
      %broadcast_in_dim3A_1500 = arith.constant 13 : i32
      %broadcast_in_dim3A_1501 = vector.broadcast %broadcast_in_dim3A_1500 : i32 to vector<16xi32>
      %gather3A_1502 = tpu.vector_load_idx %arg11[%broadcast_in_dim3A_1501, %iota3A, %mul3A_1499] : memref<16x16x128xf32, #tpu.memory_space<vmem>>[vector<16xi32>, vector<16xi32>, vector<16xi32>], vector<16xf32>,
      tpu.vector_store_idx %arg13[%iota3A, %add3A_1454], %gather3A_1502 : memref<16x512xf32, #tpu.memory_space<vmem>>[vector<16xi32>, vector<16xi32>], vector<16xf32>,
      %lt3A_1503 = arith.constant 31 : i32
      %lt3A_1504 = arith.cmpi slt, %scan3A_712, %lt3A_1503 : i32
      %convert_element_type3A_1505 = arith.extui %lt3A_1504 : i1 to i32
      %cond3A_1506 = arith.constant 0 : i32
      %cond3A_1507 = arith.cmpi ne, %convert_element_type3A_1505, %cond3A_1506 : i32
      scf.if %cond3A_1507 {
        %add3A_1620 = arith.constant 1 : i32
        %add3A_1621 = arith.addi %scan3A_712, %add3A_1620 : i32
        %mul3A_1622 = arith.constant 16 : i32
        %mul3A_1623 = arith.muli %add3A_1621, %mul3A_1622 : i32
        %get3A_1624 = arith.index_cast %mul3A_1623 : i32 to index
        %get3A_1625 = tpu.vector_load %arg8[%get3A_1624] {strides = array<i32>} : memref<512xi32, #tpu.memory_space<vmem>>, vector<16xi32>,
        %mul3A_1626 = arith.constant 16 : i32
        %mul3A_1627 = arith.muli %add3A_1621, %mul3A_1626 : i32
        %get3A_1628 = arith.index_cast %mul3A_1627 : i32 to index
        %get3A_1629 = tpu.vector_load %arg9[%get3A_1628] {strides = array<i32>} : memref<512xi32, #tpu.memory_space<vmem>>, vector<16xi32>,
        %slice3A_1630 = vector.extract_strided_slice %get3A_1625 {offsets = [13], sizes = [1], strides = [1]} : vector<16xi32> to vector<1xi32>
        %squeeze3A_1631 = vector.extract %slice3A_1630[0] : i32 from vector<1xi32>
        %shift_right_arithmetic3A_1632 = arith.constant 7 : i32
        %shift_right_arithmetic3A_1633 = arith.shrsi %squeeze3A_1631, %shift_right_arithmetic3A_1632 : i32
        %mul3A_1634 = arith.constant 128 : i32
        %mul3A_1635 = arith.muli %shift_right_arithmetic3A_1633, %mul3A_1634 : i32
        %multiple_of3A_1636 = tpu.assume_multiple %mul3A_1635, 128 : i32
        %slice3A_1637 = vector.extract_strided_slice %get3A_1629 {offsets = [13], sizes = [1], strides = [1]} : vector<16xi32> to vector<1xi32>
        %squeeze3A_1638 = vector.extract %slice3A_1637[0] : i32 from vector<1xi32>
        %shift_right_arithmetic3A_1639 = arith.constant 7 : i32
        %shift_right_arithmetic3A_1640 = arith.shrsi %squeeze3A_1638, %shift_right_arithmetic3A_1639 : i32
        %mul3A_1641 = arith.constant 128 : i32
        %mul3A_1642 = arith.muli %shift_right_arithmetic3A_1640, %mul3A_1641 : i32
        %multiple_of3A_1643 = tpu.assume_multiple %mul3A_1642, 128 : i32
        %dma_start3A_1644 = arith.constant 13 : i32
        %dma_start3A_1645 = arith.constant 0 : i32
        %dma_start3A_1646 = arith.constant 0 : i32
        %dma_start3A_1647 = tpu.memref_slice %arg10[%dma_start3A_1644, %dma_start3A_1645, %dma_start3A_1646] : memref<16x16x128xf32, #tpu.memory_space<vmem>> -> memref<1x16x128xf32, #tpu.memory_space<vmem>>
        %dma_start3A_1648 = tpu.memref_squeeze %dma_start3A_1647 : memref<1x16x128xf32, #tpu.memory_space<vmem>> -> memref<16x128xf32, #tpu.memory_space<vmem>>
        %dma_start3A_1649 = arith.constant 0 : i32
        %dma_start3A_1650 = tpu.memref_slice %arg4[%dma_start3A_1649, %multiple_of3A_1636] : memref<16x1000000xf32, #tpu.memory_space<hbm>> -> memref<16x128xf32, #tpu.memory_space<hbm>>
        %dma_start3A_1651 = arith.constant 0 : i32
        %dma_start3A_1652 = arith.constant 0 : i32
        %dma_start3A_1653 = tpu.memref_slice %arg10[%dma_start3A_1644, %dma_start3A_1651, %dma_start3A_1652] : memref<16x16x128xf32, #tpu.memory_space<vmem>> -> memref<1x16x128xf32, #tpu.memory_space<vmem>>
        %dma_start3A_1654 = tpu.memref_squeeze %dma_start3A_1653 : memref<1x16x128xf32, #tpu.memory_space<vmem>> -> memref<16x128xf32, #tpu.memory_space<vmem>>
        %dma_start3A_1655 = arith.constant 0 : i32
        %dma_start3A_1656 = tpu.memref_slice %arg4[%dma_start3A_1655, %multiple_of3A_1636] : memref<16x1000000xf32, #tpu.memory_space<hbm>> -> memref<16x128xf32, #tpu.memory_space<hbm>>
        tpu.enqueue_dma source(%dma_start3A_1656 : memref<16x128xf32, #tpu.memory_space<hbm>>) target(%dma_start3A_1654 : memref<16x128xf32, #tpu.memory_space<vmem>>) target_semaphore(%arg14 : memref<!tpu.dma_semaphore, #tpu.memory_space<semaphore_mem>>)
        %dma_start3A_1657 = arith.constant 13 : i32
        %dma_start3A_1658 = arith.constant 0 : i32
        %dma_start3A_1659 = arith.constant 0 : i32
        %dma_start3A_1660 = tpu.memref_slice %arg11[%dma_start3A_1657, %dma_start3A_1658, %dma_start3A_1659] : memref<16x16x128xf32, #tpu.memory_space<vmem>> -> memref<1x16x128xf32, #tpu.memory_space<vmem>>
        %dma_start3A_1661 = tpu.memref_squeeze %dma_start3A_1660 : memref<1x16x128xf32, #tpu.memory_space<vmem>> -> memref<16x128xf32, #tpu.memory_space<vmem>>
        %dma_start3A_1662 = arith.constant 0 : i32
        %dma_start3A_1663 = tpu.memref_slice %arg5[%dma_start3A_1662, %multiple_of3A_1643] : memref<16x1000000xf32, #tpu.memory_space<hbm>> -> memref<16x128xf32, #tpu.memory_space<hbm>>
        %dma_start3A_1664 = arith.constant 0 : i32
        %dma_start3A_1665 = arith.constant 0 : i32
        %dma_start3A_1666 = tpu.memref_slice %arg11[%dma_start3A_1657, %dma_start3A_1664, %dma_start3A_1665] : memref<16x16x128xf32, #tpu.memory_space<vmem>> -> memref<1x16x128xf32, #tpu.memory_space<vmem>>
        %dma_start3A_1667 = tpu.memref_squeeze %dma_start3A_1666 : memref<1x16x128xf32, #tpu.memory_space<vmem>> -> memref<16x128xf32, #tpu.memory_space<vmem>>
        %dma_start3A_1668 = arith.constant 0 : i32
        %dma_start3A_1669 = tpu.memref_slice %arg5[%dma_start3A_1668, %multiple_of3A_1643] : memref<16x1000000xf32, #tpu.memory_space<hbm>> -> memref<16x128xf32, #tpu.memory_space<hbm>>
        tpu.enqueue_dma source(%dma_start3A_1669 : memref<16x128xf32, #tpu.memory_space<hbm>>) target(%dma_start3A_1667 : memref<16x128xf32, #tpu.memory_space<vmem>>) target_semaphore(%arg15 : memref<!tpu.dma_semaphore, #tpu.memory_space<semaphore_mem>>)
      } else {
      }
      %add3A_1508 = arith.constant 14 : i32
      %add3A_1509 = vector.broadcast %add3A_1508 : i32 to vector<16xi32>
      %add3A_1510 = arith.addi %broadcast_in_dim3A, %add3A_1509 : vector<16xi32>
      %dma_wait3A_1511 = arith.constant 14 : i32
      %dma_wait3A_1512 = arith.constant 0 : i32
      %dma_wait3A_1513 = arith.constant 0 : i32
      %dma_wait3A_1514 = tpu.memref_slice %arg10[%dma_wait3A_1511, %dma_wait3A_1512, %dma_wait3A_1513] : memref<16x16x128xf32, #tpu.memory_space<vmem>> -> memref<1x16x128xf32, #tpu.memory_space<vmem>>
      %dma_wait3A_1515 = tpu.memref_squeeze %dma_wait3A_1514 : memref<1x16x128xf32, #tpu.memory_space<vmem>> -> memref<16x128xf32, #tpu.memory_space<vmem>>
      %dma_wait3A_1516 = arith.constant 0 : i32
      %dma_wait3A_1517 = arith.constant 0 : i32
      %dma_wait3A_1518 = tpu.memref_slice %arg4[%dma_wait3A_1516, %dma_wait3A_1517] : memref<16x1000000xf32, #tpu.memory_space<hbm>> -> memref<16x128xf32, #tpu.memory_space<hbm>>
      %dma_wait3A_1519 = arith.constant 0 : i32
      %dma_wait3A_1520 = arith.constant 0 : i32
      %dma_wait3A_1521 = tpu.memref_slice %arg10[%dma_wait3A_1511, %dma_wait3A_1519, %dma_wait3A_1520] : memref<16x16x128xf32, #tpu.memory_space<vmem>> -> memref<1x16x128xf32, #tpu.memory_space<vmem>>
      %dma_wait3A_1522 = tpu.memref_squeeze %dma_wait3A_1521 : memref<1x16x128xf32, #tpu.memory_space<vmem>> -> memref<16x128xf32, #tpu.memory_space<vmem>>
      %dma_wait3A_1523 = arith.constant 0 : i32
      %dma_wait3A_1524 = arith.constant 0 : i32
      %dma_wait3A_1525 = tpu.memref_slice %arg4[%dma_wait3A_1523, %dma_wait3A_1524] : memref<16x1000000xf32, #tpu.memory_space<hbm>> -> memref<16x128xf32, #tpu.memory_space<hbm>>
      tpu.wait_dma2 semaphore(%arg14 : memref<!tpu.dma_semaphore, #tpu.memory_space<semaphore_mem>>) src(%dma_wait3A_1525 : memref<16x128xf32, #tpu.memory_space<hbm>>) dst(%dma_wait3A_1522 : memref<16x128xf32, #tpu.memory_space<vmem>>)
      %broadcast_in_dim3A_1526 = arith.constant 1 : i32
      %broadcast_in_dim3A_1527 = vector.broadcast %broadcast_in_dim3A_1526 : i32 to vector<16xi32>
      %slice3A_1528 = vector.extract_strided_slice %and3A_722 {offsets = [14], sizes = [1], strides = [1]} : vector<16xi32> to vector<1xi32>
      %squeeze3A_1529 = vector.extract %slice3A_1528[0] : i32 from vector<1xi32>
      %mul3A_1530 = vector.broadcast %squeeze3A_1529 : i32 to vector<16xi32>
      %mul3A_1531 = arith.muli %broadcast_in_dim3A_1527, %mul3A_1530 : vector<16xi32>
      %broadcast_in_dim3A_1532 = arith.constant 14 : i32
      %broadcast_in_dim3A_1533 = vector.broadcast %broadcast_in_dim3A_1532 : i32 to vector<16xi32>
      %gather3A_1534 = tpu.vector_load_idx %arg10[%broadcast_in_dim3A_1533, %iota3A, %mul3A_1531] : memref<16x16x128xf32, #tpu.memory_space<vmem>>[vector<16xi32>, vector<16xi32>, vector<16xi32>], vector<16xf32>,
      tpu.vector_store_idx %arg12[%iota3A, %add3A_1510], %gather3A_1534 : memref<16x512xf32, #tpu.memory_space<vmem>>[vector<16xi32>, vector<16xi32>], vector<16xf32>,
      %dma_wait3A_1535 = arith.constant 14 : i32
      %dma_wait3A_1536 = arith.constant 0 : i32
      %dma_wait3A_1537 = arith.constant 0 : i32
      %dma_wait3A_1538 = tpu.memref_slice %arg11[%dma_wait3A_1535, %dma_wait3A_1536, %dma_wait3A_1537] : memref<16x16x128xf32, #tpu.memory_space<vmem>> -> memref<1x16x128xf32, #tpu.memory_space<vmem>>
      %dma_wait3A_1539 = tpu.memref_squeeze %dma_wait3A_1538 : memref<1x16x128xf32, #tpu.memory_space<vmem>> -> memref<16x128xf32, #tpu.memory_space<vmem>>
      %dma_wait3A_1540 = arith.constant 0 : i32
      %dma_wait3A_1541 = arith.constant 0 : i32
      %dma_wait3A_1542 = tpu.memref_slice %arg4[%dma_wait3A_1540, %dma_wait3A_1541] : memref<16x1000000xf32, #tpu.memory_space<hbm>> -> memref<16x128xf32, #tpu.memory_space<hbm>>
      %dma_wait3A_1543 = arith.constant 0 : i32
      %dma_wait3A_1544 = arith.constant 0 : i32
      %dma_wait3A_1545 = tpu.memref_slice %arg11[%dma_wait3A_1535, %dma_wait3A_1543, %dma_wait3A_1544] : memref<16x16x128xf32, #tpu.memory_space<vmem>> -> memref<1x16x128xf32, #tpu.memory_space<vmem>>
      %dma_wait3A_1546 = tpu.memref_squeeze %dma_wait3A_1545 : memref<1x16x128xf32, #tpu.memory_space<vmem>> -> memref<16x128xf32, #tpu.memory_space<vmem>>
      %dma_wait3A_1547 = arith.constant 0 : i32
      %dma_wait3A_1548 = arith.constant 0 : i32
      %dma_wait3A_1549 = tpu.memref_slice %arg4[%dma_wait3A_1547, %dma_wait3A_1548] : memref<16x1000000xf32, #tpu.memory_space<hbm>> -> memref<16x128xf32, #tpu.memory_space<hbm>>
      tpu.wait_dma2 semaphore(%arg15 : memref<!tpu.dma_semaphore, #tpu.memory_space<semaphore_mem>>) src(%dma_wait3A_1549 : memref<16x128xf32, #tpu.memory_space<hbm>>) dst(%dma_wait3A_1546 : memref<16x128xf32, #tpu.memory_space<vmem>>)
      %broadcast_in_dim3A_1550 = arith.constant 1 : i32
      %broadcast_in_dim3A_1551 = vector.broadcast %broadcast_in_dim3A_1550 : i32 to vector<16xi32>
      %slice3A_1552 = vector.extract_strided_slice %and3A_725 {offsets = [14], sizes = [1], strides = [1]} : vector<16xi32> to vector<1xi32>
      %squeeze3A_1553 = vector.extract %slice3A_1552[0] : i32 from vector<1xi32>
      %mul3A_1554 = vector.broadcast %squeeze3A_1553 : i32 to vector<16xi32>
      %mul3A_1555 = arith.muli %broadcast_in_dim3A_1551, %mul3A_1554 : vector<16xi32>
      %broadcast_in_dim3A_1556 = arith.constant 14 : i32
      %broadcast_in_dim3A_1557 = vector.broadcast %broadcast_in_dim3A_1556 : i32 to vector<16xi32>
      %gather3A_1558 = tpu.vector_load_idx %arg11[%broadcast_in_dim3A_1557, %iota3A, %mul3A_1555] : memref<16x16x128xf32, #tpu.memory_space<vmem>>[vector<16xi32>, vector<16xi32>, vector<16xi32>], vector<16xf32>,
      tpu.vector_store_idx %arg13[%iota3A, %add3A_1510], %gather3A_1558 : memref<16x512xf32, #tpu.memory_space<vmem>>[vector<16xi32>, vector<16xi32>], vector<16xf32>,
      %lt3A_1559 = arith.constant 31 : i32
      %lt3A_1560 = arith.cmpi slt, %scan3A_712, %lt3A_1559 : i32
      %convert_element_type3A_1561 = arith.extui %lt3A_1560 : i1 to i32
      %cond3A_1562 = arith.constant 0 : i32
      %cond3A_1563 = arith.cmpi ne, %convert_element_type3A_1561, %cond3A_1562 : i32
      scf.if %cond3A_1563 {
        %add3A_1620 = arith.constant 1 : i32
        %add3A_1621 = arith.addi %scan3A_712, %add3A_1620 : i32
        %mul3A_1622 = arith.constant 16 : i32
        %mul3A_1623 = arith.muli %add3A_1621, %mul3A_1622 : i32
        %get3A_1624 = arith.index_cast %mul3A_1623 : i32 to index
        %get3A_1625 = tpu.vector_load %arg8[%get3A_1624] {strides = array<i32>} : memref<512xi32, #tpu.memory_space<vmem>>, vector<16xi32>,
        %mul3A_1626 = arith.constant 16 : i32
        %mul3A_1627 = arith.muli %add3A_1621, %mul3A_1626 : i32
        %get3A_1628 = arith.index_cast %mul3A_1627 : i32 to index
        %get3A_1629 = tpu.vector_load %arg9[%get3A_1628] {strides = array<i32>} : memref<512xi32, #tpu.memory_space<vmem>>, vector<16xi32>,
        %slice3A_1630 = vector.extract_strided_slice %get3A_1625 {offsets = [14], sizes = [1], strides = [1]} : vector<16xi32> to vector<1xi32>
        %squeeze3A_1631 = vector.extract %slice3A_1630[0] : i32 from vector<1xi32>
        %shift_right_arithmetic3A_1632 = arith.constant 7 : i32
        %shift_right_arithmetic3A_1633 = arith.shrsi %squeeze3A_1631, %shift_right_arithmetic3A_1632 : i32
        %mul3A_1634 = arith.constant 128 : i32
        %mul3A_1635 = arith.muli %shift_right_arithmetic3A_1633, %mul3A_1634 : i32
        %multiple_of3A_1636 = tpu.assume_multiple %mul3A_1635, 128 : i32
        %slice3A_1637 = vector.extract_strided_slice %get3A_1629 {offsets = [14], sizes = [1], strides = [1]} : vector<16xi32> to vector<1xi32>
        %squeeze3A_1638 = vector.extract %slice3A_1637[0] : i32 from vector<1xi32>
        %shift_right_arithmetic3A_1639 = arith.constant 7 : i32
        %shift_right_arithmetic3A_1640 = arith.shrsi %squeeze3A_1638, %shift_right_arithmetic3A_1639 : i32
        %mul3A_1641 = arith.constant 128 : i32
        %mul3A_1642 = arith.muli %shift_right_arithmetic3A_1640, %mul3A_1641 : i32
        %multiple_of3A_1643 = tpu.assume_multiple %mul3A_1642, 128 : i32
        %dma_start3A_1644 = arith.constant 14 : i32
        %dma_start3A_1645 = arith.constant 0 : i32
        %dma_start3A_1646 = arith.constant 0 : i32
        %dma_start3A_1647 = tpu.memref_slice %arg10[%dma_start3A_1644, %dma_start3A_1645, %dma_start3A_1646] : memref<16x16x128xf32, #tpu.memory_space<vmem>> -> memref<1x16x128xf32, #tpu.memory_space<vmem>>
        %dma_start3A_1648 = tpu.memref_squeeze %dma_start3A_1647 : memref<1x16x128xf32, #tpu.memory_space<vmem>> -> memref<16x128xf32, #tpu.memory_space<vmem>>
        %dma_start3A_1649 = arith.constant 0 : i32
        %dma_start3A_1650 = tpu.memref_slice %arg4[%dma_start3A_1649, %multiple_of3A_1636] : memref<16x1000000xf32, #tpu.memory_space<hbm>> -> memref<16x128xf32, #tpu.memory_space<hbm>>
        %dma_start3A_1651 = arith.constant 0 : i32
        %dma_start3A_1652 = arith.constant 0 : i32
        %dma_start3A_1653 = tpu.memref_slice %arg10[%dma_start3A_1644, %dma_start3A_1651, %dma_start3A_1652] : memref<16x16x128xf32, #tpu.memory_space<vmem>> -> memref<1x16x128xf32, #tpu.memory_space<vmem>>
        %dma_start3A_1654 = tpu.memref_squeeze %dma_start3A_1653 : memref<1x16x128xf32, #tpu.memory_space<vmem>> -> memref<16x128xf32, #tpu.memory_space<vmem>>
        %dma_start3A_1655 = arith.constant 0 : i32
        %dma_start3A_1656 = tpu.memref_slice %arg4[%dma_start3A_1655, %multiple_of3A_1636] : memref<16x1000000xf32, #tpu.memory_space<hbm>> -> memref<16x128xf32, #tpu.memory_space<hbm>>
        tpu.enqueue_dma source(%dma_start3A_1656 : memref<16x128xf32, #tpu.memory_space<hbm>>) target(%dma_start3A_1654 : memref<16x128xf32, #tpu.memory_space<vmem>>) target_semaphore(%arg14 : memref<!tpu.dma_semaphore, #tpu.memory_space<semaphore_mem>>)
        %dma_start3A_1657 = arith.constant 14 : i32
        %dma_start3A_1658 = arith.constant 0 : i32
        %dma_start3A_1659 = arith.constant 0 : i32
        %dma_start3A_1660 = tpu.memref_slice %arg11[%dma_start3A_1657, %dma_start3A_1658, %dma_start3A_1659] : memref<16x16x128xf32, #tpu.memory_space<vmem>> -> memref<1x16x128xf32, #tpu.memory_space<vmem>>
        %dma_start3A_1661 = tpu.memref_squeeze %dma_start3A_1660 : memref<1x16x128xf32, #tpu.memory_space<vmem>> -> memref<16x128xf32, #tpu.memory_space<vmem>>
        %dma_start3A_1662 = arith.constant 0 : i32
        %dma_start3A_1663 = tpu.memref_slice %arg5[%dma_start3A_1662, %multiple_of3A_1643] : memref<16x1000000xf32, #tpu.memory_space<hbm>> -> memref<16x128xf32, #tpu.memory_space<hbm>>
        %dma_start3A_1664 = arith.constant 0 : i32
        %dma_start3A_1665 = arith.constant 0 : i32
        %dma_start3A_1666 = tpu.memref_slice %arg11[%dma_start3A_1657, %dma_start3A_1664, %dma_start3A_1665] : memref<16x16x128xf32, #tpu.memory_space<vmem>> -> memref<1x16x128xf32, #tpu.memory_space<vmem>>
        %dma_start3A_1667 = tpu.memref_squeeze %dma_start3A_1666 : memref<1x16x128xf32, #tpu.memory_space<vmem>> -> memref<16x128xf32, #tpu.memory_space<vmem>>
        %dma_start3A_1668 = arith.constant 0 : i32
        %dma_start3A_1669 = tpu.memref_slice %arg5[%dma_start3A_1668, %multiple_of3A_1643] : memref<16x1000000xf32, #tpu.memory_space<hbm>> -> memref<16x128xf32, #tpu.memory_space<hbm>>
        tpu.enqueue_dma source(%dma_start3A_1669 : memref<16x128xf32, #tpu.memory_space<hbm>>) target(%dma_start3A_1667 : memref<16x128xf32, #tpu.memory_space<vmem>>) target_semaphore(%arg15 : memref<!tpu.dma_semaphore, #tpu.memory_space<semaphore_mem>>)
      } else {
      }
      %add3A_1564 = arith.constant 15 : i32
      %add3A_1565 = vector.broadcast %add3A_1564 : i32 to vector<16xi32>
      %add3A_1566 = arith.addi %broadcast_in_dim3A, %add3A_1565 : vector<16xi32>
      %dma_wait3A_1567 = arith.constant 15 : i32
      %dma_wait3A_1568 = arith.constant 0 : i32
      %dma_wait3A_1569 = arith.constant 0 : i32
      %dma_wait3A_1570 = tpu.memref_slice %arg10[%dma_wait3A_1567, %dma_wait3A_1568, %dma_wait3A_1569] : memref<16x16x128xf32, #tpu.memory_space<vmem>> -> memref<1x16x128xf32, #tpu.memory_space<vmem>>
      %dma_wait3A_1571 = tpu.memref_squeeze %dma_wait3A_1570 : memref<1x16x128xf32, #tpu.memory_space<vmem>> -> memref<16x128xf32, #tpu.memory_space<vmem>>
      %dma_wait3A_1572 = arith.constant 0 : i32
      %dma_wait3A_1573 = arith.constant 0 : i32
      %dma_wait3A_1574 = tpu.memref_slice %arg4[%dma_wait3A_1572, %dma_wait3A_1573] : memref<16x1000000xf32, #tpu.memory_space<hbm>> -> memref<16x128xf32, #tpu.memory_space<hbm>>
      %dma_wait3A_1575 = arith.constant 0 : i32
      %dma_wait3A_1576 = arith.constant 0 : i32
      %dma_wait3A_1577 = tpu.memref_slice %arg10[%dma_wait3A_1567, %dma_wait3A_1575, %dma_wait3A_1576] : memref<16x16x128xf32, #tpu.memory_space<vmem>> -> memref<1x16x128xf32, #tpu.memory_space<vmem>>
      %dma_wait3A_1578 = tpu.memref_squeeze %dma_wait3A_1577 : memref<1x16x128xf32, #tpu.memory_space<vmem>> -> memref<16x128xf32, #tpu.memory_space<vmem>>
      %dma_wait3A_1579 = arith.constant 0 : i32
      %dma_wait3A_1580 = arith.constant 0 : i32
      %dma_wait3A_1581 = tpu.memref_slice %arg4[%dma_wait3A_1579, %dma_wait3A_1580] : memref<16x1000000xf32, #tpu.memory_space<hbm>> -> memref<16x128xf32, #tpu.memory_space<hbm>>
      tpu.wait_dma2 semaphore(%arg14 : memref<!tpu.dma_semaphore, #tpu.memory_space<semaphore_mem>>) src(%dma_wait3A_1581 : memref<16x128xf32, #tpu.memory_space<hbm>>) dst(%dma_wait3A_1578 : memref<16x128xf32, #tpu.memory_space<vmem>>)
      %broadcast_in_dim3A_1582 = arith.constant 1 : i32
      %broadcast_in_dim3A_1583 = vector.broadcast %broadcast_in_dim3A_1582 : i32 to vector<16xi32>
      %slice3A_1584 = vector.extract_strided_slice %and3A_722 {offsets = [15], sizes = [1], strides = [1]} : vector<16xi32> to vector<1xi32>
      %squeeze3A_1585 = vector.extract %slice3A_1584[0] : i32 from vector<1xi32>
      %mul3A_1586 = vector.broadcast %squeeze3A_1585 : i32 to vector<16xi32>
      %mul3A_1587 = arith.muli %broadcast_in_dim3A_1583, %mul3A_1586 : vector<16xi32>
      %broadcast_in_dim3A_1588 = arith.constant 15 : i32
      %broadcast_in_dim3A_1589 = vector.broadcast %broadcast_in_dim3A_1588 : i32 to vector<16xi32>
      %gather3A_1590 = tpu.vector_load_idx %arg10[%broadcast_in_dim3A_1589, %iota3A, %mul3A_1587] : memref<16x16x128xf32, #tpu.memory_space<vmem>>[vector<16xi32>, vector<16xi32>, vector<16xi32>], vector<16xf32>,
      tpu.vector_store_idx %arg12[%iota3A, %add3A_1566], %gather3A_1590 : memref<16x512xf32, #tpu.memory_space<vmem>>[vector<16xi32>, vector<16xi32>], vector<16xf32>,
      %dma_wait3A_1591 = arith.constant 15 : i32
      %dma_wait3A_1592 = arith.constant 0 : i32
      %dma_wait3A_1593 = arith.constant 0 : i32
      %dma_wait3A_1594 = tpu.memref_slice %arg11[%dma_wait3A_1591, %dma_wait3A_1592, %dma_wait3A_1593] : memref<16x16x128xf32, #tpu.memory_space<vmem>> -> memref<1x16x128xf32, #tpu.memory_space<vmem>>
      %dma_wait3A_1595 = tpu.memref_squeeze %dma_wait3A_1594 : memref<1x16x128xf32, #tpu.memory_space<vmem>> -> memref<16x128xf32, #tpu.memory_space<vmem>>
      %dma_wait3A_1596 = arith.constant 0 : i32
      %dma_wait3A_1597 = arith.constant 0 : i32
      %dma_wait3A_1598 = tpu.memref_slice %arg4[%dma_wait3A_1596, %dma_wait3A_1597] : memref<16x1000000xf32, #tpu.memory_space<hbm>> -> memref<16x128xf32, #tpu.memory_space<hbm>>
      %dma_wait3A_1599 = arith.constant 0 : i32
      %dma_wait3A_1600 = arith.constant 0 : i32
      %dma_wait3A_1601 = tpu.memref_slice %arg11[%dma_wait3A_1591, %dma_wait3A_1599, %dma_wait3A_1600] : memref<16x16x128xf32, #tpu.memory_space<vmem>> -> memref<1x16x128xf32, #tpu.memory_space<vmem>>
      %dma_wait3A_1602 = tpu.memref_squeeze %dma_wait3A_1601 : memref<1x16x128xf32, #tpu.memory_space<vmem>> -> memref<16x128xf32, #tpu.memory_space<vmem>>
      %dma_wait3A_1603 = arith.constant 0 : i32
      %dma_wait3A_1604 = arith.constant 0 : i32
      %dma_wait3A_1605 = tpu.memref_slice %arg4[%dma_wait3A_1603, %dma_wait3A_1604] : memref<16x1000000xf32, #tpu.memory_space<hbm>> -> memref<16x128xf32, #tpu.memory_space<hbm>>
      tpu.wait_dma2 semaphore(%arg15 : memref<!tpu.dma_semaphore, #tpu.memory_space<semaphore_mem>>) src(%dma_wait3A_1605 : memref<16x128xf32, #tpu.memory_space<hbm>>) dst(%dma_wait3A_1602 : memref<16x128xf32, #tpu.memory_space<vmem>>)
      %broadcast_in_dim3A_1606 = arith.constant 1 : i32
      %broadcast_in_dim3A_1607 = vector.broadcast %broadcast_in_dim3A_1606 : i32 to vector<16xi32>
      %slice3A_1608 = vector.extract_strided_slice %and3A_725 {offsets = [15], sizes = [1], strides = [1]} : vector<16xi32> to vector<1xi32>
      %squeeze3A_1609 = vector.extract %slice3A_1608[0] : i32 from vector<1xi32>
      %mul3A_1610 = vector.broadcast %squeeze3A_1609 : i32 to vector<16xi32>
      %mul3A_1611 = arith.muli %broadcast_in_dim3A_1607, %mul3A_1610 : vector<16xi32>
      %broadcast_in_dim3A_1612 = arith.constant 15 : i32
      %broadcast_in_dim3A_1613 = vector.broadcast %broadcast_in_dim3A_1612 : i32 to vector<16xi32>
      %gather3A_1614 = tpu.vector_load_idx %arg11[%broadcast_in_dim3A_1613, %iota3A, %mul3A_1611] : memref<16x16x128xf32, #tpu.memory_space<vmem>>[vector<16xi32>, vector<16xi32>, vector<16xi32>], vector<16xf32>,
      tpu.vector_store_idx %arg13[%iota3A, %add3A_1566], %gather3A_1614 : memref<16x512xf32, #tpu.memory_space<vmem>>[vector<16xi32>, vector<16xi32>], vector<16xf32>,
      %lt3A_1615 = arith.constant 31 : i32
      %lt3A_1616 = arith.cmpi slt, %scan3A_712, %lt3A_1615 : i32
      %convert_element_type3A_1617 = arith.extui %lt3A_1616 : i1 to i32
      %cond3A_1618 = arith.constant 0 : i32
      %cond3A_1619 = arith.cmpi ne, %convert_element_type3A_1617, %cond3A_1618 : i32
      scf.if %cond3A_1619 {
        %add3A_1620 = arith.constant 1 : i32
        %add3A_1621 = arith.addi %scan3A_712, %add3A_1620 : i32
        %mul3A_1622 = arith.constant 16 : i32
        %mul3A_1623 = arith.muli %add3A_1621, %mul3A_1622 : i32
        %get3A_1624 = arith.index_cast %mul3A_1623 : i32 to index
        %get3A_1625 = tpu.vector_load %arg8[%get3A_1624] {strides = array<i32>} : memref<512xi32, #tpu.memory_space<vmem>>, vector<16xi32>,
        %mul3A_1626 = arith.constant 16 : i32
        %mul3A_1627 = arith.muli %add3A_1621, %mul3A_1626 : i32
        %get3A_1628 = arith.index_cast %mul3A_1627 : i32 to index
        %get3A_1629 = tpu.vector_load %arg9[%get3A_1628] {strides = array<i32>} : memref<512xi32, #tpu.memory_space<vmem>>, vector<16xi32>,
        %slice3A_1630 = vector.extract_strided_slice %get3A_1625 {offsets = [15], sizes = [1], strides = [1]} : vector<16xi32> to vector<1xi32>
        %squeeze3A_1631 = vector.extract %slice3A_1630[0] : i32 from vector<1xi32>
        %shift_right_arithmetic3A_1632 = arith.constant 7 : i32
        %shift_right_arithmetic3A_1633 = arith.shrsi %squeeze3A_1631, %shift_right_arithmetic3A_1632 : i32
        %mul3A_1634 = arith.constant 128 : i32
        %mul3A_1635 = arith.muli %shift_right_arithmetic3A_1633, %mul3A_1634 : i32
        %multiple_of3A_1636 = tpu.assume_multiple %mul3A_1635, 128 : i32
        %slice3A_1637 = vector.extract_strided_slice %get3A_1629 {offsets = [15], sizes = [1], strides = [1]} : vector<16xi32> to vector<1xi32>
        %squeeze3A_1638 = vector.extract %slice3A_1637[0] : i32 from vector<1xi32>
        %shift_right_arithmetic3A_1639 = arith.constant 7 : i32
        %shift_right_arithmetic3A_1640 = arith.shrsi %squeeze3A_1638, %shift_right_arithmetic3A_1639 : i32
        %mul3A_1641 = arith.constant 128 : i32
        %mul3A_1642 = arith.muli %shift_right_arithmetic3A_1640, %mul3A_1641 : i32
        %multiple_of3A_1643 = tpu.assume_multiple %mul3A_1642, 128 : i32
        %dma_start3A_1644 = arith.constant 15 : i32
        %dma_start3A_1645 = arith.constant 0 : i32
        %dma_start3A_1646 = arith.constant 0 : i32
        %dma_start3A_1647 = tpu.memref_slice %arg10[%dma_start3A_1644, %dma_start3A_1645, %dma_start3A_1646] : memref<16x16x128xf32, #tpu.memory_space<vmem>> -> memref<1x16x128xf32, #tpu.memory_space<vmem>>
        %dma_start3A_1648 = tpu.memref_squeeze %dma_start3A_1647 : memref<1x16x128xf32, #tpu.memory_space<vmem>> -> memref<16x128xf32, #tpu.memory_space<vmem>>
        %dma_start3A_1649 = arith.constant 0 : i32
        %dma_start3A_1650 = tpu.memref_slice %arg4[%dma_start3A_1649, %multiple_of3A_1636] : memref<16x1000000xf32, #tpu.memory_space<hbm>> -> memref<16x128xf32, #tpu.memory_space<hbm>>
        %dma_start3A_1651 = arith.constant 0 : i32
        %dma_start3A_1652 = arith.constant 0 : i32
        %dma_start3A_1653 = tpu.memref_slice %arg10[%dma_start3A_1644, %dma_start3A_1651, %dma_start3A_1652] : memref<16x16x128xf32, #tpu.memory_space<vmem>> -> memref<1x16x128xf32, #tpu.memory_space<vmem>>
        %dma_start3A_1654 = tpu.memref_squeeze %dma_start3A_1653 : memref<1x16x128xf32, #tpu.memory_space<vmem>> -> memref<16x128xf32, #tpu.memory_space<vmem>>
        %dma_start3A_1655 = arith.constant 0 : i32
        %dma_start3A_1656 = tpu.memref_slice %arg4[%dma_start3A_1655, %multiple_of3A_1636] : memref<16x1000000xf32, #tpu.memory_space<hbm>> -> memref<16x128xf32, #tpu.memory_space<hbm>>
        tpu.enqueue_dma source(%dma_start3A_1656 : memref<16x128xf32, #tpu.memory_space<hbm>>) target(%dma_start3A_1654 : memref<16x128xf32, #tpu.memory_space<vmem>>) target_semaphore(%arg14 : memref<!tpu.dma_semaphore, #tpu.memory_space<semaphore_mem>>)
        %dma_start3A_1657 = arith.constant 15 : i32
        %dma_start3A_1658 = arith.constant 0 : i32
        %dma_start3A_1659 = arith.constant 0 : i32
        %dma_start3A_1660 = tpu.memref_slice %arg11[%dma_start3A_1657, %dma_start3A_1658, %dma_start3A_1659] : memref<16x16x128xf32, #tpu.memory_space<vmem>> -> memref<1x16x128xf32, #tpu.memory_space<vmem>>
        %dma_start3A_1661 = tpu.memref_squeeze %dma_start3A_1660 : memref<1x16x128xf32, #tpu.memory_space<vmem>> -> memref<16x128xf32, #tpu.memory_space<vmem>>
        %dma_start3A_1662 = arith.constant 0 : i32
        %dma_start3A_1663 = tpu.memref_slice %arg5[%dma_start3A_1662, %multiple_of3A_1643] : memref<16x1000000xf32, #tpu.memory_space<hbm>> -> memref<16x128xf32, #tpu.memory_space<hbm>>
        %dma_start3A_1664 = arith.constant 0 : i32
        %dma_start3A_1665 = arith.constant 0 : i32
        %dma_start3A_1666 = tpu.memref_slice %arg11[%dma_start3A_1657, %dma_start3A_1664, %dma_start3A_1665] : memref<16x16x128xf32, #tpu.memory_space<vmem>> -> memref<1x16x128xf32, #tpu.memory_space<vmem>>
        %dma_start3A_1667 = tpu.memref_squeeze %dma_start3A_1666 : memref<1x16x128xf32, #tpu.memory_space<vmem>> -> memref<16x128xf32, #tpu.memory_space<vmem>>
        %dma_start3A_1668 = arith.constant 0 : i32
        %dma_start3A_1669 = tpu.memref_slice %arg5[%dma_start3A_1668, %multiple_of3A_1643] : memref<16x1000000xf32, #tpu.memory_space<hbm>> -> memref<16x128xf32, #tpu.memory_space<hbm>>
        tpu.enqueue_dma source(%dma_start3A_1669 : memref<16x128xf32, #tpu.memory_space<hbm>>) target(%dma_start3A_1667 : memref<16x128xf32, #tpu.memory_space<vmem>>) target_semaphore(%arg15 : memref<!tpu.dma_semaphore, #tpu.memory_space<semaphore_mem>>)
      } else {
      }
    }
    %scan3A_711 = arith.constant 32 : i32
    "tpu.region"() ({
      %run_scoped3A = tpu.sem_alloc : memref<!tpu.dma_semaphore, #tpu.memory_space<semaphore_mem>>
      %dma_start3A_712 = arith.constant 0 : i32
      %dma_start3A_713 = tpu.memref_slice %arg6[%dma_start3A_712, %mul3A_2] : memref<16x16384xf32, #tpu.memory_space<hbm>> -> memref<16x512xf32, #tpu.memory_space<hbm>>
      %dma_start3A_714 = arith.constant 0 : i32
      %dma_start3A_715 = tpu.memref_slice %arg6[%dma_start3A_714, %mul3A_2] : memref<16x16384xf32, #tpu.memory_space<hbm>> -> memref<16x512xf32, #tpu.memory_space<hbm>>
      tpu.enqueue_dma source(%arg12 : memref<16x512xf32, #tpu.memory_space<vmem>>) target(%dma_start3A_715 : memref<16x512xf32, #tpu.memory_space<hbm>>) target_semaphore(%run_scoped3A : memref<!tpu.dma_semaphore, #tpu.memory_space<semaphore_mem>>)
      %dma_wait3A_716 = arith.constant 0 : i32
      %dma_wait3A_717 = tpu.memref_slice %arg6[%dma_wait3A_716, %mul3A_2] : memref<16x16384xf32, #tpu.memory_space<hbm>> -> memref<16x512xf32, #tpu.memory_space<hbm>>
      %dma_wait3A_718 = arith.constant 0 : i32
      %dma_wait3A_719 = tpu.memref_slice %arg6[%dma_wait3A_718, %mul3A_2] : memref<16x16384xf32, #tpu.memory_space<hbm>> -> memref<16x512xf32, #tpu.memory_space<hbm>>
      tpu.wait_dma2 semaphore(%run_scoped3A : memref<!tpu.dma_semaphore, #tpu.memory_space<semaphore_mem>>) src(%arg12 : memref<16x512xf32, #tpu.memory_space<vmem>>) dst(%dma_wait3A_719 : memref<16x512xf32, #tpu.memory_space<hbm>>)
      tpu.yield
    }) : () -> ()
    "tpu.region"() ({
      %run_scoped3A = tpu.sem_alloc : memref<!tpu.dma_semaphore, #tpu.memory_space<semaphore_mem>>
      %dma_start3A_712 = arith.constant 0 : i32
      %dma_start3A_713 = tpu.memref_slice %arg7[%dma_start3A_712, %mul3A_2] : memref<16x16384xf32, #tpu.memory_space<hbm>> -> memref<16x512xf32, #tpu.memory_space<hbm>>
      %dma_start3A_714 = arith.constant 0 : i32
      %dma_start3A_715 = tpu.memref_slice %arg7[%dma_start3A_714, %mul3A_2] : memref<16x16384xf32, #tpu.memory_space<hbm>> -> memref<16x512xf32, #tpu.memory_space<hbm>>
      tpu.enqueue_dma source(%arg13 : memref<16x512xf32, #tpu.memory_space<vmem>>) target(%dma_start3A_715 : memref<16x512xf32, #tpu.memory_space<hbm>>) target_semaphore(%run_scoped3A : memref<!tpu.dma_semaphore, #tpu.memory_space<semaphore_mem>>)
      %dma_wait3A_716 = arith.constant 0 : i32
      %dma_wait3A_717 = tpu.memref_slice %arg7[%dma_wait3A_716, %mul3A_2] : memref<16x16384xf32, #tpu.memory_space<hbm>> -> memref<16x512xf32, #tpu.memory_space<hbm>>
      %dma_wait3A_718 = arith.constant 0 : i32
      %dma_wait3A_719 = tpu.memref_slice %arg7[%dma_wait3A_718, %mul3A_2] : memref<16x16384xf32, #tpu.memory_space<hbm>> -> memref<16x512xf32, #tpu.memory_space<hbm>>
      tpu.wait_dma2 semaphore(%run_scoped3A : memref<!tpu.dma_semaphore, #tpu.memory_space<semaphore_mem>>) src(%arg13 : memref<16x512xf32, #tpu.memory_space<vmem>>) dst(%dma_wait3A_719 : memref<16x512xf32, #tpu.memory_space<hbm>>)
      tpu.yield
    }) : () -> ()
    return
  }
}

module attributes {stable_mosaic.version = 14 : i64} {
  func.func @_mlp_body(%arg0: memref<16x16384xf32, #tpu.memory_space<vmem>>, %arg1: memref<16x16384xf32, #tpu.memory_space<vmem>>, %arg2: memref<16x16xf32, #tpu.memory_space<vmem>>, %arg3: memref<16x16xf32, #tpu.memory_space<vmem>>, %arg4: memref<16xf32, #tpu.memory_space<vmem>>, %arg5: memref<16xf32, #tpu.memory_space<vmem>>, %arg6: memref<1xf32, #tpu.memory_space<vmem>>, %arg7: memref<16384xf32, #tpu.memory_space<vmem>>) attributes {dimension_semantics = [], scalar_prefetch = 0 : i64, scratch_operands = 0 : i64, tpu.core_type = #tpu.core_type<tc>} {
    %get3A = arith.constant 0 : index
    %get3A_0 = arith.constant 0 : index
    %get3A_1 = vector.load %arg2[%get3A, %get3A_0] : memref<16x16xf32, #tpu.memory_space<vmem>>, vector<16x16xf32>
    %get3A_2 = arith.constant 0 : index
    %get3A_3 = arith.constant 0 : index
    %get3A_4 = vector.load %arg0[%get3A_2, %get3A_3] : memref<16x16384xf32, #tpu.memory_space<vmem>>, vector<16x16384xf32>
    %dot_general3A = arith.constant dense<0.000000e+00> : vector<16x16384xf32>
    %dot_general3A_5 = tpu.matmul %get3A_1, %get3A_4, %dot_general3A {dimension_numbers = #tpu.dot_dimension_numbers<[1], [0], [0], [1], [0, 0, 1, 1], [], []>, transpose_lhs_hint = false} : vector<16x16xf32>, vector<16x16384xf32>, vector<16x16384xf32> -> vector<16x16384xf32>
    %get3A_6 = arith.constant 0 : index
    %get3A_7 = arith.constant 0 : index
    %get3A_8 = vector.load %arg3[%get3A_6, %get3A_7] : memref<16x16xf32, #tpu.memory_space<vmem>>, vector<16x16xf32>
    %get3A_9 = arith.constant 0 : index
    %get3A_10 = arith.constant 0 : index
    %get3A_11 = vector.load %arg1[%get3A_9, %get3A_10] : memref<16x16384xf32, #tpu.memory_space<vmem>>, vector<16x16384xf32>
    %dot_general3A_12 = arith.constant dense<0.000000e+00> : vector<16x16384xf32>
    %dot_general3A_13 = tpu.matmul %get3A_8, %get3A_11, %dot_general3A_12 {dimension_numbers = #tpu.dot_dimension_numbers<[1], [0], [0], [1], [0, 0, 1, 1], [], []>, transpose_lhs_hint = false} : vector<16x16xf32>, vector<16x16384xf32>, vector<16x16384xf32> -> vector<16x16384xf32>
    %add3A = arith.addf %dot_general3A_5, %dot_general3A_13 : vector<16x16384xf32>
    %get3A_14 = arith.constant 0 : index
    %get3A_15 = vector.load %arg4[%get3A_14] : memref<16xf32, #tpu.memory_space<vmem>>, vector<16xf32>
    %broadcast_in_dim3A = vector.shape_cast %get3A_15 : vector<16xf32> to vector<16x1xf32>
    %add3A_16 = vector.broadcast %broadcast_in_dim3A : vector<16x1xf32> to vector<16x16384xf32>
    %add3A_17 = arith.addf %add3A, %add3A_16 : vector<16x16384xf32>
    %max3A = arith.constant 0.000000e+00 : f32
    %max3A_18 = vector.broadcast %max3A : f32 to vector<16x16384xf32>
    %max3A_19 = arith.maximumf %add3A_17, %max3A_18 : vector<16x16384xf32>
    %get3A_20 = arith.constant 0 : index
    %get3A_21 = vector.load %arg5[%get3A_20] : memref<16xf32, #tpu.memory_space<vmem>>, vector<16xf32>
    %broadcast_in_dim3A_22 = vector.shape_cast %get3A_21 : vector<16xf32> to vector<1x16xf32>
    %dot_general3A_23 = arith.constant dense<0.000000e+00> : vector<1x16384xf32>
    %dot_general3A_24 = tpu.matmul %broadcast_in_dim3A_22, %max3A_19, %dot_general3A_23 {dimension_numbers = #tpu.dot_dimension_numbers<[1], [0], [0], [1], [0, 0, 1, 1], [], []>, transpose_lhs_hint = false} : vector<1x16xf32>, vector<16x16384xf32>, vector<1x16384xf32> -> vector<1x16384xf32>
    %squeeze3A = vector.shape_cast %dot_general3A_24 : vector<1x16384xf32> to vector<16384xf32>
    %get3A_25 = arith.constant 0 : index
    %get3A_26 = vector.load %arg6[%get3A_25] : memref<1xf32, #tpu.memory_space<vmem>>, vector<1xf32>
    %add3A_27 = vector.broadcast %get3A_26 : vector<1xf32> to vector<16384xf32>
    %add3A_28 = arith.addf %squeeze3A, %add3A_27 : vector<16384xf32>
    %logistic3A = arith.negf %add3A_28 : vector<16384xf32>
    %logistic3A_29 = math.exp %logistic3A : vector<16384xf32>
    %logistic3A_30 = arith.constant 1.000000e+00 : f32
    %logistic3A_31 = vector.broadcast %logistic3A_30 : f32 to vector<16384xf32>
    %logistic3A_32 = arith.addf %logistic3A_31, %logistic3A_29 : vector<16384xf32>
    %logistic3A_33 = arith.divf %logistic3A_31, %logistic3A_32 : vector<16384xf32>
    %swap3A = arith.constant 0 : index
    %swap3A_34 = vector.load %arg7[%swap3A] : memref<16384xf32, #tpu.memory_space<vmem>>, vector<16384xf32>
    tpu.vector_store %arg7[%swap3A], %logistic3A_33 {strides = array<i32>} : memref<16384xf32, #tpu.memory_space<vmem>>, vector<16384xf32>,
    return
  }
}

</mosaic_0001>

<sc_bundles>
// kernel: kernel.4.cloned.1.call-start
scs
__scs_entry_jumppad:
0x0: {  	(pc) =	sbr.rel $0x88, $3  }
0x1: {  	(tag) =	ssettag $0x0;
	lr =	simm.s32 $0x1  }
0x2: {  	[smem:$0x3F99] =	sst lr;
	_ =	strace $0xD0000000  }
0x3: {  	_ = 	snop  }
0x4: {  	_ = 	snop  }
0x5: {  	_ = 	snop  }
0x6: {  	_ = 	snop  }
0x7: {  	_ = 	snop  }
__scs_overlays_trampoline_lowered:
0x8: {  	[smem:$0x3FA8] =	sst s0  }
0x9: {  	[smem:$0x3FA9] =	sst s1  }
0xa: {  	[smem:$0x3FAA] =	sst s2  }
0xb: {  	[smem:$0x3FAB] =	sst s3  }
0xc: {  	[smem:$0x3FAC] =	sst s4  }
0xd: {  	[smem:$0x3FAD] =	sst s5  }
0xe: {  	[smem:$0x3FAE] =	sst s6  }
0xf: {  	[smem:$0x3FAF] =	sst s7  }
0x10: {  	[smem:$0x3FB0] =	sst s8  }
0x11: {  	[smem:$0x3FB1] =	sst s9;
	s0 =	simm.s32 @!p0 $0x0  }
0x12: {  	s1 =	sld [smem:$0x3F97];
	s0 =	simm.s32 @p0 $0x1  }
0x13: {  	[smem:$0x3FB2] =	sst s0;
	s0 =	simm.s32 @!p1 $0x0  }
0x14: {  	s2 =	sld [smem:$0x3F96];
	s0 =	simm.s32 @p1 $0x1  }
0x15: {  	[smem:$0x3FB3] =	sst s0;
	s0 =	simm.s32 @!p2 $0x0  }
0x16: {  	s3 =	sld [smem:$0x3FDB];
	s0 =	simm.s32 @p2 $0x1  }
0x17: {  	s4 =	simm.s32 $0x1BF5;
	[smem:$0x3FB5] =	sst s0  }
0x18: {  	s0 =	sld [smem:$0x3F98];
	_ =	swait.ge [sflag:s4], $0x0  }
0x19: {  	s7 =	sld [smem:$0x3F99]  }
0x1a: {  	s8 =	sadd.s32 $0xFFFFE003, lr  }
0x1b: {  	s9 =	sadd.s32 $0xFFFFFEF7, lr;
	s5 =	simm.s32 $0xFFFFFFFF;
	p2 =	slt.u32 s8, $0xFFFFF086  }
0x1c: {  	p1 =	slt.u32 s9, $0xF7A;
	s5 =	simm.s32 @!p2 $0x0  }
0x1d: {  	s5 =	simm.s32 @p1 $0x1;
	p0 =	seq.s32 s7, s2  }
0x1e: {  	s7 =	smul.u32 @!p0 $0xF7A, s2;
	p2 =	seq.s32 @!p0 s5, $0x0  }
0x1f: {  	s9 =	smul.u32 $0xF7A, s1;
	s8 =	simm.s32 @!p0 $0x1BF5;
	p2 =	por !p2, p0  }
0x20: {  	[sflag:s8] =	ssyncset.s32 @!p0 $0xFFFFF086;
	s6 =	sadd.s32 @!p0 s3, s7;
	s7 =	simm.s32 @!p0 $0x108  }
0x21: {  	s3 =	sadd.s32 s3, s9;
	s6 =	sadd.s32 @!p0 $0x88, s6;
	s7 =	simm.s32 @p2 $0x1082  }
0x22: {  	[simem:s7], [sflag:s8] =	dma.local @!p0 [hbm:s6], $0xF7A  }
0x23: {  	s9 =	sor.u32 $0xD0000000, s2;
	s6 =	simm.s32 $0x108;
	_ =	swait.ge @!p0 [sflag:s8], $0x0  }
0x24: {  	s3 =	sadd.s32 $0x88, s3;
	s6 =	simm.s32 @!p1 $0x1082;
	[sflag:s4] =	ssyncset.s32 $0xFFFFF086  }
0x25: {  	[simem:s6], [sflag:s4] =	dma.local [hbm:s3], $0xF7A  }
0x26: {  	[smem:$0x3F99] =	sst s1;
	(tag) =	ssettag s2;
	_ =	strace s9  }
0x27: {  	s1 =	sld [smem:$0x3FA9]  }
0x28: {  	s2 =	sld [smem:$0x3FAA]  }
0x29: {  	s4 =	sld [smem:$0x3FAC]  }
0x2a: {  	p0 =	seq.s32 s5, $0x0;
	s5 =	sld [smem:$0x3FAD]  }
0x2b: {  	s6 =	sld [smem:$0x3FAE]  }
0x2c: {  	s7 =	sld [smem:$0x3FAF]  }
0x2d: {  	s3 =	simm.s32 $0x108;
	s8 =	sld [smem:$0x3FB0]  }
0x2e: {  	s3 =	simm.s32 @!p0 $0x1082;
	s9 =	sld [smem:$0x3FB1]  }
0x2f: {  	lr =	sadd.s32 s0, s3;
	s0 =	sld [smem:$0x3FA8]  }
0x30: {  	s3 =	sld [smem:$0x3FAB]  }
0x31: {  	[smem:$0x3FB4] =	sst s10  }
0x32: {  	s10 =	sld [smem:$0x3FB2];
	_ =	sdelay $0x3  }
0x33: {  	p0 =	seq.s32 s10, $0x1;
	s10 =	sld [smem:$0x3FB4];
	_ =	sdelay $0x3  }
0x34: {  	[smem:$0x3FB4] =	sst s10  }
0x35: {  	s10 =	sld [smem:$0x3FB3];
	_ =	sdelay $0x3  }
0x36: {  	p1 =	seq.s32 s10, $0x1;
	s10 =	sld [smem:$0x3FB4];
	_ =	sdelay $0x3  }
0x37: {  	[smem:$0x3FB4] =	sst s10  }
0x38: {  	s10 =	sld [smem:$0x3FB5]  }
0x39: {  	_ = 	snop;
	(pc) =	sbr.ind lr, $3  }
0x3a: {  	_ = 	snop  }
0x3b: {  	_ = 	snop  }
0x3c: {  	p2 =	seq.s32 s10, $0x1;
	s10 =	sld [smem:$0x3FB4]  }
0x3d: {  	_ =	shalt  }
0x3e: {  	_ =	shalt  }
0x3f: {  	_ =	shalt  }
0x40: {  	_ =	shalt  }
0x41: {  	_ =	shalt  }
0x42: {  	_ =	shalt  }
0x43: {  	_ =	shalt  }
0x44: {  	_ =	shalt  }
0x45: {  	_ =	shalt  }
0x46: {  	_ =	shalt  }
0x47: {  	_ =	shalt  }
0x48: {  	_ =	shalt  }
0x49: {  	_ =	shalt  }
0x4a: {  	_ =	shalt  }
0x4b: {  	_ =	shalt  }
0x4c: {  	_ =	shalt  }
0x4d: {  	_ =	shalt  }
0x4e: {  	_ =	shalt  }
0x4f: {  	_ =	shalt  }
0x50: {  	_ =	shalt  }
0x51: {  	_ =	shalt  }
0x52: {  	_ =	shalt  }
0x53: {  	_ =	shalt  }
0x54: {  	_ =	shalt  }
0x55: {  	_ =	shalt  }
0x56: {  	_ =	shalt  }
0x57: {  	_ =	shalt  }
0x58: {  	_ =	shalt  }
0x59: {  	_ =	shalt  }
0x5a: {  	_ =	shalt  }
0x5b: {  	_ =	shalt  }
0x5c: {  	_ =	shalt  }
0x5d: {  	_ =	shalt  }
0x5e: {  	_ =	shalt  }
0x5f: {  	_ =	shalt  }
0x60: {  	_ =	shalt  }
0x61: {  	_ =	shalt  }
0x62: {  	_ =	shalt  }
0x63: {  	_ =	shalt  }
0x64: {  	_ =	shalt  }
0x65: {  	_ =	shalt  }
0x66: {  	_ =	shalt  }
0x67: {  	_ =	shalt  }
0x68: {  	_ =	shalt  }
0x69: {  	_ =	shalt  }
0x6a: {  	_ =	shalt  }
0x6b: {  	_ =	shalt  }
0x6c: {  	_ =	shalt  }
0x6d: {  	_ =	shalt  }
0x6e: {  	_ =	shalt  }
0x6f: {  	_ =	shalt  }
0x70: {  	_ =	shalt  }
0x71: {  	_ =	shalt  }
0x72: {  	_ =	shalt  }
0x73: {  	_ =	shalt  }
0x74: {  	_ =	shalt  }
0x75: {  	_ =	shalt  }
0x76: {  	_ =	shalt  }
0x77: {  	_ =	shalt  }
0x78: {  	_ =	shalt  }
0x79: {  	_ =	shalt  }
0x7a: {  	_ =	shalt  }
0x7b: {  	_ =	shalt  }
0x7c: {  	_ =	shalt  }
0x7d: {  	_ =	shalt  }
0x7e: {  	_ =	shalt  }
0x7f: {  	_ =	shalt  }
0x80: {  	_ =	shalt  }
0x81: {  	_ =	shalt  }
0x82: {  	_ =	shalt  }
0x83: {  	_ =	shalt  }
0x84: {  	_ =	shalt  }
0x85: {  	_ =	shalt  }
0x86: {  	_ =	shalt  }
0x87: {  	_ =	shalt  }
.Lfunc_end0:
.L_simem_size_0:
called_computation_lowered:
.L_overlay_start_0:
0x88: {  	s2 =	sld [smem:$0x3FD9]  }
0x89: {  	s3 =	sld [smem:$0x3FFE];
	_ =	sdelay $0x1  }
0x8a: {  	s1 =	srdreg.scid  }
0x8b: {  	s0 =	sand.u32 $0x1, s1  }
0x8c: {  	s17 =	sshll.u32 s0, $0xA;
	s2 =	sadd.s32 s3, s2  }
0x8d: {  	s2 =	sadd.s32 s2, s17  }
0x8e: {  	[smem:$0x3FC0] =	sst s2  }
0x8f: {  	_ = 	snop  }
0x90: {  	s2 =	sld [smem:$0x3FC9]  }
0x91: {  	s18 =	sld [smem:$0x3FC8]  }
0x92: {  	s4 =	sld [smem:$0x3FC7]  }
0x93: {  	s5 =	sld [smem:$0x3FC6];
	(tm) =	ssettm $0x1  }
0x94: {  	s6 =	sld [smem:$0x3FFB];
	_ =	sdelay $0x3  }
0x95: {  	_ =	strace s6  }
0x96: {  	s6 =	sld [smem:$0x3FFC];
	_ =	sdelay $0x3  }
0x97: {  	_ =	strace s6  }
0x98: {  	s6 =	sld [smem:$0x3FFD];
	_ =	sdelay $0x3  }
0x99: {  	_ =	strace s6  }
0x9a: {  	_ =	strace $0x8FFFFFFF  }
0x9b: {  	s19 =	sld [smem:$0x3FDB];
	_ =	sdelay $0x1  }
0x9c: {  	s7 =	simm.s32 $_scs_section_size  }
0x9d: {  	s8 =	simm.s32 $_size__tile_overlayer_lowered;
	s9 =	simm.s32 $_tile_overlayer_lowered  }
0x9e: {  	s22 =	simm.s32 $0x1BFF;
	s21 =	sshll.u32 s9, $0x1;
	s6 =	sadd.s32 s7, s19  }
0x9f: {  	s10 =	simm.s32 $0x0;
	s20 =	sshll.u32 s8, $0x1;
	s8 =	sadd.s32 s21, s6  }
0xa0: {  	[timem:s10], [sflag:s22] =	dma.local [hbm:s8], s20  }
0xa1: {  	_ =	swait.ge [sflag:s22], s20  }
0xa2: {  	s7 =	ssub.s32 $0x0, s20;
	[sflag:s22] =	ssyncset.done $0x0  }
0xa3: {  	[sflag:s22] =	ssyncadd.s32 s7;
	_ =	sdelay $0x1  }
0xa4: {  	s23 =	simm.s32 $0x1B8B  }
0xa5: {  	_ =	swait.ge [sflag:s23], $0x1  }
0xa6: {  	[sflag:s23] =	ssyncset.done $0x0  }
0xa7: {  	s25 =	simm.s32 $0x1B8E;
	s24 =	sld [smem:$0x3FFE];
	[sflag:s23] =	ssyncadd.s32 $0xFFFFFFFF  }
0xa8: {  	s26 =	simm.s32 $execute0_lowered;
	[smem:$0x3FD2] =	sst s25  }
0xa9: {  	s8 =	sshll.u32 s26, $0x1;
	_ =	strace $0x80000046;
	[dreg:$0x1] =	wrdreg $0xFFFFFFFF  }
0xaa: {  	s28 =	simm.s32 $_size_execute0_lowered;
	s6 =	sadd.s32 s6, s8;
	[dreg:$0x0] =	wrdreg $0x0  }
0xab: {  	s8 =	sshll.u32 s28, $0x1;
	[dreg:$0x2] =	wrdreg s6  }
0xac: {  	[dreg:$0x3] =	wrdreg s8  }
0xad: {  	[dreg:$0x4] =	wrdreg $0xC0  }
0xae: {  	_ =	task [dreg:s10], $0x5FFFF  }
0xaf: {  	[dreg:$0x1] =	wrdreg $0xFFFFFFFF  }
0xb0: {  	[dreg:$0x0] =	wrdreg $0x60  }
0xb1: {  	[dreg:$0x2] =	wrdreg s2  }
0xb2: {  	[dreg:$0x3] =	wrdreg s18  }
0xb3: {  	[dreg:$0x4] =	wrdreg s4  }
0xb4: {  	[dreg:$0x5] =	wrdreg s5  }
0xb5: {  	[dreg:$0x6] =	wrdreg s24  }
0xb6: {  	[dreg:$0x7] =	wrdreg $0x9  }
0xb7: {  	_ =	task.clear_ibuf [dreg:s10], $0x8FFFF;
	_ =	strace $0x90000046  }
0xb8: {  	s29 =	simm.s32 $0x9;
	_ =	strace $0x80000048  }
0xb9: {  	_ =	swait.ge [sflag:s29], $0x1  }
0xba: {  	[sflag:s29] =	ssyncadd.s32 $0xFFFFFFFF  }
0xbb: {  	_ =	strace $0x90000048  }
0xbc: {  	_ =	sfence  }
0xbd: {  	s30 =	sld [smem:$0x0];
	_ =	sdelay $0x2  }
0xbe: {  	s31 =	sshll.u32 s1, $0xD;
	s1 =	sshrl.u32 s1, $0x2  }
0xbf: {  	s3 =	sand.u32 $0x4000, s31;
	s1 =	sadd.s32 s1, s30  }
0xc0: {  	s0 =	sor.u32 s3, s0;
	s1 =	sshll.u32 s1, $0x11  }
0xc1: {  	s0 =	sor.u32 s1, s0  }
0xc2: {  	s0 =	sadd.s32 $0x8F2B, s0  }
0xc3: {  	[sflag:s0] =	ssyncadd.remote.s32 $0x1  }
0xc4: {  	_ =	sfence.sel $0xFFFF  }
0xc5: {  	[dreg:$0x0] =	wrdreg $0xFFFFFFFF;
	(pc) =	sbr.abs _section_cstart, $3  }
0xc6: {  	[dreg:$0x1] =	wrdreg $0xFFFFFFFF  }
0xc7: {  	_ =	task.clear_ibuf [dreg:s10], $0x2FFFF;
	_ =	strace $0x9FFFFFFF  }
0xc8: {  	(tm) =	ssettm $0x7FFFFFFF  }
0xc9: {  	_ =	shalt  }
tec
execute0_lowered:
.L_overlay_start_1:
0x0: {  	(tag) =	ssettag $0x1  }
0x1: {  	v0 =	vimm.s32 $0x1380;
	vm14 =	vcmask $0x300;
	vm13 =	vcmask $0x704  }
0x2: {  	vm12 =	vcmask $0xB08;
	vm11 =	vcmask $0xF0C;
	vm10 =	vcmask $0x1310  }
0x3: {  	vm9 =	vcmask $0x1714;
	vm8 =	vcmask $0x1B18;
	vm7 =	vcmask $0x1F1C  }
0x4: {  	vm6 =	vcmask $0x2320;
	vm5 =	vcmask $0x2724;
	vm4 =	vcmask $0x2B28  }
0x5: {  	vm3 =	vcmask $0x2F2C;
	v1 =	vlaneseq.u32;
	vm2 =	vcmask $0x3330  }
0x6: {  	vm1 =	vcmask $0x3734;
	vm0 =	vcmask $0x3B38;
	v4 =	vimm.s32 $0x1382  }
0x7: {  	v5 =	vimm.s32 $0x1383;
	v8 =	vimm.s32 $0x1384;
	v10 =	vimm.s32 $0x1385  }
0x8: {  	v11 =	vimm.s32 $0x1386;
	v14 =	vimm.s32 $0x1387;
	v16 =	vimm.s32 $0x1388  }
0x9: {  	v17 =	vimm.s32 $0x1389;
	v20 =	vimm.s32 $0x138A;
	v22 =	vimm.s32 $0x138B  }
0xa: {  	v23 =	vimm.s32 $0x138C;
	v27 =	vimm.s32 $0x138D;
	v28 =	vimm.s32 $0x138E  }
0xb: {  	v29 =	vimm.s32 $0x138F;
	v0 =	vsel vm14, $0x0, v0;
	v4 =	vsel vm14, $0x2, v4  }
0xc: {  	v5 =	vsel vm14, $0x3, v5;
	v9 =	vsel vm14, $0x4, v8;
	v10 =	vsel vm14, $0x5, v10  }
0xd: {  	v11 =	vsel vm14, $0x6, v11;
	v15 =	vsel vm14, $0x7, v14;
	v16 =	vsel vm14, $0x8, v16  }
0xe: {  	v17 =	vsel vm14, $0x9, v17;
	v21 =	vsel vm14, $0xA, v20;
	v22 =	vsel vm14, $0xB, v22  }
0xf: {  	v23 =	vsel vm14, $0xC, v23;
	v27 =	vsel vm14, $0xD, v27;
	v28 =	vsel vm14, $0xE, v28  }
0x10: {  	v29 =	vsel vm14, $0xF, v29;
	v0 =	vsel vm13, $0x80, v0;
	v4 =	vsel vm13, $0x82, v4  }
0x11: {  	v5 =	vsel vm13, $0x83, v5;
	v9 =	vsel vm13, $0x84, v9;
	v10 =	vsel vm13, $0x85, v10  }
0x12: {  	v11 =	vsel vm13, $0x86, v11;
	v15 =	vsel vm13, $0x87, v15;
	v16 =	vsel vm13, $0x88, v16  }
0x13: {  	v17 =	vsel vm13, $0x89, v17;
	v21 =	vsel vm13, $0x8A, v21;
	v22 =	vsel vm13, $0x8B, v22  }
0x14: {  	v23 =	vsel vm13, $0x8C, v23;
	v27 =	vsel vm13, $0x8D, v27;
	v28 =	vsel vm13, $0x8E, v28  }
0x15: {  	v29 =	vsel vm13, $0x8F, v29;
	v0 =	vsel vm12, $0x100, v0;
	v4 =	vsel vm12, $0x102, v4  }
0x16: {  	v5 =	vsel vm12, $0x103, v5;
	v9 =	vsel vm12, $0x104, v9;
	v10 =	vsel vm12, $0x105, v10  }
0x17: {  	v11 =	vsel vm12, $0x106, v11;
	v15 =	vsel vm12, $0x107, v15;
	v16 =	vsel vm12, $0x108, v16  }
0x18: {  	v17 =	vsel vm12, $0x109, v17;
	v21 =	vsel vm12, $0x10A, v21;
	v22 =	vsel vm12, $0x10B, v22  }
0x19: {  	v23 =	vsel vm12, $0x10C, v23;
	v27 =	vsel vm12, $0x10D, v27;
	v28 =	vsel vm12, $0x10E, v28  }
0x1a: {  	v29 =	vsel vm12, $0x10F, v29;
	v0 =	vsel vm11, $0x180, v0;
	v4 =	vsel vm11, $0x182, v4  }
0x1b: {  	v5 =	vsel vm11, $0x183, v5;
	v9 =	vsel vm11, $0x184, v9;
	v10 =	vsel vm11, $0x185, v10  }
0x1c: {  	v11 =	vsel vm11, $0x186, v11;
	v15 =	vsel vm11, $0x187, v15;
	v16 =	vsel vm11, $0x188, v16  }
0x1d: {  	v17 =	vsel vm11, $0x189, v17;
	v21 =	vsel vm11, $0x18A, v21;
	v22 =	vsel vm11, $0x18B, v22  }
0x1e: {  	v23 =	vsel vm11, $0x18C, v23;
	v27 =	vsel vm11, $0x18D, v27;
	v28 =	vsel vm11, $0x18E, v28  }
0x1f: {  	v29 =	vsel vm11, $0x18F, v29;
	v0 =	vsel vm10, $0x200, v0;
	v4 =	vsel vm10, $0x202, v4  }
0x20: {  	v5 =	vsel vm10, $0x203, v5;
	v9 =	vsel vm10, $0x204, v9;
	v10 =	vsel vm10, $0x205, v10  }
0x21: {  	v11 =	vsel vm10, $0x206, v11;
	v15 =	vsel vm10, $0x207, v15;
	v16 =	vsel vm10, $0x208, v16  }
0x22: {  	v17 =	vsel vm10, $0x209, v17;
	v21 =	vsel vm10, $0x20A, v21;
	v22 =	vsel vm10, $0x20B, v22  }
0x23: {  	v23 =	vsel vm10, $0x20C, v23;
	v27 =	vsel vm10, $0x20D, v27;
	v28 =	vsel vm10, $0x20E, v28  }
0x24: {  	v29 =	vsel vm10, $0x20F, v29;
	v0 =	vsel vm9, $0x280, v0;
	v4 =	vsel vm9, $0x282, v4  }
0x25: {  	v5 =	vsel vm9, $0x283, v5;
	v9 =	vsel vm9, $0x284, v9;
	v10 =	vsel vm9, $0x285, v10  }
0x26: {  	v11 =	vsel vm9, $0x286, v11;
	v15 =	vsel vm9, $0x287, v15;
	v16 =	vsel vm9, $0x288, v16  }
0x27: {  	v17 =	vsel vm9, $0x289, v17;
	v21 =	vsel vm9, $0x28A, v21;
	v22 =	vsel vm9, $0x28B, v22  }
0x28: {  	v23 =	vsel vm9, $0x28C, v23;
	v27 =	vsel vm9, $0x28D, v27;
	v28 =	vsel vm9, $0x28E, v28  }
0x29: {  	v29 =	vsel vm9, $0x28F, v29;
	v0 =	vsel vm8, $0x300, v0;
	v4 =	vsel vm8, $0x302, v4  }
0x2a: {  	v5 =	vsel vm8, $0x303, v5;
	v9 =	vsel vm8, $0x304, v9;
	v10 =	vsel vm8, $0x305, v10  }
0x2b: {  	v11 =	vsel vm8, $0x306, v11;
	v15 =	vsel vm8, $0x307, v15;
	v16 =	vsel vm8, $0x308, v16  }
0x2c: {  	v17 =	vsel vm8, $0x309, v17;
	v21 =	vsel vm8, $0x30A, v21;
	v22 =	vsel vm8, $0x30B, v22  }
0x2d: {  	v23 =	vsel vm8, $0x30C, v23;
	v27 =	vsel vm8, $0x30D, v27;
	v28 =	vsel vm8, $0x30E, v28  }
0x2e: {  	v29 =	vsel vm8, $0x30F, v29;
	v0 =	vsel vm7, $0x380, v0;
	v4 =	vsel vm7, $0x382, v4  }
0x2f: {  	v5 =	vsel vm7, $0x383, v5;
	v9 =	vsel vm7, $0x384, v9;
	v10 =	vsel vm7, $0x385, v10  }
0x30: {  	v11 =	vsel vm7, $0x386, v11;
	v15 =	vsel vm7, $0x387, v15;
	v16 =	vsel vm7, $0x388, v16  }
0x31: {  	v17 =	vsel vm7, $0x389, v17;
	v21 =	vsel vm7, $0x38A, v21;
	v22 =	vsel vm7, $0x38B, v22  }
0x32: {  	v23 =	vsel vm7, $0x38C, v23;
	v27 =	vsel vm7, $0x38D, v27;
	v28 =	vsel vm7, $0x38E, v28  }
0x33: {  	v29 =	vsel vm7, $0x38F, v29;
	v0 =	vsel vm6, $0x1000, v0;
	v4 =	vsel vm6, $0x1002, v4  }
0x34: {  	v5 =	vsel vm6, $0x1003, v5;
	v9 =	vsel vm6, $0x1004, v9;
	v10 =	vsel vm6, $0x1005, v10  }
0x35: {  	v11 =	vsel vm6, $0x1006, v11;
	v15 =	vsel vm6, $0x1007, v15;
	v16 =	vsel vm6, $0x1008, v16  }
0x36: {  	v17 =	vsel vm6, $0x1009, v17;
	v21 =	vsel vm6, $0x100A, v21;
	v22 =	vsel vm6, $0x100B, v22  }
0x37: {  	v23 =	vsel vm6, $0x100C, v23;
	v27 =	vsel vm6, $0x100D, v27;
	v28 =	vsel vm6, $0x100E, v28  }
0x38: {  	v29 =	vsel vm6, $0x100F, v29;
	v0 =	vsel vm5, $0x1080, v0;
	v4 =	vsel vm5, $0x1082, v4  }
0x39: {  	v5 =	vsel vm5, $0x1083, v5;
	v9 =	vsel vm5, $0x1084, v9;
	v10 =	vsel vm5, $0x1085, v10  }
0x3a: {  	v11 =	vsel vm5, $0x1086, v11;
	v15 =	vsel vm5, $0x1087, v15;
	v16 =	vsel vm5, $0x1088, v16  }
0x3b: {  	v17 =	vsel vm5, $0x1089, v17;
	v21 =	vsel vm5, $0x108A, v21;
	v22 =	vsel vm5, $0x108B, v22  }
0x3c: {  	v23 =	vsel vm5, $0x108C, v23;
	v27 =	vsel vm5, $0x108D, v27;
	v28 =	vsel vm5, $0x108E, v28  }
0x3d: {  	v29 =	vsel vm5, $0x108F, v29;
	v0 =	vsel vm4, $0x1100, v0;
	v4 =	vsel vm4, $0x1102, v4  }
0x3e: {  	v5 =	vsel vm4, $0x1103, v5;
	v9 =	vsel vm4, $0x1104, v9;
	v10 =	vsel vm4, $0x1105, v10  }
0x3f: {  	v11 =	vsel vm4, $0x1106, v11;
	v15 =	vsel vm4, $0x1107, v15;
	v16 =	vsel vm4, $0x1108, v16  }
0x40: {  	v17 =	vsel vm4, $0x1109, v17;
	v21 =	vsel vm4, $0x110A, v21;
	v22 =	vsel vm4, $0x110B, v22  }
0x41: {  	v23 =	vsel vm4, $0x110C, v23;
	v27 =	vsel vm4, $0x110D, v27;
	v28 =	vsel vm4, $0x110E, v28  }
0x42: {  	v29 =	vsel vm4, $0x110F, v29;
	v2 =	vsel vm3, $0x1180, v0;
	v0 =	vmul.u32 $0x80, v1  }
0x43: {  	v4 =	vsel vm3, $0x1182, v4;
	v7 =	vsel vm3, $0x1183, v5;
	v9 =	vsel vm3, $0x1184, v9  }
0x44: {  	v10 =	vsel vm3, $0x1185, v10;
	v13 =	vsel vm3, $0x1186, v11;
	v15 =	vsel vm3, $0x1187, v15  }
0x45: {  	v16 =	vsel vm3, $0x1188, v16;
	v19 =	vsel vm3, $0x1189, v17;
	v21 =	vsel vm3, $0x118A, v21  }
0x46: {  	v22 =	vsel vm3, $0x118B, v22;
	v25 =	vsel vm3, $0x118C, v23;
	v27 =	vsel vm3, $0x118D, v27  }
0x47: {  	v28 =	vsel vm3, $0x118E, v28;
	v29 =	vsel vm3, $0x118F, v29;
	v1 =	vsel vm2, $0x1200, v2  }
0x48: {  	v2 =	vimm.s32 $0x1381;
	v4 =	vsel vm2, $0x1202, v4;
	v7 =	vsel vm2, $0x1203, v7  }
0x49: {  	v9 =	vsel vm2, $0x1204, v9;
	v10 =	vsel vm2, $0x1205, v10;
	v13 =	vsel vm2, $0x1206, v13  }
0x4a: {  	v15 =	vsel vm2, $0x1207, v15;
	v16 =	vsel vm2, $0x1208, v16;
	v19 =	vsel vm2, $0x1209, v19  }
0x4b: {  	v21 =	vsel vm2, $0x120A, v21;
	v22 =	vsel vm2, $0x120B, v22;
	v25 =	vsel vm2, $0x120C, v25  }
0x4c: {  	v27 =	vsel vm2, $0x120D, v27;
	v30 =	vsel vm2, $0x120E, v28;
	v29 =	vsel vm2, $0x120F, v29  }
0x4d: {  	v1 =	vsel vm1, $0x1280, v1;
	v3 =	vsel vm14, $0x1, v2;
	v2 =	vor.u32 $0x800, v0  }
0x4e: {  	v6 =	vsel vm1, $0x1282, v4;
	v4 =	vor.u32 $0x1000, v0;
	v7 =	vsel vm1, $0x1283, v7  }
0x4f: {  	v8 =	vor.u32 $0x2000, v0;
	v9 =	vsel vm1, $0x1284, v9;
	v12 =	vsel vm1, $0x1285, v10  }
0x50: {  	s2 =	rddreg [dreg:$0x0];
	v10 =	vor.u32 $0x2800, v0;
	v13 =	vsel vm1, $0x1286, v13;
	v14 =	vor.u32 $0x3800, v0  }
0x51: {  	s3 =	rddreg [dreg:$0x1];
	v15 =	vsel vm1, $0x1287, v15;
	v18 =	vsel vm1, $0x1288, v16;
	v16 =	vor.u32 $0x4000, v0  }
0x52: {  	s0 =	rddreg [dreg:$0x2];
	v19 =	vsel vm1, $0x1289, v19;
	v20 =	vor.u32 $0x5000, v0;
	v21 =	vsel vm1, $0x128A, v21  }
0x53: {  	s1 =	rddreg [dreg:$0x3];
	v24 =	vsel vm1, $0x128B, v22;
	v22 =	vor.u32 $0x5800, v0;
	v3 =	vsel vm13, $0x81, v3  }
0x54: {  	s5 =	rddreg [dreg:$0x4];
	v25 =	vsel vm1, $0x128C, v25;
	v26 =	vor.u32 $0x6800, v0;
	v3 =	vsel vm12, $0x101, v3  }
0x55: {  	s6 =	srdreg.scid;
	s4 =	simm.s32 $0x0;
	s7 =	stileid.u32;
	v27 =	vsel vm1, $0x128D, v27;
	v28 =	vor.u32 $0x7000, v0;
	v3 =	vsel vm11, $0x181, v3  }
0x56: {  	s11 =	simm.s32 $0x1;
	s12 =	simm.s32 $0x7A1400;
	s13 =	simm.s32 $0x2;
	v30 =	vsel vm1, $0x128E, v30;
	v31 =	vsel vm1, $0x128F, v29;
	v3 =	vsel vm10, $0x201, v3  }
0x57: {  	s14 =	simm.s32 $0x400;
	s15 =	simm.s32 $0x8400;
	s23 =	simm.s32 $0xEC00;
	v1 =	vsel vm0, $0x1300, v1;
	v5 =	vsel vm0, $0x1302, v6;
	v3 =	vsel vm9, $0x281, v3  }
0x58: {  	s24 =	simm.s32 $0x7400;
	s25 =	simm.s32 $0xF400;
	s28 =	simm.s32 $0xFC00;
	v6 =	vor.u32 $0x1800, v0;
	v7 =	vsel vm0, $0x1303, v7;
	v3 =	vsel vm8, $0x301, v3  }
0x59: {  	s29 =	simm.s32 $0x10400;
	s30 =	simm.s32 $0x12400;
	s31 =	simm.s32 $0x1000;
	v9 =	vsel vm0, $0x1304, v9;
	v11 =	vsel vm0, $0x1305, v12;
	v3 =	vsel vm7, $0x381, v3  }
0x5a: {  	s6 =	sand.u32 $0x1, s6;
	[smem:$0x7FF] =	sst s4;
	s7 =	sshll.u32 s7, $0xA;
	v12 =	vor.u32 $0x3000, v0;
	v13 =	vsel vm0, $0x1306, v13;
	v3 =	vsel vm6, $0x1001, v3  }
0x5b: {  	s10 =	simm.s32 $0x0;
	s8 =	sshll.u32 s6, $0x9;
	_ =	strace $0x80000047;
	v15 =	vsel vm0, $0x1307, v15;
	v17 =	vsel vm0, $0x1308, v18;
	v3 =	vsel vm5, $0x1081, v3  }
.Ltmp0:
0x5c: {  	s6 =	ssub.s32 $0x2, s6;
	s7 =	sor.u32 s8, s7;
	v18 =	vor.u32 $0x4800, v0;
	v19 =	vsel vm0, $0x1309, v19;
	v3 =	vsel vm4, $0x1101, v3;
	(pc) =	sbr.rel .LBB2_1-.Ltmp0, $4  }
0x5d: {  	s26 =	sshrl.u32 s6, $0x1;
	s8 =	sadd.s32 s7, s5;
	s7 =	sshrl.u32 s7, $0x3;
	v21 =	vsel vm0, $0x130A, v21;
	v23 =	vsel vm0, $0x130B, v24;
	v3 =	vsel vm3, $0x1181, v3  }
0x5e: {  	s9 =	ssub.s32 s6, s26;
	s26 =	simm.s32 $0x7C00;
	s5 =	sadd.s32 s2, s7;
	v24 =	vor.u32 $0x6000, v0;
	v25 =	vsel vm0, $0x130C, v25;
	v3 =	vsel vm2, $0x1201, v3  }
0x5f: {  	s6 =	sadd.s32 s3, s7;
	s7 =	sadd.s32 $0x1400, s8;
	s8 =	sadd.s32 $0x9400, s8;
	v27 =	vsel vm0, $0x130D, v27;
	v29 =	vsel vm0, $0x130E, v30;
	v3 =	vsel vm1, $0x1281, v3  }
0x60: {  	s9 =	smax.u32 s9, $0x1;
	s2 =	simm.s32 $0x20000;
	s3 =	simm.s32 $0x3;
	v30 =	vor.u32 $0x7800, v0;
	v31 =	vsel vm0, $0x130F, v31;
	v3 =	vsel vm0, $0x1301, v3  }
.LBB2_4:
0x61: {  	[hbm4b:s7+s31] =	stream.strided.scatter [tilespmem:s29], [sflag:$0x3], $0x2000, s2, s31, $0x38;
	[tilespmem:$0x14400] =	vst v63  }
0x62: {  	s10 =	sadd.s32 $0x1, s10;
	_ =	swait.ge [sflag:s3], $0x2000  }
0x63: {  	p0 =	sne.s32 s10, s9;
	[sflag:s3] =	ssyncset.done $0x0  }
.Ltmp1:
0x64: {  	[sflag:s3] =	ssyncadd.s32 $0xFFFFE000;
	(pc) =	sbr.rel @!p0 .LBB2_5-.Ltmp1, $4  }
0x65: {  	[hbm4b:s8+s31] =	stream.strided.scatter [tilespmem:s30], [sflag:$0x3], $0x2000, s2, s31, $0x38;
	[tilespmem:$0x14400] =	vst v63  }
0x66: {  	_ =	swait.ge [sflag:s3], $0x2000  }
0x67: {  	[sflag:s3] =	ssyncset.done $0x0  }
0x68: {  	[sflag:s3] =	ssyncadd.s32 $0xFFFFE000  }
.LBB2_1:
0x69: {  	[tilespmem:s4], [sflag:$0x1] =	stream.linear.gather [hbm4b:s5+s4], $0x200, $0x38;
	[tilespmem:$0x14400] =	vst v63  }
0x6a: {  	s16 =	simm.s32 $0x200  }
0x6b: {  	[tilespmem:s16], [sflag:$0x2] =	stream.linear.gather [hbm4b:s6+s4], $0x200, $0x38;
	[tilespmem:$0x14400] =	vst v63  }
0x6c: {  	_ =	swait.ge [sflag:s11], $0x200  }
0x6d: {  	[sflag:s11] =	ssyncset.done $0x0  }
0x6e: {  	[sflag:s11] =	ssyncadd.s32 $0xFFFFFE00  }
0x6f: {  	_ =	swait.ge [sflag:s13], $0x200  }
0x70: {  	[sflag:s13] =	ssyncset.done $0x0  }
0x71: {  	[sflag:s13] =	ssyncadd.s32 $0xFFFFFE00  }
0x72: {  	v32 =	vld [tilespmem:$0x0];
	_ =	sdelay $0x1  }
0x73: {  	v33 =	vld [tilespmem:$0x200];
	_ =	sdelay $0x2  }
0x74: {  	(v2sf) =	vpush v32, $0x0;
	_ =	sdelay $0x1  }
0x75: {  	(v2sf) =	vpush v33, $0x0;
	_ =	sdelay $0xc  }
0x76: {  	s20 =	spop (v2sf)  }
0x77: {  	s16 =	sand.u32 $0xFFFFF80, s20  }
0x78: {  	s21 =	spop (v2sf);
	s16 =	sadd.s32 s0, s16  }
0x79: {  	[tilespmem:s14], [sflag:$0x1] =	stream.strided.gather [hbm4b:s16+s14], $0x800, s12, s14, $0x38;
	[tilespmem:$0x14400] =	vst v63  }
0x7a: {  	s16 =	sand.u32 $0xFFFFF80, s21  }
0x7b: {  	s16 =	sadd.s32 s1, s16  }
0x7c: {  	[tilespmem:s15], [sflag:$0x2] =	stream.strided.gather [hbm4b:s16+s14], $0x800, s12, s14, $0x38;
	[tilespmem:$0x14400] =	vst v63  }
0x7d: {  	v62 =	vld [tilespmem:$0x0];
	_ =	sdelay $0x3  }
0x7e: {  	v63 =	vld [tilespmem:$0x200]  }
0x7f: {  	(v2sf) =	vpush v62, $0x1;
	_ =	sdelay $0x3  }
0x80: {  	(v2sf) =	vpush v63, $0x1;
	_ =	sdelay $0xa  }
0x81: {  	s22 =	spop (v2sf)  }
0x82: {  	s16 =	sand.u32 $0xFFFFF80, s22  }
0x83: {  	s17 =	simm.s32 $0xC00;
	s16 =	sadd.s32 s0, s16  }
0x84: {  	[tilespmem:s17], [sflag:$0x1] =	stream.strided.gather [hbm4b:s16+s14], $0x800, s12, s14, $0x38;
	[tilespmem:$0x14400] =	vst v63  }
0x85: {  	s17 =	spop (v2sf)  }
0x86: {  	s16 =	sand.u32 $0xFFFFF80, s17  }
0x87: {  	s18 =	simm.s32 $0x8C00;
	s16 =	sadd.s32 s1, s16  }
0x88: {  	[tilespmem:s18], [sflag:$0x2] =	stream.strided.gather [hbm4b:s16+s14], $0x800, s12, s14, $0x38;
	[tilespmem:$0x14400] =	vst v63  }
0x89: {  	v36 =	vld [tilespmem:$0x0];
	_ =	sdelay $0x1  }
0x8a: {  	v37 =	vld [tilespmem:$0x200];
	_ =	sdelay $0x2  }
0x8b: {  	(v2sf) =	vpush v36, $0x2;
	_ =	sdelay $0x1  }
0x8c: {  	(v2sf) =	vpush v37, $0x2;
	_ =	sdelay $0xc  }
0x8d: {  	s19 =	spop (v2sf)  }
0x8e: {  	s16 =	sand.u32 $0xFFFFF80, s19  }
0x8f: {  	s20 =	simm.s32 $0x1400;
	s21 =	spop (v2sf);
	s16 =	sadd.s32 s0, s16  }
0x90: {  	[tilespmem:s20], [sflag:$0x1] =	stream.strided.gather [hbm4b:s16+s14], $0x800, s12, s14, $0x38;
	[tilespmem:$0x14400] =	vst v63  }
0x91: {  	s16 =	sand.u32 $0xFFFFF80, s21  }
0x92: {  	s22 =	simm.s32 $0x9400;
	s16 =	sadd.s32 s1, s16  }
0x93: {  	[tilespmem:s22], [sflag:$0x2] =	stream.strided.gather [hbm4b:s16+s14], $0x800, s12, s14, $0x38;
	[tilespmem:$0x14400] =	vst v63  }
0x94: {  	v38 =	vld [tilespmem:$0x0];
	_ =	sdelay $0x1  }
0x95: {  	v39 =	vld [tilespmem:$0x200];
	_ =	sdelay $0x2  }
0x96: {  	(v2sf) =	vpush v38, $0x3;
	_ =	sdelay $0x1  }
0x97: {  	(v2sf) =	vpush v39, $0x3;
	_ =	sdelay $0xc  }
0x98: {  	s17 =	spop (v2sf)  }
0x99: {  	s16 =	sand.u32 $0xFFFFF80, s17  }
0x9a: {  	s18 =	simm.s32 $0x1C00;
	s19 =	spop (v2sf);
	s16 =	sadd.s32 s0, s16  }
0x9b: {  	[tilespmem:s18], [sflag:$0x1] =	stream.strided.gather [hbm4b:s16+s14], $0x800, s12, s14, $0x38;
	[tilespmem:$0x14400] =	vst v63  }
0x9c: {  	s16 =	sand.u32 $0xFFFFF80, s19  }
0x9d: {  	s20 =	simm.s32 $0x9C00;
	s16 =	sadd.s32 s1, s16  }
0x9e: {  	[tilespmem:s20], [sflag:$0x2] =	stream.strided.gather [hbm4b:s16+s14], $0x800, s12, s14, $0x38;
	[tilespmem:$0x14400] =	vst v63  }
0x9f: {  	v40 =	vld [tilespmem:$0x0];
	_ =	sdelay $0x1  }
0xa0: {  	v41 =	vld [tilespmem:$0x200];
	_ =	sdelay $0x2  }
0xa1: {  	(v2sf) =	vpush v40, $0x4;
	_ =	sdelay $0x1  }
0xa2: {  	(v2sf) =	vpush v41, $0x4;
	_ =	sdelay $0xc  }
0xa3: {  	s21 =	spop (v2sf)  }
0xa4: {  	s16 =	sand.u32 $0xFFFFF80, s21  }
0xa5: {  	s22 =	simm.s32 $0x2400;
	s17 =	spop (v2sf);
	s16 =	sadd.s32 s0, s16  }
0xa6: {  	[tilespmem:s22], [sflag:$0x1] =	stream.strided.gather [hbm4b:s16+s14], $0x800, s12, s14, $0x38;
	[tilespmem:$0x14400] =	vst v63  }
0xa7: {  	s16 =	sand.u32 $0xFFFFF80, s17  }
0xa8: {  	s18 =	simm.s32 $0xA400;
	s16 =	sadd.s32 s1, s16  }
0xa9: {  	[tilespmem:s18], [sflag:$0x2] =	stream.strided.gather [hbm4b:s16+s14], $0x800, s12, s14, $0x38;
	[tilespmem:$0x14400] =	vst v63  }
0xaa: {  	v42 =	vld [tilespmem:$0x0];
	_ =	sdelay $0x1  }
0xab: {  	v43 =	vld [tilespmem:$0x200];
	_ =	sdelay $0x2  }
0xac: {  	(v2sf) =	vpush v42, $0x5;
	_ =	sdelay $0x1  }
0xad: {  	(v2sf) =	vpush v43, $0x5;
	_ =	sdelay $0xc  }
0xae: {  	s19 =	spop (v2sf)  }
0xaf: {  	s16 =	sand.u32 $0xFFFFF80, s19  }
0xb0: {  	s20 =	simm.s32 $0x2C00;
	s21 =	spop (v2sf);
	s16 =	sadd.s32 s0, s16  }
0xb1: {  	[tilespmem:s20], [sflag:$0x1] =	stream.strided.gather [hbm4b:s16+s14], $0x800, s12, s14, $0x38;
	[tilespmem:$0x14400] =	vst v63  }
0xb2: {  	s16 =	sand.u32 $0xFFFFF80, s21  }
0xb3: {  	s22 =	simm.s32 $0xAC00;
	s16 =	sadd.s32 s1, s16  }
0xb4: {  	[tilespmem:s22], [sflag:$0x2] =	stream.strided.gather [hbm4b:s16+s14], $0x800, s12, s14, $0x38;
	[tilespmem:$0x14400] =	vst v63  }
0xb5: {  	v44 =	vld [tilespmem:$0x0];
	_ =	sdelay $0x1  }
0xb6: {  	v45 =	vld [tilespmem:$0x200];
	_ =	sdelay $0x2  }
0xb7: {  	(v2sf) =	vpush v44, $0x6;
	_ =	sdelay $0x1  }
0xb8: {  	(v2sf) =	vpush v45, $0x6;
	_ =	sdelay $0xc  }
0xb9: {  	s17 =	spop (v2sf)  }
0xba: {  	s16 =	sand.u32 $0xFFFFF80, s17  }
0xbb: {  	s18 =	simm.s32 $0x3400;
	s19 =	spop (v2sf);
	s16 =	sadd.s32 s0, s16  }
0xbc: {  	[tilespmem:s18], [sflag:$0x1] =	stream.strided.gather [hbm4b:s16+s14], $0x800, s12, s14, $0x38;
	[tilespmem:$0x14400] =	vst v63  }
0xbd: {  	s16 =	sand.u32 $0xFFFFF80, s19  }
0xbe: {  	s20 =	simm.s32 $0xB400;
	s16 =	sadd.s32 s1, s16  }
0xbf: {  	[tilespmem:s20], [sflag:$0x2] =	stream.strided.gather [hbm4b:s16+s14], $0x800, s12, s14, $0x38;
	[tilespmem:$0x14400] =	vst v63  }
0xc0: {  	v46 =	vld [tilespmem:$0x0];
	_ =	sdelay $0x1  }
0xc1: {  	v47 =	vld [tilespmem:$0x200];
	_ =	sdelay $0x2  }
0xc2: {  	(v2sf) =	vpush v46, $0x7;
	_ =	sdelay $0x1  }
0xc3: {  	(v2sf) =	vpush v47, $0x7;
	_ =	sdelay $0xc  }
0xc4: {  	s21 =	spop (v2sf)  }
0xc5: {  	s16 =	sand.u32 $0xFFFFF80, s21  }
0xc6: {  	s22 =	simm.s32 $0x3C00;
	s17 =	spop (v2sf);
	s16 =	sadd.s32 s0, s16  }
0xc7: {  	[tilespmem:s22], [sflag:$0x1] =	stream.strided.gather [hbm4b:s16+s14], $0x800, s12, s14, $0x38;
	[tilespmem:$0x14400] =	vst v63  }
0xc8: {  	s16 =	sand.u32 $0xFFFFF80, s17  }
0xc9: {  	s18 =	simm.s32 $0xBC00;
	s16 =	sadd.s32 s1, s16  }
0xca: {  	[tilespmem:s18], [sflag:$0x2] =	stream.strided.gather [hbm4b:s16+s14], $0x800, s12, s14, $0x38;
	[tilespmem:$0x14400] =	vst v63  }
0xcb: {  	v48 =	vld [tilespmem:$0x0];
	_ =	sdelay $0x1  }
0xcc: {  	v49 =	vld [tilespmem:$0x200];
	_ =	sdelay $0x2  }
0xcd: {  	(v2sf) =	vpush v48, $0x8;
	_ =	sdelay $0x1  }
0xce: {  	(v2sf) =	vpush v49, $0x8;
	_ =	sdelay $0xc  }
0xcf: {  	s19 =	spop (v2sf)  }
0xd0: {  	s16 =	sand.u32 $0xFFFFF80, s19  }
0xd1: {  	s20 =	simm.s32 $0x4400;
	s21 =	spop (v2sf);
	s16 =	sadd.s32 s0, s16  }
0xd2: {  	[tilespmem:s20], [sflag:$0x1] =	stream.strided.gather [hbm4b:s16+s14], $0x800, s12, s14, $0x38;
	[tilespmem:$0x14400] =	vst v63  }
0xd3: {  	s16 =	sand.u32 $0xFFFFF80, s21  }
0xd4: {  	s22 =	simm.s32 $0xC400;
	s16 =	sadd.s32 s1, s16  }
0xd5: {  	[tilespmem:s22], [sflag:$0x2] =	stream.strided.gather [hbm4b:s16+s14], $0x800, s12, s14, $0x38;
	[tilespmem:$0x14400] =	vst v63  }
0xd6: {  	v50 =	vld [tilespmem:$0x0];
	_ =	sdelay $0x1  }
0xd7: {  	v51 =	vld [tilespmem:$0x200];
	_ =	sdelay $0x2  }
0xd8: {  	(v2sf) =	vpush v50, $0x9;
	_ =	sdelay $0x1  }
0xd9: {  	(v2sf) =	vpush v51, $0x9;
	_ =	sdelay $0xc  }
0xda: {  	s17 =	spop (v2sf)  }
0xdb: {  	s16 =	sand.u32 $0xFFFFF80, s17  }
0xdc: {  	s18 =	simm.s32 $0x4C00;
	s19 =	spop (v2sf);
	s16 =	sadd.s32 s0, s16  }
0xdd: {  	[tilespmem:s18], [sflag:$0x1] =	stream.strided.gather [hbm4b:s16+s14], $0x800, s12, s14, $0x38;
	[tilespmem:$0x14400] =	vst v63  }
0xde: {  	s16 =	sand.u32 $0xFFFFF80, s19  }
0xdf: {  	s20 =	simm.s32 $0xCC00;
	s16 =	sadd.s32 s1, s16  }
0xe0: {  	[tilespmem:s20], [sflag:$0x2] =	stream.strided.gather [hbm4b:s16+s14], $0x800, s12, s14, $0x38;
	[tilespmem:$0x14400] =	vst v63  }
0xe1: {  	v52 =	vld [tilespmem:$0x0];
	_ =	sdelay $0x1  }
0xe2: {  	v53 =	vld [tilespmem:$0x200];
	_ =	sdelay $0x2  }
0xe3: {  	(v2sf) =	vpush v52, $0xA;
	_ =	sdelay $0x1  }
0xe4: {  	(v2sf) =	vpush v53, $0xA;
	_ =	sdelay $0xc  }
0xe5: {  	s21 =	spop (v2sf)  }
0xe6: {  	s16 =	sand.u32 $0xFFFFF80, s21  }
0xe7: {  	s22 =	simm.s32 $0x5400;
	s17 =	spop (v2sf);
	s16 =	sadd.s32 s0, s16  }
0xe8: {  	[tilespmem:s22], [sflag:$0x1] =	stream.strided.gather [hbm4b:s16+s14], $0x800, s12, s14, $0x38;
	[tilespmem:$0x14400] =	vst v63  }
0xe9: {  	s16 =	sand.u32 $0xFFFFF80, s17  }
0xea: {  	s18 =	simm.s32 $0xD400;
	s16 =	sadd.s32 s1, s16  }
0xeb: {  	[tilespmem:s18], [sflag:$0x2] =	stream.strided.gather [hbm4b:s16+s14], $0x800, s12, s14, $0x38;
	[tilespmem:$0x14400] =	vst v63  }
0xec: {  	v54 =	vld [tilespmem:$0x0];
	_ =	sdelay $0x1  }
0xed: {  	v55 =	vld [tilespmem:$0x200];
	_ =	sdelay $0x2  }
0xee: {  	(v2sf) =	vpush v54, $0xB;
	_ =	sdelay $0x1  }
0xef: {  	(v2sf) =	vpush v55, $0xB;
	_ =	sdelay $0xc  }
0xf0: {  	s19 =	spop (v2sf)  }
0xf1: {  	s16 =	sand.u32 $0xFFFFF80, s19  }
0xf2: {  	s20 =	simm.s32 $0x5C00;
	s21 =	spop (v2sf);
	s16 =	sadd.s32 s0, s16  }
0xf3: {  	[tilespmem:s20], [sflag:$0x1] =	stream.strided.gather [hbm4b:s16+s14], $0x800, s12, s14, $0x38;
	[tilespmem:$0x14400] =	vst v63  }
0xf4: {  	s16 =	sand.u32 $0xFFFFF80, s21  }
0xf5: {  	s22 =	simm.s32 $0xDC00;
	s16 =	sadd.s32 s1, s16  }
0xf6: {  	[tilespmem:s22], [sflag:$0x2] =	stream.strided.gather [hbm4b:s16+s14], $0x800, s12, s14, $0x38;
	[tilespmem:$0x14400] =	vst v63  }
0xf7: {  	v56 =	vld [tilespmem:$0x0];
	_ =	sdelay $0x1  }
0xf8: {  	v57 =	vld [tilespmem:$0x200];
	_ =	sdelay $0x2  }
0xf9: {  	(v2sf) =	vpush v56, $0xC;
	_ =	sdelay $0x1  }
0xfa: {  	(v2sf) =	vpush v57, $0xC;
	_ =	sdelay $0xc  }
0xfb: {  	s17 =	spop (v2sf)  }
0xfc: {  	s16 =	sand.u32 $0xFFFFF80, s17  }
0xfd: {  	s18 =	simm.s32 $0x6400;
	s19 =	spop (v2sf);
	s16 =	sadd.s32 s0, s16  }
0xfe: {  	[tilespmem:s18], [sflag:$0x1] =	stream.strided.gather [hbm4b:s16+s14], $0x800, s12, s14, $0x38;
	[tilespmem:$0x14400] =	vst v63  }
0xff: {  	s16 =	sand.u32 $0xFFFFF80, s19  }
0x100: {  	s20 =	simm.s32 $0xE400;
	s16 =	sadd.s32 s1, s16  }
0x101: {  	[tilespmem:s20], [sflag:$0x2] =	stream.strided.gather [hbm4b:s16+s14], $0x800, s12, s14, $0x38;
	[tilespmem:$0x14400] =	vst v63  }
0x102: {  	v58 =	vld [tilespmem:$0x0];
	_ =	sdelay $0x1  }
0x103: {  	v59 =	vld [tilespmem:$0x200];
	_ =	sdelay $0x2  }
0x104: {  	(v2sf) =	vpush v58, $0xD;
	_ =	sdelay $0x1  }
0x105: {  	(v2sf) =	vpush v59, $0xD;
	_ =	sdelay $0xc  }
0x106: {  	s21 =	spop (v2sf)  }
0x107: {  	s16 =	sand.u32 $0xFFFFF80, s21  }
0x108: {  	s22 =	simm.s32 $0x6C00;
	s18 =	spop (v2sf);
	s16 =	sadd.s32 s0, s16  }
0x109: {  	[tilespmem:s22], [sflag:$0x1] =	stream.strided.gather [hbm4b:s16+s14], $0x800, s12, s14, $0x38;
	[tilespmem:$0x14400] =	vst v63  }
0x10a: {  	s16 =	sand.u32 $0xFFFFF80, s18  }
0x10b: {  	s16 =	sadd.s32 s1, s16  }
0x10c: {  	[tilespmem:s23], [sflag:$0x2] =	stream.strided.gather [hbm4b:s16+s14], $0x800, s12, s14, $0x38;
	[tilespmem:$0x14400] =	vst v63  }
0x10d: {  	v60 =	vld [tilespmem:$0x0];
	_ =	sdelay $0x1  }
0x10e: {  	v61 =	vld [tilespmem:$0x200];
	_ =	sdelay $0x2  }
0x10f: {  	(v2sf) =	vpush v60, $0xE;
	_ =	sdelay $0x1  }
0x110: {  	(v2sf) =	vpush v61, $0xE;
	_ =	sdelay $0xc  }
0x111: {  	s19 =	spop (v2sf)  }
0x112: {  	s16 =	sand.u32 $0xFFFFF80, s19  }
0x113: {  	s20 =	spop (v2sf);
	s16 =	sadd.s32 s0, s16  }
0x114: {  	[tilespmem:s24], [sflag:$0x1] =	stream.strided.gather [hbm4b:s16+s14], $0x800, s12, s14, $0x38;
	[tilespmem:$0x14400] =	vst v63  }
0x115: {  	s16 =	sand.u32 $0xFFFFF80, s20  }
0x116: {  	s16 =	sadd.s32 s1, s16  }
0x117: {  	[tilespmem:s25], [sflag:$0x2] =	stream.strided.gather [hbm4b:s16+s14], $0x800, s12, s14, $0x38;
	[tilespmem:$0x14400] =	vst v63  }
0x118: {  	v62 =	vld [tilespmem:$0x0];
	_ =	sdelay $0x1  }
0x119: {  	v63 =	vld [tilespmem:$0x200];
	_ =	sdelay $0x2  }
0x11a: {  	(v2sf) =	vpush v62, $0xF;
	_ =	sdelay $0x1  }
0x11b: {  	(v2sf) =	vpush v63, $0xF;
	_ =	sdelay $0xc  }
0x11c: {  	s21 =	spop (v2sf)  }
0x11d: {  	s16 =	sand.u32 $0xFFFFF80, s21  }
0x11e: {  	s22 =	spop (v2sf);
	s16 =	sadd.s32 s0, s16  }
0x11f: {  	[tilespmem:s26], [sflag:$0x1] =	stream.strided.gather [hbm4b:s16+s14], $0x800, s12, s14, $0x38;
	[tilespmem:$0x14400] =	vst v63  }
0x120: {  	s16 =	sand.u32 $0xFFFFF80, s22  }
0x121: {  	s16 =	sadd.s32 s1, s16  }
0x122: {  	[tilespmem:s28], [sflag:$0x2] =	stream.strided.gather [hbm4b:s16+s14], $0x800, s12, s14, $0x38;
	[tilespmem:$0x14400] =	vst v63  }
0x123: {  	s17 =	simm.s32 $0x210;
	s18 =	simm.s32 $0x0;
	s16 =	simm.s32 $0x10  }
.LBB2_2:
0x124: {  	v32 =	vld [tilespmem:s16+$0xFFFFFFF0];
	_ =	sdelay $0x4  }
0x125: {  	v32 =	vand.u32 $0x7F, v32  }
0x126: {  	v33 =	vbroadcast v32, $0x0;
	_ =	sdelay $0x1  }
0x127: {  	v34 =	vor.u32 v0, v33  }
0x128: {  	v35 =	vld [tilespmem:s17+$0xFFFFFFF0];
	v55 =	vmov s18  }
0x129: {  	_ =	swait.ge [sflag:s11], $0x800;
	v36 =	vshll.u32 v55, $0x3  }
0x12a: {  	[sflag:s11] =	ssyncset.done $0x0;
	v36 =	vand.u32 $0xC00, v36;
	v33 =	vand.u32 $0x70, v55  }
0x12b: {  	[sflag:s11] =	ssyncadd.s32 $0xFFFFF800;
	v33 =	vor.u32 v33, v36  }
0x12c: {  	v37 =	vor.u32 v1, v33;
	v56 =	vld.idx.msk [tilespmem:v34+s14+$0x0], $0xffff  }
0x12d: {  	v34 =	vand.u32 $0x7F, v35  }
0x12e: {  	v35 =	vbroadcast v34, $0x0;
	_ =	sdelay $0x1  }
0x12f: {  	v35 =	vor.u32 v0, v35  }
0x130: {  	[tilespmem:v37+s29+$0x0] =	vst.idx.msk $0xffff, v56  }
0x131: {  	_ =	swait.ge [sflag:s13], $0x800  }
0x132: {  	[sflag:s13] =	ssyncset.done $0x0  }
0x133: {  	[sflag:s13] =	ssyncadd.s32 $0xFFFFF800  }
0x134: {  	v35 =	vld.idx.msk [tilespmem:v35+s15+$0x0], $0xffff;
	_ =	sdelay $0x4  }
0x135: {  	p0 =	seq.s32 s18, $0x1F0;
	[tilespmem:v37+s30+$0x0] =	vst.idx.msk $0xffff, v35  }
0x136: {  	v35 =	vld @!p0 [tilespmem:s16+$0x0];
	_ =	sdelay $0x3  }
0x137: {  	v36 =	vld @!p0 [tilespmem:s17+$0x0]  }
0x138: {  	(v2sf) =	vpush @!p0 v35, $0x0;
	_ =	sdelay $0x3  }
0x139: {  	(v2sf) =	vpush @!p0 v36, $0x0;
	_ =	sdelay $0xa  }
0x13a: {  	s19 =	spop @!p0 (v2sf)  }
0x13b: {  	s19 =	sand.u32 @!p0 $0xFFFFF80, s19  }
0x13c: {  	s20 =	simm.s32 @!p0 $0x400;
	s21 =	sadd.s32 @!p0 s0, s19;
	s19 =	simm.s32 @!p0 $0x7A1400  }
0x13d: {  	[tilespmem:s20], [sflag:$0x1] =	stream.strided.gather @!p0 [hbm4b:s21+s20], $0x800, s19, s20, $0x38;
	[tilespmem:$0x14400] =	vst v63  }
0x13e: {  	v57 =	vbroadcast v32, $0x1;
	s21 =	spop @!p0 (v2sf)  }
0x13f: {  	s21 =	sand.u32 @!p0 $0xFFFFF80, s21  }
0x140: {  	s22 =	simm.s32 @!p0 $0x8400;
	v35 =	vor.u32 v2, v57;
	s21 =	sadd.s32 @!p0 s1, s21  }
0x141: {  	[tilespmem:s22], [sflag:$0x2] =	stream.strided.gather @!p0 [hbm4b:s21+s20], $0x800, s19, s20, $0x38;
	[tilespmem:$0x14400] =	vst v63  }
0x142: {  	_ =	swait.ge [sflag:s11], $0x800  }
0x143: {  	[sflag:s11] =	ssyncset.done $0x0  }
0x144: {  	[sflag:s11] =	ssyncadd.s32 $0xFFFFF800  }
0x145: {  	v58 =	vor.u32 v3, v33;
	v35 =	vld.idx.msk [tilespmem:v35+s14+$0x0], $0xffff;
	_ =	sdelay $0x1  }
0x146: {  	v59 =	vbroadcast v34, $0x1;
	_ =	sdelay $0x1  }
0x147: {  	v37 =	vor.u32 v2, v59  }
0x148: {  	[tilespmem:v58+s29+$0x0] =	vst.idx.msk $0xffff, v35  }
0x149: {  	_ =	swait.ge [sflag:s13], $0x800  }
0x14a: {  	[sflag:s13] =	ssyncset.done $0x0  }
0x14b: {  	[sflag:s13] =	ssyncadd.s32 $0xFFFFF800  }
0x14c: {  	v60 =	vld.idx.msk [tilespmem:v37+s15+$0x0], $0xffff;
	_ =	sdelay $0x4  }
0x14d: {  	[tilespmem:v58+s30+$0x0] =	vst.idx.msk $0xffff, v60  }
0x14e: {  	v35 =	vld @!p0 [tilespmem:s16+$0x0];
	_ =	sdelay $0x3  }
0x14f: {  	v36 =	vld @!p0 [tilespmem:s17+$0x0]  }
0x150: {  	(v2sf) =	vpush @!p0 v35, $0x1;
	_ =	sdelay $0x3  }
0x151: {  	(v2sf) =	vpush @!p0 v36, $0x1;
	_ =	sdelay $0xa  }
0x152: {  	s21 =	spop @!p0 (v2sf)  }
0x153: {  	s21 =	sand.u32 @!p0 $0xFFFFF80, s21  }
0x154: {  	s22 =	simm.s32 @!p0 $0xC00;
	s21 =	sadd.s32 @!p0 s0, s21  }
0x155: {  	[tilespmem:s22], [sflag:$0x1] =	stream.strided.gather @!p0 [hbm4b:s21+s20], $0x800, s19, s20, $0x38;
	[tilespmem:$0x14400] =	vst v63  }
0x156: {  	v61 =	vbroadcast v32, $0x2;
	s21 =	spop @!p0 (v2sf)  }
0x157: {  	s21 =	sand.u32 @!p0 $0xFFFFF80, s21  }
0x158: {  	v35 =	vor.u32 v4, v61;
	s22 =	simm.s32 @!p0 $0x8C00;
	s21 =	sadd.s32 @!p0 s1, s21  }
0x159: {  	[tilespmem:s22], [sflag:$0x2] =	stream.strided.gather @!p0 [hbm4b:s21+s20], $0x800, s19, s20, $0x38;
	[tilespmem:$0x14400] =	vst v63  }
0x15a: {  	_ =	swait.ge [sflag:s11], $0x800  }
0x15b: {  	[sflag:s11] =	ssyncset.done $0x0  }
0x15c: {  	[sflag:s11] =	ssyncadd.s32 $0xFFFFF800  }
0x15d: {  	v62 =	vor.u32 v5, v33;
	v35 =	vld.idx.msk [tilespmem:v35+s14+$0x0], $0xffff;
	_ =	sdelay $0x1  }
0x15e: {  	v63 =	vbroadcast v34, $0x2;
	_ =	sdelay $0x1  }
0x15f: {  	v37 =	vor.u32 v4, v63  }
0x160: {  	[tilespmem:v62+s29+$0x0] =	vst.idx.msk $0xffff, v35  }
0x161: {  	_ =	swait.ge [sflag:s13], $0x800  }
0x162: {  	[sflag:s13] =	ssyncset.done $0x0  }
0x163: {  	[sflag:s13] =	ssyncadd.s32 $0xFFFFF800  }
0x164: {  	v40 =	vld.idx.msk [tilespmem:v37+s15+$0x0], $0xffff;
	_ =	sdelay $0x4  }
0x165: {  	[tilespmem:v62+s30+$0x0] =	vst.idx.msk $0xffff, v40  }
0x166: {  	v35 =	vld @!p0 [tilespmem:s16+$0x0];
	_ =	sdelay $0x3  }
0x167: {  	v36 =	vld @!p0 [tilespmem:s17+$0x0]  }
0x168: {  	(v2sf) =	vpush @!p0 v35, $0x2;
	_ =	sdelay $0x3  }
0x169: {  	(v2sf) =	vpush @!p0 v36, $0x2;
	_ =	sdelay $0xa  }
0x16a: {  	s21 =	spop @!p0 (v2sf)  }
0x16b: {  	s21 =	sand.u32 @!p0 $0xFFFFF80, s21  }
0x16c: {  	s22 =	simm.s32 @!p0 $0x1400;
	s21 =	sadd.s32 @!p0 s0, s21  }
0x16d: {  	[tilespmem:s22], [sflag:$0x1] =	stream.strided.gather @!p0 [hbm4b:s21+s20], $0x800, s19, s20, $0x38;
	[tilespmem:$0x14400] =	vst v63  }
0x16e: {  	v41 =	vbroadcast v32, $0x3;
	s21 =	spop @!p0 (v2sf)  }
0x16f: {  	s21 =	sand.u32 @!p0 $0xFFFFF80, s21  }
0x170: {  	v35 =	vor.u32 v6, v41;
	s22 =	simm.s32 @!p0 $0x9400;
	s21 =	sadd.s32 @!p0 s1, s21  }
0x171: {  	[tilespmem:s22], [sflag:$0x2] =	stream.strided.gather @!p0 [hbm4b:s21+s20], $0x800, s19, s20, $0x38;
	[tilespmem:$0x14400] =	vst v63  }
0x172: {  	_ =	swait.ge [sflag:s11], $0x800  }
0x173: {  	[sflag:s11] =	ssyncset.done $0x0  }
0x174: {  	[sflag:s11] =	ssyncadd.s32 $0xFFFFF800  }
0x175: {  	v42 =	vor.u32 v7, v33;
	v35 =	vld.idx.msk [tilespmem:v35+s14+$0x0], $0xffff;
	_ =	sdelay $0x1  }
0x176: {  	v43 =	vbroadcast v34, $0x3;
	_ =	sdelay $0x1  }
0x177: {  	v37 =	vor.u32 v6, v43  }
0x178: {  	[tilespmem:v42+s29+$0x0] =	vst.idx.msk $0xffff, v35  }
0x179: {  	_ =	swait.ge [sflag:s13], $0x800  }
0x17a: {  	[sflag:s13] =	ssyncset.done $0x0  }
0x17b: {  	[sflag:s13] =	ssyncadd.s32 $0xFFFFF800  }
0x17c: {  	v44 =	vld.idx.msk [tilespmem:v37+s15+$0x0], $0xffff;
	_ =	sdelay $0x4  }
0x17d: {  	[tilespmem:v42+s30+$0x0] =	vst.idx.msk $0xffff, v44  }
0x17e: {  	v35 =	vld @!p0 [tilespmem:s16+$0x0];
	_ =	sdelay $0x3  }
0x17f: {  	v36 =	vld @!p0 [tilespmem:s17+$0x0]  }
0x180: {  	(v2sf) =	vpush @!p0 v35, $0x3;
	_ =	sdelay $0x3  }
0x181: {  	(v2sf) =	vpush @!p0 v36, $0x3;
	_ =	sdelay $0xa  }
0x182: {  	s21 =	spop @!p0 (v2sf)  }
0x183: {  	s21 =	sand.u32 @!p0 $0xFFFFF80, s21  }
0x184: {  	s22 =	simm.s32 @!p0 $0x1C00;
	s21 =	sadd.s32 @!p0 s0, s21  }
0x185: {  	[tilespmem:s22], [sflag:$0x1] =	stream.strided.gather @!p0 [hbm4b:s21+s20], $0x800, s19, s20, $0x38;
	[tilespmem:$0x14400] =	vst v63  }
0x186: {  	v45 =	vbroadcast v32, $0x4;
	s21 =	spop @!p0 (v2sf)  }
0x187: {  	s21 =	sand.u32 @!p0 $0xFFFFF80, s21  }
0x188: {  	v35 =	vor.u32 v8, v45;
	s22 =	simm.s32 @!p0 $0x9C00;
	s21 =	sadd.s32 @!p0 s1, s21  }
0x189: {  	[tilespmem:s22], [sflag:$0x2] =	stream.strided.gather @!p0 [hbm4b:s21+s20], $0x800, s19, s20, $0x38;
	[tilespmem:$0x14400] =	vst v63  }
0x18a: {  	_ =	swait.ge [sflag:s11], $0x800  }
0x18b: {  	[sflag:s11] =	ssyncset.done $0x0  }
0x18c: {  	[sflag:s11] =	ssyncadd.s32 $0xFFFFF800  }
0x18d: {  	v46 =	vor.u32 v9, v33;
	v35 =	vld.idx.msk [tilespmem:v35+s14+$0x0], $0xffff;
	_ =	sdelay $0x1  }
0x18e: {  	v47 =	vbroadcast v34, $0x4;
	_ =	sdelay $0x1  }
0x18f: {  	v37 =	vor.u32 v8, v47  }
0x190: {  	[tilespmem:v46+s29+$0x0] =	vst.idx.msk $0xffff, v35  }
0x191: {  	_ =	swait.ge [sflag:s13], $0x800  }
0x192: {  	[sflag:s13] =	ssyncset.done $0x0  }
0x193: {  	[sflag:s13] =	ssyncadd.s32 $0xFFFFF800  }
0x194: {  	v48 =	vld.idx.msk [tilespmem:v37+s15+$0x0], $0xffff;
	_ =	sdelay $0x4  }
0x195: {  	[tilespmem:v46+s30+$0x0] =	vst.idx.msk $0xffff, v48  }
0x196: {  	v35 =	vld @!p0 [tilespmem:s16+$0x0];
	_ =	sdelay $0x3  }
0x197: {  	v36 =	vld @!p0 [tilespmem:s17+$0x0]  }
0x198: {  	(v2sf) =	vpush @!p0 v35, $0x4;
	_ =	sdelay $0x3  }
0x199: {  	(v2sf) =	vpush @!p0 v36, $0x4;
	_ =	sdelay $0xa  }
0x19a: {  	s21 =	spop @!p0 (v2sf)  }
0x19b: {  	s21 =	sand.u32 @!p0 $0xFFFFF80, s21  }
0x19c: {  	s22 =	simm.s32 @!p0 $0x2400;
	s21 =	sadd.s32 @!p0 s0, s21  }
0x19d: {  	[tilespmem:s22], [sflag:$0x1] =	stream.strided.gather @!p0 [hbm4b:s21+s20], $0x800, s19, s20, $0x38;
	[tilespmem:$0x14400] =	vst v63  }
0x19e: {  	v49 =	vbroadcast v32, $0x5;
	s21 =	spop @!p0 (v2sf)  }
0x19f: {  	s21 =	sand.u32 @!p0 $0xFFFFF80, s21  }
0x1a0: {  	v35 =	vor.u32 v10, v49;
	s22 =	simm.s32 @!p0 $0xA400;
	s21 =	sadd.s32 @!p0 s1, s21  }
0x1a1: {  	[tilespmem:s22], [sflag:$0x2] =	stream.strided.gather @!p0 [hbm4b:s21+s20], $0x800, s19, s20, $0x38;
	[tilespmem:$0x14400] =	vst v63  }
0x1a2: {  	_ =	swait.ge [sflag:s11], $0x800  }
0x1a3: {  	[sflag:s11] =	ssyncset.done $0x0  }
0x1a4: {  	[sflag:s11] =	ssyncadd.s32 $0xFFFFF800  }
0x1a5: {  	v50 =	vor.u32 v11, v33;
	v35 =	vld.idx.msk [tilespmem:v35+s14+$0x0], $0xffff;
	_ =	sdelay $0x1  }
0x1a6: {  	v51 =	vbroadcast v34, $0x5;
	_ =	sdelay $0x1  }
0x1a7: {  	v37 =	vor.u32 v10, v51  }
0x1a8: {  	[tilespmem:v50+s29+$0x0] =	vst.idx.msk $0xffff, v35  }
0x1a9: {  	_ =	swait.ge [sflag:s13], $0x800  }
0x1aa: {  	[sflag:s13] =	ssyncset.done $0x0  }
0x1ab: {  	[sflag:s13] =	ssyncadd.s32 $0xFFFFF800  }
0x1ac: {  	v52 =	vld.idx.msk [tilespmem:v37+s15+$0x0], $0xffff;
	_ =	sdelay $0x4  }
0x1ad: {  	[tilespmem:v50+s30+$0x0] =	vst.idx.msk $0xffff, v52  }
0x1ae: {  	v35 =	vld @!p0 [tilespmem:s16+$0x0];
	_ =	sdelay $0x3  }
0x1af: {  	v36 =	vld @!p0 [tilespmem:s17+$0x0]  }
0x1b0: {  	(v2sf) =	vpush @!p0 v35, $0x5;
	_ =	sdelay $0x3  }
0x1b1: {  	(v2sf) =	vpush @!p0 v36, $0x5;
	_ =	sdelay $0xa  }
0x1b2: {  	s21 =	spop @!p0 (v2sf)  }
0x1b3: {  	s21 =	sand.u32 @!p0 $0xFFFFF80, s21  }
0x1b4: {  	s22 =	simm.s32 @!p0 $0x2C00;
	s21 =	sadd.s32 @!p0 s0, s21  }
0x1b5: {  	[tilespmem:s22], [sflag:$0x1] =	stream.strided.gather @!p0 [hbm4b:s21+s20], $0x800, s19, s20, $0x38;
	[tilespmem:$0x14400] =	vst v63  }
0x1b6: {  	v53 =	vbroadcast v32, $0x6;
	s21 =	spop @!p0 (v2sf)  }
0x1b7: {  	s21 =	sand.u32 @!p0 $0xFFFFF80, s21  }
0x1b8: {  	v35 =	vor.u32 v12, v53;
	s22 =	simm.s32 @!p0 $0xAC00;
	s21 =	sadd.s32 @!p0 s1, s21  }
0x1b9: {  	[tilespmem:s22], [sflag:$0x2] =	stream.strided.gather @!p0 [hbm4b:s21+s20], $0x800, s19, s20, $0x38;
	[tilespmem:$0x14400] =	vst v63  }
0x1ba: {  	_ =	swait.ge [sflag:s11], $0x800  }
0x1bb: {  	[sflag:s11] =	ssyncset.done $0x0  }
0x1bc: {  	[sflag:s11] =	ssyncadd.s32 $0xFFFFF800  }
0x1bd: {  	v54 =	vor.u32 v13, v33;
	v35 =	vld.idx.msk [tilespmem:v35+s14+$0x0], $0xffff;
	_ =	sdelay $0x1  }
0x1be: {  	v55 =	vbroadcast v34, $0x6;
	_ =	sdelay $0x1  }
0x1bf: {  	v37 =	vor.u32 v12, v55  }
0x1c0: {  	[tilespmem:v54+s29+$0x0] =	vst.idx.msk $0xffff, v35  }
0x1c1: {  	_ =	swait.ge [sflag:s13], $0x800  }
0x1c2: {  	[sflag:s13] =	ssyncset.done $0x0  }
0x1c3: {  	[sflag:s13] =	ssyncadd.s32 $0xFFFFF800  }
0x1c4: {  	v56 =	vld.idx.msk [tilespmem:v37+s15+$0x0], $0xffff;
	_ =	sdelay $0x4  }
0x1c5: {  	[tilespmem:v54+s30+$0x0] =	vst.idx.msk $0xffff, v56  }
0x1c6: {  	v35 =	vld @!p0 [tilespmem:s16+$0x0];
	_ =	sdelay $0x3  }
0x1c7: {  	v36 =	vld @!p0 [tilespmem:s17+$0x0]  }
0x1c8: {  	(v2sf) =	vpush @!p0 v35, $0x6;
	_ =	sdelay $0x3  }
0x1c9: {  	(v2sf) =	vpush @!p0 v36, $0x6;
	_ =	sdelay $0xa  }
0x1ca: {  	s21 =	spop @!p0 (v2sf)  }
0x1cb: {  	s21 =	sand.u32 @!p0 $0xFFFFF80, s21  }
0x1cc: {  	s22 =	simm.s32 @!p0 $0x3400;
	s21 =	sadd.s32 @!p0 s0, s21  }
0x1cd: {  	[tilespmem:s22], [sflag:$0x1] =	stream.strided.gather @!p0 [hbm4b:s21+s20], $0x800, s19, s20, $0x38;
	[tilespmem:$0x14400] =	vst v63  }
0x1ce: {  	v57 =	vbroadcast v32, $0x7;
	s21 =	spop @!p0 (v2sf)  }
0x1cf: {  	s21 =	sand.u32 @!p0 $0xFFFFF80, s21  }
0x1d0: {  	v35 =	vor.u32 v14, v57;
	s22 =	simm.s32 @!p0 $0xB400;
	s21 =	sadd.s32 @!p0 s1, s21  }
0x1d1: {  	[tilespmem:s22], [sflag:$0x2] =	stream.strided.gather @!p0 [hbm4b:s21+s20], $0x800, s19, s20, $0x38;
	[tilespmem:$0x14400] =	vst v63  }
0x1d2: {  	_ =	swait.ge [sflag:s11], $0x800  }
0x1d3: {  	[sflag:s11] =	ssyncset.done $0x0  }
0x1d4: {  	[sflag:s11] =	ssyncadd.s32 $0xFFFFF800  }
0x1d5: {  	v58 =	vor.u32 v15, v33;
	v35 =	vld.idx.msk [tilespmem:v35+s14+$0x0], $0xffff;
	_ =	sdelay $0x1  }
0x1d6: {  	v59 =	vbroadcast v34, $0x7;
	_ =	sdelay $0x1  }
0x1d7: {  	v37 =	vor.u32 v14, v59  }
0x1d8: {  	[tilespmem:v58+s29+$0x0] =	vst.idx.msk $0xffff, v35  }
0x1d9: {  	_ =	swait.ge [sflag:s13], $0x800  }
0x1da: {  	[sflag:s13] =	ssyncset.done $0x0  }
0x1db: {  	[sflag:s13] =	ssyncadd.s32 $0xFFFFF800  }
0x1dc: {  	v60 =	vld.idx.msk [tilespmem:v37+s15+$0x0], $0xffff;
	_ =	sdelay $0x4  }
0x1dd: {  	[tilespmem:v58+s30+$0x0] =	vst.idx.msk $0xffff, v60  }
0x1de: {  	v35 =	vld @!p0 [tilespmem:s16+$0x0];
	_ =	sdelay $0x3  }
0x1df: {  	v36 =	vld @!p0 [tilespmem:s17+$0x0]  }
0x1e0: {  	(v2sf) =	vpush @!p0 v35, $0x7;
	_ =	sdelay $0x3  }
0x1e1: {  	(v2sf) =	vpush @!p0 v36, $0x7;
	_ =	sdelay $0xa  }
0x1e2: {  	s21 =	spop @!p0 (v2sf)  }
0x1e3: {  	s21 =	sand.u32 @!p0 $0xFFFFF80, s21  }
0x1e4: {  	s22 =	simm.s32 @!p0 $0x3C00;
	s21 =	sadd.s32 @!p0 s0, s21  }
0x1e5: {  	[tilespmem:s22], [sflag:$0x1] =	stream.strided.gather @!p0 [hbm4b:s21+s20], $0x800, s19, s20, $0x38;
	[tilespmem:$0x14400] =	vst v63  }
0x1e6: {  	v61 =	vbroadcast v32, $0x8;
	s21 =	spop @!p0 (v2sf)  }
0x1e7: {  	s21 =	sand.u32 @!p0 $0xFFFFF80, s21  }
0x1e8: {  	v35 =	vor.u32 v16, v61;
	s22 =	simm.s32 @!p0 $0xBC00;
	s21 =	sadd.s32 @!p0 s1, s21  }
0x1e9: {  	[tilespmem:s22], [sflag:$0x2] =	stream.strided.gather @!p0 [hbm4b:s21+s20], $0x800, s19, s20, $0x38;
	[tilespmem:$0x14400] =	vst v63  }
0x1ea: {  	_ =	swait.ge [sflag:s11], $0x800  }
0x1eb: {  	[sflag:s11] =	ssyncset.done $0x0  }
0x1ec: {  	[sflag:s11] =	ssyncadd.s32 $0xFFFFF800  }
0x1ed: {  	v62 =	vor.u32 v17, v33;
	v35 =	vld.idx.msk [tilespmem:v35+s14+$0x0], $0xffff;
	_ =	sdelay $0x1  }
0x1ee: {  	v63 =	vbroadcast v34, $0x8;
	_ =	sdelay $0x1  }
0x1ef: {  	v37 =	vor.u32 v16, v63  }
0x1f0: {  	[tilespmem:v62+s29+$0x0] =	vst.idx.msk $0xffff, v35  }
0x1f1: {  	_ =	swait.ge [sflag:s13], $0x800  }
0x1f2: {  	[sflag:s13] =	ssyncset.done $0x0  }
0x1f3: {  	[sflag:s13] =	ssyncadd.s32 $0xFFFFF800  }
0x1f4: {  	v38 =	vld.idx.msk [tilespmem:v37+s15+$0x0], $0xffff;
	_ =	sdelay $0x4  }
0x1f5: {  	[tilespmem:v62+s30+$0x0] =	vst.idx.msk $0xffff, v38  }
0x1f6: {  	v35 =	vld @!p0 [tilespmem:s16+$0x0];
	_ =	sdelay $0x3  }
0x1f7: {  	v36 =	vld @!p0 [tilespmem:s17+$0x0]  }
0x1f8: {  	(v2sf) =	vpush @!p0 v35, $0x8;
	_ =	sdelay $0x3  }
0x1f9: {  	(v2sf) =	vpush @!p0 v36, $0x8;
	_ =	sdelay $0xa  }
0x1fa: {  	s21 =	spop @!p0 (v2sf)  }
0x1fb: {  	s21 =	sand.u32 @!p0 $0xFFFFF80, s21  }
0x1fc: {  	s22 =	simm.s32 @!p0 $0x4400;
	s21 =	sadd.s32 @!p0 s0, s21  }
0x1fd: {  	[tilespmem:s22], [sflag:$0x1] =	stream.strided.gather @!p0 [hbm4b:s21+s20], $0x800, s19, s20, $0x38;
	[tilespmem:$0x14400] =	vst v63  }
0x1fe: {  	v39 =	vbroadcast v32, $0x9;
	s21 =	spop @!p0 (v2sf)  }
0x1ff: {  	s21 =	sand.u32 @!p0 $0xFFFFF80, s21  }
0x200: {  	v35 =	vor.u32 v18, v39;
	s22 =	simm.s32 @!p0 $0xC400;
	s21 =	sadd.s32 @!p0 s1, s21  }
0x201: {  	[tilespmem:s22], [sflag:$0x2] =	stream.strided.gather @!p0 [hbm4b:s21+s20], $0x800, s19, s20, $0x38;
	[tilespmem:$0x14400] =	vst v63  }
0x202: {  	_ =	swait.ge [sflag:s11], $0x800  }
0x203: {  	[sflag:s11] =	ssyncset.done $0x0  }
0x204: {  	[sflag:s11] =	ssyncadd.s32 $0xFFFFF800  }
0x205: {  	v40 =	vor.u32 v19, v33;
	v35 =	vld.idx.msk [tilespmem:v35+s14+$0x0], $0xffff;
	_ =	sdelay $0x1  }
0x206: {  	v41 =	vbroadcast v34, $0x9;
	_ =	sdelay $0x1  }
0x207: {  	v37 =	vor.u32 v18, v41  }
0x208: {  	[tilespmem:v40+s29+$0x0] =	vst.idx.msk $0xffff, v35  }
0x209: {  	_ =	swait.ge [sflag:s13], $0x800  }
0x20a: {  	[sflag:s13] =	ssyncset.done $0x0  }
0x20b: {  	[sflag:s13] =	ssyncadd.s32 $0xFFFFF800  }
0x20c: {  	v42 =	vld.idx.msk [tilespmem:v37+s15+$0x0], $0xffff;
	_ =	sdelay $0x4  }
0x20d: {  	[tilespmem:v40+s30+$0x0] =	vst.idx.msk $0xffff, v42  }
0x20e: {  	v35 =	vld @!p0 [tilespmem:s16+$0x0];
	_ =	sdelay $0x3  }
0x20f: {  	v36 =	vld @!p0 [tilespmem:s17+$0x0]  }
0x210: {  	(v2sf) =	vpush @!p0 v35, $0x9;
	_ =	sdelay $0x3  }
0x211: {  	(v2sf) =	vpush @!p0 v36, $0x9;
	_ =	sdelay $0xa  }
0x212: {  	s21 =	spop @!p0 (v2sf)  }
0x213: {  	s21 =	sand.u32 @!p0 $0xFFFFF80, s21  }
0x214: {  	s22 =	simm.s32 @!p0 $0x4C00;
	s21 =	sadd.s32 @!p0 s0, s21  }
0x215: {  	[tilespmem:s22], [sflag:$0x1] =	stream.strided.gather @!p0 [hbm4b:s21+s20], $0x800, s19, s20, $0x38;
	[tilespmem:$0x14400] =	vst v63  }
0x216: {  	v43 =	vbroadcast v32, $0xA;
	s21 =	spop @!p0 (v2sf)  }
0x217: {  	s21 =	sand.u32 @!p0 $0xFFFFF80, s21  }
0x218: {  	v35 =	vor.u32 v20, v43;
	s22 =	simm.s32 @!p0 $0xCC00;
	s21 =	sadd.s32 @!p0 s1, s21  }
0x219: {  	[tilespmem:s22], [sflag:$0x2] =	stream.strided.gather @!p0 [hbm4b:s21+s20], $0x800, s19, s20, $0x38;
	[tilespmem:$0x14400] =	vst v63  }
0x21a: {  	_ =	swait.ge [sflag:s11], $0x800  }
0x21b: {  	[sflag:s11] =	ssyncset.done $0x0  }
0x21c: {  	[sflag:s11] =	ssyncadd.s32 $0xFFFFF800  }
0x21d: {  	v44 =	vor.u32 v21, v33;
	v35 =	vld.idx.msk [tilespmem:v35+s14+$0x0], $0xffff;
	_ =	sdelay $0x1  }
0x21e: {  	v45 =	vbroadcast v34, $0xA;
	_ =	sdelay $0x1  }
0x21f: {  	v37 =	vor.u32 v20, v45  }
0x220: {  	[tilespmem:v44+s29+$0x0] =	vst.idx.msk $0xffff, v35  }
0x221: {  	_ =	swait.ge [sflag:s13], $0x800  }
0x222: {  	[sflag:s13] =	ssyncset.done $0x0  }
0x223: {  	[sflag:s13] =	ssyncadd.s32 $0xFFFFF800  }
0x224: {  	v46 =	vld.idx.msk [tilespmem:v37+s15+$0x0], $0xffff;
	_ =	sdelay $0x4  }
0x225: {  	[tilespmem:v44+s30+$0x0] =	vst.idx.msk $0xffff, v46  }
0x226: {  	v35 =	vld @!p0 [tilespmem:s16+$0x0];
	_ =	sdelay $0x3  }
0x227: {  	v36 =	vld @!p0 [tilespmem:s17+$0x0]  }
0x228: {  	(v2sf) =	vpush @!p0 v35, $0xA;
	_ =	sdelay $0x3  }
0x229: {  	(v2sf) =	vpush @!p0 v36, $0xA;
	_ =	sdelay $0xa  }
0x22a: {  	s21 =	spop @!p0 (v2sf)  }
0x22b: {  	s21 =	sand.u32 @!p0 $0xFFFFF80, s21  }
0x22c: {  	s22 =	simm.s32 @!p0 $0x5400;
	s21 =	sadd.s32 @!p0 s0, s21  }
0x22d: {  	[tilespmem:s22], [sflag:$0x1] =	stream.strided.gather @!p0 [hbm4b:s21+s20], $0x800, s19, s20, $0x38;
	[tilespmem:$0x14400] =	vst v63  }
0x22e: {  	v47 =	vbroadcast v32, $0xB;
	s21 =	spop @!p0 (v2sf)  }
0x22f: {  	s21 =	sand.u32 @!p0 $0xFFFFF80, s21  }
0x230: {  	v35 =	vor.u32 v22, v47;
	s22 =	simm.s32 @!p0 $0xD400;
	s21 =	sadd.s32 @!p0 s1, s21  }
0x231: {  	[tilespmem:s22], [sflag:$0x2] =	stream.strided.gather @!p0 [hbm4b:s21+s20], $0x800, s19, s20, $0x38;
	[tilespmem:$0x14400] =	vst v63  }
0x232: {  	_ =	swait.ge [sflag:s11], $0x800  }
0x233: {  	[sflag:s11] =	ssyncset.done $0x0  }
0x234: {  	[sflag:s11] =	ssyncadd.s32 $0xFFFFF800  }
0x235: {  	v48 =	vor.u32 v23, v33;
	v35 =	vld.idx.msk [tilespmem:v35+s14+$0x0], $0xffff;
	_ =	sdelay $0x1  }
0x236: {  	v49 =	vbroadcast v34, $0xB;
	_ =	sdelay $0x1  }
0x237: {  	v37 =	vor.u32 v22, v49  }
0x238: {  	[tilespmem:v48+s29+$0x0] =	vst.idx.msk $0xffff, v35  }
0x239: {  	_ =	swait.ge [sflag:s13], $0x800  }
0x23a: {  	[sflag:s13] =	ssyncset.done $0x0  }
0x23b: {  	[sflag:s13] =	ssyncadd.s32 $0xFFFFF800  }
0x23c: {  	v50 =	vld.idx.msk [tilespmem:v37+s15+$0x0], $0xffff;
	_ =	sdelay $0x4  }
0x23d: {  	[tilespmem:v48+s30+$0x0] =	vst.idx.msk $0xffff, v50  }
0x23e: {  	v35 =	vld @!p0 [tilespmem:s16+$0x0];
	_ =	sdelay $0x3  }
0x23f: {  	v36 =	vld @!p0 [tilespmem:s17+$0x0]  }
0x240: {  	(v2sf) =	vpush @!p0 v35, $0xB;
	_ =	sdelay $0x3  }
0x241: {  	(v2sf) =	vpush @!p0 v36, $0xB;
	_ =	sdelay $0xa  }
0x242: {  	s21 =	spop @!p0 (v2sf)  }
0x243: {  	s21 =	sand.u32 @!p0 $0xFFFFF80, s21  }
0x244: {  	s22 =	simm.s32 @!p0 $0x5C00;
	s21 =	sadd.s32 @!p0 s0, s21  }
0x245: {  	[tilespmem:s22], [sflag:$0x1] =	stream.strided.gather @!p0 [hbm4b:s21+s20], $0x800, s19, s20, $0x38;
	[tilespmem:$0x14400] =	vst v63  }
0x246: {  	v51 =	vbroadcast v32, $0xC;
	s21 =	spop @!p0 (v2sf)  }
0x247: {  	s21 =	sand.u32 @!p0 $0xFFFFF80, s21  }
0x248: {  	v35 =	vor.u32 v24, v51;
	s22 =	simm.s32 @!p0 $0xDC00;
	s21 =	sadd.s32 @!p0 s1, s21  }
0x249: {  	[tilespmem:s22], [sflag:$0x2] =	stream.strided.gather @!p0 [hbm4b:s21+s20], $0x800, s19, s20, $0x38;
	[tilespmem:$0x14400] =	vst v63  }
0x24a: {  	_ =	swait.ge [sflag:s11], $0x800  }
0x24b: {  	[sflag:s11] =	ssyncset.done $0x0  }
0x24c: {  	[sflag:s11] =	ssyncadd.s32 $0xFFFFF800  }
0x24d: {  	v52 =	vor.u32 v25, v33;
	v35 =	vld.idx.msk [tilespmem:v35+s14+$0x0], $0xffff;
	_ =	sdelay $0x1  }
0x24e: {  	v53 =	vbroadcast v34, $0xC;
	_ =	sdelay $0x1  }
0x24f: {  	v37 =	vor.u32 v24, v53  }
0x250: {  	[tilespmem:v52+s29+$0x0] =	vst.idx.msk $0xffff, v35  }
0x251: {  	_ =	swait.ge [sflag:s13], $0x800  }
0x252: {  	[sflag:s13] =	ssyncset.done $0x0  }
0x253: {  	[sflag:s13] =	ssyncadd.s32 $0xFFFFF800  }
0x254: {  	v54 =	vld.idx.msk [tilespmem:v37+s15+$0x0], $0xffff;
	_ =	sdelay $0x4  }
0x255: {  	[tilespmem:v52+s30+$0x0] =	vst.idx.msk $0xffff, v54  }
0x256: {  	v35 =	vld @!p0 [tilespmem:s16+$0x0];
	_ =	sdelay $0x3  }
0x257: {  	v36 =	vld @!p0 [tilespmem:s17+$0x0]  }
0x258: {  	(v2sf) =	vpush @!p0 v35, $0xC;
	_ =	sdelay $0x3  }
0x259: {  	(v2sf) =	vpush @!p0 v36, $0xC;
	_ =	sdelay $0xa  }
0x25a: {  	s21 =	spop @!p0 (v2sf)  }
0x25b: {  	s21 =	sand.u32 @!p0 $0xFFFFF80, s21  }
0x25c: {  	s22 =	simm.s32 @!p0 $0x6400;
	s21 =	sadd.s32 @!p0 s0, s21  }
0x25d: {  	[tilespmem:s22], [sflag:$0x1] =	stream.strided.gather @!p0 [hbm4b:s21+s20], $0x800, s19, s20, $0x38;
	[tilespmem:$0x14400] =	vst v63  }
0x25e: {  	v55 =	vbroadcast v32, $0xD;
	s21 =	spop @!p0 (v2sf)  }
0x25f: {  	s21 =	sand.u32 @!p0 $0xFFFFF80, s21  }
0x260: {  	v35 =	vor.u32 v26, v55;
	s22 =	simm.s32 @!p0 $0xE400;
	s21 =	sadd.s32 @!p0 s1, s21  }
0x261: {  	[tilespmem:s22], [sflag:$0x2] =	stream.strided.gather @!p0 [hbm4b:s21+s20], $0x800, s19, s20, $0x38;
	[tilespmem:$0x14400] =	vst v63  }
0x262: {  	_ =	swait.ge [sflag:s11], $0x800  }
0x263: {  	[sflag:s11] =	ssyncset.done $0x0  }
0x264: {  	[sflag:s11] =	ssyncadd.s32 $0xFFFFF800  }
0x265: {  	v56 =	vor.u32 v27, v33;
	v35 =	vld.idx.msk [tilespmem:v35+s14+$0x0], $0xffff;
	_ =	sdelay $0x1  }
0x266: {  	v57 =	vbroadcast v34, $0xD;
	_ =	sdelay $0x1  }
0x267: {  	v37 =	vor.u32 v26, v57  }
0x268: {  	[tilespmem:v56+s29+$0x0] =	vst.idx.msk $0xffff, v35  }
0x269: {  	_ =	swait.ge [sflag:s13], $0x800  }
0x26a: {  	[sflag:s13] =	ssyncset.done $0x0  }
0x26b: {  	[sflag:s13] =	ssyncadd.s32 $0xFFFFF800  }
0x26c: {  	v58 =	vld.idx.msk [tilespmem:v37+s15+$0x0], $0xffff;
	_ =	sdelay $0x4  }
0x26d: {  	[tilespmem:v56+s30+$0x0] =	vst.idx.msk $0xffff, v58  }
0x26e: {  	v35 =	vld @!p0 [tilespmem:s16+$0x0];
	_ =	sdelay $0x3  }
0x26f: {  	v36 =	vld @!p0 [tilespmem:s17+$0x0]  }
0x270: {  	(v2sf) =	vpush @!p0 v35, $0xD;
	_ =	sdelay $0x3  }
0x271: {  	(v2sf) =	vpush @!p0 v36, $0xD;
	_ =	sdelay $0xa  }
0x272: {  	s21 =	spop @!p0 (v2sf)  }
0x273: {  	s21 =	sand.u32 @!p0 $0xFFFFF80, s21  }
0x274: {  	s22 =	simm.s32 @!p0 $0x6C00;
	s21 =	sadd.s32 @!p0 s0, s21  }
0x275: {  	[tilespmem:s22], [sflag:$0x1] =	stream.strided.gather @!p0 [hbm4b:s21+s20], $0x800, s19, s20, $0x38;
	[tilespmem:$0x14400] =	vst v63  }
0x276: {  	v59 =	vbroadcast v32, $0xE;
	s21 =	spop @!p0 (v2sf)  }
0x277: {  	s21 =	sand.u32 @!p0 $0xFFFFF80, s21  }
0x278: {  	v35 =	vor.u32 v28, v59;
	s22 =	simm.s32 @!p0 $0xEC00;
	s21 =	sadd.s32 @!p0 s1, s21  }
0x279: {  	[tilespmem:s22], [sflag:$0x2] =	stream.strided.gather @!p0 [hbm4b:s21+s20], $0x800, s19, s20, $0x38;
	[tilespmem:$0x14400] =	vst v63  }
0x27a: {  	_ =	swait.ge [sflag:s11], $0x800  }
0x27b: {  	[sflag:s11] =	ssyncset.done $0x0  }
0x27c: {  	[sflag:s11] =	ssyncadd.s32 $0xFFFFF800  }
0x27d: {  	v60 =	vor.u32 v29, v33;
	v35 =	vld.idx.msk [tilespmem:v35+s14+$0x0], $0xffff;
	_ =	sdelay $0x1  }
0x27e: {  	v61 =	vbroadcast v34, $0xE;
	_ =	sdelay $0x1  }
0x27f: {  	v37 =	vor.u32 v28, v61  }
0x280: {  	[tilespmem:v60+s29+$0x0] =	vst.idx.msk $0xffff, v35  }
0x281: {  	_ =	swait.ge [sflag:s13], $0x800  }
0x282: {  	[sflag:s13] =	ssyncset.done $0x0  }
0x283: {  	[sflag:s13] =	ssyncadd.s32 $0xFFFFF800  }
0x284: {  	v62 =	vld.idx.msk [tilespmem:v37+s15+$0x0], $0xffff;
	_ =	sdelay $0x4  }
0x285: {  	[tilespmem:v60+s30+$0x0] =	vst.idx.msk $0xffff, v62  }
0x286: {  	v35 =	vld @!p0 [tilespmem:s16+$0x0];
	_ =	sdelay $0x3  }
0x287: {  	v36 =	vld @!p0 [tilespmem:s17+$0x0]  }
0x288: {  	(v2sf) =	vpush @!p0 v35, $0xE;
	_ =	sdelay $0x3  }
0x289: {  	(v2sf) =	vpush @!p0 v36, $0xE;
	_ =	sdelay $0xa  }
0x28a: {  	s21 =	spop @!p0 (v2sf)  }
0x28b: {  	s21 =	sand.u32 @!p0 $0xFFFFF80, s21  }
0x28c: {  	s22 =	simm.s32 @!p0 $0x7400;
	s21 =	sadd.s32 @!p0 s0, s21  }
0x28d: {  	[tilespmem:s22], [sflag:$0x1] =	stream.strided.gather @!p0 [hbm4b:s21+s20], $0x800, s19, s20, $0x38;
	[tilespmem:$0x14400] =	vst v63  }
0x28e: {  	v32 =	vbroadcast v32, $0xF;
	s21 =	spop @!p0 (v2sf)  }
0x28f: {  	s21 =	sand.u32 @!p0 $0xFFFFF80, s21  }
0x290: {  	v32 =	vor.u32 v30, v32;
	s22 =	simm.s32 @!p0 $0xF400;
	s21 =	sadd.s32 @!p0 s1, s21  }
0x291: {  	[tilespmem:s22], [sflag:$0x2] =	stream.strided.gather @!p0 [hbm4b:s21+s20], $0x800, s19, s20, $0x38;
	[tilespmem:$0x14400] =	vst v63  }
0x292: {  	_ =	swait.ge [sflag:s11], $0x800  }
0x293: {  	[sflag:s11] =	ssyncset.done $0x0  }
0x294: {  	[sflag:s11] =	ssyncadd.s32 $0xFFFFF800  }
0x295: {  	v33 =	vor.u32 v31, v33;
	v32 =	vld.idx.msk [tilespmem:v32+s14+$0x0], $0xffff;
	_ =	sdelay $0x1  }
0x296: {  	v34 =	vbroadcast v34, $0xF;
	_ =	sdelay $0x1  }
0x297: {  	v34 =	vor.u32 v30, v34  }
0x298: {  	[tilespmem:v33+s29+$0x0] =	vst.idx.msk $0xffff, v32  }
0x299: {  	_ =	swait.ge [sflag:s13], $0x800  }
0x29a: {  	[sflag:s13] =	ssyncset.done $0x0  }
0x29b: {  	[sflag:s13] =	ssyncadd.s32 $0xFFFFF800  }
0x29c: {  	v63 =	vld.idx.msk [tilespmem:v34+s15+$0x0], $0xffff  }
.Ltmp2:
0x29d: {  	_ = 	snop;
	(pc) =	sbr.rel @p0 .LBB2_4-.Ltmp2, $2  }
0x29e: {  	_ =	sdelay $0x2  }
0x29f: {  	[tilespmem:v33+s30+$0x0] =	vst.idx.msk $0xffff, v63  }
0x2a0: {  	v32 =	vld [tilespmem:s16+$0x0];
	_ =	sdelay $0x1  }
0x2a1: {  	v33 =	vld [tilespmem:s17+$0x0];
	_ =	sdelay $0x2  }
0x2a2: {  	(v2sf) =	vpush v32, $0xF;
	_ =	sdelay $0x1  }
0x2a3: {  	(v2sf) =	vpush v33, $0xF;
	_ =	sdelay $0xc  }
0x2a4: {  	s19 =	spop (v2sf)  }
0x2a5: {  	s19 =	sand.u32 $0xFFFFF80, s19  }
.Ltmp3:
0x2a6: {  	s22 =	spop (v2sf);
	s19 =	sadd.s32 s0, s19;
	(pc) =	sbr.rel .LBB2_2-.Ltmp3, $4  }
0x2a7: {  	[tilespmem:s26], [sflag:$0x1] =	stream.strided.gather [hbm4b:s19+s14], $0x800, s12, s14, $0x38;
	[tilespmem:$0x14400] =	vst v63  }
0x2a8: {  	s18 =	sadd.s32 $0x10, s18;
	s19 =	sand.u32 $0xFFFFF80, s22  }
0x2a9: {  	s16 =	sadd.s32 $0x10, s16;
	s17 =	sadd.s32 $0x10, s17;
	s19 =	sadd.s32 s1, s19  }
0x2aa: {  	[tilespmem:s28], [sflag:$0x2] =	stream.strided.gather [hbm4b:s19+s14], $0x800, s12, s14, $0x38;
	[tilespmem:$0x14400] =	vst v63  }
.LBB2_5:
0x2ab: {  	_ =	sfence.sel $0x180000  }
0x2ac: {  	[bflag:$0x0] =	sbarrier.arrive $0xFFFF  }
0x2ad: {  	_ =	strace $0x90000047  }
0x2ae: {  	s0 =	stileid.u32;
	[bflag:$0x2] =	sbarrier.arrive $0xFFFF  }
0x2af: {  	p0 =	sne.s32 s0, $0x0;
	s0 =	rddreg [dreg:$0x5]  }
0x2b0: {  	s0 =	sadd.s32 @!p0 $0x100000, s0  }
0x2b1: {  	[sflag:s0] =	ssyncadd.tile.s32 @!p0 $0x1;
	_ =	shalt  }
.Lfunc_end2:
_tile_overlayer_lowered:
.L_overlay_start_2:
0x2b2: {  	(tag) =	ssettag $0x2  }
0x2b3: {  	s0 =	rddreg [dreg:$0x0];
	s2 =	stileid.u32  }
0x2b4: {  	s1 =	rddreg [dreg:$0x1];
	p0 =	sne.s32 s2, $0x0  }
0x2b5: {  	s3 =	rddreg [dreg:$0x2];
	[bflag:$0x3] =	sbarrier.arrive $0xFFFF;
	s2 =	simm.s32 @!p0 $0x1C03  }
0x2b6: {  	[timem:s3], [sflag:s2] =	dma.local @!p0 [hbm:s0], s1  }
0x2b7: {  	s0 =	simm.s32 @!p0 $0x3  }
0x2b8: {  	_ =	swait.ge @!p0 [sflag:s0], s1  }
0x2b9: {  	s1 =	ssub.s32 @!p0 $0x0, s1;
	[sflag:s0] =	ssyncset.done @!p0 $0x0  }
0x2ba: {  	[sflag:s0] =	ssyncadd.s32 @!p0 s1  }
0x2bb: {  	[bflag:$0x3] =	sbarrier.arrive $0xFFFF  }
0x2bc: {  	_ =	shalt  }

</sc_bundles>
